<compile_context>
chip_gen: v7x
topology: tpu7x:2x2x1
jax: 0.10.2.dev20260603
libtpu: 0.0.44.dev20260713+nightly
codegen_flags: <defaults>
</compile_context>

<pallas_src>
import functools

import jax
import jax.numpy as jnp
from jax import lax
from jax.experimental import pallas as pl
from jax.experimental.pallas import tpu as pltpu
from jax.experimental.pallas import tpu_sc as plsc

NUM_EMBEDDINGS = 100001
EMBED_DIM = 32
BATCH = 16384

_info = plsc.get_sparse_core_info()
_NC, _NS, _NL = _info.num_cores, _info.num_subcores, _info.num_lanes
_NW = _NC * _NS
_B_PER_W = BATCH // _NW
_GROUP = 16
_NTILE_B = _B_PER_W // 128
_NTILE_D = EMBED_DIM // 8


def _make_gather():
    mesh = plsc.VectorSubcoreMesh(core_axis_name="c", subcore_axis_name="s")

    @functools.partial(
        pl.kernel,
        mesh=mesh,
        out_type=jax.ShapeDtypeStruct((EMBED_DIM, BATCH), jnp.float32),
        scratch_types=[
            pltpu.VMEM((_B_PER_W,), jnp.int32),
            pltpu.VMEM((_B_PER_W, EMBED_DIM), jnp.float32),
            [pltpu.VMEM((16, _B_PER_W), jnp.float32) for _ in range(2)],
            pltpu.SemaphoreType.DMA,
            pltpu.SemaphoreType.DMA,
        ],
        compiler_params=pltpu.CompilerParams(needs_layout_passes=False),
    )
    def gather_kernel(table_hbm, idx_hbm, out_hbm, idx_s, stage_v, tile_v, gsem, osem):
        wid = lax.axis_index("s") * _NC + lax.axis_index("c")
        base = wid * _B_PER_W
        pltpu.sync_copy(idx_hbm.at[pl.ds(base, _B_PER_W)], idx_s)

        def fire(g):
            qbase = g * _GROUP
            ivec = idx_s[pl.ds(qbase, _GROUP)]
            for j in range(_GROUP):
                pltpu.async_copy(
                    table_hbm.at[pl.ds(ivec[j], 1), :],
                    stage_v.at[pl.ds(qbase + j, 1), :],
                    gsem,
                )

        def drain(g):
            qbase = g * _GROUP
            pltpu.make_async_copy(
                table_hbm.at[pl.ds(0, _GROUP), :],
                stage_v.at[pl.ds(qbase, _GROUP), :],
                gsem,
            ).wait()

        lane = lax.iota(jnp.int32, _NL)

        def extract(g):
            for j in range(_GROUP):
                q = g * _GROUP + j
                bb = jnp.broadcast_to(q, (_NL,)).astype(jnp.int32)
                v_lo = stage_v[q, pl.ds(0, _NL)]
                v_hi = stage_v[q, pl.ds(_NL, _NL)]
                plsc.store_scatter(tile_v[0], [lane, bb], v_lo)
                plsc.store_scatter(tile_v[1], [lane, bb], v_hi)

        n_groups = _B_PER_W // _GROUP
        fire(0)
        fire(1)
        fire(2)
        fire(3)
        fire(4)

        def step(g, _):
            fire(g)
            drain(g - 5)
            extract(g - 5)
            return ()

        lax.fori_loop(5, n_groups, step, (), unroll=False)
        for g in range(n_groups - 5, n_groups):
            drain(g)
            extract(g)
        for r in range(2):
            pltpu.async_copy(
                tile_v[r],
                out_hbm.at[pl.ds(16 * r, 16), pl.ds(base, _B_PER_W)],
                osem,
            ).wait()

    return gather_kernel


_gather = _make_gather()


def kernel(indices, table):
    return _gather(table, indices.astype(jnp.int32)).T

# --- scband reference (transcript-rebuilt; emitter-appended) ---
"""Pipeline reference for scband-user-model-9045201125507 (READ-ONLY COPY).

The authoritative reference and input builder live on the scoring server;
editing this copy changes nothing except your own understanding.
"""

import jax, jax.numpy as jnp
import numpy as np

NUM_EMBEDDINGS = 100001
EMBED_DIM = 32
BATCH = 16384

def setup_inputs(seed: int = 0) -> dict:
    key = jax.random.key(seed)
    k_idx, k_tab = jax.random.split(key)
    indices = jax.random.randint(k_idx, (BATCH,), 0, NUM_EMBEDDINGS, dtype=jnp.int64 if jax.config.jax_enable_x64 else jnp.int32)
    table = jax.random.normal(k_tab, (NUM_EMBEDDINGS, EMBED_DIM), dtype=jnp.float32) * 0.05
    return {"indices": indices, "table": table}

def reference(indices, table):
    # StringLookup is modeled as precomputed integer ids; Embedding lookup is a row gather.
    return jnp.take(table, indices, axis=0)

if __name__ == "__main__":
    import jax
    _d = setup_inputs()
    print(jax.jit(kernel)(*tuple(_d.values())))

</pallas_src>

<mosaic_0001>
#map = affine_map<(d0, d1) -> (0, 0)>
#map1 = affine_map<(d0, d1) -> (0)>
module attributes {stable_mosaic.version = 14 : i64} {
  func.func @gather_kernel(%arg0: i32, %arg1: i32, %arg2: memref<100001x32xf32, #tpu.memory_space<hbm>>, %arg3: memref<16384xi32, #tpu.memory_space<hbm>>, %arg4: memref<32x16384xf32, #tpu.memory_space<hbm>>, %arg5: memref<512xi32, #tpu.memory_space<vmem>>, %arg6: memref<512x32xf32, #tpu.memory_space<vmem>>, %arg7: memref<16x512xf32, #tpu.memory_space<vmem>>, %arg8: memref<16x512xf32, #tpu.memory_space<vmem>>, %arg9: memref<!tpu.dma_semaphore, #tpu.memory_space<semaphore_mem>>, %arg10: memref<!tpu.dma_semaphore, #tpu.memory_space<semaphore_mem>>) attributes {dimension_semantics = [#tpu.dimension_semantics<core_parallel>, #tpu.dimension_semantics<subcore_parallel>], iteration_bounds = array<i64: 2, 16>, scalar_prefetch = 0 : i64, scratch_operands = 6 : i64, tpu.core_type = #tpu.core_type<sc_vector_subcore>, window_params = [{transform_indices = #map}, {transform_indices = #map1}, {transform_indices = #map}]} {
    %mul3A = arith.constant 2 : i32
    %mul3A_0 = arith.muli %arg1, %mul3A : i32
    %add3A = arith.addi %mul3A_0, %arg0 : i32
    %mul3A_1 = arith.constant 512 : i32
    %mul3A_2 = arith.muli %add3A, %mul3A_1 : i32
    "tpu.region"() ({
      %run_scoped3A = tpu.sem_alloc : memref<!tpu.dma_semaphore, #tpu.memory_space<semaphore_mem>>
      %dma_start3A_1847 = tpu.memref_slice %arg3[%mul3A_2] : memref<16384xi32, #tpu.memory_space<hbm>> -> memref<512xi32, #tpu.memory_space<hbm>>
      %dma_start3A_1848 = tpu.memref_slice %arg3[%mul3A_2] : memref<16384xi32, #tpu.memory_space<hbm>> -> memref<512xi32, #tpu.memory_space<hbm>>
      tpu.enqueue_dma source(%dma_start3A_1848 : memref<512xi32, #tpu.memory_space<hbm>>) target(%arg5 : memref<512xi32, #tpu.memory_space<vmem>>) target_semaphore(%run_scoped3A : memref<!tpu.dma_semaphore, #tpu.memory_space<semaphore_mem>>)
      %dma_wait3A_1849 = tpu.memref_slice %arg3[%mul3A_2] : memref<16384xi32, #tpu.memory_space<hbm>> -> memref<512xi32, #tpu.memory_space<hbm>>
      %dma_wait3A_1850 = tpu.memref_slice %arg3[%mul3A_2] : memref<16384xi32, #tpu.memory_space<hbm>> -> memref<512xi32, #tpu.memory_space<hbm>>
      tpu.wait_dma2 semaphore(%run_scoped3A : memref<!tpu.dma_semaphore, #tpu.memory_space<semaphore_mem>>) src(%dma_wait3A_1850 : memref<512xi32, #tpu.memory_space<hbm>>) dst(%arg5 : memref<512xi32, #tpu.memory_space<vmem>>)
      tpu.yield
    }) : () -> ()
    %iota3A = tpu.iota {dimensions = array<i32: 0>} : vector<16xi32>
    %get3A = arith.constant 0 : index
    %get3A_3 = tpu.vector_load %arg5[%get3A] {strides = array<i32>} : memref<512xi32, #tpu.memory_space<vmem>>, vector<16xi32>,
    %slice3A = vector.extract_strided_slice %get3A_3 {offsets = [0], sizes = [1], strides = [1]} : vector<16xi32> to vector<1xi32>
    %squeeze3A = vector.extract %slice3A[0] : i32 from vector<1xi32>
    %dma_start3A = arith.constant 0 : i32
    %dma_start3A_4 = arith.constant 0 : i32
    %dma_start3A_5 = tpu.memref_slice %arg6[%dma_start3A, %dma_start3A_4] : memref<512x32xf32, #tpu.memory_space<vmem>> -> memref<1x32xf32, #tpu.memory_space<vmem>>
    %dma_start3A_6 = arith.constant 0 : i32
    %dma_start3A_7 = tpu.memref_slice %arg2[%squeeze3A, %dma_start3A_6] : memref<100001x32xf32, #tpu.memory_space<hbm>> -> memref<1x32xf32, #tpu.memory_space<hbm>>
    %dma_start3A_8 = arith.constant 0 : i32
    %dma_start3A_9 = arith.constant 0 : i32
    %dma_start3A_10 = tpu.memref_slice %arg6[%dma_start3A_8, %dma_start3A_9] : memref<512x32xf32, #tpu.memory_space<vmem>> -> memref<1x32xf32, #tpu.memory_space<vmem>>
    %dma_start3A_11 = arith.constant 0 : i32
    %dma_start3A_12 = tpu.memref_slice %arg2[%squeeze3A, %dma_start3A_11] : memref<100001x32xf32, #tpu.memory_space<hbm>> -> memref<1x32xf32, #tpu.memory_space<hbm>>
    tpu.enqueue_dma source(%dma_start3A_12 : memref<1x32xf32, #tpu.memory_space<hbm>>) target(%dma_start3A_10 : memref<1x32xf32, #tpu.memory_space<vmem>>) target_semaphore(%arg9 : memref<!tpu.dma_semaphore, #tpu.memory_space<semaphore_mem>>)
    %slice3A_13 = vector.extract_strided_slice %get3A_3 {offsets = [1], sizes = [1], strides = [1]} : vector<16xi32> to vector<1xi32>
    %squeeze3A_14 = vector.extract %slice3A_13[0] : i32 from vector<1xi32>
    %dma_start3A_15 = arith.constant 1 : i32
    %dma_start3A_16 = arith.constant 0 : i32
    %dma_start3A_17 = tpu.memref_slice %arg6[%dma_start3A_15, %dma_start3A_16] : memref<512x32xf32, #tpu.memory_space<vmem>> -> memref<1x32xf32, #tpu.memory_space<vmem>>
    %dma_start3A_18 = arith.constant 0 : i32
    %dma_start3A_19 = tpu.memref_slice %arg2[%squeeze3A_14, %dma_start3A_18] : memref<100001x32xf32, #tpu.memory_space<hbm>> -> memref<1x32xf32, #tpu.memory_space<hbm>>
    %dma_start3A_20 = arith.constant 1 : i32
    %dma_start3A_21 = arith.constant 0 : i32
    %dma_start3A_22 = tpu.memref_slice %arg6[%dma_start3A_20, %dma_start3A_21] : memref<512x32xf32, #tpu.memory_space<vmem>> -> memref<1x32xf32, #tpu.memory_space<vmem>>
    %dma_start3A_23 = arith.constant 0 : i32
    %dma_start3A_24 = tpu.memref_slice %arg2[%squeeze3A_14, %dma_start3A_23] : memref<100001x32xf32, #tpu.memory_space<hbm>> -> memref<1x32xf32, #tpu.memory_space<hbm>>
    tpu.enqueue_dma source(%dma_start3A_24 : memref<1x32xf32, #tpu.memory_space<hbm>>) target(%dma_start3A_22 : memref<1x32xf32, #tpu.memory_space<vmem>>) target_semaphore(%arg9 : memref<!tpu.dma_semaphore, #tpu.memory_space<semaphore_mem>>)
    %slice3A_25 = vector.extract_strided_slice %get3A_3 {offsets = [2], sizes = [1], strides = [1]} : vector<16xi32> to vector<1xi32>
    %squeeze3A_26 = vector.extract %slice3A_25[0] : i32 from vector<1xi32>
    %dma_start3A_27 = arith.constant 2 : i32
    %dma_start3A_28 = arith.constant 0 : i32
    %dma_start3A_29 = tpu.memref_slice %arg6[%dma_start3A_27, %dma_start3A_28] : memref<512x32xf32, #tpu.memory_space<vmem>> -> memref<1x32xf32, #tpu.memory_space<vmem>>
    %dma_start3A_30 = arith.constant 0 : i32
    %dma_start3A_31 = tpu.memref_slice %arg2[%squeeze3A_26, %dma_start3A_30] : memref<100001x32xf32, #tpu.memory_space<hbm>> -> memref<1x32xf32, #tpu.memory_space<hbm>>
    %dma_start3A_32 = arith.constant 2 : i32
    %dma_start3A_33 = arith.constant 0 : i32
    %dma_start3A_34 = tpu.memref_slice %arg6[%dma_start3A_32, %dma_start3A_33] : memref<512x32xf32, #tpu.memory_space<vmem>> -> memref<1x32xf32, #tpu.memory_space<vmem>>
    %dma_start3A_35 = arith.constant 0 : i32
    %dma_start3A_36 = tpu.memref_slice %arg2[%squeeze3A_26, %dma_start3A_35] : memref<100001x32xf32, #tpu.memory_space<hbm>> -> memref<1x32xf32, #tpu.memory_space<hbm>>
    tpu.enqueue_dma source(%dma_start3A_36 : memref<1x32xf32, #tpu.memory_space<hbm>>) target(%dma_start3A_34 : memref<1x32xf32, #tpu.memory_space<vmem>>) target_semaphore(%arg9 : memref<!tpu.dma_semaphore, #tpu.memory_space<semaphore_mem>>)
    %slice3A_37 = vector.extract_strided_slice %get3A_3 {offsets = [3], sizes = [1], strides = [1]} : vector<16xi32> to vector<1xi32>
    %squeeze3A_38 = vector.extract %slice3A_37[0] : i32 from vector<1xi32>
    %dma_start3A_39 = arith.constant 3 : i32
    %dma_start3A_40 = arith.constant 0 : i32
    %dma_start3A_41 = tpu.memref_slice %arg6[%dma_start3A_39, %dma_start3A_40] : memref<512x32xf32, #tpu.memory_space<vmem>> -> memref<1x32xf32, #tpu.memory_space<vmem>>
    %dma_start3A_42 = arith.constant 0 : i32
    %dma_start3A_43 = tpu.memref_slice %arg2[%squeeze3A_38, %dma_start3A_42] : memref<100001x32xf32, #tpu.memory_space<hbm>> -> memref<1x32xf32, #tpu.memory_space<hbm>>
    %dma_start3A_44 = arith.constant 3 : i32
    %dma_start3A_45 = arith.constant 0 : i32
    %dma_start3A_46 = tpu.memref_slice %arg6[%dma_start3A_44, %dma_start3A_45] : memref<512x32xf32, #tpu.memory_space<vmem>> -> memref<1x32xf32, #tpu.memory_space<vmem>>
    %dma_start3A_47 = arith.constant 0 : i32
    %dma_start3A_48 = tpu.memref_slice %arg2[%squeeze3A_38, %dma_start3A_47] : memref<100001x32xf32, #tpu.memory_space<hbm>> -> memref<1x32xf32, #tpu.memory_space<hbm>>
    tpu.enqueue_dma source(%dma_start3A_48 : memref<1x32xf32, #tpu.memory_space<hbm>>) target(%dma_start3A_46 : memref<1x32xf32, #tpu.memory_space<vmem>>) target_semaphore(%arg9 : memref<!tpu.dma_semaphore, #tpu.memory_space<semaphore_mem>>)
    %slice3A_49 = vector.extract_strided_slice %get3A_3 {offsets = [4], sizes = [1], strides = [1]} : vector<16xi32> to vector<1xi32>
    %squeeze3A_50 = vector.extract %slice3A_49[0] : i32 from vector<1xi32>
    %dma_start3A_51 = arith.constant 4 : i32
    %dma_start3A_52 = arith.constant 0 : i32
    %dma_start3A_53 = tpu.memref_slice %arg6[%dma_start3A_51, %dma_start3A_52] : memref<512x32xf32, #tpu.memory_space<vmem>> -> memref<1x32xf32, #tpu.memory_space<vmem>>
    %dma_start3A_54 = arith.constant 0 : i32
    %dma_start3A_55 = tpu.memref_slice %arg2[%squeeze3A_50, %dma_start3A_54] : memref<100001x32xf32, #tpu.memory_space<hbm>> -> memref<1x32xf32, #tpu.memory_space<hbm>>
    %dma_start3A_56 = arith.constant 4 : i32
    %dma_start3A_57 = arith.constant 0 : i32
    %dma_start3A_58 = tpu.memref_slice %arg6[%dma_start3A_56, %dma_start3A_57] : memref<512x32xf32, #tpu.memory_space<vmem>> -> memref<1x32xf32, #tpu.memory_space<vmem>>
    %dma_start3A_59 = arith.constant 0 : i32
    %dma_start3A_60 = tpu.memref_slice %arg2[%squeeze3A_50, %dma_start3A_59] : memref<100001x32xf32, #tpu.memory_space<hbm>> -> memref<1x32xf32, #tpu.memory_space<hbm>>
    tpu.enqueue_dma source(%dma_start3A_60 : memref<1x32xf32, #tpu.memory_space<hbm>>) target(%dma_start3A_58 : memref<1x32xf32, #tpu.memory_space<vmem>>) target_semaphore(%arg9 : memref<!tpu.dma_semaphore, #tpu.memory_space<semaphore_mem>>)
    %slice3A_61 = vector.extract_strided_slice %get3A_3 {offsets = [5], sizes = [1], strides = [1]} : vector<16xi32> to vector<1xi32>
    %squeeze3A_62 = vector.extract %slice3A_61[0] : i32 from vector<1xi32>
    %dma_start3A_63 = arith.constant 5 : i32
    %dma_start3A_64 = arith.constant 0 : i32
    %dma_start3A_65 = tpu.memref_slice %arg6[%dma_start3A_63, %dma_start3A_64] : memref<512x32xf32, #tpu.memory_space<vmem>> -> memref<1x32xf32, #tpu.memory_space<vmem>>
    %dma_start3A_66 = arith.constant 0 : i32
    %dma_start3A_67 = tpu.memref_slice %arg2[%squeeze3A_62, %dma_start3A_66] : memref<100001x32xf32, #tpu.memory_space<hbm>> -> memref<1x32xf32, #tpu.memory_space<hbm>>
    %dma_start3A_68 = arith.constant 5 : i32
    %dma_start3A_69 = arith.constant 0 : i32
    %dma_start3A_70 = tpu.memref_slice %arg6[%dma_start3A_68, %dma_start3A_69] : memref<512x32xf32, #tpu.memory_space<vmem>> -> memref<1x32xf32, #tpu.memory_space<vmem>>
    %dma_start3A_71 = arith.constant 0 : i32
    %dma_start3A_72 = tpu.memref_slice %arg2[%squeeze3A_62, %dma_start3A_71] : memref<100001x32xf32, #tpu.memory_space<hbm>> -> memref<1x32xf32, #tpu.memory_space<hbm>>
    tpu.enqueue_dma source(%dma_start3A_72 : memref<1x32xf32, #tpu.memory_space<hbm>>) target(%dma_start3A_70 : memref<1x32xf32, #tpu.memory_space<vmem>>) target_semaphore(%arg9 : memref<!tpu.dma_semaphore, #tpu.memory_space<semaphore_mem>>)
    %slice3A_73 = vector.extract_strided_slice %get3A_3 {offsets = [6], sizes = [1], strides = [1]} : vector<16xi32> to vector<1xi32>
    %squeeze3A_74 = vector.extract %slice3A_73[0] : i32 from vector<1xi32>
    %dma_start3A_75 = arith.constant 6 : i32
    %dma_start3A_76 = arith.constant 0 : i32
    %dma_start3A_77 = tpu.memref_slice %arg6[%dma_start3A_75, %dma_start3A_76] : memref<512x32xf32, #tpu.memory_space<vmem>> -> memref<1x32xf32, #tpu.memory_space<vmem>>
    %dma_start3A_78 = arith.constant 0 : i32
    %dma_start3A_79 = tpu.memref_slice %arg2[%squeeze3A_74, %dma_start3A_78] : memref<100001x32xf32, #tpu.memory_space<hbm>> -> memref<1x32xf32, #tpu.memory_space<hbm>>
    %dma_start3A_80 = arith.constant 6 : i32
    %dma_start3A_81 = arith.constant 0 : i32
    %dma_start3A_82 = tpu.memref_slice %arg6[%dma_start3A_80, %dma_start3A_81] : memref<512x32xf32, #tpu.memory_space<vmem>> -> memref<1x32xf32, #tpu.memory_space<vmem>>
    %dma_start3A_83 = arith.constant 0 : i32
    %dma_start3A_84 = tpu.memref_slice %arg2[%squeeze3A_74, %dma_start3A_83] : memref<100001x32xf32, #tpu.memory_space<hbm>> -> memref<1x32xf32, #tpu.memory_space<hbm>>
    tpu.enqueue_dma source(%dma_start3A_84 : memref<1x32xf32, #tpu.memory_space<hbm>>) target(%dma_start3A_82 : memref<1x32xf32, #tpu.memory_space<vmem>>) target_semaphore(%arg9 : memref<!tpu.dma_semaphore, #tpu.memory_space<semaphore_mem>>)
    %slice3A_85 = vector.extract_strided_slice %get3A_3 {offsets = [7], sizes = [1], strides = [1]} : vector<16xi32> to vector<1xi32>
    %squeeze3A_86 = vector.extract %slice3A_85[0] : i32 from vector<1xi32>
    %dma_start3A_87 = arith.constant 7 : i32
    %dma_start3A_88 = arith.constant 0 : i32
    %dma_start3A_89 = tpu.memref_slice %arg6[%dma_start3A_87, %dma_start3A_88] : memref<512x32xf32, #tpu.memory_space<vmem>> -> memref<1x32xf32, #tpu.memory_space<vmem>>
    %dma_start3A_90 = arith.constant 0 : i32
    %dma_start3A_91 = tpu.memref_slice %arg2[%squeeze3A_86, %dma_start3A_90] : memref<100001x32xf32, #tpu.memory_space<hbm>> -> memref<1x32xf32, #tpu.memory_space<hbm>>
    %dma_start3A_92 = arith.constant 7 : i32
    %dma_start3A_93 = arith.constant 0 : i32
    %dma_start3A_94 = tpu.memref_slice %arg6[%dma_start3A_92, %dma_start3A_93] : memref<512x32xf32, #tpu.memory_space<vmem>> -> memref<1x32xf32, #tpu.memory_space<vmem>>
    %dma_start3A_95 = arith.constant 0 : i32
    %dma_start3A_96 = tpu.memref_slice %arg2[%squeeze3A_86, %dma_start3A_95] : memref<100001x32xf32, #tpu.memory_space<hbm>> -> memref<1x32xf32, #tpu.memory_space<hbm>>
    tpu.enqueue_dma source(%dma_start3A_96 : memref<1x32xf32, #tpu.memory_space<hbm>>) target(%dma_start3A_94 : memref<1x32xf32, #tpu.memory_space<vmem>>) target_semaphore(%arg9 : memref<!tpu.dma_semaphore, #tpu.memory_space<semaphore_mem>>)
    %slice3A_97 = vector.extract_strided_slice %get3A_3 {offsets = [8], sizes = [1], strides = [1]} : vector<16xi32> to vector<1xi32>
    %squeeze3A_98 = vector.extract %slice3A_97[0] : i32 from vector<1xi32>
    %dma_start3A_99 = arith.constant 8 : i32
    %dma_start3A_100 = arith.constant 0 : i32
    %dma_start3A_101 = tpu.memref_slice %arg6[%dma_start3A_99, %dma_start3A_100] : memref<512x32xf32, #tpu.memory_space<vmem>> -> memref<1x32xf32, #tpu.memory_space<vmem>>
    %dma_start3A_102 = arith.constant 0 : i32
    %dma_start3A_103 = tpu.memref_slice %arg2[%squeeze3A_98, %dma_start3A_102] : memref<100001x32xf32, #tpu.memory_space<hbm>> -> memref<1x32xf32, #tpu.memory_space<hbm>>
    %dma_start3A_104 = arith.constant 8 : i32
    %dma_start3A_105 = arith.constant 0 : i32
    %dma_start3A_106 = tpu.memref_slice %arg6[%dma_start3A_104, %dma_start3A_105] : memref<512x32xf32, #tpu.memory_space<vmem>> -> memref<1x32xf32, #tpu.memory_space<vmem>>
    %dma_start3A_107 = arith.constant 0 : i32
    %dma_start3A_108 = tpu.memref_slice %arg2[%squeeze3A_98, %dma_start3A_107] : memref<100001x32xf32, #tpu.memory_space<hbm>> -> memref<1x32xf32, #tpu.memory_space<hbm>>
    tpu.enqueue_dma source(%dma_start3A_108 : memref<1x32xf32, #tpu.memory_space<hbm>>) target(%dma_start3A_106 : memref<1x32xf32, #tpu.memory_space<vmem>>) target_semaphore(%arg9 : memref<!tpu.dma_semaphore, #tpu.memory_space<semaphore_mem>>)
    %slice3A_109 = vector.extract_strided_slice %get3A_3 {offsets = [9], sizes = [1], strides = [1]} : vector<16xi32> to vector<1xi32>
    %squeeze3A_110 = vector.extract %slice3A_109[0] : i32 from vector<1xi32>
    %dma_start3A_111 = arith.constant 9 : i32
    %dma_start3A_112 = arith.constant 0 : i32
    %dma_start3A_113 = tpu.memref_slice %arg6[%dma_start3A_111, %dma_start3A_112] : memref<512x32xf32, #tpu.memory_space<vmem>> -> memref<1x32xf32, #tpu.memory_space<vmem>>
    %dma_start3A_114 = arith.constant 0 : i32
    %dma_start3A_115 = tpu.memref_slice %arg2[%squeeze3A_110, %dma_start3A_114] : memref<100001x32xf32, #tpu.memory_space<hbm>> -> memref<1x32xf32, #tpu.memory_space<hbm>>
    %dma_start3A_116 = arith.constant 9 : i32
    %dma_start3A_117 = arith.constant 0 : i32
    %dma_start3A_118 = tpu.memref_slice %arg6[%dma_start3A_116, %dma_start3A_117] : memref<512x32xf32, #tpu.memory_space<vmem>> -> memref<1x32xf32, #tpu.memory_space<vmem>>
    %dma_start3A_119 = arith.constant 0 : i32
    %dma_start3A_120 = tpu.memref_slice %arg2[%squeeze3A_110, %dma_start3A_119] : memref<100001x32xf32, #tpu.memory_space<hbm>> -> memref<1x32xf32, #tpu.memory_space<hbm>>
    tpu.enqueue_dma source(%dma_start3A_120 : memref<1x32xf32, #tpu.memory_space<hbm>>) target(%dma_start3A_118 : memref<1x32xf32, #tpu.memory_space<vmem>>) target_semaphore(%arg9 : memref<!tpu.dma_semaphore, #tpu.memory_space<semaphore_mem>>)
    %slice3A_121 = vector.extract_strided_slice %get3A_3 {offsets = [10], sizes = [1], strides = [1]} : vector<16xi32> to vector<1xi32>
    %squeeze3A_122 = vector.extract %slice3A_121[0] : i32 from vector<1xi32>
    %dma_start3A_123 = arith.constant 10 : i32
    %dma_start3A_124 = arith.constant 0 : i32
    %dma_start3A_125 = tpu.memref_slice %arg6[%dma_start3A_123, %dma_start3A_124] : memref<512x32xf32, #tpu.memory_space<vmem>> -> memref<1x32xf32, #tpu.memory_space<vmem>>
    %dma_start3A_126 = arith.constant 0 : i32
    %dma_start3A_127 = tpu.memref_slice %arg2[%squeeze3A_122, %dma_start3A_126] : memref<100001x32xf32, #tpu.memory_space<hbm>> -> memref<1x32xf32, #tpu.memory_space<hbm>>
    %dma_start3A_128 = arith.constant 10 : i32
    %dma_start3A_129 = arith.constant 0 : i32
    %dma_start3A_130 = tpu.memref_slice %arg6[%dma_start3A_128, %dma_start3A_129] : memref<512x32xf32, #tpu.memory_space<vmem>> -> memref<1x32xf32, #tpu.memory_space<vmem>>
    %dma_start3A_131 = arith.constant 0 : i32
    %dma_start3A_132 = tpu.memref_slice %arg2[%squeeze3A_122, %dma_start3A_131] : memref<100001x32xf32, #tpu.memory_space<hbm>> -> memref<1x32xf32, #tpu.memory_space<hbm>>
    tpu.enqueue_dma source(%dma_start3A_132 : memref<1x32xf32, #tpu.memory_space<hbm>>) target(%dma_start3A_130 : memref<1x32xf32, #tpu.memory_space<vmem>>) target_semaphore(%arg9 : memref<!tpu.dma_semaphore, #tpu.memory_space<semaphore_mem>>)
    %slice3A_133 = vector.extract_strided_slice %get3A_3 {offsets = [11], sizes = [1], strides = [1]} : vector<16xi32> to vector<1xi32>
    %squeeze3A_134 = vector.extract %slice3A_133[0] : i32 from vector<1xi32>
    %dma_start3A_135 = arith.constant 11 : i32
    %dma_start3A_136 = arith.constant 0 : i32
    %dma_start3A_137 = tpu.memref_slice %arg6[%dma_start3A_135, %dma_start3A_136] : memref<512x32xf32, #tpu.memory_space<vmem>> -> memref<1x32xf32, #tpu.memory_space<vmem>>
    %dma_start3A_138 = arith.constant 0 : i32
    %dma_start3A_139 = tpu.memref_slice %arg2[%squeeze3A_134, %dma_start3A_138] : memref<100001x32xf32, #tpu.memory_space<hbm>> -> memref<1x32xf32, #tpu.memory_space<hbm>>
    %dma_start3A_140 = arith.constant 11 : i32
    %dma_start3A_141 = arith.constant 0 : i32
    %dma_start3A_142 = tpu.memref_slice %arg6[%dma_start3A_140, %dma_start3A_141] : memref<512x32xf32, #tpu.memory_space<vmem>> -> memref<1x32xf32, #tpu.memory_space<vmem>>
    %dma_start3A_143 = arith.constant 0 : i32
    %dma_start3A_144 = tpu.memref_slice %arg2[%squeeze3A_134, %dma_start3A_143] : memref<100001x32xf32, #tpu.memory_space<hbm>> -> memref<1x32xf32, #tpu.memory_space<hbm>>
    tpu.enqueue_dma source(%dma_start3A_144 : memref<1x32xf32, #tpu.memory_space<hbm>>) target(%dma_start3A_142 : memref<1x32xf32, #tpu.memory_space<vmem>>) target_semaphore(%arg9 : memref<!tpu.dma_semaphore, #tpu.memory_space<semaphore_mem>>)
    %slice3A_145 = vector.extract_strided_slice %get3A_3 {offsets = [12], sizes = [1], strides = [1]} : vector<16xi32> to vector<1xi32>
    %squeeze3A_146 = vector.extract %slice3A_145[0] : i32 from vector<1xi32>
    %dma_start3A_147 = arith.constant 12 : i32
    %dma_start3A_148 = arith.constant 0 : i32
    %dma_start3A_149 = tpu.memref_slice %arg6[%dma_start3A_147, %dma_start3A_148] : memref<512x32xf32, #tpu.memory_space<vmem>> -> memref<1x32xf32, #tpu.memory_space<vmem>>
    %dma_start3A_150 = arith.constant 0 : i32
    %dma_start3A_151 = tpu.memref_slice %arg2[%squeeze3A_146, %dma_start3A_150] : memref<100001x32xf32, #tpu.memory_space<hbm>> -> memref<1x32xf32, #tpu.memory_space<hbm>>
    %dma_start3A_152 = arith.constant 12 : i32
    %dma_start3A_153 = arith.constant 0 : i32
    %dma_start3A_154 = tpu.memref_slice %arg6[%dma_start3A_152, %dma_start3A_153] : memref<512x32xf32, #tpu.memory_space<vmem>> -> memref<1x32xf32, #tpu.memory_space<vmem>>
    %dma_start3A_155 = arith.constant 0 : i32
    %dma_start3A_156 = tpu.memref_slice %arg2[%squeeze3A_146, %dma_start3A_155] : memref<100001x32xf32, #tpu.memory_space<hbm>> -> memref<1x32xf32, #tpu.memory_space<hbm>>
    tpu.enqueue_dma source(%dma_start3A_156 : memref<1x32xf32, #tpu.memory_space<hbm>>) target(%dma_start3A_154 : memref<1x32xf32, #tpu.memory_space<vmem>>) target_semaphore(%arg9 : memref<!tpu.dma_semaphore, #tpu.memory_space<semaphore_mem>>)
    %slice3A_157 = vector.extract_strided_slice %get3A_3 {offsets = [13], sizes = [1], strides = [1]} : vector<16xi32> to vector<1xi32>
    %squeeze3A_158 = vector.extract %slice3A_157[0] : i32 from vector<1xi32>
    %dma_start3A_159 = arith.constant 13 : i32
    %dma_start3A_160 = arith.constant 0 : i32
    %dma_start3A_161 = tpu.memref_slice %arg6[%dma_start3A_159, %dma_start3A_160] : memref<512x32xf32, #tpu.memory_space<vmem>> -> memref<1x32xf32, #tpu.memory_space<vmem>>
    %dma_start3A_162 = arith.constant 0 : i32
    %dma_start3A_163 = tpu.memref_slice %arg2[%squeeze3A_158, %dma_start3A_162] : memref<100001x32xf32, #tpu.memory_space<hbm>> -> memref<1x32xf32, #tpu.memory_space<hbm>>
    %dma_start3A_164 = arith.constant 13 : i32
    %dma_start3A_165 = arith.constant 0 : i32
    %dma_start3A_166 = tpu.memref_slice %arg6[%dma_start3A_164, %dma_start3A_165] : memref<512x32xf32, #tpu.memory_space<vmem>> -> memref<1x32xf32, #tpu.memory_space<vmem>>
    %dma_start3A_167 = arith.constant 0 : i32
    %dma_start3A_168 = tpu.memref_slice %arg2[%squeeze3A_158, %dma_start3A_167] : memref<100001x32xf32, #tpu.memory_space<hbm>> -> memref<1x32xf32, #tpu.memory_space<hbm>>
    tpu.enqueue_dma source(%dma_start3A_168 : memref<1x32xf32, #tpu.memory_space<hbm>>) target(%dma_start3A_166 : memref<1x32xf32, #tpu.memory_space<vmem>>) target_semaphore(%arg9 : memref<!tpu.dma_semaphore, #tpu.memory_space<semaphore_mem>>)
    %slice3A_169 = vector.extract_strided_slice %get3A_3 {offsets = [14], sizes = [1], strides = [1]} : vector<16xi32> to vector<1xi32>
    %squeeze3A_170 = vector.extract %slice3A_169[0] : i32 from vector<1xi32>
    %dma_start3A_171 = arith.constant 14 : i32
    %dma_start3A_172 = arith.constant 0 : i32
    %dma_start3A_173 = tpu.memref_slice %arg6[%dma_start3A_171, %dma_start3A_172] : memref<512x32xf32, #tpu.memory_space<vmem>> -> memref<1x32xf32, #tpu.memory_space<vmem>>
    %dma_start3A_174 = arith.constant 0 : i32
    %dma_start3A_175 = tpu.memref_slice %arg2[%squeeze3A_170, %dma_start3A_174] : memref<100001x32xf32, #tpu.memory_space<hbm>> -> memref<1x32xf32, #tpu.memory_space<hbm>>
    %dma_start3A_176 = arith.constant 14 : i32
    %dma_start3A_177 = arith.constant 0 : i32
    %dma_start3A_178 = tpu.memref_slice %arg6[%dma_start3A_176, %dma_start3A_177] : memref<512x32xf32, #tpu.memory_space<vmem>> -> memref<1x32xf32, #tpu.memory_space<vmem>>
    %dma_start3A_179 = arith.constant 0 : i32
    %dma_start3A_180 = tpu.memref_slice %arg2[%squeeze3A_170, %dma_start3A_179] : memref<100001x32xf32, #tpu.memory_space<hbm>> -> memref<1x32xf32, #tpu.memory_space<hbm>>
    tpu.enqueue_dma source(%dma_start3A_180 : memref<1x32xf32, #tpu.memory_space<hbm>>) target(%dma_start3A_178 : memref<1x32xf32, #tpu.memory_space<vmem>>) target_semaphore(%arg9 : memref<!tpu.dma_semaphore, #tpu.memory_space<semaphore_mem>>)
    %slice3A_181 = vector.extract_strided_slice %get3A_3 {offsets = [15], sizes = [1], strides = [1]} : vector<16xi32> to vector<1xi32>
    %squeeze3A_182 = vector.extract %slice3A_181[0] : i32 from vector<1xi32>
    %dma_start3A_183 = arith.constant 15 : i32
    %dma_start3A_184 = arith.constant 0 : i32
    %dma_start3A_185 = tpu.memref_slice %arg6[%dma_start3A_183, %dma_start3A_184] : memref<512x32xf32, #tpu.memory_space<vmem>> -> memref<1x32xf32, #tpu.memory_space<vmem>>
    %dma_start3A_186 = arith.constant 0 : i32
    %dma_start3A_187 = tpu.memref_slice %arg2[%squeeze3A_182, %dma_start3A_186] : memref<100001x32xf32, #tpu.memory_space<hbm>> -> memref<1x32xf32, #tpu.memory_space<hbm>>
    %dma_start3A_188 = arith.constant 15 : i32
    %dma_start3A_189 = arith.constant 0 : i32
    %dma_start3A_190 = tpu.memref_slice %arg6[%dma_start3A_188, %dma_start3A_189] : memref<512x32xf32, #tpu.memory_space<vmem>> -> memref<1x32xf32, #tpu.memory_space<vmem>>
    %dma_start3A_191 = arith.constant 0 : i32
    %dma_start3A_192 = tpu.memref_slice %arg2[%squeeze3A_182, %dma_start3A_191] : memref<100001x32xf32, #tpu.memory_space<hbm>> -> memref<1x32xf32, #tpu.memory_space<hbm>>
    tpu.enqueue_dma source(%dma_start3A_192 : memref<1x32xf32, #tpu.memory_space<hbm>>) target(%dma_start3A_190 : memref<1x32xf32, #tpu.memory_space<vmem>>) target_semaphore(%arg9 : memref<!tpu.dma_semaphore, #tpu.memory_space<semaphore_mem>>)
    %get3A_193 = arith.constant 16 : index
    %get3A_194 = tpu.vector_load %arg5[%get3A_193] {strides = array<i32>} : memref<512xi32, #tpu.memory_space<vmem>>, vector<16xi32>,
    %slice3A_195 = vector.extract_strided_slice %get3A_194 {offsets = [0], sizes = [1], strides = [1]} : vector<16xi32> to vector<1xi32>
    %squeeze3A_196 = vector.extract %slice3A_195[0] : i32 from vector<1xi32>
    %dma_start3A_197 = arith.constant 16 : i32
    %dma_start3A_198 = arith.constant 0 : i32
    %dma_start3A_199 = tpu.memref_slice %arg6[%dma_start3A_197, %dma_start3A_198] : memref<512x32xf32, #tpu.memory_space<vmem>> -> memref<1x32xf32, #tpu.memory_space<vmem>>
    %dma_start3A_200 = arith.constant 0 : i32
    %dma_start3A_201 = tpu.memref_slice %arg2[%squeeze3A_196, %dma_start3A_200] : memref<100001x32xf32, #tpu.memory_space<hbm>> -> memref<1x32xf32, #tpu.memory_space<hbm>>
    %dma_start3A_202 = arith.constant 16 : i32
    %dma_start3A_203 = arith.constant 0 : i32
    %dma_start3A_204 = tpu.memref_slice %arg6[%dma_start3A_202, %dma_start3A_203] : memref<512x32xf32, #tpu.memory_space<vmem>> -> memref<1x32xf32, #tpu.memory_space<vmem>>
    %dma_start3A_205 = arith.constant 0 : i32
    %dma_start3A_206 = tpu.memref_slice %arg2[%squeeze3A_196, %dma_start3A_205] : memref<100001x32xf32, #tpu.memory_space<hbm>> -> memref<1x32xf32, #tpu.memory_space<hbm>>
    tpu.enqueue_dma source(%dma_start3A_206 : memref<1x32xf32, #tpu.memory_space<hbm>>) target(%dma_start3A_204 : memref<1x32xf32, #tpu.memory_space<vmem>>) target_semaphore(%arg9 : memref<!tpu.dma_semaphore, #tpu.memory_space<semaphore_mem>>)
    %slice3A_207 = vector.extract_strided_slice %get3A_194 {offsets = [1], sizes = [1], strides = [1]} : vector<16xi32> to vector<1xi32>
    %squeeze3A_208 = vector.extract %slice3A_207[0] : i32 from vector<1xi32>
    %dma_start3A_209 = arith.constant 17 : i32
    %dma_start3A_210 = arith.constant 0 : i32
    %dma_start3A_211 = tpu.memref_slice %arg6[%dma_start3A_209, %dma_start3A_210] : memref<512x32xf32, #tpu.memory_space<vmem>> -> memref<1x32xf32, #tpu.memory_space<vmem>>
    %dma_start3A_212 = arith.constant 0 : i32
    %dma_start3A_213 = tpu.memref_slice %arg2[%squeeze3A_208, %dma_start3A_212] : memref<100001x32xf32, #tpu.memory_space<hbm>> -> memref<1x32xf32, #tpu.memory_space<hbm>>
    %dma_start3A_214 = arith.constant 17 : i32
    %dma_start3A_215 = arith.constant 0 : i32
    %dma_start3A_216 = tpu.memref_slice %arg6[%dma_start3A_214, %dma_start3A_215] : memref<512x32xf32, #tpu.memory_space<vmem>> -> memref<1x32xf32, #tpu.memory_space<vmem>>
    %dma_start3A_217 = arith.constant 0 : i32
    %dma_start3A_218 = tpu.memref_slice %arg2[%squeeze3A_208, %dma_start3A_217] : memref<100001x32xf32, #tpu.memory_space<hbm>> -> memref<1x32xf32, #tpu.memory_space<hbm>>
    tpu.enqueue_dma source(%dma_start3A_218 : memref<1x32xf32, #tpu.memory_space<hbm>>) target(%dma_start3A_216 : memref<1x32xf32, #tpu.memory_space<vmem>>) target_semaphore(%arg9 : memref<!tpu.dma_semaphore, #tpu.memory_space<semaphore_mem>>)
    %slice3A_219 = vector.extract_strided_slice %get3A_194 {offsets = [2], sizes = [1], strides = [1]} : vector<16xi32> to vector<1xi32>
    %squeeze3A_220 = vector.extract %slice3A_219[0] : i32 from vector<1xi32>
    %dma_start3A_221 = arith.constant 18 : i32
    %dma_start3A_222 = arith.constant 0 : i32
    %dma_start3A_223 = tpu.memref_slice %arg6[%dma_start3A_221, %dma_start3A_222] : memref<512x32xf32, #tpu.memory_space<vmem>> -> memref<1x32xf32, #tpu.memory_space<vmem>>
    %dma_start3A_224 = arith.constant 0 : i32
    %dma_start3A_225 = tpu.memref_slice %arg2[%squeeze3A_220, %dma_start3A_224] : memref<100001x32xf32, #tpu.memory_space<hbm>> -> memref<1x32xf32, #tpu.memory_space<hbm>>
    %dma_start3A_226 = arith.constant 18 : i32
    %dma_start3A_227 = arith.constant 0 : i32
    %dma_start3A_228 = tpu.memref_slice %arg6[%dma_start3A_226, %dma_start3A_227] : memref<512x32xf32, #tpu.memory_space<vmem>> -> memref<1x32xf32, #tpu.memory_space<vmem>>
    %dma_start3A_229 = arith.constant 0 : i32
    %dma_start3A_230 = tpu.memref_slice %arg2[%squeeze3A_220, %dma_start3A_229] : memref<100001x32xf32, #tpu.memory_space<hbm>> -> memref<1x32xf32, #tpu.memory_space<hbm>>
    tpu.enqueue_dma source(%dma_start3A_230 : memref<1x32xf32, #tpu.memory_space<hbm>>) target(%dma_start3A_228 : memref<1x32xf32, #tpu.memory_space<vmem>>) target_semaphore(%arg9 : memref<!tpu.dma_semaphore, #tpu.memory_space<semaphore_mem>>)
    %slice3A_231 = vector.extract_strided_slice %get3A_194 {offsets = [3], sizes = [1], strides = [1]} : vector<16xi32> to vector<1xi32>
    %squeeze3A_232 = vector.extract %slice3A_231[0] : i32 from vector<1xi32>
    %dma_start3A_233 = arith.constant 19 : i32
    %dma_start3A_234 = arith.constant 0 : i32
    %dma_start3A_235 = tpu.memref_slice %arg6[%dma_start3A_233, %dma_start3A_234] : memref<512x32xf32, #tpu.memory_space<vmem>> -> memref<1x32xf32, #tpu.memory_space<vmem>>
    %dma_start3A_236 = arith.constant 0 : i32
    %dma_start3A_237 = tpu.memref_slice %arg2[%squeeze3A_232, %dma_start3A_236] : memref<100001x32xf32, #tpu.memory_space<hbm>> -> memref<1x32xf32, #tpu.memory_space<hbm>>
    %dma_start3A_238 = arith.constant 19 : i32
    %dma_start3A_239 = arith.constant 0 : i32
    %dma_start3A_240 = tpu.memref_slice %arg6[%dma_start3A_238, %dma_start3A_239] : memref<512x32xf32, #tpu.memory_space<vmem>> -> memref<1x32xf32, #tpu.memory_space<vmem>>
    %dma_start3A_241 = arith.constant 0 : i32
    %dma_start3A_242 = tpu.memref_slice %arg2[%squeeze3A_232, %dma_start3A_241] : memref<100001x32xf32, #tpu.memory_space<hbm>> -> memref<1x32xf32, #tpu.memory_space<hbm>>
    tpu.enqueue_dma source(%dma_start3A_242 : memref<1x32xf32, #tpu.memory_space<hbm>>) target(%dma_start3A_240 : memref<1x32xf32, #tpu.memory_space<vmem>>) target_semaphore(%arg9 : memref<!tpu.dma_semaphore, #tpu.memory_space<semaphore_mem>>)
    %slice3A_243 = vector.extract_strided_slice %get3A_194 {offsets = [4], sizes = [1], strides = [1]} : vector<16xi32> to vector<1xi32>
    %squeeze3A_244 = vector.extract %slice3A_243[0] : i32 from vector<1xi32>
    %dma_start3A_245 = arith.constant 20 : i32
    %dma_start3A_246 = arith.constant 0 : i32
    %dma_start3A_247 = tpu.memref_slice %arg6[%dma_start3A_245, %dma_start3A_246] : memref<512x32xf32, #tpu.memory_space<vmem>> -> memref<1x32xf32, #tpu.memory_space<vmem>>
    %dma_start3A_248 = arith.constant 0 : i32
    %dma_start3A_249 = tpu.memref_slice %arg2[%squeeze3A_244, %dma_start3A_248] : memref<100001x32xf32, #tpu.memory_space<hbm>> -> memref<1x32xf32, #tpu.memory_space<hbm>>
    %dma_start3A_250 = arith.constant 20 : i32
    %dma_start3A_251 = arith.constant 0 : i32
    %dma_start3A_252 = tpu.memref_slice %arg6[%dma_start3A_250, %dma_start3A_251] : memref<512x32xf32, #tpu.memory_space<vmem>> -> memref<1x32xf32, #tpu.memory_space<vmem>>
    %dma_start3A_253 = arith.constant 0 : i32
    %dma_start3A_254 = tpu.memref_slice %arg2[%squeeze3A_244, %dma_start3A_253] : memref<100001x32xf32, #tpu.memory_space<hbm>> -> memref<1x32xf32, #tpu.memory_space<hbm>>
    tpu.enqueue_dma source(%dma_start3A_254 : memref<1x32xf32, #tpu.memory_space<hbm>>) target(%dma_start3A_252 : memref<1x32xf32, #tpu.memory_space<vmem>>) target_semaphore(%arg9 : memref<!tpu.dma_semaphore, #tpu.memory_space<semaphore_mem>>)
    %slice3A_255 = vector.extract_strided_slice %get3A_194 {offsets = [5], sizes = [1], strides = [1]} : vector<16xi32> to vector<1xi32>
    %squeeze3A_256 = vector.extract %slice3A_255[0] : i32 from vector<1xi32>
    %dma_start3A_257 = arith.constant 21 : i32
    %dma_start3A_258 = arith.constant 0 : i32
    %dma_start3A_259 = tpu.memref_slice %arg6[%dma_start3A_257, %dma_start3A_258] : memref<512x32xf32, #tpu.memory_space<vmem>> -> memref<1x32xf32, #tpu.memory_space<vmem>>
    %dma_start3A_260 = arith.constant 0 : i32
    %dma_start3A_261 = tpu.memref_slice %arg2[%squeeze3A_256, %dma_start3A_260] : memref<100001x32xf32, #tpu.memory_space<hbm>> -> memref<1x32xf32, #tpu.memory_space<hbm>>
    %dma_start3A_262 = arith.constant 21 : i32
    %dma_start3A_263 = arith.constant 0 : i32
    %dma_start3A_264 = tpu.memref_slice %arg6[%dma_start3A_262, %dma_start3A_263] : memref<512x32xf32, #tpu.memory_space<vmem>> -> memref<1x32xf32, #tpu.memory_space<vmem>>
    %dma_start3A_265 = arith.constant 0 : i32
    %dma_start3A_266 = tpu.memref_slice %arg2[%squeeze3A_256, %dma_start3A_265] : memref<100001x32xf32, #tpu.memory_space<hbm>> -> memref<1x32xf32, #tpu.memory_space<hbm>>
    tpu.enqueue_dma source(%dma_start3A_266 : memref<1x32xf32, #tpu.memory_space<hbm>>) target(%dma_start3A_264 : memref<1x32xf32, #tpu.memory_space<vmem>>) target_semaphore(%arg9 : memref<!tpu.dma_semaphore, #tpu.memory_space<semaphore_mem>>)
    %slice3A_267 = vector.extract_strided_slice %get3A_194 {offsets = [6], sizes = [1], strides = [1]} : vector<16xi32> to vector<1xi32>
    %squeeze3A_268 = vector.extract %slice3A_267[0] : i32 from vector<1xi32>
    %dma_start3A_269 = arith.constant 22 : i32
    %dma_start3A_270 = arith.constant 0 : i32
    %dma_start3A_271 = tpu.memref_slice %arg6[%dma_start3A_269, %dma_start3A_270] : memref<512x32xf32, #tpu.memory_space<vmem>> -> memref<1x32xf32, #tpu.memory_space<vmem>>
    %dma_start3A_272 = arith.constant 0 : i32
    %dma_start3A_273 = tpu.memref_slice %arg2[%squeeze3A_268, %dma_start3A_272] : memref<100001x32xf32, #tpu.memory_space<hbm>> -> memref<1x32xf32, #tpu.memory_space<hbm>>
    %dma_start3A_274 = arith.constant 22 : i32
    %dma_start3A_275 = arith.constant 0 : i32
    %dma_start3A_276 = tpu.memref_slice %arg6[%dma_start3A_274, %dma_start3A_275] : memref<512x32xf32, #tpu.memory_space<vmem>> -> memref<1x32xf32, #tpu.memory_space<vmem>>
    %dma_start3A_277 = arith.constant 0 : i32
    %dma_start3A_278 = tpu.memref_slice %arg2[%squeeze3A_268, %dma_start3A_277] : memref<100001x32xf32, #tpu.memory_space<hbm>> -> memref<1x32xf32, #tpu.memory_space<hbm>>
    tpu.enqueue_dma source(%dma_start3A_278 : memref<1x32xf32, #tpu.memory_space<hbm>>) target(%dma_start3A_276 : memref<1x32xf32, #tpu.memory_space<vmem>>) target_semaphore(%arg9 : memref<!tpu.dma_semaphore, #tpu.memory_space<semaphore_mem>>)
    %slice3A_279 = vector.extract_strided_slice %get3A_194 {offsets = [7], sizes = [1], strides = [1]} : vector<16xi32> to vector<1xi32>
    %squeeze3A_280 = vector.extract %slice3A_279[0] : i32 from vector<1xi32>
    %dma_start3A_281 = arith.constant 23 : i32
    %dma_start3A_282 = arith.constant 0 : i32
    %dma_start3A_283 = tpu.memref_slice %arg6[%dma_start3A_281, %dma_start3A_282] : memref<512x32xf32, #tpu.memory_space<vmem>> -> memref<1x32xf32, #tpu.memory_space<vmem>>
    %dma_start3A_284 = arith.constant 0 : i32
    %dma_start3A_285 = tpu.memref_slice %arg2[%squeeze3A_280, %dma_start3A_284] : memref<100001x32xf32, #tpu.memory_space<hbm>> -> memref<1x32xf32, #tpu.memory_space<hbm>>
    %dma_start3A_286 = arith.constant 23 : i32
    %dma_start3A_287 = arith.constant 0 : i32
    %dma_start3A_288 = tpu.memref_slice %arg6[%dma_start3A_286, %dma_start3A_287] : memref<512x32xf32, #tpu.memory_space<vmem>> -> memref<1x32xf32, #tpu.memory_space<vmem>>
    %dma_start3A_289 = arith.constant 0 : i32
    %dma_start3A_290 = tpu.memref_slice %arg2[%squeeze3A_280, %dma_start3A_289] : memref<100001x32xf32, #tpu.memory_space<hbm>> -> memref<1x32xf32, #tpu.memory_space<hbm>>
    tpu.enqueue_dma source(%dma_start3A_290 : memref<1x32xf32, #tpu.memory_space<hbm>>) target(%dma_start3A_288 : memref<1x32xf32, #tpu.memory_space<vmem>>) target_semaphore(%arg9 : memref<!tpu.dma_semaphore, #tpu.memory_space<semaphore_mem>>)
    %slice3A_291 = vector.extract_strided_slice %get3A_194 {offsets = [8], sizes = [1], strides = [1]} : vector<16xi32> to vector<1xi32>
    %squeeze3A_292 = vector.extract %slice3A_291[0] : i32 from vector<1xi32>
    %dma_start3A_293 = arith.constant 24 : i32
    %dma_start3A_294 = arith.constant 0 : i32
    %dma_start3A_295 = tpu.memref_slice %arg6[%dma_start3A_293, %dma_start3A_294] : memref<512x32xf32, #tpu.memory_space<vmem>> -> memref<1x32xf32, #tpu.memory_space<vmem>>
    %dma_start3A_296 = arith.constant 0 : i32
    %dma_start3A_297 = tpu.memref_slice %arg2[%squeeze3A_292, %dma_start3A_296] : memref<100001x32xf32, #tpu.memory_space<hbm>> -> memref<1x32xf32, #tpu.memory_space<hbm>>
    %dma_start3A_298 = arith.constant 24 : i32
    %dma_start3A_299 = arith.constant 0 : i32
    %dma_start3A_300 = tpu.memref_slice %arg6[%dma_start3A_298, %dma_start3A_299] : memref<512x32xf32, #tpu.memory_space<vmem>> -> memref<1x32xf32, #tpu.memory_space<vmem>>
    %dma_start3A_301 = arith.constant 0 : i32
    %dma_start3A_302 = tpu.memref_slice %arg2[%squeeze3A_292, %dma_start3A_301] : memref<100001x32xf32, #tpu.memory_space<hbm>> -> memref<1x32xf32, #tpu.memory_space<hbm>>
    tpu.enqueue_dma source(%dma_start3A_302 : memref<1x32xf32, #tpu.memory_space<hbm>>) target(%dma_start3A_300 : memref<1x32xf32, #tpu.memory_space<vmem>>) target_semaphore(%arg9 : memref<!tpu.dma_semaphore, #tpu.memory_space<semaphore_mem>>)
    %slice3A_303 = vector.extract_strided_slice %get3A_194 {offsets = [9], sizes = [1], strides = [1]} : vector<16xi32> to vector<1xi32>
    %squeeze3A_304 = vector.extract %slice3A_303[0] : i32 from vector<1xi32>
    %dma_start3A_305 = arith.constant 25 : i32
    %dma_start3A_306 = arith.constant 0 : i32
    %dma_start3A_307 = tpu.memref_slice %arg6[%dma_start3A_305, %dma_start3A_306] : memref<512x32xf32, #tpu.memory_space<vmem>> -> memref<1x32xf32, #tpu.memory_space<vmem>>
    %dma_start3A_308 = arith.constant 0 : i32
    %dma_start3A_309 = tpu.memref_slice %arg2[%squeeze3A_304, %dma_start3A_308] : memref<100001x32xf32, #tpu.memory_space<hbm>> -> memref<1x32xf32, #tpu.memory_space<hbm>>
    %dma_start3A_310 = arith.constant 25 : i32
    %dma_start3A_311 = arith.constant 0 : i32
    %dma_start3A_312 = tpu.memref_slice %arg6[%dma_start3A_310, %dma_start3A_311] : memref<512x32xf32, #tpu.memory_space<vmem>> -> memref<1x32xf32, #tpu.memory_space<vmem>>
    %dma_start3A_313 = arith.constant 0 : i32
    %dma_start3A_314 = tpu.memref_slice %arg2[%squeeze3A_304, %dma_start3A_313] : memref<100001x32xf32, #tpu.memory_space<hbm>> -> memref<1x32xf32, #tpu.memory_space<hbm>>
    tpu.enqueue_dma source(%dma_start3A_314 : memref<1x32xf32, #tpu.memory_space<hbm>>) target(%dma_start3A_312 : memref<1x32xf32, #tpu.memory_space<vmem>>) target_semaphore(%arg9 : memref<!tpu.dma_semaphore, #tpu.memory_space<semaphore_mem>>)
    %slice3A_315 = vector.extract_strided_slice %get3A_194 {offsets = [10], sizes = [1], strides = [1]} : vector<16xi32> to vector<1xi32>
    %squeeze3A_316 = vector.extract %slice3A_315[0] : i32 from vector<1xi32>
    %dma_start3A_317 = arith.constant 26 : i32
    %dma_start3A_318 = arith.constant 0 : i32
    %dma_start3A_319 = tpu.memref_slice %arg6[%dma_start3A_317, %dma_start3A_318] : memref<512x32xf32, #tpu.memory_space<vmem>> -> memref<1x32xf32, #tpu.memory_space<vmem>>
    %dma_start3A_320 = arith.constant 0 : i32
    %dma_start3A_321 = tpu.memref_slice %arg2[%squeeze3A_316, %dma_start3A_320] : memref<100001x32xf32, #tpu.memory_space<hbm>> -> memref<1x32xf32, #tpu.memory_space<hbm>>
    %dma_start3A_322 = arith.constant 26 : i32
    %dma_start3A_323 = arith.constant 0 : i32
    %dma_start3A_324 = tpu.memref_slice %arg6[%dma_start3A_322, %dma_start3A_323] : memref<512x32xf32, #tpu.memory_space<vmem>> -> memref<1x32xf32, #tpu.memory_space<vmem>>
    %dma_start3A_325 = arith.constant 0 : i32
    %dma_start3A_326 = tpu.memref_slice %arg2[%squeeze3A_316, %dma_start3A_325] : memref<100001x32xf32, #tpu.memory_space<hbm>> -> memref<1x32xf32, #tpu.memory_space<hbm>>
    tpu.enqueue_dma source(%dma_start3A_326 : memref<1x32xf32, #tpu.memory_space<hbm>>) target(%dma_start3A_324 : memref<1x32xf32, #tpu.memory_space<vmem>>) target_semaphore(%arg9 : memref<!tpu.dma_semaphore, #tpu.memory_space<semaphore_mem>>)
    %slice3A_327 = vector.extract_strided_slice %get3A_194 {offsets = [11], sizes = [1], strides = [1]} : vector<16xi32> to vector<1xi32>
    %squeeze3A_328 = vector.extract %slice3A_327[0] : i32 from vector<1xi32>
    %dma_start3A_329 = arith.constant 27 : i32
    %dma_start3A_330 = arith.constant 0 : i32
    %dma_start3A_331 = tpu.memref_slice %arg6[%dma_start3A_329, %dma_start3A_330] : memref<512x32xf32, #tpu.memory_space<vmem>> -> memref<1x32xf32, #tpu.memory_space<vmem>>
    %dma_start3A_332 = arith.constant 0 : i32
    %dma_start3A_333 = tpu.memref_slice %arg2[%squeeze3A_328, %dma_start3A_332] : memref<100001x32xf32, #tpu.memory_space<hbm>> -> memref<1x32xf32, #tpu.memory_space<hbm>>
    %dma_start3A_334 = arith.constant 27 : i32
    %dma_start3A_335 = arith.constant 0 : i32
    %dma_start3A_336 = tpu.memref_slice %arg6[%dma_start3A_334, %dma_start3A_335] : memref<512x32xf32, #tpu.memory_space<vmem>> -> memref<1x32xf32, #tpu.memory_space<vmem>>
    %dma_start3A_337 = arith.constant 0 : i32
    %dma_start3A_338 = tpu.memref_slice %arg2[%squeeze3A_328, %dma_start3A_337] : memref<100001x32xf32, #tpu.memory_space<hbm>> -> memref<1x32xf32, #tpu.memory_space<hbm>>
    tpu.enqueue_dma source(%dma_start3A_338 : memref<1x32xf32, #tpu.memory_space<hbm>>) target(%dma_start3A_336 : memref<1x32xf32, #tpu.memory_space<vmem>>) target_semaphore(%arg9 : memref<!tpu.dma_semaphore, #tpu.memory_space<semaphore_mem>>)
    %slice3A_339 = vector.extract_strided_slice %get3A_194 {offsets = [12], sizes = [1], strides = [1]} : vector<16xi32> to vector<1xi32>
    %squeeze3A_340 = vector.extract %slice3A_339[0] : i32 from vector<1xi32>
    %dma_start3A_341 = arith.constant 28 : i32
    %dma_start3A_342 = arith.constant 0 : i32
    %dma_start3A_343 = tpu.memref_slice %arg6[%dma_start3A_341, %dma_start3A_342] : memref<512x32xf32, #tpu.memory_space<vmem>> -> memref<1x32xf32, #tpu.memory_space<vmem>>
    %dma_start3A_344 = arith.constant 0 : i32
    %dma_start3A_345 = tpu.memref_slice %arg2[%squeeze3A_340, %dma_start3A_344] : memref<100001x32xf32, #tpu.memory_space<hbm>> -> memref<1x32xf32, #tpu.memory_space<hbm>>
    %dma_start3A_346 = arith.constant 28 : i32
    %dma_start3A_347 = arith.constant 0 : i32
    %dma_start3A_348 = tpu.memref_slice %arg6[%dma_start3A_346, %dma_start3A_347] : memref<512x32xf32, #tpu.memory_space<vmem>> -> memref<1x32xf32, #tpu.memory_space<vmem>>
    %dma_start3A_349 = arith.constant 0 : i32
    %dma_start3A_350 = tpu.memref_slice %arg2[%squeeze3A_340, %dma_start3A_349] : memref<100001x32xf32, #tpu.memory_space<hbm>> -> memref<1x32xf32, #tpu.memory_space<hbm>>
    tpu.enqueue_dma source(%dma_start3A_350 : memref<1x32xf32, #tpu.memory_space<hbm>>) target(%dma_start3A_348 : memref<1x32xf32, #tpu.memory_space<vmem>>) target_semaphore(%arg9 : memref<!tpu.dma_semaphore, #tpu.memory_space<semaphore_mem>>)
    %slice3A_351 = vector.extract_strided_slice %get3A_194 {offsets = [13], sizes = [1], strides = [1]} : vector<16xi32> to vector<1xi32>
    %squeeze3A_352 = vector.extract %slice3A_351[0] : i32 from vector<1xi32>
    %dma_start3A_353 = arith.constant 29 : i32
    %dma_start3A_354 = arith.constant 0 : i32
    %dma_start3A_355 = tpu.memref_slice %arg6[%dma_start3A_353, %dma_start3A_354] : memref<512x32xf32, #tpu.memory_space<vmem>> -> memref<1x32xf32, #tpu.memory_space<vmem>>
    %dma_start3A_356 = arith.constant 0 : i32
    %dma_start3A_357 = tpu.memref_slice %arg2[%squeeze3A_352, %dma_start3A_356] : memref<100001x32xf32, #tpu.memory_space<hbm>> -> memref<1x32xf32, #tpu.memory_space<hbm>>
    %dma_start3A_358 = arith.constant 29 : i32
    %dma_start3A_359 = arith.constant 0 : i32
    %dma_start3A_360 = tpu.memref_slice %arg6[%dma_start3A_358, %dma_start3A_359] : memref<512x32xf32, #tpu.memory_space<vmem>> -> memref<1x32xf32, #tpu.memory_space<vmem>>
    %dma_start3A_361 = arith.constant 0 : i32
    %dma_start3A_362 = tpu.memref_slice %arg2[%squeeze3A_352, %dma_start3A_361] : memref<100001x32xf32, #tpu.memory_space<hbm>> -> memref<1x32xf32, #tpu.memory_space<hbm>>
    tpu.enqueue_dma source(%dma_start3A_362 : memref<1x32xf32, #tpu.memory_space<hbm>>) target(%dma_start3A_360 : memref<1x32xf32, #tpu.memory_space<vmem>>) target_semaphore(%arg9 : memref<!tpu.dma_semaphore, #tpu.memory_space<semaphore_mem>>)
    %slice3A_363 = vector.extract_strided_slice %get3A_194 {offsets = [14], sizes = [1], strides = [1]} : vector<16xi32> to vector<1xi32>
    %squeeze3A_364 = vector.extract %slice3A_363[0] : i32 from vector<1xi32>
    %dma_start3A_365 = arith.constant 30 : i32
    %dma_start3A_366 = arith.constant 0 : i32
    %dma_start3A_367 = tpu.memref_slice %arg6[%dma_start3A_365, %dma_start3A_366] : memref<512x32xf32, #tpu.memory_space<vmem>> -> memref<1x32xf32, #tpu.memory_space<vmem>>
    %dma_start3A_368 = arith.constant 0 : i32
    %dma_start3A_369 = tpu.memref_slice %arg2[%squeeze3A_364, %dma_start3A_368] : memref<100001x32xf32, #tpu.memory_space<hbm>> -> memref<1x32xf32, #tpu.memory_space<hbm>>
    %dma_start3A_370 = arith.constant 30 : i32
    %dma_start3A_371 = arith.constant 0 : i32
    %dma_start3A_372 = tpu.memref_slice %arg6[%dma_start3A_370, %dma_start3A_371] : memref<512x32xf32, #tpu.memory_space<vmem>> -> memref<1x32xf32, #tpu.memory_space<vmem>>
    %dma_start3A_373 = arith.constant 0 : i32
    %dma_start3A_374 = tpu.memref_slice %arg2[%squeeze3A_364, %dma_start3A_373] : memref<100001x32xf32, #tpu.memory_space<hbm>> -> memref<1x32xf32, #tpu.memory_space<hbm>>
    tpu.enqueue_dma source(%dma_start3A_374 : memref<1x32xf32, #tpu.memory_space<hbm>>) target(%dma_start3A_372 : memref<1x32xf32, #tpu.memory_space<vmem>>) target_semaphore(%arg9 : memref<!tpu.dma_semaphore, #tpu.memory_space<semaphore_mem>>)
    %slice3A_375 = vector.extract_strided_slice %get3A_194 {offsets = [15], sizes = [1], strides = [1]} : vector<16xi32> to vector<1xi32>
    %squeeze3A_376 = vector.extract %slice3A_375[0] : i32 from vector<1xi32>
    %dma_start3A_377 = arith.constant 31 : i32
    %dma_start3A_378 = arith.constant 0 : i32
    %dma_start3A_379 = tpu.memref_slice %arg6[%dma_start3A_377, %dma_start3A_378] : memref<512x32xf32, #tpu.memory_space<vmem>> -> memref<1x32xf32, #tpu.memory_space<vmem>>
    %dma_start3A_380 = arith.constant 0 : i32
    %dma_start3A_381 = tpu.memref_slice %arg2[%squeeze3A_376, %dma_start3A_380] : memref<100001x32xf32, #tpu.memory_space<hbm>> -> memref<1x32xf32, #tpu.memory_space<hbm>>
    %dma_start3A_382 = arith.constant 31 : i32
    %dma_start3A_383 = arith.constant 0 : i32
    %dma_start3A_384 = tpu.memref_slice %arg6[%dma_start3A_382, %dma_start3A_383] : memref<512x32xf32, #tpu.memory_space<vmem>> -> memref<1x32xf32, #tpu.memory_space<vmem>>
    %dma_start3A_385 = arith.constant 0 : i32
    %dma_start3A_386 = tpu.memref_slice %arg2[%squeeze3A_376, %dma_start3A_385] : memref<100001x32xf32, #tpu.memory_space<hbm>> -> memref<1x32xf32, #tpu.memory_space<hbm>>
    tpu.enqueue_dma source(%dma_start3A_386 : memref<1x32xf32, #tpu.memory_space<hbm>>) target(%dma_start3A_384 : memref<1x32xf32, #tpu.memory_space<vmem>>) target_semaphore(%arg9 : memref<!tpu.dma_semaphore, #tpu.memory_space<semaphore_mem>>)
    %get3A_387 = arith.constant 32 : index
    %get3A_388 = tpu.vector_load %arg5[%get3A_387] {strides = array<i32>} : memref<512xi32, #tpu.memory_space<vmem>>, vector<16xi32>,
    %slice3A_389 = vector.extract_strided_slice %get3A_388 {offsets = [0], sizes = [1], strides = [1]} : vector<16xi32> to vector<1xi32>
    %squeeze3A_390 = vector.extract %slice3A_389[0] : i32 from vector<1xi32>
    %dma_start3A_391 = arith.constant 32 : i32
    %dma_start3A_392 = arith.constant 0 : i32
    %dma_start3A_393 = tpu.memref_slice %arg6[%dma_start3A_391, %dma_start3A_392] : memref<512x32xf32, #tpu.memory_space<vmem>> -> memref<1x32xf32, #tpu.memory_space<vmem>>
    %dma_start3A_394 = arith.constant 0 : i32
    %dma_start3A_395 = tpu.memref_slice %arg2[%squeeze3A_390, %dma_start3A_394] : memref<100001x32xf32, #tpu.memory_space<hbm>> -> memref<1x32xf32, #tpu.memory_space<hbm>>
    %dma_start3A_396 = arith.constant 32 : i32
    %dma_start3A_397 = arith.constant 0 : i32
    %dma_start3A_398 = tpu.memref_slice %arg6[%dma_start3A_396, %dma_start3A_397] : memref<512x32xf32, #tpu.memory_space<vmem>> -> memref<1x32xf32, #tpu.memory_space<vmem>>
    %dma_start3A_399 = arith.constant 0 : i32
    %dma_start3A_400 = tpu.memref_slice %arg2[%squeeze3A_390, %dma_start3A_399] : memref<100001x32xf32, #tpu.memory_space<hbm>> -> memref<1x32xf32, #tpu.memory_space<hbm>>
    tpu.enqueue_dma source(%dma_start3A_400 : memref<1x32xf32, #tpu.memory_space<hbm>>) target(%dma_start3A_398 : memref<1x32xf32, #tpu.memory_space<vmem>>) target_semaphore(%arg9 : memref<!tpu.dma_semaphore, #tpu.memory_space<semaphore_mem>>)
    %slice3A_401 = vector.extract_strided_slice %get3A_388 {offsets = [1], sizes = [1], strides = [1]} : vector<16xi32> to vector<1xi32>
    %squeeze3A_402 = vector.extract %slice3A_401[0] : i32 from vector<1xi32>
    %dma_start3A_403 = arith.constant 33 : i32
    %dma_start3A_404 = arith.constant 0 : i32
    %dma_start3A_405 = tpu.memref_slice %arg6[%dma_start3A_403, %dma_start3A_404] : memref<512x32xf32, #tpu.memory_space<vmem>> -> memref<1x32xf32, #tpu.memory_space<vmem>>
    %dma_start3A_406 = arith.constant 0 : i32
    %dma_start3A_407 = tpu.memref_slice %arg2[%squeeze3A_402, %dma_start3A_406] : memref<100001x32xf32, #tpu.memory_space<hbm>> -> memref<1x32xf32, #tpu.memory_space<hbm>>
    %dma_start3A_408 = arith.constant 33 : i32
    %dma_start3A_409 = arith.constant 0 : i32
    %dma_start3A_410 = tpu.memref_slice %arg6[%dma_start3A_408, %dma_start3A_409] : memref<512x32xf32, #tpu.memory_space<vmem>> -> memref<1x32xf32, #tpu.memory_space<vmem>>
    %dma_start3A_411 = arith.constant 0 : i32
    %dma_start3A_412 = tpu.memref_slice %arg2[%squeeze3A_402, %dma_start3A_411] : memref<100001x32xf32, #tpu.memory_space<hbm>> -> memref<1x32xf32, #tpu.memory_space<hbm>>
    tpu.enqueue_dma source(%dma_start3A_412 : memref<1x32xf32, #tpu.memory_space<hbm>>) target(%dma_start3A_410 : memref<1x32xf32, #tpu.memory_space<vmem>>) target_semaphore(%arg9 : memref<!tpu.dma_semaphore, #tpu.memory_space<semaphore_mem>>)
    %slice3A_413 = vector.extract_strided_slice %get3A_388 {offsets = [2], sizes = [1], strides = [1]} : vector<16xi32> to vector<1xi32>
    %squeeze3A_414 = vector.extract %slice3A_413[0] : i32 from vector<1xi32>
    %dma_start3A_415 = arith.constant 34 : i32
    %dma_start3A_416 = arith.constant 0 : i32
    %dma_start3A_417 = tpu.memref_slice %arg6[%dma_start3A_415, %dma_start3A_416] : memref<512x32xf32, #tpu.memory_space<vmem>> -> memref<1x32xf32, #tpu.memory_space<vmem>>
    %dma_start3A_418 = arith.constant 0 : i32
    %dma_start3A_419 = tpu.memref_slice %arg2[%squeeze3A_414, %dma_start3A_418] : memref<100001x32xf32, #tpu.memory_space<hbm>> -> memref<1x32xf32, #tpu.memory_space<hbm>>
    %dma_start3A_420 = arith.constant 34 : i32
    %dma_start3A_421 = arith.constant 0 : i32
    %dma_start3A_422 = tpu.memref_slice %arg6[%dma_start3A_420, %dma_start3A_421] : memref<512x32xf32, #tpu.memory_space<vmem>> -> memref<1x32xf32, #tpu.memory_space<vmem>>
    %dma_start3A_423 = arith.constant 0 : i32
    %dma_start3A_424 = tpu.memref_slice %arg2[%squeeze3A_414, %dma_start3A_423] : memref<100001x32xf32, #tpu.memory_space<hbm>> -> memref<1x32xf32, #tpu.memory_space<hbm>>
    tpu.enqueue_dma source(%dma_start3A_424 : memref<1x32xf32, #tpu.memory_space<hbm>>) target(%dma_start3A_422 : memref<1x32xf32, #tpu.memory_space<vmem>>) target_semaphore(%arg9 : memref<!tpu.dma_semaphore, #tpu.memory_space<semaphore_mem>>)
    %slice3A_425 = vector.extract_strided_slice %get3A_388 {offsets = [3], sizes = [1], strides = [1]} : vector<16xi32> to vector<1xi32>
    %squeeze3A_426 = vector.extract %slice3A_425[0] : i32 from vector<1xi32>
    %dma_start3A_427 = arith.constant 35 : i32
    %dma_start3A_428 = arith.constant 0 : i32
    %dma_start3A_429 = tpu.memref_slice %arg6[%dma_start3A_427, %dma_start3A_428] : memref<512x32xf32, #tpu.memory_space<vmem>> -> memref<1x32xf32, #tpu.memory_space<vmem>>
    %dma_start3A_430 = arith.constant 0 : i32
    %dma_start3A_431 = tpu.memref_slice %arg2[%squeeze3A_426, %dma_start3A_430] : memref<100001x32xf32, #tpu.memory_space<hbm>> -> memref<1x32xf32, #tpu.memory_space<hbm>>
    %dma_start3A_432 = arith.constant 35 : i32
    %dma_start3A_433 = arith.constant 0 : i32
    %dma_start3A_434 = tpu.memref_slice %arg6[%dma_start3A_432, %dma_start3A_433] : memref<512x32xf32, #tpu.memory_space<vmem>> -> memref<1x32xf32, #tpu.memory_space<vmem>>
    %dma_start3A_435 = arith.constant 0 : i32
    %dma_start3A_436 = tpu.memref_slice %arg2[%squeeze3A_426, %dma_start3A_435] : memref<100001x32xf32, #tpu.memory_space<hbm>> -> memref<1x32xf32, #tpu.memory_space<hbm>>
    tpu.enqueue_dma source(%dma_start3A_436 : memref<1x32xf32, #tpu.memory_space<hbm>>) target(%dma_start3A_434 : memref<1x32xf32, #tpu.memory_space<vmem>>) target_semaphore(%arg9 : memref<!tpu.dma_semaphore, #tpu.memory_space<semaphore_mem>>)
    %slice3A_437 = vector.extract_strided_slice %get3A_388 {offsets = [4], sizes = [1], strides = [1]} : vector<16xi32> to vector<1xi32>
    %squeeze3A_438 = vector.extract %slice3A_437[0] : i32 from vector<1xi32>
    %dma_start3A_439 = arith.constant 36 : i32
    %dma_start3A_440 = arith.constant 0 : i32
    %dma_start3A_441 = tpu.memref_slice %arg6[%dma_start3A_439, %dma_start3A_440] : memref<512x32xf32, #tpu.memory_space<vmem>> -> memref<1x32xf32, #tpu.memory_space<vmem>>
    %dma_start3A_442 = arith.constant 0 : i32
    %dma_start3A_443 = tpu.memref_slice %arg2[%squeeze3A_438, %dma_start3A_442] : memref<100001x32xf32, #tpu.memory_space<hbm>> -> memref<1x32xf32, #tpu.memory_space<hbm>>
    %dma_start3A_444 = arith.constant 36 : i32
    %dma_start3A_445 = arith.constant 0 : i32
    %dma_start3A_446 = tpu.memref_slice %arg6[%dma_start3A_444, %dma_start3A_445] : memref<512x32xf32, #tpu.memory_space<vmem>> -> memref<1x32xf32, #tpu.memory_space<vmem>>
    %dma_start3A_447 = arith.constant 0 : i32
    %dma_start3A_448 = tpu.memref_slice %arg2[%squeeze3A_438, %dma_start3A_447] : memref<100001x32xf32, #tpu.memory_space<hbm>> -> memref<1x32xf32, #tpu.memory_space<hbm>>
    tpu.enqueue_dma source(%dma_start3A_448 : memref<1x32xf32, #tpu.memory_space<hbm>>) target(%dma_start3A_446 : memref<1x32xf32, #tpu.memory_space<vmem>>) target_semaphore(%arg9 : memref<!tpu.dma_semaphore, #tpu.memory_space<semaphore_mem>>)
    %slice3A_449 = vector.extract_strided_slice %get3A_388 {offsets = [5], sizes = [1], strides = [1]} : vector<16xi32> to vector<1xi32>
    %squeeze3A_450 = vector.extract %slice3A_449[0] : i32 from vector<1xi32>
    %dma_start3A_451 = arith.constant 37 : i32
    %dma_start3A_452 = arith.constant 0 : i32
    %dma_start3A_453 = tpu.memref_slice %arg6[%dma_start3A_451, %dma_start3A_452] : memref<512x32xf32, #tpu.memory_space<vmem>> -> memref<1x32xf32, #tpu.memory_space<vmem>>
    %dma_start3A_454 = arith.constant 0 : i32
    %dma_start3A_455 = tpu.memref_slice %arg2[%squeeze3A_450, %dma_start3A_454] : memref<100001x32xf32, #tpu.memory_space<hbm>> -> memref<1x32xf32, #tpu.memory_space<hbm>>
    %dma_start3A_456 = arith.constant 37 : i32
    %dma_start3A_457 = arith.constant 0 : i32
    %dma_start3A_458 = tpu.memref_slice %arg6[%dma_start3A_456, %dma_start3A_457] : memref<512x32xf32, #tpu.memory_space<vmem>> -> memref<1x32xf32, #tpu.memory_space<vmem>>
    %dma_start3A_459 = arith.constant 0 : i32
    %dma_start3A_460 = tpu.memref_slice %arg2[%squeeze3A_450, %dma_start3A_459] : memref<100001x32xf32, #tpu.memory_space<hbm>> -> memref<1x32xf32, #tpu.memory_space<hbm>>
    tpu.enqueue_dma source(%dma_start3A_460 : memref<1x32xf32, #tpu.memory_space<hbm>>) target(%dma_start3A_458 : memref<1x32xf32, #tpu.memory_space<vmem>>) target_semaphore(%arg9 : memref<!tpu.dma_semaphore, #tpu.memory_space<semaphore_mem>>)
    %slice3A_461 = vector.extract_strided_slice %get3A_388 {offsets = [6], sizes = [1], strides = [1]} : vector<16xi32> to vector<1xi32>
    %squeeze3A_462 = vector.extract %slice3A_461[0] : i32 from vector<1xi32>
    %dma_start3A_463 = arith.constant 38 : i32
    %dma_start3A_464 = arith.constant 0 : i32
    %dma_start3A_465 = tpu.memref_slice %arg6[%dma_start3A_463, %dma_start3A_464] : memref<512x32xf32, #tpu.memory_space<vmem>> -> memref<1x32xf32, #tpu.memory_space<vmem>>
    %dma_start3A_466 = arith.constant 0 : i32
    %dma_start3A_467 = tpu.memref_slice %arg2[%squeeze3A_462, %dma_start3A_466] : memref<100001x32xf32, #tpu.memory_space<hbm>> -> memref<1x32xf32, #tpu.memory_space<hbm>>
    %dma_start3A_468 = arith.constant 38 : i32
    %dma_start3A_469 = arith.constant 0 : i32
    %dma_start3A_470 = tpu.memref_slice %arg6[%dma_start3A_468, %dma_start3A_469] : memref<512x32xf32, #tpu.memory_space<vmem>> -> memref<1x32xf32, #tpu.memory_space<vmem>>
    %dma_start3A_471 = arith.constant 0 : i32
    %dma_start3A_472 = tpu.memref_slice %arg2[%squeeze3A_462, %dma_start3A_471] : memref<100001x32xf32, #tpu.memory_space<hbm>> -> memref<1x32xf32, #tpu.memory_space<hbm>>
    tpu.enqueue_dma source(%dma_start3A_472 : memref<1x32xf32, #tpu.memory_space<hbm>>) target(%dma_start3A_470 : memref<1x32xf32, #tpu.memory_space<vmem>>) target_semaphore(%arg9 : memref<!tpu.dma_semaphore, #tpu.memory_space<semaphore_mem>>)
    %slice3A_473 = vector.extract_strided_slice %get3A_388 {offsets = [7], sizes = [1], strides = [1]} : vector<16xi32> to vector<1xi32>
    %squeeze3A_474 = vector.extract %slice3A_473[0] : i32 from vector<1xi32>
    %dma_start3A_475 = arith.constant 39 : i32
    %dma_start3A_476 = arith.constant 0 : i32
    %dma_start3A_477 = tpu.memref_slice %arg6[%dma_start3A_475, %dma_start3A_476] : memref<512x32xf32, #tpu.memory_space<vmem>> -> memref<1x32xf32, #tpu.memory_space<vmem>>
    %dma_start3A_478 = arith.constant 0 : i32
    %dma_start3A_479 = tpu.memref_slice %arg2[%squeeze3A_474, %dma_start3A_478] : memref<100001x32xf32, #tpu.memory_space<hbm>> -> memref<1x32xf32, #tpu.memory_space<hbm>>
    %dma_start3A_480 = arith.constant 39 : i32
    %dma_start3A_481 = arith.constant 0 : i32
    %dma_start3A_482 = tpu.memref_slice %arg6[%dma_start3A_480, %dma_start3A_481] : memref<512x32xf32, #tpu.memory_space<vmem>> -> memref<1x32xf32, #tpu.memory_space<vmem>>
    %dma_start3A_483 = arith.constant 0 : i32
    %dma_start3A_484 = tpu.memref_slice %arg2[%squeeze3A_474, %dma_start3A_483] : memref<100001x32xf32, #tpu.memory_space<hbm>> -> memref<1x32xf32, #tpu.memory_space<hbm>>
    tpu.enqueue_dma source(%dma_start3A_484 : memref<1x32xf32, #tpu.memory_space<hbm>>) target(%dma_start3A_482 : memref<1x32xf32, #tpu.memory_space<vmem>>) target_semaphore(%arg9 : memref<!tpu.dma_semaphore, #tpu.memory_space<semaphore_mem>>)
    %slice3A_485 = vector.extract_strided_slice %get3A_388 {offsets = [8], sizes = [1], strides = [1]} : vector<16xi32> to vector<1xi32>
    %squeeze3A_486 = vector.extract %slice3A_485[0] : i32 from vector<1xi32>
    %dma_start3A_487 = arith.constant 40 : i32
    %dma_start3A_488 = arith.constant 0 : i32
    %dma_start3A_489 = tpu.memref_slice %arg6[%dma_start3A_487, %dma_start3A_488] : memref<512x32xf32, #tpu.memory_space<vmem>> -> memref<1x32xf32, #tpu.memory_space<vmem>>
    %dma_start3A_490 = arith.constant 0 : i32
    %dma_start3A_491 = tpu.memref_slice %arg2[%squeeze3A_486, %dma_start3A_490] : memref<100001x32xf32, #tpu.memory_space<hbm>> -> memref<1x32xf32, #tpu.memory_space<hbm>>
    %dma_start3A_492 = arith.constant 40 : i32
    %dma_start3A_493 = arith.constant 0 : i32
    %dma_start3A_494 = tpu.memref_slice %arg6[%dma_start3A_492, %dma_start3A_493] : memref<512x32xf32, #tpu.memory_space<vmem>> -> memref<1x32xf32, #tpu.memory_space<vmem>>
    %dma_start3A_495 = arith.constant 0 : i32
    %dma_start3A_496 = tpu.memref_slice %arg2[%squeeze3A_486, %dma_start3A_495] : memref<100001x32xf32, #tpu.memory_space<hbm>> -> memref<1x32xf32, #tpu.memory_space<hbm>>
    tpu.enqueue_dma source(%dma_start3A_496 : memref<1x32xf32, #tpu.memory_space<hbm>>) target(%dma_start3A_494 : memref<1x32xf32, #tpu.memory_space<vmem>>) target_semaphore(%arg9 : memref<!tpu.dma_semaphore, #tpu.memory_space<semaphore_mem>>)
    %slice3A_497 = vector.extract_strided_slice %get3A_388 {offsets = [9], sizes = [1], strides = [1]} : vector<16xi32> to vector<1xi32>
    %squeeze3A_498 = vector.extract %slice3A_497[0] : i32 from vector<1xi32>
    %dma_start3A_499 = arith.constant 41 : i32
    %dma_start3A_500 = arith.constant 0 : i32
    %dma_start3A_501 = tpu.memref_slice %arg6[%dma_start3A_499, %dma_start3A_500] : memref<512x32xf32, #tpu.memory_space<vmem>> -> memref<1x32xf32, #tpu.memory_space<vmem>>
    %dma_start3A_502 = arith.constant 0 : i32
    %dma_start3A_503 = tpu.memref_slice %arg2[%squeeze3A_498, %dma_start3A_502] : memref<100001x32xf32, #tpu.memory_space<hbm>> -> memref<1x32xf32, #tpu.memory_space<hbm>>
    %dma_start3A_504 = arith.constant 41 : i32
    %dma_start3A_505 = arith.constant 0 : i32
    %dma_start3A_506 = tpu.memref_slice %arg6[%dma_start3A_504, %dma_start3A_505] : memref<512x32xf32, #tpu.memory_space<vmem>> -> memref<1x32xf32, #tpu.memory_space<vmem>>
    %dma_start3A_507 = arith.constant 0 : i32
    %dma_start3A_508 = tpu.memref_slice %arg2[%squeeze3A_498, %dma_start3A_507] : memref<100001x32xf32, #tpu.memory_space<hbm>> -> memref<1x32xf32, #tpu.memory_space<hbm>>
    tpu.enqueue_dma source(%dma_start3A_508 : memref<1x32xf32, #tpu.memory_space<hbm>>) target(%dma_start3A_506 : memref<1x32xf32, #tpu.memory_space<vmem>>) target_semaphore(%arg9 : memref<!tpu.dma_semaphore, #tpu.memory_space<semaphore_mem>>)
    %slice3A_509 = vector.extract_strided_slice %get3A_388 {offsets = [10], sizes = [1], strides = [1]} : vector<16xi32> to vector<1xi32>
    %squeeze3A_510 = vector.extract %slice3A_509[0] : i32 from vector<1xi32>
    %dma_start3A_511 = arith.constant 42 : i32
    %dma_start3A_512 = arith.constant 0 : i32
    %dma_start3A_513 = tpu.memref_slice %arg6[%dma_start3A_511, %dma_start3A_512] : memref<512x32xf32, #tpu.memory_space<vmem>> -> memref<1x32xf32, #tpu.memory_space<vmem>>
    %dma_start3A_514 = arith.constant 0 : i32
    %dma_start3A_515 = tpu.memref_slice %arg2[%squeeze3A_510, %dma_start3A_514] : memref<100001x32xf32, #tpu.memory_space<hbm>> -> memref<1x32xf32, #tpu.memory_space<hbm>>
    %dma_start3A_516 = arith.constant 42 : i32
    %dma_start3A_517 = arith.constant 0 : i32
    %dma_start3A_518 = tpu.memref_slice %arg6[%dma_start3A_516, %dma_start3A_517] : memref<512x32xf32, #tpu.memory_space<vmem>> -> memref<1x32xf32, #tpu.memory_space<vmem>>
    %dma_start3A_519 = arith.constant 0 : i32
    %dma_start3A_520 = tpu.memref_slice %arg2[%squeeze3A_510, %dma_start3A_519] : memref<100001x32xf32, #tpu.memory_space<hbm>> -> memref<1x32xf32, #tpu.memory_space<hbm>>
    tpu.enqueue_dma source(%dma_start3A_520 : memref<1x32xf32, #tpu.memory_space<hbm>>) target(%dma_start3A_518 : memref<1x32xf32, #tpu.memory_space<vmem>>) target_semaphore(%arg9 : memref<!tpu.dma_semaphore, #tpu.memory_space<semaphore_mem>>)
    %slice3A_521 = vector.extract_strided_slice %get3A_388 {offsets = [11], sizes = [1], strides = [1]} : vector<16xi32> to vector<1xi32>
    %squeeze3A_522 = vector.extract %slice3A_521[0] : i32 from vector<1xi32>
    %dma_start3A_523 = arith.constant 43 : i32
    %dma_start3A_524 = arith.constant 0 : i32
    %dma_start3A_525 = tpu.memref_slice %arg6[%dma_start3A_523, %dma_start3A_524] : memref<512x32xf32, #tpu.memory_space<vmem>> -> memref<1x32xf32, #tpu.memory_space<vmem>>
    %dma_start3A_526 = arith.constant 0 : i32
    %dma_start3A_527 = tpu.memref_slice %arg2[%squeeze3A_522, %dma_start3A_526] : memref<100001x32xf32, #tpu.memory_space<hbm>> -> memref<1x32xf32, #tpu.memory_space<hbm>>
    %dma_start3A_528 = arith.constant 43 : i32
    %dma_start3A_529 = arith.constant 0 : i32
    %dma_start3A_530 = tpu.memref_slice %arg6[%dma_start3A_528, %dma_start3A_529] : memref<512x32xf32, #tpu.memory_space<vmem>> -> memref<1x32xf32, #tpu.memory_space<vmem>>
    %dma_start3A_531 = arith.constant 0 : i32
    %dma_start3A_532 = tpu.memref_slice %arg2[%squeeze3A_522, %dma_start3A_531] : memref<100001x32xf32, #tpu.memory_space<hbm>> -> memref<1x32xf32, #tpu.memory_space<hbm>>
    tpu.enqueue_dma source(%dma_start3A_532 : memref<1x32xf32, #tpu.memory_space<hbm>>) target(%dma_start3A_530 : memref<1x32xf32, #tpu.memory_space<vmem>>) target_semaphore(%arg9 : memref<!tpu.dma_semaphore, #tpu.memory_space<semaphore_mem>>)
    %slice3A_533 = vector.extract_strided_slice %get3A_388 {offsets = [12], sizes = [1], strides = [1]} : vector<16xi32> to vector<1xi32>
    %squeeze3A_534 = vector.extract %slice3A_533[0] : i32 from vector<1xi32>
    %dma_start3A_535 = arith.constant 44 : i32
    %dma_start3A_536 = arith.constant 0 : i32
    %dma_start3A_537 = tpu.memref_slice %arg6[%dma_start3A_535, %dma_start3A_536] : memref<512x32xf32, #tpu.memory_space<vmem>> -> memref<1x32xf32, #tpu.memory_space<vmem>>
    %dma_start3A_538 = arith.constant 0 : i32
    %dma_start3A_539 = tpu.memref_slice %arg2[%squeeze3A_534, %dma_start3A_538] : memref<100001x32xf32, #tpu.memory_space<hbm>> -> memref<1x32xf32, #tpu.memory_space<hbm>>
    %dma_start3A_540 = arith.constant 44 : i32
    %dma_start3A_541 = arith.constant 0 : i32
    %dma_start3A_542 = tpu.memref_slice %arg6[%dma_start3A_540, %dma_start3A_541] : memref<512x32xf32, #tpu.memory_space<vmem>> -> memref<1x32xf32, #tpu.memory_space<vmem>>
    %dma_start3A_543 = arith.constant 0 : i32
    %dma_start3A_544 = tpu.memref_slice %arg2[%squeeze3A_534, %dma_start3A_543] : memref<100001x32xf32, #tpu.memory_space<hbm>> -> memref<1x32xf32, #tpu.memory_space<hbm>>
    tpu.enqueue_dma source(%dma_start3A_544 : memref<1x32xf32, #tpu.memory_space<hbm>>) target(%dma_start3A_542 : memref<1x32xf32, #tpu.memory_space<vmem>>) target_semaphore(%arg9 : memref<!tpu.dma_semaphore, #tpu.memory_space<semaphore_mem>>)
    %slice3A_545 = vector.extract_strided_slice %get3A_388 {offsets = [13], sizes = [1], strides = [1]} : vector<16xi32> to vector<1xi32>
    %squeeze3A_546 = vector.extract %slice3A_545[0] : i32 from vector<1xi32>
    %dma_start3A_547 = arith.constant 45 : i32
    %dma_start3A_548 = arith.constant 0 : i32
    %dma_start3A_549 = tpu.memref_slice %arg6[%dma_start3A_547, %dma_start3A_548] : memref<512x32xf32, #tpu.memory_space<vmem>> -> memref<1x32xf32, #tpu.memory_space<vmem>>
    %dma_start3A_550 = arith.constant 0 : i32
    %dma_start3A_551 = tpu.memref_slice %arg2[%squeeze3A_546, %dma_start3A_550] : memref<100001x32xf32, #tpu.memory_space<hbm>> -> memref<1x32xf32, #tpu.memory_space<hbm>>
    %dma_start3A_552 = arith.constant 45 : i32
    %dma_start3A_553 = arith.constant 0 : i32
    %dma_start3A_554 = tpu.memref_slice %arg6[%dma_start3A_552, %dma_start3A_553] : memref<512x32xf32, #tpu.memory_space<vmem>> -> memref<1x32xf32, #tpu.memory_space<vmem>>
    %dma_start3A_555 = arith.constant 0 : i32
    %dma_start3A_556 = tpu.memref_slice %arg2[%squeeze3A_546, %dma_start3A_555] : memref<100001x32xf32, #tpu.memory_space<hbm>> -> memref<1x32xf32, #tpu.memory_space<hbm>>
    tpu.enqueue_dma source(%dma_start3A_556 : memref<1x32xf32, #tpu.memory_space<hbm>>) target(%dma_start3A_554 : memref<1x32xf32, #tpu.memory_space<vmem>>) target_semaphore(%arg9 : memref<!tpu.dma_semaphore, #tpu.memory_space<semaphore_mem>>)
    %slice3A_557 = vector.extract_strided_slice %get3A_388 {offsets = [14], sizes = [1], strides = [1]} : vector<16xi32> to vector<1xi32>
    %squeeze3A_558 = vector.extract %slice3A_557[0] : i32 from vector<1xi32>
    %dma_start3A_559 = arith.constant 46 : i32
    %dma_start3A_560 = arith.constant 0 : i32
    %dma_start3A_561 = tpu.memref_slice %arg6[%dma_start3A_559, %dma_start3A_560] : memref<512x32xf32, #tpu.memory_space<vmem>> -> memref<1x32xf32, #tpu.memory_space<vmem>>
    %dma_start3A_562 = arith.constant 0 : i32
    %dma_start3A_563 = tpu.memref_slice %arg2[%squeeze3A_558, %dma_start3A_562] : memref<100001x32xf32, #tpu.memory_space<hbm>> -> memref<1x32xf32, #tpu.memory_space<hbm>>
    %dma_start3A_564 = arith.constant 46 : i32
    %dma_start3A_565 = arith.constant 0 : i32
    %dma_start3A_566 = tpu.memref_slice %arg6[%dma_start3A_564, %dma_start3A_565] : memref<512x32xf32, #tpu.memory_space<vmem>> -> memref<1x32xf32, #tpu.memory_space<vmem>>
    %dma_start3A_567 = arith.constant 0 : i32
    %dma_start3A_568 = tpu.memref_slice %arg2[%squeeze3A_558, %dma_start3A_567] : memref<100001x32xf32, #tpu.memory_space<hbm>> -> memref<1x32xf32, #tpu.memory_space<hbm>>
    tpu.enqueue_dma source(%dma_start3A_568 : memref<1x32xf32, #tpu.memory_space<hbm>>) target(%dma_start3A_566 : memref<1x32xf32, #tpu.memory_space<vmem>>) target_semaphore(%arg9 : memref<!tpu.dma_semaphore, #tpu.memory_space<semaphore_mem>>)
    %slice3A_569 = vector.extract_strided_slice %get3A_388 {offsets = [15], sizes = [1], strides = [1]} : vector<16xi32> to vector<1xi32>
    %squeeze3A_570 = vector.extract %slice3A_569[0] : i32 from vector<1xi32>
    %dma_start3A_571 = arith.constant 47 : i32
    %dma_start3A_572 = arith.constant 0 : i32
    %dma_start3A_573 = tpu.memref_slice %arg6[%dma_start3A_571, %dma_start3A_572] : memref<512x32xf32, #tpu.memory_space<vmem>> -> memref<1x32xf32, #tpu.memory_space<vmem>>
    %dma_start3A_574 = arith.constant 0 : i32
    %dma_start3A_575 = tpu.memref_slice %arg2[%squeeze3A_570, %dma_start3A_574] : memref<100001x32xf32, #tpu.memory_space<hbm>> -> memref<1x32xf32, #tpu.memory_space<hbm>>
    %dma_start3A_576 = arith.constant 47 : i32
    %dma_start3A_577 = arith.constant 0 : i32
    %dma_start3A_578 = tpu.memref_slice %arg6[%dma_start3A_576, %dma_start3A_577] : memref<512x32xf32, #tpu.memory_space<vmem>> -> memref<1x32xf32, #tpu.memory_space<vmem>>
    %dma_start3A_579 = arith.constant 0 : i32
    %dma_start3A_580 = tpu.memref_slice %arg2[%squeeze3A_570, %dma_start3A_579] : memref<100001x32xf32, #tpu.memory_space<hbm>> -> memref<1x32xf32, #tpu.memory_space<hbm>>
    tpu.enqueue_dma source(%dma_start3A_580 : memref<1x32xf32, #tpu.memory_space<hbm>>) target(%dma_start3A_578 : memref<1x32xf32, #tpu.memory_space<vmem>>) target_semaphore(%arg9 : memref<!tpu.dma_semaphore, #tpu.memory_space<semaphore_mem>>)
    %get3A_581 = arith.constant 48 : index
    %get3A_582 = tpu.vector_load %arg5[%get3A_581] {strides = array<i32>} : memref<512xi32, #tpu.memory_space<vmem>>, vector<16xi32>,
    %slice3A_583 = vector.extract_strided_slice %get3A_582 {offsets = [0], sizes = [1], strides = [1]} : vector<16xi32> to vector<1xi32>
    %squeeze3A_584 = vector.extract %slice3A_583[0] : i32 from vector<1xi32>
    %dma_start3A_585 = arith.constant 48 : i32
    %dma_start3A_586 = arith.constant 0 : i32
    %dma_start3A_587 = tpu.memref_slice %arg6[%dma_start3A_585, %dma_start3A_586] : memref<512x32xf32, #tpu.memory_space<vmem>> -> memref<1x32xf32, #tpu.memory_space<vmem>>
    %dma_start3A_588 = arith.constant 0 : i32
    %dma_start3A_589 = tpu.memref_slice %arg2[%squeeze3A_584, %dma_start3A_588] : memref<100001x32xf32, #tpu.memory_space<hbm>> -> memref<1x32xf32, #tpu.memory_space<hbm>>
    %dma_start3A_590 = arith.constant 48 : i32
    %dma_start3A_591 = arith.constant 0 : i32
    %dma_start3A_592 = tpu.memref_slice %arg6[%dma_start3A_590, %dma_start3A_591] : memref<512x32xf32, #tpu.memory_space<vmem>> -> memref<1x32xf32, #tpu.memory_space<vmem>>
    %dma_start3A_593 = arith.constant 0 : i32
    %dma_start3A_594 = tpu.memref_slice %arg2[%squeeze3A_584, %dma_start3A_593] : memref<100001x32xf32, #tpu.memory_space<hbm>> -> memref<1x32xf32, #tpu.memory_space<hbm>>
    tpu.enqueue_dma source(%dma_start3A_594 : memref<1x32xf32, #tpu.memory_space<hbm>>) target(%dma_start3A_592 : memref<1x32xf32, #tpu.memory_space<vmem>>) target_semaphore(%arg9 : memref<!tpu.dma_semaphore, #tpu.memory_space<semaphore_mem>>)
    %slice3A_595 = vector.extract_strided_slice %get3A_582 {offsets = [1], sizes = [1], strides = [1]} : vector<16xi32> to vector<1xi32>
    %squeeze3A_596 = vector.extract %slice3A_595[0] : i32 from vector<1xi32>
    %dma_start3A_597 = arith.constant 49 : i32
    %dma_start3A_598 = arith.constant 0 : i32
    %dma_start3A_599 = tpu.memref_slice %arg6[%dma_start3A_597, %dma_start3A_598] : memref<512x32xf32, #tpu.memory_space<vmem>> -> memref<1x32xf32, #tpu.memory_space<vmem>>
    %dma_start3A_600 = arith.constant 0 : i32
    %dma_start3A_601 = tpu.memref_slice %arg2[%squeeze3A_596, %dma_start3A_600] : memref<100001x32xf32, #tpu.memory_space<hbm>> -> memref<1x32xf32, #tpu.memory_space<hbm>>
    %dma_start3A_602 = arith.constant 49 : i32
    %dma_start3A_603 = arith.constant 0 : i32
    %dma_start3A_604 = tpu.memref_slice %arg6[%dma_start3A_602, %dma_start3A_603] : memref<512x32xf32, #tpu.memory_space<vmem>> -> memref<1x32xf32, #tpu.memory_space<vmem>>
    %dma_start3A_605 = arith.constant 0 : i32
    %dma_start3A_606 = tpu.memref_slice %arg2[%squeeze3A_596, %dma_start3A_605] : memref<100001x32xf32, #tpu.memory_space<hbm>> -> memref<1x32xf32, #tpu.memory_space<hbm>>
    tpu.enqueue_dma source(%dma_start3A_606 : memref<1x32xf32, #tpu.memory_space<hbm>>) target(%dma_start3A_604 : memref<1x32xf32, #tpu.memory_space<vmem>>) target_semaphore(%arg9 : memref<!tpu.dma_semaphore, #tpu.memory_space<semaphore_mem>>)
    %slice3A_607 = vector.extract_strided_slice %get3A_582 {offsets = [2], sizes = [1], strides = [1]} : vector<16xi32> to vector<1xi32>
    %squeeze3A_608 = vector.extract %slice3A_607[0] : i32 from vector<1xi32>
    %dma_start3A_609 = arith.constant 50 : i32
    %dma_start3A_610 = arith.constant 0 : i32
    %dma_start3A_611 = tpu.memref_slice %arg6[%dma_start3A_609, %dma_start3A_610] : memref<512x32xf32, #tpu.memory_space<vmem>> -> memref<1x32xf32, #tpu.memory_space<vmem>>
    %dma_start3A_612 = arith.constant 0 : i32
    %dma_start3A_613 = tpu.memref_slice %arg2[%squeeze3A_608, %dma_start3A_612] : memref<100001x32xf32, #tpu.memory_space<hbm>> -> memref<1x32xf32, #tpu.memory_space<hbm>>
    %dma_start3A_614 = arith.constant 50 : i32
    %dma_start3A_615 = arith.constant 0 : i32
    %dma_start3A_616 = tpu.memref_slice %arg6[%dma_start3A_614, %dma_start3A_615] : memref<512x32xf32, #tpu.memory_space<vmem>> -> memref<1x32xf32, #tpu.memory_space<vmem>>
    %dma_start3A_617 = arith.constant 0 : i32
    %dma_start3A_618 = tpu.memref_slice %arg2[%squeeze3A_608, %dma_start3A_617] : memref<100001x32xf32, #tpu.memory_space<hbm>> -> memref<1x32xf32, #tpu.memory_space<hbm>>
    tpu.enqueue_dma source(%dma_start3A_618 : memref<1x32xf32, #tpu.memory_space<hbm>>) target(%dma_start3A_616 : memref<1x32xf32, #tpu.memory_space<vmem>>) target_semaphore(%arg9 : memref<!tpu.dma_semaphore, #tpu.memory_space<semaphore_mem>>)
    %slice3A_619 = vector.extract_strided_slice %get3A_582 {offsets = [3], sizes = [1], strides = [1]} : vector<16xi32> to vector<1xi32>
    %squeeze3A_620 = vector.extract %slice3A_619[0] : i32 from vector<1xi32>
    %dma_start3A_621 = arith.constant 51 : i32
    %dma_start3A_622 = arith.constant 0 : i32
    %dma_start3A_623 = tpu.memref_slice %arg6[%dma_start3A_621, %dma_start3A_622] : memref<512x32xf32, #tpu.memory_space<vmem>> -> memref<1x32xf32, #tpu.memory_space<vmem>>
    %dma_start3A_624 = arith.constant 0 : i32
    %dma_start3A_625 = tpu.memref_slice %arg2[%squeeze3A_620, %dma_start3A_624] : memref<100001x32xf32, #tpu.memory_space<hbm>> -> memref<1x32xf32, #tpu.memory_space<hbm>>
    %dma_start3A_626 = arith.constant 51 : i32
    %dma_start3A_627 = arith.constant 0 : i32
    %dma_start3A_628 = tpu.memref_slice %arg6[%dma_start3A_626, %dma_start3A_627] : memref<512x32xf32, #tpu.memory_space<vmem>> -> memref<1x32xf32, #tpu.memory_space<vmem>>
    %dma_start3A_629 = arith.constant 0 : i32
    %dma_start3A_630 = tpu.memref_slice %arg2[%squeeze3A_620, %dma_start3A_629] : memref<100001x32xf32, #tpu.memory_space<hbm>> -> memref<1x32xf32, #tpu.memory_space<hbm>>
    tpu.enqueue_dma source(%dma_start3A_630 : memref<1x32xf32, #tpu.memory_space<hbm>>) target(%dma_start3A_628 : memref<1x32xf32, #tpu.memory_space<vmem>>) target_semaphore(%arg9 : memref<!tpu.dma_semaphore, #tpu.memory_space<semaphore_mem>>)
    %slice3A_631 = vector.extract_strided_slice %get3A_582 {offsets = [4], sizes = [1], strides = [1]} : vector<16xi32> to vector<1xi32>
    %squeeze3A_632 = vector.extract %slice3A_631[0] : i32 from vector<1xi32>
    %dma_start3A_633 = arith.constant 52 : i32
    %dma_start3A_634 = arith.constant 0 : i32
    %dma_start3A_635 = tpu.memref_slice %arg6[%dma_start3A_633, %dma_start3A_634] : memref<512x32xf32, #tpu.memory_space<vmem>> -> memref<1x32xf32, #tpu.memory_space<vmem>>
    %dma_start3A_636 = arith.constant 0 : i32
    %dma_start3A_637 = tpu.memref_slice %arg2[%squeeze3A_632, %dma_start3A_636] : memref<100001x32xf32, #tpu.memory_space<hbm>> -> memref<1x32xf32, #tpu.memory_space<hbm>>
    %dma_start3A_638 = arith.constant 52 : i32
    %dma_start3A_639 = arith.constant 0 : i32
    %dma_start3A_640 = tpu.memref_slice %arg6[%dma_start3A_638, %dma_start3A_639] : memref<512x32xf32, #tpu.memory_space<vmem>> -> memref<1x32xf32, #tpu.memory_space<vmem>>
    %dma_start3A_641 = arith.constant 0 : i32
    %dma_start3A_642 = tpu.memref_slice %arg2[%squeeze3A_632, %dma_start3A_641] : memref<100001x32xf32, #tpu.memory_space<hbm>> -> memref<1x32xf32, #tpu.memory_space<hbm>>
    tpu.enqueue_dma source(%dma_start3A_642 : memref<1x32xf32, #tpu.memory_space<hbm>>) target(%dma_start3A_640 : memref<1x32xf32, #tpu.memory_space<vmem>>) target_semaphore(%arg9 : memref<!tpu.dma_semaphore, #tpu.memory_space<semaphore_mem>>)
    %slice3A_643 = vector.extract_strided_slice %get3A_582 {offsets = [5], sizes = [1], strides = [1]} : vector<16xi32> to vector<1xi32>
    %squeeze3A_644 = vector.extract %slice3A_643[0] : i32 from vector<1xi32>
    %dma_start3A_645 = arith.constant 53 : i32
    %dma_start3A_646 = arith.constant 0 : i32
    %dma_start3A_647 = tpu.memref_slice %arg6[%dma_start3A_645, %dma_start3A_646] : memref<512x32xf32, #tpu.memory_space<vmem>> -> memref<1x32xf32, #tpu.memory_space<vmem>>
    %dma_start3A_648 = arith.constant 0 : i32
    %dma_start3A_649 = tpu.memref_slice %arg2[%squeeze3A_644, %dma_start3A_648] : memref<100001x32xf32, #tpu.memory_space<hbm>> -> memref<1x32xf32, #tpu.memory_space<hbm>>
    %dma_start3A_650 = arith.constant 53 : i32
    %dma_start3A_651 = arith.constant 0 : i32
    %dma_start3A_652 = tpu.memref_slice %arg6[%dma_start3A_650, %dma_start3A_651] : memref<512x32xf32, #tpu.memory_space<vmem>> -> memref<1x32xf32, #tpu.memory_space<vmem>>
    %dma_start3A_653 = arith.constant 0 : i32
    %dma_start3A_654 = tpu.memref_slice %arg2[%squeeze3A_644, %dma_start3A_653] : memref<100001x32xf32, #tpu.memory_space<hbm>> -> memref<1x32xf32, #tpu.memory_space<hbm>>
    tpu.enqueue_dma source(%dma_start3A_654 : memref<1x32xf32, #tpu.memory_space<hbm>>) target(%dma_start3A_652 : memref<1x32xf32, #tpu.memory_space<vmem>>) target_semaphore(%arg9 : memref<!tpu.dma_semaphore, #tpu.memory_space<semaphore_mem>>)
    %slice3A_655 = vector.extract_strided_slice %get3A_582 {offsets = [6], sizes = [1], strides = [1]} : vector<16xi32> to vector<1xi32>
    %squeeze3A_656 = vector.extract %slice3A_655[0] : i32 from vector<1xi32>
    %dma_start3A_657 = arith.constant 54 : i32
    %dma_start3A_658 = arith.constant 0 : i32
    %dma_start3A_659 = tpu.memref_slice %arg6[%dma_start3A_657, %dma_start3A_658] : memref<512x32xf32, #tpu.memory_space<vmem>> -> memref<1x32xf32, #tpu.memory_space<vmem>>
    %dma_start3A_660 = arith.constant 0 : i32
    %dma_start3A_661 = tpu.memref_slice %arg2[%squeeze3A_656, %dma_start3A_660] : memref<100001x32xf32, #tpu.memory_space<hbm>> -> memref<1x32xf32, #tpu.memory_space<hbm>>
    %dma_start3A_662 = arith.constant 54 : i32
    %dma_start3A_663 = arith.constant 0 : i32
    %dma_start3A_664 = tpu.memref_slice %arg6[%dma_start3A_662, %dma_start3A_663] : memref<512x32xf32, #tpu.memory_space<vmem>> -> memref<1x32xf32, #tpu.memory_space<vmem>>
    %dma_start3A_665 = arith.constant 0 : i32
    %dma_start3A_666 = tpu.memref_slice %arg2[%squeeze3A_656, %dma_start3A_665] : memref<100001x32xf32, #tpu.memory_space<hbm>> -> memref<1x32xf32, #tpu.memory_space<hbm>>
    tpu.enqueue_dma source(%dma_start3A_666 : memref<1x32xf32, #tpu.memory_space<hbm>>) target(%dma_start3A_664 : memref<1x32xf32, #tpu.memory_space<vmem>>) target_semaphore(%arg9 : memref<!tpu.dma_semaphore, #tpu.memory_space<semaphore_mem>>)
    %slice3A_667 = vector.extract_strided_slice %get3A_582 {offsets = [7], sizes = [1], strides = [1]} : vector<16xi32> to vector<1xi32>
    %squeeze3A_668 = vector.extract %slice3A_667[0] : i32 from vector<1xi32>
    %dma_start3A_669 = arith.constant 55 : i32
    %dma_start3A_670 = arith.constant 0 : i32
    %dma_start3A_671 = tpu.memref_slice %arg6[%dma_start3A_669, %dma_start3A_670] : memref<512x32xf32, #tpu.memory_space<vmem>> -> memref<1x32xf32, #tpu.memory_space<vmem>>
    %dma_start3A_672 = arith.constant 0 : i32
    %dma_start3A_673 = tpu.memref_slice %arg2[%squeeze3A_668, %dma_start3A_672] : memref<100001x32xf32, #tpu.memory_space<hbm>> -> memref<1x32xf32, #tpu.memory_space<hbm>>
    %dma_start3A_674 = arith.constant 55 : i32
    %dma_start3A_675 = arith.constant 0 : i32
    %dma_start3A_676 = tpu.memref_slice %arg6[%dma_start3A_674, %dma_start3A_675] : memref<512x32xf32, #tpu.memory_space<vmem>> -> memref<1x32xf32, #tpu.memory_space<vmem>>
    %dma_start3A_677 = arith.constant 0 : i32
    %dma_start3A_678 = tpu.memref_slice %arg2[%squeeze3A_668, %dma_start3A_677] : memref<100001x32xf32, #tpu.memory_space<hbm>> -> memref<1x32xf32, #tpu.memory_space<hbm>>
    tpu.enqueue_dma source(%dma_start3A_678 : memref<1x32xf32, #tpu.memory_space<hbm>>) target(%dma_start3A_676 : memref<1x32xf32, #tpu.memory_space<vmem>>) target_semaphore(%arg9 : memref<!tpu.dma_semaphore, #tpu.memory_space<semaphore_mem>>)
    %slice3A_679 = vector.extract_strided_slice %get3A_582 {offsets = [8], sizes = [1], strides = [1]} : vector<16xi32> to vector<1xi32>
    %squeeze3A_680 = vector.extract %slice3A_679[0] : i32 from vector<1xi32>
    %dma_start3A_681 = arith.constant 56 : i32
    %dma_start3A_682 = arith.constant 0 : i32
    %dma_start3A_683 = tpu.memref_slice %arg6[%dma_start3A_681, %dma_start3A_682] : memref<512x32xf32, #tpu.memory_space<vmem>> -> memref<1x32xf32, #tpu.memory_space<vmem>>
    %dma_start3A_684 = arith.constant 0 : i32
    %dma_start3A_685 = tpu.memref_slice %arg2[%squeeze3A_680, %dma_start3A_684] : memref<100001x32xf32, #tpu.memory_space<hbm>> -> memref<1x32xf32, #tpu.memory_space<hbm>>
    %dma_start3A_686 = arith.constant 56 : i32
    %dma_start3A_687 = arith.constant 0 : i32
    %dma_start3A_688 = tpu.memref_slice %arg6[%dma_start3A_686, %dma_start3A_687] : memref<512x32xf32, #tpu.memory_space<vmem>> -> memref<1x32xf32, #tpu.memory_space<vmem>>
    %dma_start3A_689 = arith.constant 0 : i32
    %dma_start3A_690 = tpu.memref_slice %arg2[%squeeze3A_680, %dma_start3A_689] : memref<100001x32xf32, #tpu.memory_space<hbm>> -> memref<1x32xf32, #tpu.memory_space<hbm>>
    tpu.enqueue_dma source(%dma_start3A_690 : memref<1x32xf32, #tpu.memory_space<hbm>>) target(%dma_start3A_688 : memref<1x32xf32, #tpu.memory_space<vmem>>) target_semaphore(%arg9 : memref<!tpu.dma_semaphore, #tpu.memory_space<semaphore_mem>>)
    %slice3A_691 = vector.extract_strided_slice %get3A_582 {offsets = [9], sizes = [1], strides = [1]} : vector<16xi32> to vector<1xi32>
    %squeeze3A_692 = vector.extract %slice3A_691[0] : i32 from vector<1xi32>
    %dma_start3A_693 = arith.constant 57 : i32
    %dma_start3A_694 = arith.constant 0 : i32
    %dma_start3A_695 = tpu.memref_slice %arg6[%dma_start3A_693, %dma_start3A_694] : memref<512x32xf32, #tpu.memory_space<vmem>> -> memref<1x32xf32, #tpu.memory_space<vmem>>
    %dma_start3A_696 = arith.constant 0 : i32
    %dma_start3A_697 = tpu.memref_slice %arg2[%squeeze3A_692, %dma_start3A_696] : memref<100001x32xf32, #tpu.memory_space<hbm>> -> memref<1x32xf32, #tpu.memory_space<hbm>>
    %dma_start3A_698 = arith.constant 57 : i32
    %dma_start3A_699 = arith.constant 0 : i32
    %dma_start3A_700 = tpu.memref_slice %arg6[%dma_start3A_698, %dma_start3A_699] : memref<512x32xf32, #tpu.memory_space<vmem>> -> memref<1x32xf32, #tpu.memory_space<vmem>>
    %dma_start3A_701 = arith.constant 0 : i32
    %dma_start3A_702 = tpu.memref_slice %arg2[%squeeze3A_692, %dma_start3A_701] : memref<100001x32xf32, #tpu.memory_space<hbm>> -> memref<1x32xf32, #tpu.memory_space<hbm>>
    tpu.enqueue_dma source(%dma_start3A_702 : memref<1x32xf32, #tpu.memory_space<hbm>>) target(%dma_start3A_700 : memref<1x32xf32, #tpu.memory_space<vmem>>) target_semaphore(%arg9 : memref<!tpu.dma_semaphore, #tpu.memory_space<semaphore_mem>>)
    %slice3A_703 = vector.extract_strided_slice %get3A_582 {offsets = [10], sizes = [1], strides = [1]} : vector<16xi32> to vector<1xi32>
    %squeeze3A_704 = vector.extract %slice3A_703[0] : i32 from vector<1xi32>
    %dma_start3A_705 = arith.constant 58 : i32
    %dma_start3A_706 = arith.constant 0 : i32
    %dma_start3A_707 = tpu.memref_slice %arg6[%dma_start3A_705, %dma_start3A_706] : memref<512x32xf32, #tpu.memory_space<vmem>> -> memref<1x32xf32, #tpu.memory_space<vmem>>
    %dma_start3A_708 = arith.constant 0 : i32
    %dma_start3A_709 = tpu.memref_slice %arg2[%squeeze3A_704, %dma_start3A_708] : memref<100001x32xf32, #tpu.memory_space<hbm>> -> memref<1x32xf32, #tpu.memory_space<hbm>>
    %dma_start3A_710 = arith.constant 58 : i32
    %dma_start3A_711 = arith.constant 0 : i32
    %dma_start3A_712 = tpu.memref_slice %arg6[%dma_start3A_710, %dma_start3A_711] : memref<512x32xf32, #tpu.memory_space<vmem>> -> memref<1x32xf32, #tpu.memory_space<vmem>>
    %dma_start3A_713 = arith.constant 0 : i32
    %dma_start3A_714 = tpu.memref_slice %arg2[%squeeze3A_704, %dma_start3A_713] : memref<100001x32xf32, #tpu.memory_space<hbm>> -> memref<1x32xf32, #tpu.memory_space<hbm>>
    tpu.enqueue_dma source(%dma_start3A_714 : memref<1x32xf32, #tpu.memory_space<hbm>>) target(%dma_start3A_712 : memref<1x32xf32, #tpu.memory_space<vmem>>) target_semaphore(%arg9 : memref<!tpu.dma_semaphore, #tpu.memory_space<semaphore_mem>>)
    %slice3A_715 = vector.extract_strided_slice %get3A_582 {offsets = [11], sizes = [1], strides = [1]} : vector<16xi32> to vector<1xi32>
    %squeeze3A_716 = vector.extract %slice3A_715[0] : i32 from vector<1xi32>
    %dma_start3A_717 = arith.constant 59 : i32
    %dma_start3A_718 = arith.constant 0 : i32
    %dma_start3A_719 = tpu.memref_slice %arg6[%dma_start3A_717, %dma_start3A_718] : memref<512x32xf32, #tpu.memory_space<vmem>> -> memref<1x32xf32, #tpu.memory_space<vmem>>
    %dma_start3A_720 = arith.constant 0 : i32
    %dma_start3A_721 = tpu.memref_slice %arg2[%squeeze3A_716, %dma_start3A_720] : memref<100001x32xf32, #tpu.memory_space<hbm>> -> memref<1x32xf32, #tpu.memory_space<hbm>>
    %dma_start3A_722 = arith.constant 59 : i32
    %dma_start3A_723 = arith.constant 0 : i32
    %dma_start3A_724 = tpu.memref_slice %arg6[%dma_start3A_722, %dma_start3A_723] : memref<512x32xf32, #tpu.memory_space<vmem>> -> memref<1x32xf32, #tpu.memory_space<vmem>>
    %dma_start3A_725 = arith.constant 0 : i32
    %dma_start3A_726 = tpu.memref_slice %arg2[%squeeze3A_716, %dma_start3A_725] : memref<100001x32xf32, #tpu.memory_space<hbm>> -> memref<1x32xf32, #tpu.memory_space<hbm>>
    tpu.enqueue_dma source(%dma_start3A_726 : memref<1x32xf32, #tpu.memory_space<hbm>>) target(%dma_start3A_724 : memref<1x32xf32, #tpu.memory_space<vmem>>) target_semaphore(%arg9 : memref<!tpu.dma_semaphore, #tpu.memory_space<semaphore_mem>>)
    %slice3A_727 = vector.extract_strided_slice %get3A_582 {offsets = [12], sizes = [1], strides = [1]} : vector<16xi32> to vector<1xi32>
    %squeeze3A_728 = vector.extract %slice3A_727[0] : i32 from vector<1xi32>
    %dma_start3A_729 = arith.constant 60 : i32
    %dma_start3A_730 = arith.constant 0 : i32
    %dma_start3A_731 = tpu.memref_slice %arg6[%dma_start3A_729, %dma_start3A_730] : memref<512x32xf32, #tpu.memory_space<vmem>> -> memref<1x32xf32, #tpu.memory_space<vmem>>
    %dma_start3A_732 = arith.constant 0 : i32
    %dma_start3A_733 = tpu.memref_slice %arg2[%squeeze3A_728, %dma_start3A_732] : memref<100001x32xf32, #tpu.memory_space<hbm>> -> memref<1x32xf32, #tpu.memory_space<hbm>>
    %dma_start3A_734 = arith.constant 60 : i32
    %dma_start3A_735 = arith.constant 0 : i32
    %dma_start3A_736 = tpu.memref_slice %arg6[%dma_start3A_734, %dma_start3A_735] : memref<512x32xf32, #tpu.memory_space<vmem>> -> memref<1x32xf32, #tpu.memory_space<vmem>>
    %dma_start3A_737 = arith.constant 0 : i32
    %dma_start3A_738 = tpu.memref_slice %arg2[%squeeze3A_728, %dma_start3A_737] : memref<100001x32xf32, #tpu.memory_space<hbm>> -> memref<1x32xf32, #tpu.memory_space<hbm>>
    tpu.enqueue_dma source(%dma_start3A_738 : memref<1x32xf32, #tpu.memory_space<hbm>>) target(%dma_start3A_736 : memref<1x32xf32, #tpu.memory_space<vmem>>) target_semaphore(%arg9 : memref<!tpu.dma_semaphore, #tpu.memory_space<semaphore_mem>>)
    %slice3A_739 = vector.extract_strided_slice %get3A_582 {offsets = [13], sizes = [1], strides = [1]} : vector<16xi32> to vector<1xi32>
    %squeeze3A_740 = vector.extract %slice3A_739[0] : i32 from vector<1xi32>
    %dma_start3A_741 = arith.constant 61 : i32
    %dma_start3A_742 = arith.constant 0 : i32
    %dma_start3A_743 = tpu.memref_slice %arg6[%dma_start3A_741, %dma_start3A_742] : memref<512x32xf32, #tpu.memory_space<vmem>> -> memref<1x32xf32, #tpu.memory_space<vmem>>
    %dma_start3A_744 = arith.constant 0 : i32
    %dma_start3A_745 = tpu.memref_slice %arg2[%squeeze3A_740, %dma_start3A_744] : memref<100001x32xf32, #tpu.memory_space<hbm>> -> memref<1x32xf32, #tpu.memory_space<hbm>>
    %dma_start3A_746 = arith.constant 61 : i32
    %dma_start3A_747 = arith.constant 0 : i32
    %dma_start3A_748 = tpu.memref_slice %arg6[%dma_start3A_746, %dma_start3A_747] : memref<512x32xf32, #tpu.memory_space<vmem>> -> memref<1x32xf32, #tpu.memory_space<vmem>>
    %dma_start3A_749 = arith.constant 0 : i32
    %dma_start3A_750 = tpu.memref_slice %arg2[%squeeze3A_740, %dma_start3A_749] : memref<100001x32xf32, #tpu.memory_space<hbm>> -> memref<1x32xf32, #tpu.memory_space<hbm>>
    tpu.enqueue_dma source(%dma_start3A_750 : memref<1x32xf32, #tpu.memory_space<hbm>>) target(%dma_start3A_748 : memref<1x32xf32, #tpu.memory_space<vmem>>) target_semaphore(%arg9 : memref<!tpu.dma_semaphore, #tpu.memory_space<semaphore_mem>>)
    %slice3A_751 = vector.extract_strided_slice %get3A_582 {offsets = [14], sizes = [1], strides = [1]} : vector<16xi32> to vector<1xi32>
    %squeeze3A_752 = vector.extract %slice3A_751[0] : i32 from vector<1xi32>
    %dma_start3A_753 = arith.constant 62 : i32
    %dma_start3A_754 = arith.constant 0 : i32
    %dma_start3A_755 = tpu.memref_slice %arg6[%dma_start3A_753, %dma_start3A_754] : memref<512x32xf32, #tpu.memory_space<vmem>> -> memref<1x32xf32, #tpu.memory_space<vmem>>
    %dma_start3A_756 = arith.constant 0 : i32
    %dma_start3A_757 = tpu.memref_slice %arg2[%squeeze3A_752, %dma_start3A_756] : memref<100001x32xf32, #tpu.memory_space<hbm>> -> memref<1x32xf32, #tpu.memory_space<hbm>>
    %dma_start3A_758 = arith.constant 62 : i32
    %dma_start3A_759 = arith.constant 0 : i32
    %dma_start3A_760 = tpu.memref_slice %arg6[%dma_start3A_758, %dma_start3A_759] : memref<512x32xf32, #tpu.memory_space<vmem>> -> memref<1x32xf32, #tpu.memory_space<vmem>>
    %dma_start3A_761 = arith.constant 0 : i32
    %dma_start3A_762 = tpu.memref_slice %arg2[%squeeze3A_752, %dma_start3A_761] : memref<100001x32xf32, #tpu.memory_space<hbm>> -> memref<1x32xf32, #tpu.memory_space<hbm>>
    tpu.enqueue_dma source(%dma_start3A_762 : memref<1x32xf32, #tpu.memory_space<hbm>>) target(%dma_start3A_760 : memref<1x32xf32, #tpu.memory_space<vmem>>) target_semaphore(%arg9 : memref<!tpu.dma_semaphore, #tpu.memory_space<semaphore_mem>>)
    %slice3A_763 = vector.extract_strided_slice %get3A_582 {offsets = [15], sizes = [1], strides = [1]} : vector<16xi32> to vector<1xi32>
    %squeeze3A_764 = vector.extract %slice3A_763[0] : i32 from vector<1xi32>
    %dma_start3A_765 = arith.constant 63 : i32
    %dma_start3A_766 = arith.constant 0 : i32
    %dma_start3A_767 = tpu.memref_slice %arg6[%dma_start3A_765, %dma_start3A_766] : memref<512x32xf32, #tpu.memory_space<vmem>> -> memref<1x32xf32, #tpu.memory_space<vmem>>
    %dma_start3A_768 = arith.constant 0 : i32
    %dma_start3A_769 = tpu.memref_slice %arg2[%squeeze3A_764, %dma_start3A_768] : memref<100001x32xf32, #tpu.memory_space<hbm>> -> memref<1x32xf32, #tpu.memory_space<hbm>>
    %dma_start3A_770 = arith.constant 63 : i32
    %dma_start3A_771 = arith.constant 0 : i32
    %dma_start3A_772 = tpu.memref_slice %arg6[%dma_start3A_770, %dma_start3A_771] : memref<512x32xf32, #tpu.memory_space<vmem>> -> memref<1x32xf32, #tpu.memory_space<vmem>>
    %dma_start3A_773 = arith.constant 0 : i32
    %dma_start3A_774 = tpu.memref_slice %arg2[%squeeze3A_764, %dma_start3A_773] : memref<100001x32xf32, #tpu.memory_space<hbm>> -> memref<1x32xf32, #tpu.memory_space<hbm>>
    tpu.enqueue_dma source(%dma_start3A_774 : memref<1x32xf32, #tpu.memory_space<hbm>>) target(%dma_start3A_772 : memref<1x32xf32, #tpu.memory_space<vmem>>) target_semaphore(%arg9 : memref<!tpu.dma_semaphore, #tpu.memory_space<semaphore_mem>>)
    %get3A_775 = arith.constant 64 : index
    %get3A_776 = tpu.vector_load %arg5[%get3A_775] {strides = array<i32>} : memref<512xi32, #tpu.memory_space<vmem>>, vector<16xi32>,
    %slice3A_777 = vector.extract_strided_slice %get3A_776 {offsets = [0], sizes = [1], strides = [1]} : vector<16xi32> to vector<1xi32>
    %squeeze3A_778 = vector.extract %slice3A_777[0] : i32 from vector<1xi32>
    %dma_start3A_779 = arith.constant 64 : i32
    %dma_start3A_780 = arith.constant 0 : i32
    %dma_start3A_781 = tpu.memref_slice %arg6[%dma_start3A_779, %dma_start3A_780] : memref<512x32xf32, #tpu.memory_space<vmem>> -> memref<1x32xf32, #tpu.memory_space<vmem>>
    %dma_start3A_782 = arith.constant 0 : i32
    %dma_start3A_783 = tpu.memref_slice %arg2[%squeeze3A_778, %dma_start3A_782] : memref<100001x32xf32, #tpu.memory_space<hbm>> -> memref<1x32xf32, #tpu.memory_space<hbm>>
    %dma_start3A_784 = arith.constant 64 : i32
    %dma_start3A_785 = arith.constant 0 : i32
    %dma_start3A_786 = tpu.memref_slice %arg6[%dma_start3A_784, %dma_start3A_785] : memref<512x32xf32, #tpu.memory_space<vmem>> -> memref<1x32xf32, #tpu.memory_space<vmem>>
    %dma_start3A_787 = arith.constant 0 : i32
    %dma_start3A_788 = tpu.memref_slice %arg2[%squeeze3A_778, %dma_start3A_787] : memref<100001x32xf32, #tpu.memory_space<hbm>> -> memref<1x32xf32, #tpu.memory_space<hbm>>
    tpu.enqueue_dma source(%dma_start3A_788 : memref<1x32xf32, #tpu.memory_space<hbm>>) target(%dma_start3A_786 : memref<1x32xf32, #tpu.memory_space<vmem>>) target_semaphore(%arg9 : memref<!tpu.dma_semaphore, #tpu.memory_space<semaphore_mem>>)
    %slice3A_789 = vector.extract_strided_slice %get3A_776 {offsets = [1], sizes = [1], strides = [1]} : vector<16xi32> to vector<1xi32>
    %squeeze3A_790 = vector.extract %slice3A_789[0] : i32 from vector<1xi32>
    %dma_start3A_791 = arith.constant 65 : i32
    %dma_start3A_792 = arith.constant 0 : i32
    %dma_start3A_793 = tpu.memref_slice %arg6[%dma_start3A_791, %dma_start3A_792] : memref<512x32xf32, #tpu.memory_space<vmem>> -> memref<1x32xf32, #tpu.memory_space<vmem>>
    %dma_start3A_794 = arith.constant 0 : i32
    %dma_start3A_795 = tpu.memref_slice %arg2[%squeeze3A_790, %dma_start3A_794] : memref<100001x32xf32, #tpu.memory_space<hbm>> -> memref<1x32xf32, #tpu.memory_space<hbm>>
    %dma_start3A_796 = arith.constant 65 : i32
    %dma_start3A_797 = arith.constant 0 : i32
    %dma_start3A_798 = tpu.memref_slice %arg6[%dma_start3A_796, %dma_start3A_797] : memref<512x32xf32, #tpu.memory_space<vmem>> -> memref<1x32xf32, #tpu.memory_space<vmem>>
    %dma_start3A_799 = arith.constant 0 : i32
    %dma_start3A_800 = tpu.memref_slice %arg2[%squeeze3A_790, %dma_start3A_799] : memref<100001x32xf32, #tpu.memory_space<hbm>> -> memref<1x32xf32, #tpu.memory_space<hbm>>
    tpu.enqueue_dma source(%dma_start3A_800 : memref<1x32xf32, #tpu.memory_space<hbm>>) target(%dma_start3A_798 : memref<1x32xf32, #tpu.memory_space<vmem>>) target_semaphore(%arg9 : memref<!tpu.dma_semaphore, #tpu.memory_space<semaphore_mem>>)
    %slice3A_801 = vector.extract_strided_slice %get3A_776 {offsets = [2], sizes = [1], strides = [1]} : vector<16xi32> to vector<1xi32>
    %squeeze3A_802 = vector.extract %slice3A_801[0] : i32 from vector<1xi32>
    %dma_start3A_803 = arith.constant 66 : i32
    %dma_start3A_804 = arith.constant 0 : i32
    %dma_start3A_805 = tpu.memref_slice %arg6[%dma_start3A_803, %dma_start3A_804] : memref<512x32xf32, #tpu.memory_space<vmem>> -> memref<1x32xf32, #tpu.memory_space<vmem>>
    %dma_start3A_806 = arith.constant 0 : i32
    %dma_start3A_807 = tpu.memref_slice %arg2[%squeeze3A_802, %dma_start3A_806] : memref<100001x32xf32, #tpu.memory_space<hbm>> -> memref<1x32xf32, #tpu.memory_space<hbm>>
    %dma_start3A_808 = arith.constant 66 : i32
    %dma_start3A_809 = arith.constant 0 : i32
    %dma_start3A_810 = tpu.memref_slice %arg6[%dma_start3A_808, %dma_start3A_809] : memref<512x32xf32, #tpu.memory_space<vmem>> -> memref<1x32xf32, #tpu.memory_space<vmem>>
    %dma_start3A_811 = arith.constant 0 : i32
    %dma_start3A_812 = tpu.memref_slice %arg2[%squeeze3A_802, %dma_start3A_811] : memref<100001x32xf32, #tpu.memory_space<hbm>> -> memref<1x32xf32, #tpu.memory_space<hbm>>
    tpu.enqueue_dma source(%dma_start3A_812 : memref<1x32xf32, #tpu.memory_space<hbm>>) target(%dma_start3A_810 : memref<1x32xf32, #tpu.memory_space<vmem>>) target_semaphore(%arg9 : memref<!tpu.dma_semaphore, #tpu.memory_space<semaphore_mem>>)
    %slice3A_813 = vector.extract_strided_slice %get3A_776 {offsets = [3], sizes = [1], strides = [1]} : vector<16xi32> to vector<1xi32>
    %squeeze3A_814 = vector.extract %slice3A_813[0] : i32 from vector<1xi32>
    %dma_start3A_815 = arith.constant 67 : i32
    %dma_start3A_816 = arith.constant 0 : i32
    %dma_start3A_817 = tpu.memref_slice %arg6[%dma_start3A_815, %dma_start3A_816] : memref<512x32xf32, #tpu.memory_space<vmem>> -> memref<1x32xf32, #tpu.memory_space<vmem>>
    %dma_start3A_818 = arith.constant 0 : i32
    %dma_start3A_819 = tpu.memref_slice %arg2[%squeeze3A_814, %dma_start3A_818] : memref<100001x32xf32, #tpu.memory_space<hbm>> -> memref<1x32xf32, #tpu.memory_space<hbm>>
    %dma_start3A_820 = arith.constant 67 : i32
    %dma_start3A_821 = arith.constant 0 : i32
    %dma_start3A_822 = tpu.memref_slice %arg6[%dma_start3A_820, %dma_start3A_821] : memref<512x32xf32, #tpu.memory_space<vmem>> -> memref<1x32xf32, #tpu.memory_space<vmem>>
    %dma_start3A_823 = arith.constant 0 : i32
    %dma_start3A_824 = tpu.memref_slice %arg2[%squeeze3A_814, %dma_start3A_823] : memref<100001x32xf32, #tpu.memory_space<hbm>> -> memref<1x32xf32, #tpu.memory_space<hbm>>
    tpu.enqueue_dma source(%dma_start3A_824 : memref<1x32xf32, #tpu.memory_space<hbm>>) target(%dma_start3A_822 : memref<1x32xf32, #tpu.memory_space<vmem>>) target_semaphore(%arg9 : memref<!tpu.dma_semaphore, #tpu.memory_space<semaphore_mem>>)
    %slice3A_825 = vector.extract_strided_slice %get3A_776 {offsets = [4], sizes = [1], strides = [1]} : vector<16xi32> to vector<1xi32>
    %squeeze3A_826 = vector.extract %slice3A_825[0] : i32 from vector<1xi32>
    %dma_start3A_827 = arith.constant 68 : i32
    %dma_start3A_828 = arith.constant 0 : i32
    %dma_start3A_829 = tpu.memref_slice %arg6[%dma_start3A_827, %dma_start3A_828] : memref<512x32xf32, #tpu.memory_space<vmem>> -> memref<1x32xf32, #tpu.memory_space<vmem>>
    %dma_start3A_830 = arith.constant 0 : i32
    %dma_start3A_831 = tpu.memref_slice %arg2[%squeeze3A_826, %dma_start3A_830] : memref<100001x32xf32, #tpu.memory_space<hbm>> -> memref<1x32xf32, #tpu.memory_space<hbm>>
    %dma_start3A_832 = arith.constant 68 : i32
    %dma_start3A_833 = arith.constant 0 : i32
    %dma_start3A_834 = tpu.memref_slice %arg6[%dma_start3A_832, %dma_start3A_833] : memref<512x32xf32, #tpu.memory_space<vmem>> -> memref<1x32xf32, #tpu.memory_space<vmem>>
    %dma_start3A_835 = arith.constant 0 : i32
    %dma_start3A_836 = tpu.memref_slice %arg2[%squeeze3A_826, %dma_start3A_835] : memref<100001x32xf32, #tpu.memory_space<hbm>> -> memref<1x32xf32, #tpu.memory_space<hbm>>
    tpu.enqueue_dma source(%dma_start3A_836 : memref<1x32xf32, #tpu.memory_space<hbm>>) target(%dma_start3A_834 : memref<1x32xf32, #tpu.memory_space<vmem>>) target_semaphore(%arg9 : memref<!tpu.dma_semaphore, #tpu.memory_space<semaphore_mem>>)
    %slice3A_837 = vector.extract_strided_slice %get3A_776 {offsets = [5], sizes = [1], strides = [1]} : vector<16xi32> to vector<1xi32>
    %squeeze3A_838 = vector.extract %slice3A_837[0] : i32 from vector<1xi32>
    %dma_start3A_839 = arith.constant 69 : i32
    %dma_start3A_840 = arith.constant 0 : i32
    %dma_start3A_841 = tpu.memref_slice %arg6[%dma_start3A_839, %dma_start3A_840] : memref<512x32xf32, #tpu.memory_space<vmem>> -> memref<1x32xf32, #tpu.memory_space<vmem>>
    %dma_start3A_842 = arith.constant 0 : i32
    %dma_start3A_843 = tpu.memref_slice %arg2[%squeeze3A_838, %dma_start3A_842] : memref<100001x32xf32, #tpu.memory_space<hbm>> -> memref<1x32xf32, #tpu.memory_space<hbm>>
    %dma_start3A_844 = arith.constant 69 : i32
    %dma_start3A_845 = arith.constant 0 : i32
    %dma_start3A_846 = tpu.memref_slice %arg6[%dma_start3A_844, %dma_start3A_845] : memref<512x32xf32, #tpu.memory_space<vmem>> -> memref<1x32xf32, #tpu.memory_space<vmem>>
    %dma_start3A_847 = arith.constant 0 : i32
    %dma_start3A_848 = tpu.memref_slice %arg2[%squeeze3A_838, %dma_start3A_847] : memref<100001x32xf32, #tpu.memory_space<hbm>> -> memref<1x32xf32, #tpu.memory_space<hbm>>
    tpu.enqueue_dma source(%dma_start3A_848 : memref<1x32xf32, #tpu.memory_space<hbm>>) target(%dma_start3A_846 : memref<1x32xf32, #tpu.memory_space<vmem>>) target_semaphore(%arg9 : memref<!tpu.dma_semaphore, #tpu.memory_space<semaphore_mem>>)
    %slice3A_849 = vector.extract_strided_slice %get3A_776 {offsets = [6], sizes = [1], strides = [1]} : vector<16xi32> to vector<1xi32>
    %squeeze3A_850 = vector.extract %slice3A_849[0] : i32 from vector<1xi32>
    %dma_start3A_851 = arith.constant 70 : i32
    %dma_start3A_852 = arith.constant 0 : i32
    %dma_start3A_853 = tpu.memref_slice %arg6[%dma_start3A_851, %dma_start3A_852] : memref<512x32xf32, #tpu.memory_space<vmem>> -> memref<1x32xf32, #tpu.memory_space<vmem>>
    %dma_start3A_854 = arith.constant 0 : i32
    %dma_start3A_855 = tpu.memref_slice %arg2[%squeeze3A_850, %dma_start3A_854] : memref<100001x32xf32, #tpu.memory_space<hbm>> -> memref<1x32xf32, #tpu.memory_space<hbm>>
    %dma_start3A_856 = arith.constant 70 : i32
    %dma_start3A_857 = arith.constant 0 : i32
    %dma_start3A_858 = tpu.memref_slice %arg6[%dma_start3A_856, %dma_start3A_857] : memref<512x32xf32, #tpu.memory_space<vmem>> -> memref<1x32xf32, #tpu.memory_space<vmem>>
    %dma_start3A_859 = arith.constant 0 : i32
    %dma_start3A_860 = tpu.memref_slice %arg2[%squeeze3A_850, %dma_start3A_859] : memref<100001x32xf32, #tpu.memory_space<hbm>> -> memref<1x32xf32, #tpu.memory_space<hbm>>
    tpu.enqueue_dma source(%dma_start3A_860 : memref<1x32xf32, #tpu.memory_space<hbm>>) target(%dma_start3A_858 : memref<1x32xf32, #tpu.memory_space<vmem>>) target_semaphore(%arg9 : memref<!tpu.dma_semaphore, #tpu.memory_space<semaphore_mem>>)
    %slice3A_861 = vector.extract_strided_slice %get3A_776 {offsets = [7], sizes = [1], strides = [1]} : vector<16xi32> to vector<1xi32>
    %squeeze3A_862 = vector.extract %slice3A_861[0] : i32 from vector<1xi32>
    %dma_start3A_863 = arith.constant 71 : i32
    %dma_start3A_864 = arith.constant 0 : i32
    %dma_start3A_865 = tpu.memref_slice %arg6[%dma_start3A_863, %dma_start3A_864] : memref<512x32xf32, #tpu.memory_space<vmem>> -> memref<1x32xf32, #tpu.memory_space<vmem>>
    %dma_start3A_866 = arith.constant 0 : i32
    %dma_start3A_867 = tpu.memref_slice %arg2[%squeeze3A_862, %dma_start3A_866] : memref<100001x32xf32, #tpu.memory_space<hbm>> -> memref<1x32xf32, #tpu.memory_space<hbm>>
    %dma_start3A_868 = arith.constant 71 : i32
    %dma_start3A_869 = arith.constant 0 : i32
    %dma_start3A_870 = tpu.memref_slice %arg6[%dma_start3A_868, %dma_start3A_869] : memref<512x32xf32, #tpu.memory_space<vmem>> -> memref<1x32xf32, #tpu.memory_space<vmem>>
    %dma_start3A_871 = arith.constant 0 : i32
    %dma_start3A_872 = tpu.memref_slice %arg2[%squeeze3A_862, %dma_start3A_871] : memref<100001x32xf32, #tpu.memory_space<hbm>> -> memref<1x32xf32, #tpu.memory_space<hbm>>
    tpu.enqueue_dma source(%dma_start3A_872 : memref<1x32xf32, #tpu.memory_space<hbm>>) target(%dma_start3A_870 : memref<1x32xf32, #tpu.memory_space<vmem>>) target_semaphore(%arg9 : memref<!tpu.dma_semaphore, #tpu.memory_space<semaphore_mem>>)
    %slice3A_873 = vector.extract_strided_slice %get3A_776 {offsets = [8], sizes = [1], strides = [1]} : vector<16xi32> to vector<1xi32>
    %squeeze3A_874 = vector.extract %slice3A_873[0] : i32 from vector<1xi32>
    %dma_start3A_875 = arith.constant 72 : i32
    %dma_start3A_876 = arith.constant 0 : i32
    %dma_start3A_877 = tpu.memref_slice %arg6[%dma_start3A_875, %dma_start3A_876] : memref<512x32xf32, #tpu.memory_space<vmem>> -> memref<1x32xf32, #tpu.memory_space<vmem>>
    %dma_start3A_878 = arith.constant 0 : i32
    %dma_start3A_879 = tpu.memref_slice %arg2[%squeeze3A_874, %dma_start3A_878] : memref<100001x32xf32, #tpu.memory_space<hbm>> -> memref<1x32xf32, #tpu.memory_space<hbm>>
    %dma_start3A_880 = arith.constant 72 : i32
    %dma_start3A_881 = arith.constant 0 : i32
    %dma_start3A_882 = tpu.memref_slice %arg6[%dma_start3A_880, %dma_start3A_881] : memref<512x32xf32, #tpu.memory_space<vmem>> -> memref<1x32xf32, #tpu.memory_space<vmem>>
    %dma_start3A_883 = arith.constant 0 : i32
    %dma_start3A_884 = tpu.memref_slice %arg2[%squeeze3A_874, %dma_start3A_883] : memref<100001x32xf32, #tpu.memory_space<hbm>> -> memref<1x32xf32, #tpu.memory_space<hbm>>
    tpu.enqueue_dma source(%dma_start3A_884 : memref<1x32xf32, #tpu.memory_space<hbm>>) target(%dma_start3A_882 : memref<1x32xf32, #tpu.memory_space<vmem>>) target_semaphore(%arg9 : memref<!tpu.dma_semaphore, #tpu.memory_space<semaphore_mem>>)
    %slice3A_885 = vector.extract_strided_slice %get3A_776 {offsets = [9], sizes = [1], strides = [1]} : vector<16xi32> to vector<1xi32>
    %squeeze3A_886 = vector.extract %slice3A_885[0] : i32 from vector<1xi32>
    %dma_start3A_887 = arith.constant 73 : i32
    %dma_start3A_888 = arith.constant 0 : i32
    %dma_start3A_889 = tpu.memref_slice %arg6[%dma_start3A_887, %dma_start3A_888] : memref<512x32xf32, #tpu.memory_space<vmem>> -> memref<1x32xf32, #tpu.memory_space<vmem>>
    %dma_start3A_890 = arith.constant 0 : i32
    %dma_start3A_891 = tpu.memref_slice %arg2[%squeeze3A_886, %dma_start3A_890] : memref<100001x32xf32, #tpu.memory_space<hbm>> -> memref<1x32xf32, #tpu.memory_space<hbm>>
    %dma_start3A_892 = arith.constant 73 : i32
    %dma_start3A_893 = arith.constant 0 : i32
    %dma_start3A_894 = tpu.memref_slice %arg6[%dma_start3A_892, %dma_start3A_893] : memref<512x32xf32, #tpu.memory_space<vmem>> -> memref<1x32xf32, #tpu.memory_space<vmem>>
    %dma_start3A_895 = arith.constant 0 : i32
    %dma_start3A_896 = tpu.memref_slice %arg2[%squeeze3A_886, %dma_start3A_895] : memref<100001x32xf32, #tpu.memory_space<hbm>> -> memref<1x32xf32, #tpu.memory_space<hbm>>
    tpu.enqueue_dma source(%dma_start3A_896 : memref<1x32xf32, #tpu.memory_space<hbm>>) target(%dma_start3A_894 : memref<1x32xf32, #tpu.memory_space<vmem>>) target_semaphore(%arg9 : memref<!tpu.dma_semaphore, #tpu.memory_space<semaphore_mem>>)
    %slice3A_897 = vector.extract_strided_slice %get3A_776 {offsets = [10], sizes = [1], strides = [1]} : vector<16xi32> to vector<1xi32>
    %squeeze3A_898 = vector.extract %slice3A_897[0] : i32 from vector<1xi32>
    %dma_start3A_899 = arith.constant 74 : i32
    %dma_start3A_900 = arith.constant 0 : i32
    %dma_start3A_901 = tpu.memref_slice %arg6[%dma_start3A_899, %dma_start3A_900] : memref<512x32xf32, #tpu.memory_space<vmem>> -> memref<1x32xf32, #tpu.memory_space<vmem>>
    %dma_start3A_902 = arith.constant 0 : i32
    %dma_start3A_903 = tpu.memref_slice %arg2[%squeeze3A_898, %dma_start3A_902] : memref<100001x32xf32, #tpu.memory_space<hbm>> -> memref<1x32xf32, #tpu.memory_space<hbm>>
    %dma_start3A_904 = arith.constant 74 : i32
    %dma_start3A_905 = arith.constant 0 : i32
    %dma_start3A_906 = tpu.memref_slice %arg6[%dma_start3A_904, %dma_start3A_905] : memref<512x32xf32, #tpu.memory_space<vmem>> -> memref<1x32xf32, #tpu.memory_space<vmem>>
    %dma_start3A_907 = arith.constant 0 : i32
    %dma_start3A_908 = tpu.memref_slice %arg2[%squeeze3A_898, %dma_start3A_907] : memref<100001x32xf32, #tpu.memory_space<hbm>> -> memref<1x32xf32, #tpu.memory_space<hbm>>
    tpu.enqueue_dma source(%dma_start3A_908 : memref<1x32xf32, #tpu.memory_space<hbm>>) target(%dma_start3A_906 : memref<1x32xf32, #tpu.memory_space<vmem>>) target_semaphore(%arg9 : memref<!tpu.dma_semaphore, #tpu.memory_space<semaphore_mem>>)
    %slice3A_909 = vector.extract_strided_slice %get3A_776 {offsets = [11], sizes = [1], strides = [1]} : vector<16xi32> to vector<1xi32>
    %squeeze3A_910 = vector.extract %slice3A_909[0] : i32 from vector<1xi32>
    %dma_start3A_911 = arith.constant 75 : i32
    %dma_start3A_912 = arith.constant 0 : i32
    %dma_start3A_913 = tpu.memref_slice %arg6[%dma_start3A_911, %dma_start3A_912] : memref<512x32xf32, #tpu.memory_space<vmem>> -> memref<1x32xf32, #tpu.memory_space<vmem>>
    %dma_start3A_914 = arith.constant 0 : i32
    %dma_start3A_915 = tpu.memref_slice %arg2[%squeeze3A_910, %dma_start3A_914] : memref<100001x32xf32, #tpu.memory_space<hbm>> -> memref<1x32xf32, #tpu.memory_space<hbm>>
    %dma_start3A_916 = arith.constant 75 : i32
    %dma_start3A_917 = arith.constant 0 : i32
    %dma_start3A_918 = tpu.memref_slice %arg6[%dma_start3A_916, %dma_start3A_917] : memref<512x32xf32, #tpu.memory_space<vmem>> -> memref<1x32xf32, #tpu.memory_space<vmem>>
    %dma_start3A_919 = arith.constant 0 : i32
    %dma_start3A_920 = tpu.memref_slice %arg2[%squeeze3A_910, %dma_start3A_919] : memref<100001x32xf32, #tpu.memory_space<hbm>> -> memref<1x32xf32, #tpu.memory_space<hbm>>
    tpu.enqueue_dma source(%dma_start3A_920 : memref<1x32xf32, #tpu.memory_space<hbm>>) target(%dma_start3A_918 : memref<1x32xf32, #tpu.memory_space<vmem>>) target_semaphore(%arg9 : memref<!tpu.dma_semaphore, #tpu.memory_space<semaphore_mem>>)
    %slice3A_921 = vector.extract_strided_slice %get3A_776 {offsets = [12], sizes = [1], strides = [1]} : vector<16xi32> to vector<1xi32>
    %squeeze3A_922 = vector.extract %slice3A_921[0] : i32 from vector<1xi32>
    %dma_start3A_923 = arith.constant 76 : i32
    %dma_start3A_924 = arith.constant 0 : i32
    %dma_start3A_925 = tpu.memref_slice %arg6[%dma_start3A_923, %dma_start3A_924] : memref<512x32xf32, #tpu.memory_space<vmem>> -> memref<1x32xf32, #tpu.memory_space<vmem>>
    %dma_start3A_926 = arith.constant 0 : i32
    %dma_start3A_927 = tpu.memref_slice %arg2[%squeeze3A_922, %dma_start3A_926] : memref<100001x32xf32, #tpu.memory_space<hbm>> -> memref<1x32xf32, #tpu.memory_space<hbm>>
    %dma_start3A_928 = arith.constant 76 : i32
    %dma_start3A_929 = arith.constant 0 : i32
    %dma_start3A_930 = tpu.memref_slice %arg6[%dma_start3A_928, %dma_start3A_929] : memref<512x32xf32, #tpu.memory_space<vmem>> -> memref<1x32xf32, #tpu.memory_space<vmem>>
    %dma_start3A_931 = arith.constant 0 : i32
    %dma_start3A_932 = tpu.memref_slice %arg2[%squeeze3A_922, %dma_start3A_931] : memref<100001x32xf32, #tpu.memory_space<hbm>> -> memref<1x32xf32, #tpu.memory_space<hbm>>
    tpu.enqueue_dma source(%dma_start3A_932 : memref<1x32xf32, #tpu.memory_space<hbm>>) target(%dma_start3A_930 : memref<1x32xf32, #tpu.memory_space<vmem>>) target_semaphore(%arg9 : memref<!tpu.dma_semaphore, #tpu.memory_space<semaphore_mem>>)
    %slice3A_933 = vector.extract_strided_slice %get3A_776 {offsets = [13], sizes = [1], strides = [1]} : vector<16xi32> to vector<1xi32>
    %squeeze3A_934 = vector.extract %slice3A_933[0] : i32 from vector<1xi32>
    %dma_start3A_935 = arith.constant 77 : i32
    %dma_start3A_936 = arith.constant 0 : i32
    %dma_start3A_937 = tpu.memref_slice %arg6[%dma_start3A_935, %dma_start3A_936] : memref<512x32xf32, #tpu.memory_space<vmem>> -> memref<1x32xf32, #tpu.memory_space<vmem>>
    %dma_start3A_938 = arith.constant 0 : i32
    %dma_start3A_939 = tpu.memref_slice %arg2[%squeeze3A_934, %dma_start3A_938] : memref<100001x32xf32, #tpu.memory_space<hbm>> -> memref<1x32xf32, #tpu.memory_space<hbm>>
    %dma_start3A_940 = arith.constant 77 : i32
    %dma_start3A_941 = arith.constant 0 : i32
    %dma_start3A_942 = tpu.memref_slice %arg6[%dma_start3A_940, %dma_start3A_941] : memref<512x32xf32, #tpu.memory_space<vmem>> -> memref<1x32xf32, #tpu.memory_space<vmem>>
    %dma_start3A_943 = arith.constant 0 : i32
    %dma_start3A_944 = tpu.memref_slice %arg2[%squeeze3A_934, %dma_start3A_943] : memref<100001x32xf32, #tpu.memory_space<hbm>> -> memref<1x32xf32, #tpu.memory_space<hbm>>
    tpu.enqueue_dma source(%dma_start3A_944 : memref<1x32xf32, #tpu.memory_space<hbm>>) target(%dma_start3A_942 : memref<1x32xf32, #tpu.memory_space<vmem>>) target_semaphore(%arg9 : memref<!tpu.dma_semaphore, #tpu.memory_space<semaphore_mem>>)
    %slice3A_945 = vector.extract_strided_slice %get3A_776 {offsets = [14], sizes = [1], strides = [1]} : vector<16xi32> to vector<1xi32>
    %squeeze3A_946 = vector.extract %slice3A_945[0] : i32 from vector<1xi32>
    %dma_start3A_947 = arith.constant 78 : i32
    %dma_start3A_948 = arith.constant 0 : i32
    %dma_start3A_949 = tpu.memref_slice %arg6[%dma_start3A_947, %dma_start3A_948] : memref<512x32xf32, #tpu.memory_space<vmem>> -> memref<1x32xf32, #tpu.memory_space<vmem>>
    %dma_start3A_950 = arith.constant 0 : i32
    %dma_start3A_951 = tpu.memref_slice %arg2[%squeeze3A_946, %dma_start3A_950] : memref<100001x32xf32, #tpu.memory_space<hbm>> -> memref<1x32xf32, #tpu.memory_space<hbm>>
    %dma_start3A_952 = arith.constant 78 : i32
    %dma_start3A_953 = arith.constant 0 : i32
    %dma_start3A_954 = tpu.memref_slice %arg6[%dma_start3A_952, %dma_start3A_953] : memref<512x32xf32, #tpu.memory_space<vmem>> -> memref<1x32xf32, #tpu.memory_space<vmem>>
    %dma_start3A_955 = arith.constant 0 : i32
    %dma_start3A_956 = tpu.memref_slice %arg2[%squeeze3A_946, %dma_start3A_955] : memref<100001x32xf32, #tpu.memory_space<hbm>> -> memref<1x32xf32, #tpu.memory_space<hbm>>
    tpu.enqueue_dma source(%dma_start3A_956 : memref<1x32xf32, #tpu.memory_space<hbm>>) target(%dma_start3A_954 : memref<1x32xf32, #tpu.memory_space<vmem>>) target_semaphore(%arg9 : memref<!tpu.dma_semaphore, #tpu.memory_space<semaphore_mem>>)
    %slice3A_957 = vector.extract_strided_slice %get3A_776 {offsets = [15], sizes = [1], strides = [1]} : vector<16xi32> to vector<1xi32>
    %squeeze3A_958 = vector.extract %slice3A_957[0] : i32 from vector<1xi32>
    %dma_start3A_959 = arith.constant 79 : i32
    %dma_start3A_960 = arith.constant 0 : i32
    %dma_start3A_961 = tpu.memref_slice %arg6[%dma_start3A_959, %dma_start3A_960] : memref<512x32xf32, #tpu.memory_space<vmem>> -> memref<1x32xf32, #tpu.memory_space<vmem>>
    %dma_start3A_962 = arith.constant 0 : i32
    %dma_start3A_963 = tpu.memref_slice %arg2[%squeeze3A_958, %dma_start3A_962] : memref<100001x32xf32, #tpu.memory_space<hbm>> -> memref<1x32xf32, #tpu.memory_space<hbm>>
    %dma_start3A_964 = arith.constant 79 : i32
    %dma_start3A_965 = arith.constant 0 : i32
    %dma_start3A_966 = tpu.memref_slice %arg6[%dma_start3A_964, %dma_start3A_965] : memref<512x32xf32, #tpu.memory_space<vmem>> -> memref<1x32xf32, #tpu.memory_space<vmem>>
    %dma_start3A_967 = arith.constant 0 : i32
    %dma_start3A_968 = tpu.memref_slice %arg2[%squeeze3A_958, %dma_start3A_967] : memref<100001x32xf32, #tpu.memory_space<hbm>> -> memref<1x32xf32, #tpu.memory_space<hbm>>
    tpu.enqueue_dma source(%dma_start3A_968 : memref<1x32xf32, #tpu.memory_space<hbm>>) target(%dma_start3A_966 : memref<1x32xf32, #tpu.memory_space<vmem>>) target_semaphore(%arg9 : memref<!tpu.dma_semaphore, #tpu.memory_space<semaphore_mem>>)
    %scan3A = arith.constant 5 : i32
    %scan3A_969 = arith.constant 27 : i32
    %scan3A_970 = arith.addi %scan3A, %scan3A_969 : i32
    %scan3A_971 = arith.constant 1 : i32
    scf.for %scan3A_1847 = %scan3A to %scan3A_970 step %scan3A_971  : i32 {
      %mul3A_1848 = arith.constant 16 : i32
      %mul3A_1849 = arith.muli %scan3A_1847, %mul3A_1848 : i32
      %get3A_1850 = arith.index_cast %mul3A_1849 : i32 to index
      %get3A_1851 = tpu.vector_load %arg5[%get3A_1850] {strides = array<i32>} : memref<512xi32, #tpu.memory_space<vmem>>, vector<16xi32>,
      %slice3A_1852 = vector.extract_strided_slice %get3A_1851 {offsets = [0], sizes = [1], strides = [1]} : vector<16xi32> to vector<1xi32>
      %squeeze3A_1853 = vector.extract %slice3A_1852[0] : i32 from vector<1xi32>
      %add3A_1854 = arith.constant 0 : i32
      %add3A_1855 = arith.addi %mul3A_1849, %add3A_1854 : i32
      %dma_start3A_1856 = arith.constant 0 : i32
      %dma_start3A_1857 = tpu.memref_slice %arg6[%add3A_1855, %dma_start3A_1856] : memref<512x32xf32, #tpu.memory_space<vmem>> -> memref<1x32xf32, #tpu.memory_space<vmem>>
      %dma_start3A_1858 = arith.constant 0 : i32
      %dma_start3A_1859 = tpu.memref_slice %arg2[%squeeze3A_1853, %dma_start3A_1858] : memref<100001x32xf32, #tpu.memory_space<hbm>> -> memref<1x32xf32, #tpu.memory_space<hbm>>
      %dma_start3A_1860 = arith.constant 0 : i32
      %dma_start3A_1861 = tpu.memref_slice %arg6[%add3A_1855, %dma_start3A_1860] : memref<512x32xf32, #tpu.memory_space<vmem>> -> memref<1x32xf32, #tpu.memory_space<vmem>>
      %dma_start3A_1862 = arith.constant 0 : i32
      %dma_start3A_1863 = tpu.memref_slice %arg2[%squeeze3A_1853, %dma_start3A_1862] : memref<100001x32xf32, #tpu.memory_space<hbm>> -> memref<1x32xf32, #tpu.memory_space<hbm>>
      tpu.enqueue_dma source(%dma_start3A_1863 : memref<1x32xf32, #tpu.memory_space<hbm>>) target(%dma_start3A_1861 : memref<1x32xf32, #tpu.memory_space<vmem>>) target_semaphore(%arg9 : memref<!tpu.dma_semaphore, #tpu.memory_space<semaphore_mem>>)
      %slice3A_1864 = vector.extract_strided_slice %get3A_1851 {offsets = [1], sizes = [1], strides = [1]} : vector<16xi32> to vector<1xi32>
      %squeeze3A_1865 = vector.extract %slice3A_1864[0] : i32 from vector<1xi32>
      %add3A_1866 = arith.constant 1 : i32
      %add3A_1867 = arith.addi %mul3A_1849, %add3A_1866 : i32
      %dma_start3A_1868 = arith.constant 0 : i32
      %dma_start3A_1869 = tpu.memref_slice %arg6[%add3A_1867, %dma_start3A_1868] : memref<512x32xf32, #tpu.memory_space<vmem>> -> memref<1x32xf32, #tpu.memory_space<vmem>>
      %dma_start3A_1870 = arith.constant 0 : i32
      %dma_start3A_1871 = tpu.memref_slice %arg2[%squeeze3A_1865, %dma_start3A_1870] : memref<100001x32xf32, #tpu.memory_space<hbm>> -> memref<1x32xf32, #tpu.memory_space<hbm>>
      %dma_start3A_1872 = arith.constant 0 : i32
      %dma_start3A_1873 = tpu.memref_slice %arg6[%add3A_1867, %dma_start3A_1872] : memref<512x32xf32, #tpu.memory_space<vmem>> -> memref<1x32xf32, #tpu.memory_space<vmem>>
      %dma_start3A_1874 = arith.constant 0 : i32
      %dma_start3A_1875 = tpu.memref_slice %arg2[%squeeze3A_1865, %dma_start3A_1874] : memref<100001x32xf32, #tpu.memory_space<hbm>> -> memref<1x32xf32, #tpu.memory_space<hbm>>
      tpu.enqueue_dma source(%dma_start3A_1875 : memref<1x32xf32, #tpu.memory_space<hbm>>) target(%dma_start3A_1873 : memref<1x32xf32, #tpu.memory_space<vmem>>) target_semaphore(%arg9 : memref<!tpu.dma_semaphore, #tpu.memory_space<semaphore_mem>>)
      %slice3A_1876 = vector.extract_strided_slice %get3A_1851 {offsets = [2], sizes = [1], strides = [1]} : vector<16xi32> to vector<1xi32>
      %squeeze3A_1877 = vector.extract %slice3A_1876[0] : i32 from vector<1xi32>
      %add3A_1878 = arith.constant 2 : i32
      %add3A_1879 = arith.addi %mul3A_1849, %add3A_1878 : i32
      %dma_start3A_1880 = arith.constant 0 : i32
      %dma_start3A_1881 = tpu.memref_slice %arg6[%add3A_1879, %dma_start3A_1880] : memref<512x32xf32, #tpu.memory_space<vmem>> -> memref<1x32xf32, #tpu.memory_space<vmem>>
      %dma_start3A_1882 = arith.constant 0 : i32
      %dma_start3A_1883 = tpu.memref_slice %arg2[%squeeze3A_1877, %dma_start3A_1882] : memref<100001x32xf32, #tpu.memory_space<hbm>> -> memref<1x32xf32, #tpu.memory_space<hbm>>
      %dma_start3A_1884 = arith.constant 0 : i32
      %dma_start3A_1885 = tpu.memref_slice %arg6[%add3A_1879, %dma_start3A_1884] : memref<512x32xf32, #tpu.memory_space<vmem>> -> memref<1x32xf32, #tpu.memory_space<vmem>>
      %dma_start3A_1886 = arith.constant 0 : i32
      %dma_start3A_1887 = tpu.memref_slice %arg2[%squeeze3A_1877, %dma_start3A_1886] : memref<100001x32xf32, #tpu.memory_space<hbm>> -> memref<1x32xf32, #tpu.memory_space<hbm>>
      tpu.enqueue_dma source(%dma_start3A_1887 : memref<1x32xf32, #tpu.memory_space<hbm>>) target(%dma_start3A_1885 : memref<1x32xf32, #tpu.memory_space<vmem>>) target_semaphore(%arg9 : memref<!tpu.dma_semaphore, #tpu.memory_space<semaphore_mem>>)
      %slice3A_1888 = vector.extract_strided_slice %get3A_1851 {offsets = [3], sizes = [1], strides = [1]} : vector<16xi32> to vector<1xi32>
      %squeeze3A_1889 = vector.extract %slice3A_1888[0] : i32 from vector<1xi32>
      %add3A_1890 = arith.constant 3 : i32
      %add3A_1891 = arith.addi %mul3A_1849, %add3A_1890 : i32
      %dma_start3A_1892 = arith.constant 0 : i32
      %dma_start3A_1893 = tpu.memref_slice %arg6[%add3A_1891, %dma_start3A_1892] : memref<512x32xf32, #tpu.memory_space<vmem>> -> memref<1x32xf32, #tpu.memory_space<vmem>>
      %dma_start3A_1894 = arith.constant 0 : i32
      %dma_start3A_1895 = tpu.memref_slice %arg2[%squeeze3A_1889, %dma_start3A_1894] : memref<100001x32xf32, #tpu.memory_space<hbm>> -> memref<1x32xf32, #tpu.memory_space<hbm>>
      %dma_start3A_1896 = arith.constant 0 : i32
      %dma_start3A_1897 = tpu.memref_slice %arg6[%add3A_1891, %dma_start3A_1896] : memref<512x32xf32, #tpu.memory_space<vmem>> -> memref<1x32xf32, #tpu.memory_space<vmem>>
      %dma_start3A_1898 = arith.constant 0 : i32
      %dma_start3A_1899 = tpu.memref_slice %arg2[%squeeze3A_1889, %dma_start3A_1898] : memref<100001x32xf32, #tpu.memory_space<hbm>> -> memref<1x32xf32, #tpu.memory_space<hbm>>
      tpu.enqueue_dma source(%dma_start3A_1899 : memref<1x32xf32, #tpu.memory_space<hbm>>) target(%dma_start3A_1897 : memref<1x32xf32, #tpu.memory_space<vmem>>) target_semaphore(%arg9 : memref<!tpu.dma_semaphore, #tpu.memory_space<semaphore_mem>>)
      %slice3A_1900 = vector.extract_strided_slice %get3A_1851 {offsets = [4], sizes = [1], strides = [1]} : vector<16xi32> to vector<1xi32>
      %squeeze3A_1901 = vector.extract %slice3A_1900[0] : i32 from vector<1xi32>
      %add3A_1902 = arith.constant 4 : i32
      %add3A_1903 = arith.addi %mul3A_1849, %add3A_1902 : i32
      %dma_start3A_1904 = arith.constant 0 : i32
      %dma_start3A_1905 = tpu.memref_slice %arg6[%add3A_1903, %dma_start3A_1904] : memref<512x32xf32, #tpu.memory_space<vmem>> -> memref<1x32xf32, #tpu.memory_space<vmem>>
      %dma_start3A_1906 = arith.constant 0 : i32
      %dma_start3A_1907 = tpu.memref_slice %arg2[%squeeze3A_1901, %dma_start3A_1906] : memref<100001x32xf32, #tpu.memory_space<hbm>> -> memref<1x32xf32, #tpu.memory_space<hbm>>
      %dma_start3A_1908 = arith.constant 0 : i32
      %dma_start3A_1909 = tpu.memref_slice %arg6[%add3A_1903, %dma_start3A_1908] : memref<512x32xf32, #tpu.memory_space<vmem>> -> memref<1x32xf32, #tpu.memory_space<vmem>>
      %dma_start3A_1910 = arith.constant 0 : i32
      %dma_start3A_1911 = tpu.memref_slice %arg2[%squeeze3A_1901, %dma_start3A_1910] : memref<100001x32xf32, #tpu.memory_space<hbm>> -> memref<1x32xf32, #tpu.memory_space<hbm>>
      tpu.enqueue_dma source(%dma_start3A_1911 : memref<1x32xf32, #tpu.memory_space<hbm>>) target(%dma_start3A_1909 : memref<1x32xf32, #tpu.memory_space<vmem>>) target_semaphore(%arg9 : memref<!tpu.dma_semaphore, #tpu.memory_space<semaphore_mem>>)
      %slice3A_1912 = vector.extract_strided_slice %get3A_1851 {offsets = [5], sizes = [1], strides = [1]} : vector<16xi32> to vector<1xi32>
      %squeeze3A_1913 = vector.extract %slice3A_1912[0] : i32 from vector<1xi32>
      %add3A_1914 = arith.constant 5 : i32
      %add3A_1915 = arith.addi %mul3A_1849, %add3A_1914 : i32
      %dma_start3A_1916 = arith.constant 0 : i32
      %dma_start3A_1917 = tpu.memref_slice %arg6[%add3A_1915, %dma_start3A_1916] : memref<512x32xf32, #tpu.memory_space<vmem>> -> memref<1x32xf32, #tpu.memory_space<vmem>>
      %dma_start3A_1918 = arith.constant 0 : i32
      %dma_start3A_1919 = tpu.memref_slice %arg2[%squeeze3A_1913, %dma_start3A_1918] : memref<100001x32xf32, #tpu.memory_space<hbm>> -> memref<1x32xf32, #tpu.memory_space<hbm>>
      %dma_start3A_1920 = arith.constant 0 : i32
      %dma_start3A_1921 = tpu.memref_slice %arg6[%add3A_1915, %dma_start3A_1920] : memref<512x32xf32, #tpu.memory_space<vmem>> -> memref<1x32xf32, #tpu.memory_space<vmem>>
      %dma_start3A_1922 = arith.constant 0 : i32
      %dma_start3A_1923 = tpu.memref_slice %arg2[%squeeze3A_1913, %dma_start3A_1922] : memref<100001x32xf32, #tpu.memory_space<hbm>> -> memref<1x32xf32, #tpu.memory_space<hbm>>
      tpu.enqueue_dma source(%dma_start3A_1923 : memref<1x32xf32, #tpu.memory_space<hbm>>) target(%dma_start3A_1921 : memref<1x32xf32, #tpu.memory_space<vmem>>) target_semaphore(%arg9 : memref<!tpu.dma_semaphore, #tpu.memory_space<semaphore_mem>>)
      %slice3A_1924 = vector.extract_strided_slice %get3A_1851 {offsets = [6], sizes = [1], strides = [1]} : vector<16xi32> to vector<1xi32>
      %squeeze3A_1925 = vector.extract %slice3A_1924[0] : i32 from vector<1xi32>
      %add3A_1926 = arith.constant 6 : i32
      %add3A_1927 = arith.addi %mul3A_1849, %add3A_1926 : i32
      %dma_start3A_1928 = arith.constant 0 : i32
      %dma_start3A_1929 = tpu.memref_slice %arg6[%add3A_1927, %dma_start3A_1928] : memref<512x32xf32, #tpu.memory_space<vmem>> -> memref<1x32xf32, #tpu.memory_space<vmem>>
      %dma_start3A_1930 = arith.constant 0 : i32
      %dma_start3A_1931 = tpu.memref_slice %arg2[%squeeze3A_1925, %dma_start3A_1930] : memref<100001x32xf32, #tpu.memory_space<hbm>> -> memref<1x32xf32, #tpu.memory_space<hbm>>
      %dma_start3A_1932 = arith.constant 0 : i32
      %dma_start3A_1933 = tpu.memref_slice %arg6[%add3A_1927, %dma_start3A_1932] : memref<512x32xf32, #tpu.memory_space<vmem>> -> memref<1x32xf32, #tpu.memory_space<vmem>>
      %dma_start3A_1934 = arith.constant 0 : i32
      %dma_start3A_1935 = tpu.memref_slice %arg2[%squeeze3A_1925, %dma_start3A_1934] : memref<100001x32xf32, #tpu.memory_space<hbm>> -> memref<1x32xf32, #tpu.memory_space<hbm>>
      tpu.enqueue_dma source(%dma_start3A_1935 : memref<1x32xf32, #tpu.memory_space<hbm>>) target(%dma_start3A_1933 : memref<1x32xf32, #tpu.memory_space<vmem>>) target_semaphore(%arg9 : memref<!tpu.dma_semaphore, #tpu.memory_space<semaphore_mem>>)
      %slice3A_1936 = vector.extract_strided_slice %get3A_1851 {offsets = [7], sizes = [1], strides = [1]} : vector<16xi32> to vector<1xi32>
      %squeeze3A_1937 = vector.extract %slice3A_1936[0] : i32 from vector<1xi32>
      %add3A_1938 = arith.constant 7 : i32
      %add3A_1939 = arith.addi %mul3A_1849, %add3A_1938 : i32
      %dma_start3A_1940 = arith.constant 0 : i32
      %dma_start3A_1941 = tpu.memref_slice %arg6[%add3A_1939, %dma_start3A_1940] : memref<512x32xf32, #tpu.memory_space<vmem>> -> memref<1x32xf32, #tpu.memory_space<vmem>>
      %dma_start3A_1942 = arith.constant 0 : i32
      %dma_start3A_1943 = tpu.memref_slice %arg2[%squeeze3A_1937, %dma_start3A_1942] : memref<100001x32xf32, #tpu.memory_space<hbm>> -> memref<1x32xf32, #tpu.memory_space<hbm>>
      %dma_start3A_1944 = arith.constant 0 : i32
      %dma_start3A_1945 = tpu.memref_slice %arg6[%add3A_1939, %dma_start3A_1944] : memref<512x32xf32, #tpu.memory_space<vmem>> -> memref<1x32xf32, #tpu.memory_space<vmem>>
      %dma_start3A_1946 = arith.constant 0 : i32
      %dma_start3A_1947 = tpu.memref_slice %arg2[%squeeze3A_1937, %dma_start3A_1946] : memref<100001x32xf32, #tpu.memory_space<hbm>> -> memref<1x32xf32, #tpu.memory_space<hbm>>
      tpu.enqueue_dma source(%dma_start3A_1947 : memref<1x32xf32, #tpu.memory_space<hbm>>) target(%dma_start3A_1945 : memref<1x32xf32, #tpu.memory_space<vmem>>) target_semaphore(%arg9 : memref<!tpu.dma_semaphore, #tpu.memory_space<semaphore_mem>>)
      %slice3A_1948 = vector.extract_strided_slice %get3A_1851 {offsets = [8], sizes = [1], strides = [1]} : vector<16xi32> to vector<1xi32>
      %squeeze3A_1949 = vector.extract %slice3A_1948[0] : i32 from vector<1xi32>
      %add3A_1950 = arith.constant 8 : i32
      %add3A_1951 = arith.addi %mul3A_1849, %add3A_1950 : i32
      %dma_start3A_1952 = arith.constant 0 : i32
      %dma_start3A_1953 = tpu.memref_slice %arg6[%add3A_1951, %dma_start3A_1952] : memref<512x32xf32, #tpu.memory_space<vmem>> -> memref<1x32xf32, #tpu.memory_space<vmem>>
      %dma_start3A_1954 = arith.constant 0 : i32
      %dma_start3A_1955 = tpu.memref_slice %arg2[%squeeze3A_1949, %dma_start3A_1954] : memref<100001x32xf32, #tpu.memory_space<hbm>> -> memref<1x32xf32, #tpu.memory_space<hbm>>
      %dma_start3A_1956 = arith.constant 0 : i32
      %dma_start3A_1957 = tpu.memref_slice %arg6[%add3A_1951, %dma_start3A_1956] : memref<512x32xf32, #tpu.memory_space<vmem>> -> memref<1x32xf32, #tpu.memory_space<vmem>>
      %dma_start3A_1958 = arith.constant 0 : i32
      %dma_start3A_1959 = tpu.memref_slice %arg2[%squeeze3A_1949, %dma_start3A_1958] : memref<100001x32xf32, #tpu.memory_space<hbm>> -> memref<1x32xf32, #tpu.memory_space<hbm>>
      tpu.enqueue_dma source(%dma_start3A_1959 : memref<1x32xf32, #tpu.memory_space<hbm>>) target(%dma_start3A_1957 : memref<1x32xf32, #tpu.memory_space<vmem>>) target_semaphore(%arg9 : memref<!tpu.dma_semaphore, #tpu.memory_space<semaphore_mem>>)
      %slice3A_1960 = vector.extract_strided_slice %get3A_1851 {offsets = [9], sizes = [1], strides = [1]} : vector<16xi32> to vector<1xi32>
      %squeeze3A_1961 = vector.extract %slice3A_1960[0] : i32 from vector<1xi32>
      %add3A_1962 = arith.constant 9 : i32
      %add3A_1963 = arith.addi %mul3A_1849, %add3A_1962 : i32
      %dma_start3A_1964 = arith.constant 0 : i32
      %dma_start3A_1965 = tpu.memref_slice %arg6[%add3A_1963, %dma_start3A_1964] : memref<512x32xf32, #tpu.memory_space<vmem>> -> memref<1x32xf32, #tpu.memory_space<vmem>>
      %dma_start3A_1966 = arith.constant 0 : i32
      %dma_start3A_1967 = tpu.memref_slice %arg2[%squeeze3A_1961, %dma_start3A_1966] : memref<100001x32xf32, #tpu.memory_space<hbm>> -> memref<1x32xf32, #tpu.memory_space<hbm>>
      %dma_start3A_1968 = arith.constant 0 : i32
      %dma_start3A_1969 = tpu.memref_slice %arg6[%add3A_1963, %dma_start3A_1968] : memref<512x32xf32, #tpu.memory_space<vmem>> -> memref<1x32xf32, #tpu.memory_space<vmem>>
      %dma_start3A_1970 = arith.constant 0 : i32
      %dma_start3A_1971 = tpu.memref_slice %arg2[%squeeze3A_1961, %dma_start3A_1970] : memref<100001x32xf32, #tpu.memory_space<hbm>> -> memref<1x32xf32, #tpu.memory_space<hbm>>
      tpu.enqueue_dma source(%dma_start3A_1971 : memref<1x32xf32, #tpu.memory_space<hbm>>) target(%dma_start3A_1969 : memref<1x32xf32, #tpu.memory_space<vmem>>) target_semaphore(%arg9 : memref<!tpu.dma_semaphore, #tpu.memory_space<semaphore_mem>>)
      %slice3A_1972 = vector.extract_strided_slice %get3A_1851 {offsets = [10], sizes = [1], strides = [1]} : vector<16xi32> to vector<1xi32>
      %squeeze3A_1973 = vector.extract %slice3A_1972[0] : i32 from vector<1xi32>
      %add3A_1974 = arith.constant 10 : i32
      %add3A_1975 = arith.addi %mul3A_1849, %add3A_1974 : i32
      %dma_start3A_1976 = arith.constant 0 : i32
      %dma_start3A_1977 = tpu.memref_slice %arg6[%add3A_1975, %dma_start3A_1976] : memref<512x32xf32, #tpu.memory_space<vmem>> -> memref<1x32xf32, #tpu.memory_space<vmem>>
      %dma_start3A_1978 = arith.constant 0 : i32
      %dma_start3A_1979 = tpu.memref_slice %arg2[%squeeze3A_1973, %dma_start3A_1978] : memref<100001x32xf32, #tpu.memory_space<hbm>> -> memref<1x32xf32, #tpu.memory_space<hbm>>
      %dma_start3A_1980 = arith.constant 0 : i32
      %dma_start3A_1981 = tpu.memref_slice %arg6[%add3A_1975, %dma_start3A_1980] : memref<512x32xf32, #tpu.memory_space<vmem>> -> memref<1x32xf32, #tpu.memory_space<vmem>>
      %dma_start3A_1982 = arith.constant 0 : i32
      %dma_start3A_1983 = tpu.memref_slice %arg2[%squeeze3A_1973, %dma_start3A_1982] : memref<100001x32xf32, #tpu.memory_space<hbm>> -> memref<1x32xf32, #tpu.memory_space<hbm>>
      tpu.enqueue_dma source(%dma_start3A_1983 : memref<1x32xf32, #tpu.memory_space<hbm>>) target(%dma_start3A_1981 : memref<1x32xf32, #tpu.memory_space<vmem>>) target_semaphore(%arg9 : memref<!tpu.dma_semaphore, #tpu.memory_space<semaphore_mem>>)
      %slice3A_1984 = vector.extract_strided_slice %get3A_1851 {offsets = [11], sizes = [1], strides = [1]} : vector<16xi32> to vector<1xi32>
      %squeeze3A_1985 = vector.extract %slice3A_1984[0] : i32 from vector<1xi32>
      %add3A_1986 = arith.constant 11 : i32
      %add3A_1987 = arith.addi %mul3A_1849, %add3A_1986 : i32
      %dma_start3A_1988 = arith.constant 0 : i32
      %dma_start3A_1989 = tpu.memref_slice %arg6[%add3A_1987, %dma_start3A_1988] : memref<512x32xf32, #tpu.memory_space<vmem>> -> memref<1x32xf32, #tpu.memory_space<vmem>>
      %dma_start3A_1990 = arith.constant 0 : i32
      %dma_start3A_1991 = tpu.memref_slice %arg2[%squeeze3A_1985, %dma_start3A_1990] : memref<100001x32xf32, #tpu.memory_space<hbm>> -> memref<1x32xf32, #tpu.memory_space<hbm>>
      %dma_start3A_1992 = arith.constant 0 : i32
      %dma_start3A_1993 = tpu.memref_slice %arg6[%add3A_1987, %dma_start3A_1992] : memref<512x32xf32, #tpu.memory_space<vmem>> -> memref<1x32xf32, #tpu.memory_space<vmem>>
      %dma_start3A_1994 = arith.constant 0 : i32
      %dma_start3A_1995 = tpu.memref_slice %arg2[%squeeze3A_1985, %dma_start3A_1994] : memref<100001x32xf32, #tpu.memory_space<hbm>> -> memref<1x32xf32, #tpu.memory_space<hbm>>
      tpu.enqueue_dma source(%dma_start3A_1995 : memref<1x32xf32, #tpu.memory_space<hbm>>) target(%dma_start3A_1993 : memref<1x32xf32, #tpu.memory_space<vmem>>) target_semaphore(%arg9 : memref<!tpu.dma_semaphore, #tpu.memory_space<semaphore_mem>>)
      %slice3A_1996 = vector.extract_strided_slice %get3A_1851 {offsets = [12], sizes = [1], strides = [1]} : vector<16xi32> to vector<1xi32>
      %squeeze3A_1997 = vector.extract %slice3A_1996[0] : i32 from vector<1xi32>
      %add3A_1998 = arith.constant 12 : i32
      %add3A_1999 = arith.addi %mul3A_1849, %add3A_1998 : i32
      %dma_start3A_2000 = arith.constant 0 : i32
      %dma_start3A_2001 = tpu.memref_slice %arg6[%add3A_1999, %dma_start3A_2000] : memref<512x32xf32, #tpu.memory_space<vmem>> -> memref<1x32xf32, #tpu.memory_space<vmem>>
      %dma_start3A_2002 = arith.constant 0 : i32
      %dma_start3A_2003 = tpu.memref_slice %arg2[%squeeze3A_1997, %dma_start3A_2002] : memref<100001x32xf32, #tpu.memory_space<hbm>> -> memref<1x32xf32, #tpu.memory_space<hbm>>
      %dma_start3A_2004 = arith.constant 0 : i32
      %dma_start3A_2005 = tpu.memref_slice %arg6[%add3A_1999, %dma_start3A_2004] : memref<512x32xf32, #tpu.memory_space<vmem>> -> memref<1x32xf32, #tpu.memory_space<vmem>>
      %dma_start3A_2006 = arith.constant 0 : i32
      %dma_start3A_2007 = tpu.memref_slice %arg2[%squeeze3A_1997, %dma_start3A_2006] : memref<100001x32xf32, #tpu.memory_space<hbm>> -> memref<1x32xf32, #tpu.memory_space<hbm>>
      tpu.enqueue_dma source(%dma_start3A_2007 : memref<1x32xf32, #tpu.memory_space<hbm>>) target(%dma_start3A_2005 : memref<1x32xf32, #tpu.memory_space<vmem>>) target_semaphore(%arg9 : memref<!tpu.dma_semaphore, #tpu.memory_space<semaphore_mem>>)
      %slice3A_2008 = vector.extract_strided_slice %get3A_1851 {offsets = [13], sizes = [1], strides = [1]} : vector<16xi32> to vector<1xi32>
      %squeeze3A_2009 = vector.extract %slice3A_2008[0] : i32 from vector<1xi32>
      %add3A_2010 = arith.constant 13 : i32
      %add3A_2011 = arith.addi %mul3A_1849, %add3A_2010 : i32
      %dma_start3A_2012 = arith.constant 0 : i32
      %dma_start3A_2013 = tpu.memref_slice %arg6[%add3A_2011, %dma_start3A_2012] : memref<512x32xf32, #tpu.memory_space<vmem>> -> memref<1x32xf32, #tpu.memory_space<vmem>>
      %dma_start3A_2014 = arith.constant 0 : i32
      %dma_start3A_2015 = tpu.memref_slice %arg2[%squeeze3A_2009, %dma_start3A_2014] : memref<100001x32xf32, #tpu.memory_space<hbm>> -> memref<1x32xf32, #tpu.memory_space<hbm>>
      %dma_start3A_2016 = arith.constant 0 : i32
      %dma_start3A_2017 = tpu.memref_slice %arg6[%add3A_2011, %dma_start3A_2016] : memref<512x32xf32, #tpu.memory_space<vmem>> -> memref<1x32xf32, #tpu.memory_space<vmem>>
      %dma_start3A_2018 = arith.constant 0 : i32
      %dma_start3A_2019 = tpu.memref_slice %arg2[%squeeze3A_2009, %dma_start3A_2018] : memref<100001x32xf32, #tpu.memory_space<hbm>> -> memref<1x32xf32, #tpu.memory_space<hbm>>
      tpu.enqueue_dma source(%dma_start3A_2019 : memref<1x32xf32, #tpu.memory_space<hbm>>) target(%dma_start3A_2017 : memref<1x32xf32, #tpu.memory_space<vmem>>) target_semaphore(%arg9 : memref<!tpu.dma_semaphore, #tpu.memory_space<semaphore_mem>>)
      %slice3A_2020 = vector.extract_strided_slice %get3A_1851 {offsets = [14], sizes = [1], strides = [1]} : vector<16xi32> to vector<1xi32>
      %squeeze3A_2021 = vector.extract %slice3A_2020[0] : i32 from vector<1xi32>
      %add3A_2022 = arith.constant 14 : i32
      %add3A_2023 = arith.addi %mul3A_1849, %add3A_2022 : i32
      %dma_start3A_2024 = arith.constant 0 : i32
      %dma_start3A_2025 = tpu.memref_slice %arg6[%add3A_2023, %dma_start3A_2024] : memref<512x32xf32, #tpu.memory_space<vmem>> -> memref<1x32xf32, #tpu.memory_space<vmem>>
      %dma_start3A_2026 = arith.constant 0 : i32
      %dma_start3A_2027 = tpu.memref_slice %arg2[%squeeze3A_2021, %dma_start3A_2026] : memref<100001x32xf32, #tpu.memory_space<hbm>> -> memref<1x32xf32, #tpu.memory_space<hbm>>
      %dma_start3A_2028 = arith.constant 0 : i32
      %dma_start3A_2029 = tpu.memref_slice %arg6[%add3A_2023, %dma_start3A_2028] : memref<512x32xf32, #tpu.memory_space<vmem>> -> memref<1x32xf32, #tpu.memory_space<vmem>>
      %dma_start3A_2030 = arith.constant 0 : i32
      %dma_start3A_2031 = tpu.memref_slice %arg2[%squeeze3A_2021, %dma_start3A_2030] : memref<100001x32xf32, #tpu.memory_space<hbm>> -> memref<1x32xf32, #tpu.memory_space<hbm>>
      tpu.enqueue_dma source(%dma_start3A_2031 : memref<1x32xf32, #tpu.memory_space<hbm>>) target(%dma_start3A_2029 : memref<1x32xf32, #tpu.memory_space<vmem>>) target_semaphore(%arg9 : memref<!tpu.dma_semaphore, #tpu.memory_space<semaphore_mem>>)
      %slice3A_2032 = vector.extract_strided_slice %get3A_1851 {offsets = [15], sizes = [1], strides = [1]} : vector<16xi32> to vector<1xi32>
      %squeeze3A_2033 = vector.extract %slice3A_2032[0] : i32 from vector<1xi32>
      %add3A_2034 = arith.constant 15 : i32
      %add3A_2035 = arith.addi %mul3A_1849, %add3A_2034 : i32
      %dma_start3A_2036 = arith.constant 0 : i32
      %dma_start3A_2037 = tpu.memref_slice %arg6[%add3A_2035, %dma_start3A_2036] : memref<512x32xf32, #tpu.memory_space<vmem>> -> memref<1x32xf32, #tpu.memory_space<vmem>>
      %dma_start3A_2038 = arith.constant 0 : i32
      %dma_start3A_2039 = tpu.memref_slice %arg2[%squeeze3A_2033, %dma_start3A_2038] : memref<100001x32xf32, #tpu.memory_space<hbm>> -> memref<1x32xf32, #tpu.memory_space<hbm>>
      %dma_start3A_2040 = arith.constant 0 : i32
      %dma_start3A_2041 = tpu.memref_slice %arg6[%add3A_2035, %dma_start3A_2040] : memref<512x32xf32, #tpu.memory_space<vmem>> -> memref<1x32xf32, #tpu.memory_space<vmem>>
      %dma_start3A_2042 = arith.constant 0 : i32
      %dma_start3A_2043 = tpu.memref_slice %arg2[%squeeze3A_2033, %dma_start3A_2042] : memref<100001x32xf32, #tpu.memory_space<hbm>> -> memref<1x32xf32, #tpu.memory_space<hbm>>
      tpu.enqueue_dma source(%dma_start3A_2043 : memref<1x32xf32, #tpu.memory_space<hbm>>) target(%dma_start3A_2041 : memref<1x32xf32, #tpu.memory_space<vmem>>) target_semaphore(%arg9 : memref<!tpu.dma_semaphore, #tpu.memory_space<semaphore_mem>>)
      %sub3A = arith.constant 5 : i32
      %sub3A_2044 = arith.subi %scan3A_1847, %sub3A : i32
      %mul3A_2045 = arith.constant 16 : i32
      %mul3A_2046 = arith.muli %sub3A_2044, %mul3A_2045 : i32
      %dma_wait3A_2047 = arith.constant 0 : i32
      %dma_wait3A_2048 = tpu.memref_slice %arg6[%mul3A_2046, %dma_wait3A_2047] : memref<512x32xf32, #tpu.memory_space<vmem>> -> memref<16x32xf32, #tpu.memory_space<vmem>>
      %dma_wait3A_2049 = arith.constant 0 : i32
      %dma_wait3A_2050 = arith.constant 0 : i32
      %dma_wait3A_2051 = tpu.memref_slice %arg2[%dma_wait3A_2049, %dma_wait3A_2050] : memref<100001x32xf32, #tpu.memory_space<hbm>> -> memref<16x32xf32, #tpu.memory_space<hbm>>
      %dma_wait3A_2052 = arith.constant 0 : i32
      %dma_wait3A_2053 = tpu.memref_slice %arg6[%mul3A_2046, %dma_wait3A_2052] : memref<512x32xf32, #tpu.memory_space<vmem>> -> memref<16x32xf32, #tpu.memory_space<vmem>>
      %dma_wait3A_2054 = arith.constant 0 : i32
      %dma_wait3A_2055 = arith.constant 0 : i32
      %dma_wait3A_2056 = tpu.memref_slice %arg2[%dma_wait3A_2054, %dma_wait3A_2055] : memref<100001x32xf32, #tpu.memory_space<hbm>> -> memref<16x32xf32, #tpu.memory_space<hbm>>
      tpu.wait_dma2 semaphore(%arg9 : memref<!tpu.dma_semaphore, #tpu.memory_space<semaphore_mem>>) src(%dma_wait3A_2056 : memref<16x32xf32, #tpu.memory_space<hbm>>) dst(%dma_wait3A_2053 : memref<16x32xf32, #tpu.memory_space<vmem>>)
      %sub3A_2057 = arith.constant 5 : i32
      %sub3A_2058 = arith.subi %scan3A_1847, %sub3A_2057 : i32
      %mul3A_2059 = arith.constant 16 : i32
      %mul3A_2060 = arith.muli %sub3A_2058, %mul3A_2059 : i32
      %add3A_2061 = arith.constant 0 : i32
      %add3A_2062 = arith.addi %mul3A_2060, %add3A_2061 : i32
      %broadcast_in_dim3A_2063 = vector.broadcast %add3A_2062 : i32 to vector<16xi32>
      %get3A_2064 = arith.index_cast %add3A_2062 : i32 to index
      %get3A_2065 = arith.constant 0 : index
      %get3A_2066 = tpu.vector_load %arg6[%get3A_2064, %get3A_2065] {strides = array<i32>} : memref<512x32xf32, #tpu.memory_space<vmem>>, vector<16xf32>,
      %get3A_2067 = arith.index_cast %add3A_2062 : i32 to index
      %get3A_2068 = arith.constant 16 : index
      %get3A_2069 = tpu.vector_load %arg6[%get3A_2067, %get3A_2068] {strides = array<i32>} : memref<512x32xf32, #tpu.memory_space<vmem>>, vector<16xf32>,
      tpu.vector_store_idx %arg7[%iota3A, %broadcast_in_dim3A_2063], %get3A_2066 : memref<16x512xf32, #tpu.memory_space<vmem>>[vector<16xi32>, vector<16xi32>], vector<16xf32>,
      tpu.vector_store_idx %arg8[%iota3A, %broadcast_in_dim3A_2063], %get3A_2069 : memref<16x512xf32, #tpu.memory_space<vmem>>[vector<16xi32>, vector<16xi32>], vector<16xf32>,
      %mul3A_2070 = arith.constant 16 : i32
      %mul3A_2071 = arith.muli %sub3A_2058, %mul3A_2070 : i32
      %add3A_2072 = arith.constant 1 : i32
      %add3A_2073 = arith.addi %mul3A_2071, %add3A_2072 : i32
      %broadcast_in_dim3A_2074 = vector.broadcast %add3A_2073 : i32 to vector<16xi32>
      %get3A_2075 = arith.index_cast %add3A_2073 : i32 to index
      %get3A_2076 = arith.constant 0 : index
      %get3A_2077 = tpu.vector_load %arg6[%get3A_2075, %get3A_2076] {strides = array<i32>} : memref<512x32xf32, #tpu.memory_space<vmem>>, vector<16xf32>,
      %get3A_2078 = arith.index_cast %add3A_2073 : i32 to index
      %get3A_2079 = arith.constant 16 : index
      %get3A_2080 = tpu.vector_load %arg6[%get3A_2078, %get3A_2079] {strides = array<i32>} : memref<512x32xf32, #tpu.memory_space<vmem>>, vector<16xf32>,
      tpu.vector_store_idx %arg7[%iota3A, %broadcast_in_dim3A_2074], %get3A_2077 : memref<16x512xf32, #tpu.memory_space<vmem>>[vector<16xi32>, vector<16xi32>], vector<16xf32>,
      tpu.vector_store_idx %arg8[%iota3A, %broadcast_in_dim3A_2074], %get3A_2080 : memref<16x512xf32, #tpu.memory_space<vmem>>[vector<16xi32>, vector<16xi32>], vector<16xf32>,
      %mul3A_2081 = arith.constant 16 : i32
      %mul3A_2082 = arith.muli %sub3A_2058, %mul3A_2081 : i32
      %add3A_2083 = arith.constant 2 : i32
      %add3A_2084 = arith.addi %mul3A_2082, %add3A_2083 : i32
      %broadcast_in_dim3A_2085 = vector.broadcast %add3A_2084 : i32 to vector<16xi32>
      %get3A_2086 = arith.index_cast %add3A_2084 : i32 to index
      %get3A_2087 = arith.constant 0 : index
      %get3A_2088 = tpu.vector_load %arg6[%get3A_2086, %get3A_2087] {strides = array<i32>} : memref<512x32xf32, #tpu.memory_space<vmem>>, vector<16xf32>,
      %get3A_2089 = arith.index_cast %add3A_2084 : i32 to index
      %get3A_2090 = arith.constant 16 : index
      %get3A_2091 = tpu.vector_load %arg6[%get3A_2089, %get3A_2090] {strides = array<i32>} : memref<512x32xf32, #tpu.memory_space<vmem>>, vector<16xf32>,
      tpu.vector_store_idx %arg7[%iota3A, %broadcast_in_dim3A_2085], %get3A_2088 : memref<16x512xf32, #tpu.memory_space<vmem>>[vector<16xi32>, vector<16xi32>], vector<16xf32>,
      tpu.vector_store_idx %arg8[%iota3A, %broadcast_in_dim3A_2085], %get3A_2091 : memref<16x512xf32, #tpu.memory_space<vmem>>[vector<16xi32>, vector<16xi32>], vector<16xf32>,
      %mul3A_2092 = arith.constant 16 : i32
      %mul3A_2093 = arith.muli %sub3A_2058, %mul3A_2092 : i32
      %add3A_2094 = arith.constant 3 : i32
      %add3A_2095 = arith.addi %mul3A_2093, %add3A_2094 : i32
      %broadcast_in_dim3A_2096 = vector.broadcast %add3A_2095 : i32 to vector<16xi32>
      %get3A_2097 = arith.index_cast %add3A_2095 : i32 to index
      %get3A_2098 = arith.constant 0 : index
      %get3A_2099 = tpu.vector_load %arg6[%get3A_2097, %get3A_2098] {strides = array<i32>} : memref<512x32xf32, #tpu.memory_space<vmem>>, vector<16xf32>,
      %get3A_2100 = arith.index_cast %add3A_2095 : i32 to index
      %get3A_2101 = arith.constant 16 : index
      %get3A_2102 = tpu.vector_load %arg6[%get3A_2100, %get3A_2101] {strides = array<i32>} : memref<512x32xf32, #tpu.memory_space<vmem>>, vector<16xf32>,
      tpu.vector_store_idx %arg7[%iota3A, %broadcast_in_dim3A_2096], %get3A_2099 : memref<16x512xf32, #tpu.memory_space<vmem>>[vector<16xi32>, vector<16xi32>], vector<16xf32>,
      tpu.vector_store_idx %arg8[%iota3A, %broadcast_in_dim3A_2096], %get3A_2102 : memref<16x512xf32, #tpu.memory_space<vmem>>[vector<16xi32>, vector<16xi32>], vector<16xf32>,
      %mul3A_2103 = arith.constant 16 : i32
      %mul3A_2104 = arith.muli %sub3A_2058, %mul3A_2103 : i32
      %add3A_2105 = arith.constant 4 : i32
      %add3A_2106 = arith.addi %mul3A_2104, %add3A_2105 : i32
      %broadcast_in_dim3A_2107 = vector.broadcast %add3A_2106 : i32 to vector<16xi32>
      %get3A_2108 = arith.index_cast %add3A_2106 : i32 to index
      %get3A_2109 = arith.constant 0 : index
      %get3A_2110 = tpu.vector_load %arg6[%get3A_2108, %get3A_2109] {strides = array<i32>} : memref<512x32xf32, #tpu.memory_space<vmem>>, vector<16xf32>,
      %get3A_2111 = arith.index_cast %add3A_2106 : i32 to index
      %get3A_2112 = arith.constant 16 : index
      %get3A_2113 = tpu.vector_load %arg6[%get3A_2111, %get3A_2112] {strides = array<i32>} : memref<512x32xf32, #tpu.memory_space<vmem>>, vector<16xf32>,
      tpu.vector_store_idx %arg7[%iota3A, %broadcast_in_dim3A_2107], %get3A_2110 : memref<16x512xf32, #tpu.memory_space<vmem>>[vector<16xi32>, vector<16xi32>], vector<16xf32>,
      tpu.vector_store_idx %arg8[%iota3A, %broadcast_in_dim3A_2107], %get3A_2113 : memref<16x512xf32, #tpu.memory_space<vmem>>[vector<16xi32>, vector<16xi32>], vector<16xf32>,
      %mul3A_2114 = arith.constant 16 : i32
      %mul3A_2115 = arith.muli %sub3A_2058, %mul3A_2114 : i32
      %add3A_2116 = arith.constant 5 : i32
      %add3A_2117 = arith.addi %mul3A_2115, %add3A_2116 : i32
      %broadcast_in_dim3A_2118 = vector.broadcast %add3A_2117 : i32 to vector<16xi32>
      %get3A_2119 = arith.index_cast %add3A_2117 : i32 to index
      %get3A_2120 = arith.constant 0 : index
      %get3A_2121 = tpu.vector_load %arg6[%get3A_2119, %get3A_2120] {strides = array<i32>} : memref<512x32xf32, #tpu.memory_space<vmem>>, vector<16xf32>,
      %get3A_2122 = arith.index_cast %add3A_2117 : i32 to index
      %get3A_2123 = arith.constant 16 : index
      %get3A_2124 = tpu.vector_load %arg6[%get3A_2122, %get3A_2123] {strides = array<i32>} : memref<512x32xf32, #tpu.memory_space<vmem>>, vector<16xf32>,
      tpu.vector_store_idx %arg7[%iota3A, %broadcast_in_dim3A_2118], %get3A_2121 : memref<16x512xf32, #tpu.memory_space<vmem>>[vector<16xi32>, vector<16xi32>], vector<16xf32>,
      tpu.vector_store_idx %arg8[%iota3A, %broadcast_in_dim3A_2118], %get3A_2124 : memref<16x512xf32, #tpu.memory_space<vmem>>[vector<16xi32>, vector<16xi32>], vector<16xf32>,
      %mul3A_2125 = arith.constant 16 : i32
      %mul3A_2126 = arith.muli %sub3A_2058, %mul3A_2125 : i32
      %add3A_2127 = arith.constant 6 : i32
      %add3A_2128 = arith.addi %mul3A_2126, %add3A_2127 : i32
      %broadcast_in_dim3A_2129 = vector.broadcast %add3A_2128 : i32 to vector<16xi32>
      %get3A_2130 = arith.index_cast %add3A_2128 : i32 to index
      %get3A_2131 = arith.constant 0 : index
      %get3A_2132 = tpu.vector_load %arg6[%get3A_2130, %get3A_2131] {strides = array<i32>} : memref<512x32xf32, #tpu.memory_space<vmem>>, vector<16xf32>,
      %get3A_2133 = arith.index_cast %add3A_2128 : i32 to index
      %get3A_2134 = arith.constant 16 : index
      %get3A_2135 = tpu.vector_load %arg6[%get3A_2133, %get3A_2134] {strides = array<i32>} : memref<512x32xf32, #tpu.memory_space<vmem>>, vector<16xf32>,
      tpu.vector_store_idx %arg7[%iota3A, %broadcast_in_dim3A_2129], %get3A_2132 : memref<16x512xf32, #tpu.memory_space<vmem>>[vector<16xi32>, vector<16xi32>], vector<16xf32>,
      tpu.vector_store_idx %arg8[%iota3A, %broadcast_in_dim3A_2129], %get3A_2135 : memref<16x512xf32, #tpu.memory_space<vmem>>[vector<16xi32>, vector<16xi32>], vector<16xf32>,
      %mul3A_2136 = arith.constant 16 : i32
      %mul3A_2137 = arith.muli %sub3A_2058, %mul3A_2136 : i32
      %add3A_2138 = arith.constant 7 : i32
      %add3A_2139 = arith.addi %mul3A_2137, %add3A_2138 : i32
      %broadcast_in_dim3A_2140 = vector.broadcast %add3A_2139 : i32 to vector<16xi32>
      %get3A_2141 = arith.index_cast %add3A_2139 : i32 to index
      %get3A_2142 = arith.constant 0 : index
      %get3A_2143 = tpu.vector_load %arg6[%get3A_2141, %get3A_2142] {strides = array<i32>} : memref<512x32xf32, #tpu.memory_space<vmem>>, vector<16xf32>,
      %get3A_2144 = arith.index_cast %add3A_2139 : i32 to index
      %get3A_2145 = arith.constant 16 : index
      %get3A_2146 = tpu.vector_load %arg6[%get3A_2144, %get3A_2145] {strides = array<i32>} : memref<512x32xf32, #tpu.memory_space<vmem>>, vector<16xf32>,
      tpu.vector_store_idx %arg7[%iota3A, %broadcast_in_dim3A_2140], %get3A_2143 : memref<16x512xf32, #tpu.memory_space<vmem>>[vector<16xi32>, vector<16xi32>], vector<16xf32>,
      tpu.vector_store_idx %arg8[%iota3A, %broadcast_in_dim3A_2140], %get3A_2146 : memref<16x512xf32, #tpu.memory_space<vmem>>[vector<16xi32>, vector<16xi32>], vector<16xf32>,
      %mul3A_2147 = arith.constant 16 : i32
      %mul3A_2148 = arith.muli %sub3A_2058, %mul3A_2147 : i32
      %add3A_2149 = arith.constant 8 : i32
      %add3A_2150 = arith.addi %mul3A_2148, %add3A_2149 : i32
      %broadcast_in_dim3A_2151 = vector.broadcast %add3A_2150 : i32 to vector<16xi32>
      %get3A_2152 = arith.index_cast %add3A_2150 : i32 to index
      %get3A_2153 = arith.constant 0 : index
      %get3A_2154 = tpu.vector_load %arg6[%get3A_2152, %get3A_2153] {strides = array<i32>} : memref<512x32xf32, #tpu.memory_space<vmem>>, vector<16xf32>,
      %get3A_2155 = arith.index_cast %add3A_2150 : i32 to index
      %get3A_2156 = arith.constant 16 : index
      %get3A_2157 = tpu.vector_load %arg6[%get3A_2155, %get3A_2156] {strides = array<i32>} : memref<512x32xf32, #tpu.memory_space<vmem>>, vector<16xf32>,
      tpu.vector_store_idx %arg7[%iota3A, %broadcast_in_dim3A_2151], %get3A_2154 : memref<16x512xf32, #tpu.memory_space<vmem>>[vector<16xi32>, vector<16xi32>], vector<16xf32>,
      tpu.vector_store_idx %arg8[%iota3A, %broadcast_in_dim3A_2151], %get3A_2157 : memref<16x512xf32, #tpu.memory_space<vmem>>[vector<16xi32>, vector<16xi32>], vector<16xf32>,
      %mul3A_2158 = arith.constant 16 : i32
      %mul3A_2159 = arith.muli %sub3A_2058, %mul3A_2158 : i32
      %add3A_2160 = arith.constant 9 : i32
      %add3A_2161 = arith.addi %mul3A_2159, %add3A_2160 : i32
      %broadcast_in_dim3A_2162 = vector.broadcast %add3A_2161 : i32 to vector<16xi32>
      %get3A_2163 = arith.index_cast %add3A_2161 : i32 to index
      %get3A_2164 = arith.constant 0 : index
      %get3A_2165 = tpu.vector_load %arg6[%get3A_2163, %get3A_2164] {strides = array<i32>} : memref<512x32xf32, #tpu.memory_space<vmem>>, vector<16xf32>,
      %get3A_2166 = arith.index_cast %add3A_2161 : i32 to index
      %get3A_2167 = arith.constant 16 : index
      %get3A_2168 = tpu.vector_load %arg6[%get3A_2166, %get3A_2167] {strides = array<i32>} : memref<512x32xf32, #tpu.memory_space<vmem>>, vector<16xf32>,
      tpu.vector_store_idx %arg7[%iota3A, %broadcast_in_dim3A_2162], %get3A_2165 : memref<16x512xf32, #tpu.memory_space<vmem>>[vector<16xi32>, vector<16xi32>], vector<16xf32>,
      tpu.vector_store_idx %arg8[%iota3A, %broadcast_in_dim3A_2162], %get3A_2168 : memref<16x512xf32, #tpu.memory_space<vmem>>[vector<16xi32>, vector<16xi32>], vector<16xf32>,
      %mul3A_2169 = arith.constant 16 : i32
      %mul3A_2170 = arith.muli %sub3A_2058, %mul3A_2169 : i32
      %add3A_2171 = arith.constant 10 : i32
      %add3A_2172 = arith.addi %mul3A_2170, %add3A_2171 : i32
      %broadcast_in_dim3A_2173 = vector.broadcast %add3A_2172 : i32 to vector<16xi32>
      %get3A_2174 = arith.index_cast %add3A_2172 : i32 to index
      %get3A_2175 = arith.constant 0 : index
      %get3A_2176 = tpu.vector_load %arg6[%get3A_2174, %get3A_2175] {strides = array<i32>} : memref<512x32xf32, #tpu.memory_space<vmem>>, vector<16xf32>,
      %get3A_2177 = arith.index_cast %add3A_2172 : i32 to index
      %get3A_2178 = arith.constant 16 : index
      %get3A_2179 = tpu.vector_load %arg6[%get3A_2177, %get3A_2178] {strides = array<i32>} : memref<512x32xf32, #tpu.memory_space<vmem>>, vector<16xf32>,
      tpu.vector_store_idx %arg7[%iota3A, %broadcast_in_dim3A_2173], %get3A_2176 : memref<16x512xf32, #tpu.memory_space<vmem>>[vector<16xi32>, vector<16xi32>], vector<16xf32>,
      tpu.vector_store_idx %arg8[%iota3A, %broadcast_in_dim3A_2173], %get3A_2179 : memref<16x512xf32, #tpu.memory_space<vmem>>[vector<16xi32>, vector<16xi32>], vector<16xf32>,
      %mul3A_2180 = arith.constant 16 : i32
      %mul3A_2181 = arith.muli %sub3A_2058, %mul3A_2180 : i32
      %add3A_2182 = arith.constant 11 : i32
      %add3A_2183 = arith.addi %mul3A_2181, %add3A_2182 : i32
      %broadcast_in_dim3A_2184 = vector.broadcast %add3A_2183 : i32 to vector<16xi32>
      %get3A_2185 = arith.index_cast %add3A_2183 : i32 to index
      %get3A_2186 = arith.constant 0 : index
      %get3A_2187 = tpu.vector_load %arg6[%get3A_2185, %get3A_2186] {strides = array<i32>} : memref<512x32xf32, #tpu.memory_space<vmem>>, vector<16xf32>,
      %get3A_2188 = arith.index_cast %add3A_2183 : i32 to index
      %get3A_2189 = arith.constant 16 : index
      %get3A_2190 = tpu.vector_load %arg6[%get3A_2188, %get3A_2189] {strides = array<i32>} : memref<512x32xf32, #tpu.memory_space<vmem>>, vector<16xf32>,
      tpu.vector_store_idx %arg7[%iota3A, %broadcast_in_dim3A_2184], %get3A_2187 : memref<16x512xf32, #tpu.memory_space<vmem>>[vector<16xi32>, vector<16xi32>], vector<16xf32>,
      tpu.vector_store_idx %arg8[%iota3A, %broadcast_in_dim3A_2184], %get3A_2190 : memref<16x512xf32, #tpu.memory_space<vmem>>[vector<16xi32>, vector<16xi32>], vector<16xf32>,
      %mul3A_2191 = arith.constant 16 : i32
      %mul3A_2192 = arith.muli %sub3A_2058, %mul3A_2191 : i32
      %add3A_2193 = arith.constant 12 : i32
      %add3A_2194 = arith.addi %mul3A_2192, %add3A_2193 : i32
      %broadcast_in_dim3A_2195 = vector.broadcast %add3A_2194 : i32 to vector<16xi32>
      %get3A_2196 = arith.index_cast %add3A_2194 : i32 to index
      %get3A_2197 = arith.constant 0 : index
      %get3A_2198 = tpu.vector_load %arg6[%get3A_2196, %get3A_2197] {strides = array<i32>} : memref<512x32xf32, #tpu.memory_space<vmem>>, vector<16xf32>,
      %get3A_2199 = arith.index_cast %add3A_2194 : i32 to index
      %get3A_2200 = arith.constant 16 : index
      %get3A_2201 = tpu.vector_load %arg6[%get3A_2199, %get3A_2200] {strides = array<i32>} : memref<512x32xf32, #tpu.memory_space<vmem>>, vector<16xf32>,
      tpu.vector_store_idx %arg7[%iota3A, %broadcast_in_dim3A_2195], %get3A_2198 : memref<16x512xf32, #tpu.memory_space<vmem>>[vector<16xi32>, vector<16xi32>], vector<16xf32>,
      tpu.vector_store_idx %arg8[%iota3A, %broadcast_in_dim3A_2195], %get3A_2201 : memref<16x512xf32, #tpu.memory_space<vmem>>[vector<16xi32>, vector<16xi32>], vector<16xf32>,
      %mul3A_2202 = arith.constant 16 : i32
      %mul3A_2203 = arith.muli %sub3A_2058, %mul3A_2202 : i32
      %add3A_2204 = arith.constant 13 : i32
      %add3A_2205 = arith.addi %mul3A_2203, %add3A_2204 : i32
      %broadcast_in_dim3A_2206 = vector.broadcast %add3A_2205 : i32 to vector<16xi32>
      %get3A_2207 = arith.index_cast %add3A_2205 : i32 to index
      %get3A_2208 = arith.constant 0 : index
      %get3A_2209 = tpu.vector_load %arg6[%get3A_2207, %get3A_2208] {strides = array<i32>} : memref<512x32xf32, #tpu.memory_space<vmem>>, vector<16xf32>,
      %get3A_2210 = arith.index_cast %add3A_2205 : i32 to index
      %get3A_2211 = arith.constant 16 : index
      %get3A_2212 = tpu.vector_load %arg6[%get3A_2210, %get3A_2211] {strides = array<i32>} : memref<512x32xf32, #tpu.memory_space<vmem>>, vector<16xf32>,
      tpu.vector_store_idx %arg7[%iota3A, %broadcast_in_dim3A_2206], %get3A_2209 : memref<16x512xf32, #tpu.memory_space<vmem>>[vector<16xi32>, vector<16xi32>], vector<16xf32>,
      tpu.vector_store_idx %arg8[%iota3A, %broadcast_in_dim3A_2206], %get3A_2212 : memref<16x512xf32, #tpu.memory_space<vmem>>[vector<16xi32>, vector<16xi32>], vector<16xf32>,
      %mul3A_2213 = arith.constant 16 : i32
      %mul3A_2214 = arith.muli %sub3A_2058, %mul3A_2213 : i32
      %add3A_2215 = arith.constant 14 : i32
      %add3A_2216 = arith.addi %mul3A_2214, %add3A_2215 : i32
      %broadcast_in_dim3A_2217 = vector.broadcast %add3A_2216 : i32 to vector<16xi32>
      %get3A_2218 = arith.index_cast %add3A_2216 : i32 to index
      %get3A_2219 = arith.constant 0 : index
      %get3A_2220 = tpu.vector_load %arg6[%get3A_2218, %get3A_2219] {strides = array<i32>} : memref<512x32xf32, #tpu.memory_space<vmem>>, vector<16xf32>,
      %get3A_2221 = arith.index_cast %add3A_2216 : i32 to index
      %get3A_2222 = arith.constant 16 : index
      %get3A_2223 = tpu.vector_load %arg6[%get3A_2221, %get3A_2222] {strides = array<i32>} : memref<512x32xf32, #tpu.memory_space<vmem>>, vector<16xf32>,
      tpu.vector_store_idx %arg7[%iota3A, %broadcast_in_dim3A_2217], %get3A_2220 : memref<16x512xf32, #tpu.memory_space<vmem>>[vector<16xi32>, vector<16xi32>], vector<16xf32>,
      tpu.vector_store_idx %arg8[%iota3A, %broadcast_in_dim3A_2217], %get3A_2223 : memref<16x512xf32, #tpu.memory_space<vmem>>[vector<16xi32>, vector<16xi32>], vector<16xf32>,
      %mul3A_2224 = arith.constant 16 : i32
      %mul3A_2225 = arith.muli %sub3A_2058, %mul3A_2224 : i32
      %add3A_2226 = arith.constant 15 : i32
      %add3A_2227 = arith.addi %mul3A_2225, %add3A_2226 : i32
      %broadcast_in_dim3A_2228 = vector.broadcast %add3A_2227 : i32 to vector<16xi32>
      %get3A_2229 = arith.index_cast %add3A_2227 : i32 to index
      %get3A_2230 = arith.constant 0 : index
      %get3A_2231 = tpu.vector_load %arg6[%get3A_2229, %get3A_2230] {strides = array<i32>} : memref<512x32xf32, #tpu.memory_space<vmem>>, vector<16xf32>,
      %get3A_2232 = arith.index_cast %add3A_2227 : i32 to index
      %get3A_2233 = arith.constant 16 : index
      %get3A_2234 = tpu.vector_load %arg6[%get3A_2232, %get3A_2233] {strides = array<i32>} : memref<512x32xf32, #tpu.memory_space<vmem>>, vector<16xf32>,
      tpu.vector_store_idx %arg7[%iota3A, %broadcast_in_dim3A_2228], %get3A_2231 : memref<16x512xf32, #tpu.memory_space<vmem>>[vector<16xi32>, vector<16xi32>], vector<16xf32>,
      tpu.vector_store_idx %arg8[%iota3A, %broadcast_in_dim3A_2228], %get3A_2234 : memref<16x512xf32, #tpu.memory_space<vmem>>[vector<16xi32>, vector<16xi32>], vector<16xf32>,
    }
    %scan3A_972 = arith.constant 27 : i32
    %dma_wait3A = arith.constant 432 : i32
    %dma_wait3A_973 = arith.constant 0 : i32
    %dma_wait3A_974 = tpu.memref_slice %arg6[%dma_wait3A, %dma_wait3A_973] : memref<512x32xf32, #tpu.memory_space<vmem>> -> memref<16x32xf32, #tpu.memory_space<vmem>>
    %dma_wait3A_975 = arith.constant 0 : i32
    %dma_wait3A_976 = arith.constant 0 : i32
    %dma_wait3A_977 = tpu.memref_slice %arg2[%dma_wait3A_975, %dma_wait3A_976] : memref<100001x32xf32, #tpu.memory_space<hbm>> -> memref<16x32xf32, #tpu.memory_space<hbm>>
    %dma_wait3A_978 = arith.constant 432 : i32
    %dma_wait3A_979 = arith.constant 0 : i32
    %dma_wait3A_980 = tpu.memref_slice %arg6[%dma_wait3A_978, %dma_wait3A_979] : memref<512x32xf32, #tpu.memory_space<vmem>> -> memref<16x32xf32, #tpu.memory_space<vmem>>
    %dma_wait3A_981 = arith.constant 0 : i32
    %dma_wait3A_982 = arith.constant 0 : i32
    %dma_wait3A_983 = tpu.memref_slice %arg2[%dma_wait3A_981, %dma_wait3A_982] : memref<100001x32xf32, #tpu.memory_space<hbm>> -> memref<16x32xf32, #tpu.memory_space<hbm>>
    tpu.wait_dma2 semaphore(%arg9 : memref<!tpu.dma_semaphore, #tpu.memory_space<semaphore_mem>>) src(%dma_wait3A_983 : memref<16x32xf32, #tpu.memory_space<hbm>>) dst(%dma_wait3A_980 : memref<16x32xf32, #tpu.memory_space<vmem>>)
    %broadcast_in_dim3A = arith.constant 432 : i32
    %broadcast_in_dim3A_984 = vector.broadcast %broadcast_in_dim3A : i32 to vector<16xi32>
    %get3A_985 = arith.constant 432 : i32
    %get3A_986 = arith.index_cast %get3A_985 : i32 to index
    %get3A_987 = arith.constant 0 : index
    %get3A_988 = tpu.vector_load %arg6[%get3A_986, %get3A_987] {strides = array<i32>} : memref<512x32xf32, #tpu.memory_space<vmem>>, vector<16xf32>,
    %get3A_989 = arith.constant 432 : i32
    %get3A_990 = arith.index_cast %get3A_989 : i32 to index
    %get3A_991 = arith.constant 16 : index
    %get3A_992 = tpu.vector_load %arg6[%get3A_990, %get3A_991] {strides = array<i32>} : memref<512x32xf32, #tpu.memory_space<vmem>>, vector<16xf32>,
    tpu.vector_store_idx %arg7[%iota3A, %broadcast_in_dim3A_984], %get3A_988 : memref<16x512xf32, #tpu.memory_space<vmem>>[vector<16xi32>, vector<16xi32>], vector<16xf32>,
    tpu.vector_store_idx %arg8[%iota3A, %broadcast_in_dim3A_984], %get3A_992 : memref<16x512xf32, #tpu.memory_space<vmem>>[vector<16xi32>, vector<16xi32>], vector<16xf32>,
    %broadcast_in_dim3A_993 = arith.constant 433 : i32
    %broadcast_in_dim3A_994 = vector.broadcast %broadcast_in_dim3A_993 : i32 to vector<16xi32>
    %get3A_995 = arith.constant 433 : i32
    %get3A_996 = arith.index_cast %get3A_995 : i32 to index
    %get3A_997 = arith.constant 0 : index
    %get3A_998 = tpu.vector_load %arg6[%get3A_996, %get3A_997] {strides = array<i32>} : memref<512x32xf32, #tpu.memory_space<vmem>>, vector<16xf32>,
    %get3A_999 = arith.constant 433 : i32
    %get3A_1000 = arith.index_cast %get3A_999 : i32 to index
    %get3A_1001 = arith.constant 16 : index
    %get3A_1002 = tpu.vector_load %arg6[%get3A_1000, %get3A_1001] {strides = array<i32>} : memref<512x32xf32, #tpu.memory_space<vmem>>, vector<16xf32>,
    tpu.vector_store_idx %arg7[%iota3A, %broadcast_in_dim3A_994], %get3A_998 : memref<16x512xf32, #tpu.memory_space<vmem>>[vector<16xi32>, vector<16xi32>], vector<16xf32>,
    tpu.vector_store_idx %arg8[%iota3A, %broadcast_in_dim3A_994], %get3A_1002 : memref<16x512xf32, #tpu.memory_space<vmem>>[vector<16xi32>, vector<16xi32>], vector<16xf32>,
    %broadcast_in_dim3A_1003 = arith.constant 434 : i32
    %broadcast_in_dim3A_1004 = vector.broadcast %broadcast_in_dim3A_1003 : i32 to vector<16xi32>
    %get3A_1005 = arith.constant 434 : i32
    %get3A_1006 = arith.index_cast %get3A_1005 : i32 to index
    %get3A_1007 = arith.constant 0 : index
    %get3A_1008 = tpu.vector_load %arg6[%get3A_1006, %get3A_1007] {strides = array<i32>} : memref<512x32xf32, #tpu.memory_space<vmem>>, vector<16xf32>,
    %get3A_1009 = arith.constant 434 : i32
    %get3A_1010 = arith.index_cast %get3A_1009 : i32 to index
    %get3A_1011 = arith.constant 16 : index
    %get3A_1012 = tpu.vector_load %arg6[%get3A_1010, %get3A_1011] {strides = array<i32>} : memref<512x32xf32, #tpu.memory_space<vmem>>, vector<16xf32>,
    tpu.vector_store_idx %arg7[%iota3A, %broadcast_in_dim3A_1004], %get3A_1008 : memref<16x512xf32, #tpu.memory_space<vmem>>[vector<16xi32>, vector<16xi32>], vector<16xf32>,
    tpu.vector_store_idx %arg8[%iota3A, %broadcast_in_dim3A_1004], %get3A_1012 : memref<16x512xf32, #tpu.memory_space<vmem>>[vector<16xi32>, vector<16xi32>], vector<16xf32>,
    %broadcast_in_dim3A_1013 = arith.constant 435 : i32
    %broadcast_in_dim3A_1014 = vector.broadcast %broadcast_in_dim3A_1013 : i32 to vector<16xi32>
    %get3A_1015 = arith.constant 435 : i32
    %get3A_1016 = arith.index_cast %get3A_1015 : i32 to index
    %get3A_1017 = arith.constant 0 : index
    %get3A_1018 = tpu.vector_load %arg6[%get3A_1016, %get3A_1017] {strides = array<i32>} : memref<512x32xf32, #tpu.memory_space<vmem>>, vector<16xf32>,
    %get3A_1019 = arith.constant 435 : i32
    %get3A_1020 = arith.index_cast %get3A_1019 : i32 to index
    %get3A_1021 = arith.constant 16 : index
    %get3A_1022 = tpu.vector_load %arg6[%get3A_1020, %get3A_1021] {strides = array<i32>} : memref<512x32xf32, #tpu.memory_space<vmem>>, vector<16xf32>,
    tpu.vector_store_idx %arg7[%iota3A, %broadcast_in_dim3A_1014], %get3A_1018 : memref<16x512xf32, #tpu.memory_space<vmem>>[vector<16xi32>, vector<16xi32>], vector<16xf32>,
    tpu.vector_store_idx %arg8[%iota3A, %broadcast_in_dim3A_1014], %get3A_1022 : memref<16x512xf32, #tpu.memory_space<vmem>>[vector<16xi32>, vector<16xi32>], vector<16xf32>,
    %broadcast_in_dim3A_1023 = arith.constant 436 : i32
    %broadcast_in_dim3A_1024 = vector.broadcast %broadcast_in_dim3A_1023 : i32 to vector<16xi32>
    %get3A_1025 = arith.constant 436 : i32
    %get3A_1026 = arith.index_cast %get3A_1025 : i32 to index
    %get3A_1027 = arith.constant 0 : index
    %get3A_1028 = tpu.vector_load %arg6[%get3A_1026, %get3A_1027] {strides = array<i32>} : memref<512x32xf32, #tpu.memory_space<vmem>>, vector<16xf32>,
    %get3A_1029 = arith.constant 436 : i32
    %get3A_1030 = arith.index_cast %get3A_1029 : i32 to index
    %get3A_1031 = arith.constant 16 : index
    %get3A_1032 = tpu.vector_load %arg6[%get3A_1030, %get3A_1031] {strides = array<i32>} : memref<512x32xf32, #tpu.memory_space<vmem>>, vector<16xf32>,
    tpu.vector_store_idx %arg7[%iota3A, %broadcast_in_dim3A_1024], %get3A_1028 : memref<16x512xf32, #tpu.memory_space<vmem>>[vector<16xi32>, vector<16xi32>], vector<16xf32>,
    tpu.vector_store_idx %arg8[%iota3A, %broadcast_in_dim3A_1024], %get3A_1032 : memref<16x512xf32, #tpu.memory_space<vmem>>[vector<16xi32>, vector<16xi32>], vector<16xf32>,
    %broadcast_in_dim3A_1033 = arith.constant 437 : i32
    %broadcast_in_dim3A_1034 = vector.broadcast %broadcast_in_dim3A_1033 : i32 to vector<16xi32>
    %get3A_1035 = arith.constant 437 : i32
    %get3A_1036 = arith.index_cast %get3A_1035 : i32 to index
    %get3A_1037 = arith.constant 0 : index
    %get3A_1038 = tpu.vector_load %arg6[%get3A_1036, %get3A_1037] {strides = array<i32>} : memref<512x32xf32, #tpu.memory_space<vmem>>, vector<16xf32>,
    %get3A_1039 = arith.constant 437 : i32
    %get3A_1040 = arith.index_cast %get3A_1039 : i32 to index
    %get3A_1041 = arith.constant 16 : index
    %get3A_1042 = tpu.vector_load %arg6[%get3A_1040, %get3A_1041] {strides = array<i32>} : memref<512x32xf32, #tpu.memory_space<vmem>>, vector<16xf32>,
    tpu.vector_store_idx %arg7[%iota3A, %broadcast_in_dim3A_1034], %get3A_1038 : memref<16x512xf32, #tpu.memory_space<vmem>>[vector<16xi32>, vector<16xi32>], vector<16xf32>,
    tpu.vector_store_idx %arg8[%iota3A, %broadcast_in_dim3A_1034], %get3A_1042 : memref<16x512xf32, #tpu.memory_space<vmem>>[vector<16xi32>, vector<16xi32>], vector<16xf32>,
    %broadcast_in_dim3A_1043 = arith.constant 438 : i32
    %broadcast_in_dim3A_1044 = vector.broadcast %broadcast_in_dim3A_1043 : i32 to vector<16xi32>
    %get3A_1045 = arith.constant 438 : i32
    %get3A_1046 = arith.index_cast %get3A_1045 : i32 to index
    %get3A_1047 = arith.constant 0 : index
    %get3A_1048 = tpu.vector_load %arg6[%get3A_1046, %get3A_1047] {strides = array<i32>} : memref<512x32xf32, #tpu.memory_space<vmem>>, vector<16xf32>,
    %get3A_1049 = arith.constant 438 : i32
    %get3A_1050 = arith.index_cast %get3A_1049 : i32 to index
    %get3A_1051 = arith.constant 16 : index
    %get3A_1052 = tpu.vector_load %arg6[%get3A_1050, %get3A_1051] {strides = array<i32>} : memref<512x32xf32, #tpu.memory_space<vmem>>, vector<16xf32>,
    tpu.vector_store_idx %arg7[%iota3A, %broadcast_in_dim3A_1044], %get3A_1048 : memref<16x512xf32, #tpu.memory_space<vmem>>[vector<16xi32>, vector<16xi32>], vector<16xf32>,
    tpu.vector_store_idx %arg8[%iota3A, %broadcast_in_dim3A_1044], %get3A_1052 : memref<16x512xf32, #tpu.memory_space<vmem>>[vector<16xi32>, vector<16xi32>], vector<16xf32>,
    %broadcast_in_dim3A_1053 = arith.constant 439 : i32
    %broadcast_in_dim3A_1054 = vector.broadcast %broadcast_in_dim3A_1053 : i32 to vector<16xi32>
    %get3A_1055 = arith.constant 439 : i32
    %get3A_1056 = arith.index_cast %get3A_1055 : i32 to index
    %get3A_1057 = arith.constant 0 : index
    %get3A_1058 = tpu.vector_load %arg6[%get3A_1056, %get3A_1057] {strides = array<i32>} : memref<512x32xf32, #tpu.memory_space<vmem>>, vector<16xf32>,
    %get3A_1059 = arith.constant 439 : i32
    %get3A_1060 = arith.index_cast %get3A_1059 : i32 to index
    %get3A_1061 = arith.constant 16 : index
    %get3A_1062 = tpu.vector_load %arg6[%get3A_1060, %get3A_1061] {strides = array<i32>} : memref<512x32xf32, #tpu.memory_space<vmem>>, vector<16xf32>,
    tpu.vector_store_idx %arg7[%iota3A, %broadcast_in_dim3A_1054], %get3A_1058 : memref<16x512xf32, #tpu.memory_space<vmem>>[vector<16xi32>, vector<16xi32>], vector<16xf32>,
    tpu.vector_store_idx %arg8[%iota3A, %broadcast_in_dim3A_1054], %get3A_1062 : memref<16x512xf32, #tpu.memory_space<vmem>>[vector<16xi32>, vector<16xi32>], vector<16xf32>,
    %broadcast_in_dim3A_1063 = arith.constant 440 : i32
    %broadcast_in_dim3A_1064 = vector.broadcast %broadcast_in_dim3A_1063 : i32 to vector<16xi32>
    %get3A_1065 = arith.constant 440 : i32
    %get3A_1066 = arith.index_cast %get3A_1065 : i32 to index
    %get3A_1067 = arith.constant 0 : index
    %get3A_1068 = tpu.vector_load %arg6[%get3A_1066, %get3A_1067] {strides = array<i32>} : memref<512x32xf32, #tpu.memory_space<vmem>>, vector<16xf32>,
    %get3A_1069 = arith.constant 440 : i32
    %get3A_1070 = arith.index_cast %get3A_1069 : i32 to index
    %get3A_1071 = arith.constant 16 : index
    %get3A_1072 = tpu.vector_load %arg6[%get3A_1070, %get3A_1071] {strides = array<i32>} : memref<512x32xf32, #tpu.memory_space<vmem>>, vector<16xf32>,
    tpu.vector_store_idx %arg7[%iota3A, %broadcast_in_dim3A_1064], %get3A_1068 : memref<16x512xf32, #tpu.memory_space<vmem>>[vector<16xi32>, vector<16xi32>], vector<16xf32>,
    tpu.vector_store_idx %arg8[%iota3A, %broadcast_in_dim3A_1064], %get3A_1072 : memref<16x512xf32, #tpu.memory_space<vmem>>[vector<16xi32>, vector<16xi32>], vector<16xf32>,
    %broadcast_in_dim3A_1073 = arith.constant 441 : i32
    %broadcast_in_dim3A_1074 = vector.broadcast %broadcast_in_dim3A_1073 : i32 to vector<16xi32>
    %get3A_1075 = arith.constant 441 : i32
    %get3A_1076 = arith.index_cast %get3A_1075 : i32 to index
    %get3A_1077 = arith.constant 0 : index
    %get3A_1078 = tpu.vector_load %arg6[%get3A_1076, %get3A_1077] {strides = array<i32>} : memref<512x32xf32, #tpu.memory_space<vmem>>, vector<16xf32>,
    %get3A_1079 = arith.constant 441 : i32
    %get3A_1080 = arith.index_cast %get3A_1079 : i32 to index
    %get3A_1081 = arith.constant 16 : index
    %get3A_1082 = tpu.vector_load %arg6[%get3A_1080, %get3A_1081] {strides = array<i32>} : memref<512x32xf32, #tpu.memory_space<vmem>>, vector<16xf32>,
    tpu.vector_store_idx %arg7[%iota3A, %broadcast_in_dim3A_1074], %get3A_1078 : memref<16x512xf32, #tpu.memory_space<vmem>>[vector<16xi32>, vector<16xi32>], vector<16xf32>,
    tpu.vector_store_idx %arg8[%iota3A, %broadcast_in_dim3A_1074], %get3A_1082 : memref<16x512xf32, #tpu.memory_space<vmem>>[vector<16xi32>, vector<16xi32>], vector<16xf32>,
    %broadcast_in_dim3A_1083 = arith.constant 442 : i32
    %broadcast_in_dim3A_1084 = vector.broadcast %broadcast_in_dim3A_1083 : i32 to vector<16xi32>
    %get3A_1085 = arith.constant 442 : i32
    %get3A_1086 = arith.index_cast %get3A_1085 : i32 to index
    %get3A_1087 = arith.constant 0 : index
    %get3A_1088 = tpu.vector_load %arg6[%get3A_1086, %get3A_1087] {strides = array<i32>} : memref<512x32xf32, #tpu.memory_space<vmem>>, vector<16xf32>,
    %get3A_1089 = arith.constant 442 : i32
    %get3A_1090 = arith.index_cast %get3A_1089 : i32 to index
    %get3A_1091 = arith.constant 16 : index
    %get3A_1092 = tpu.vector_load %arg6[%get3A_1090, %get3A_1091] {strides = array<i32>} : memref<512x32xf32, #tpu.memory_space<vmem>>, vector<16xf32>,
    tpu.vector_store_idx %arg7[%iota3A, %broadcast_in_dim3A_1084], %get3A_1088 : memref<16x512xf32, #tpu.memory_space<vmem>>[vector<16xi32>, vector<16xi32>], vector<16xf32>,
    tpu.vector_store_idx %arg8[%iota3A, %broadcast_in_dim3A_1084], %get3A_1092 : memref<16x512xf32, #tpu.memory_space<vmem>>[vector<16xi32>, vector<16xi32>], vector<16xf32>,
    %broadcast_in_dim3A_1093 = arith.constant 443 : i32
    %broadcast_in_dim3A_1094 = vector.broadcast %broadcast_in_dim3A_1093 : i32 to vector<16xi32>
    %get3A_1095 = arith.constant 443 : i32
    %get3A_1096 = arith.index_cast %get3A_1095 : i32 to index
    %get3A_1097 = arith.constant 0 : index
    %get3A_1098 = tpu.vector_load %arg6[%get3A_1096, %get3A_1097] {strides = array<i32>} : memref<512x32xf32, #tpu.memory_space<vmem>>, vector<16xf32>,
    %get3A_1099 = arith.constant 443 : i32
    %get3A_1100 = arith.index_cast %get3A_1099 : i32 to index
    %get3A_1101 = arith.constant 16 : index
    %get3A_1102 = tpu.vector_load %arg6[%get3A_1100, %get3A_1101] {strides = array<i32>} : memref<512x32xf32, #tpu.memory_space<vmem>>, vector<16xf32>,
    tpu.vector_store_idx %arg7[%iota3A, %broadcast_in_dim3A_1094], %get3A_1098 : memref<16x512xf32, #tpu.memory_space<vmem>>[vector<16xi32>, vector<16xi32>], vector<16xf32>,
    tpu.vector_store_idx %arg8[%iota3A, %broadcast_in_dim3A_1094], %get3A_1102 : memref<16x512xf32, #tpu.memory_space<vmem>>[vector<16xi32>, vector<16xi32>], vector<16xf32>,
    %broadcast_in_dim3A_1103 = arith.constant 444 : i32
    %broadcast_in_dim3A_1104 = vector.broadcast %broadcast_in_dim3A_1103 : i32 to vector<16xi32>
    %get3A_1105 = arith.constant 444 : i32
    %get3A_1106 = arith.index_cast %get3A_1105 : i32 to index
    %get3A_1107 = arith.constant 0 : index
    %get3A_1108 = tpu.vector_load %arg6[%get3A_1106, %get3A_1107] {strides = array<i32>} : memref<512x32xf32, #tpu.memory_space<vmem>>, vector<16xf32>,
    %get3A_1109 = arith.constant 444 : i32
    %get3A_1110 = arith.index_cast %get3A_1109 : i32 to index
    %get3A_1111 = arith.constant 16 : index
    %get3A_1112 = tpu.vector_load %arg6[%get3A_1110, %get3A_1111] {strides = array<i32>} : memref<512x32xf32, #tpu.memory_space<vmem>>, vector<16xf32>,
    tpu.vector_store_idx %arg7[%iota3A, %broadcast_in_dim3A_1104], %get3A_1108 : memref<16x512xf32, #tpu.memory_space<vmem>>[vector<16xi32>, vector<16xi32>], vector<16xf32>,
    tpu.vector_store_idx %arg8[%iota3A, %broadcast_in_dim3A_1104], %get3A_1112 : memref<16x512xf32, #tpu.memory_space<vmem>>[vector<16xi32>, vector<16xi32>], vector<16xf32>,
    %broadcast_in_dim3A_1113 = arith.constant 445 : i32
    %broadcast_in_dim3A_1114 = vector.broadcast %broadcast_in_dim3A_1113 : i32 to vector<16xi32>
    %get3A_1115 = arith.constant 445 : i32
    %get3A_1116 = arith.index_cast %get3A_1115 : i32 to index
    %get3A_1117 = arith.constant 0 : index
    %get3A_1118 = tpu.vector_load %arg6[%get3A_1116, %get3A_1117] {strides = array<i32>} : memref<512x32xf32, #tpu.memory_space<vmem>>, vector<16xf32>,
    %get3A_1119 = arith.constant 445 : i32
    %get3A_1120 = arith.index_cast %get3A_1119 : i32 to index
    %get3A_1121 = arith.constant 16 : index
    %get3A_1122 = tpu.vector_load %arg6[%get3A_1120, %get3A_1121] {strides = array<i32>} : memref<512x32xf32, #tpu.memory_space<vmem>>, vector<16xf32>,
    tpu.vector_store_idx %arg7[%iota3A, %broadcast_in_dim3A_1114], %get3A_1118 : memref<16x512xf32, #tpu.memory_space<vmem>>[vector<16xi32>, vector<16xi32>], vector<16xf32>,
    tpu.vector_store_idx %arg8[%iota3A, %broadcast_in_dim3A_1114], %get3A_1122 : memref<16x512xf32, #tpu.memory_space<vmem>>[vector<16xi32>, vector<16xi32>], vector<16xf32>,
    %broadcast_in_dim3A_1123 = arith.constant 446 : i32
    %broadcast_in_dim3A_1124 = vector.broadcast %broadcast_in_dim3A_1123 : i32 to vector<16xi32>
    %get3A_1125 = arith.constant 446 : i32
    %get3A_1126 = arith.index_cast %get3A_1125 : i32 to index
    %get3A_1127 = arith.constant 0 : index
    %get3A_1128 = tpu.vector_load %arg6[%get3A_1126, %get3A_1127] {strides = array<i32>} : memref<512x32xf32, #tpu.memory_space<vmem>>, vector<16xf32>,
    %get3A_1129 = arith.constant 446 : i32
    %get3A_1130 = arith.index_cast %get3A_1129 : i32 to index
    %get3A_1131 = arith.constant 16 : index
    %get3A_1132 = tpu.vector_load %arg6[%get3A_1130, %get3A_1131] {strides = array<i32>} : memref<512x32xf32, #tpu.memory_space<vmem>>, vector<16xf32>,
    tpu.vector_store_idx %arg7[%iota3A, %broadcast_in_dim3A_1124], %get3A_1128 : memref<16x512xf32, #tpu.memory_space<vmem>>[vector<16xi32>, vector<16xi32>], vector<16xf32>,
    tpu.vector_store_idx %arg8[%iota3A, %broadcast_in_dim3A_1124], %get3A_1132 : memref<16x512xf32, #tpu.memory_space<vmem>>[vector<16xi32>, vector<16xi32>], vector<16xf32>,
    %broadcast_in_dim3A_1133 = arith.constant 447 : i32
    %broadcast_in_dim3A_1134 = vector.broadcast %broadcast_in_dim3A_1133 : i32 to vector<16xi32>
    %get3A_1135 = arith.constant 447 : i32
    %get3A_1136 = arith.index_cast %get3A_1135 : i32 to index
    %get3A_1137 = arith.constant 0 : index
    %get3A_1138 = tpu.vector_load %arg6[%get3A_1136, %get3A_1137] {strides = array<i32>} : memref<512x32xf32, #tpu.memory_space<vmem>>, vector<16xf32>,
    %get3A_1139 = arith.constant 447 : i32
    %get3A_1140 = arith.index_cast %get3A_1139 : i32 to index
    %get3A_1141 = arith.constant 16 : index
    %get3A_1142 = tpu.vector_load %arg6[%get3A_1140, %get3A_1141] {strides = array<i32>} : memref<512x32xf32, #tpu.memory_space<vmem>>, vector<16xf32>,
    tpu.vector_store_idx %arg7[%iota3A, %broadcast_in_dim3A_1134], %get3A_1138 : memref<16x512xf32, #tpu.memory_space<vmem>>[vector<16xi32>, vector<16xi32>], vector<16xf32>,
    tpu.vector_store_idx %arg8[%iota3A, %broadcast_in_dim3A_1134], %get3A_1142 : memref<16x512xf32, #tpu.memory_space<vmem>>[vector<16xi32>, vector<16xi32>], vector<16xf32>,
    %dma_wait3A_1143 = arith.constant 448 : i32
    %dma_wait3A_1144 = arith.constant 0 : i32
    %dma_wait3A_1145 = tpu.memref_slice %arg6[%dma_wait3A_1143, %dma_wait3A_1144] : memref<512x32xf32, #tpu.memory_space<vmem>> -> memref<16x32xf32, #tpu.memory_space<vmem>>
    %dma_wait3A_1146 = arith.constant 0 : i32
    %dma_wait3A_1147 = arith.constant 0 : i32
    %dma_wait3A_1148 = tpu.memref_slice %arg2[%dma_wait3A_1146, %dma_wait3A_1147] : memref<100001x32xf32, #tpu.memory_space<hbm>> -> memref<16x32xf32, #tpu.memory_space<hbm>>
    %dma_wait3A_1149 = arith.constant 448 : i32
    %dma_wait3A_1150 = arith.constant 0 : i32
    %dma_wait3A_1151 = tpu.memref_slice %arg6[%dma_wait3A_1149, %dma_wait3A_1150] : memref<512x32xf32, #tpu.memory_space<vmem>> -> memref<16x32xf32, #tpu.memory_space<vmem>>
    %dma_wait3A_1152 = arith.constant 0 : i32
    %dma_wait3A_1153 = arith.constant 0 : i32
    %dma_wait3A_1154 = tpu.memref_slice %arg2[%dma_wait3A_1152, %dma_wait3A_1153] : memref<100001x32xf32, #tpu.memory_space<hbm>> -> memref<16x32xf32, #tpu.memory_space<hbm>>
    tpu.wait_dma2 semaphore(%arg9 : memref<!tpu.dma_semaphore, #tpu.memory_space<semaphore_mem>>) src(%dma_wait3A_1154 : memref<16x32xf32, #tpu.memory_space<hbm>>) dst(%dma_wait3A_1151 : memref<16x32xf32, #tpu.memory_space<vmem>>)
    %broadcast_in_dim3A_1155 = arith.constant 448 : i32
    %broadcast_in_dim3A_1156 = vector.broadcast %broadcast_in_dim3A_1155 : i32 to vector<16xi32>
    %get3A_1157 = arith.constant 448 : i32
    %get3A_1158 = arith.index_cast %get3A_1157 : i32 to index
    %get3A_1159 = arith.constant 0 : index
    %get3A_1160 = tpu.vector_load %arg6[%get3A_1158, %get3A_1159] {strides = array<i32>} : memref<512x32xf32, #tpu.memory_space<vmem>>, vector<16xf32>,
    %get3A_1161 = arith.constant 448 : i32
    %get3A_1162 = arith.index_cast %get3A_1161 : i32 to index
    %get3A_1163 = arith.constant 16 : index
    %get3A_1164 = tpu.vector_load %arg6[%get3A_1162, %get3A_1163] {strides = array<i32>} : memref<512x32xf32, #tpu.memory_space<vmem>>, vector<16xf32>,
    tpu.vector_store_idx %arg7[%iota3A, %broadcast_in_dim3A_1156], %get3A_1160 : memref<16x512xf32, #tpu.memory_space<vmem>>[vector<16xi32>, vector<16xi32>], vector<16xf32>,
    tpu.vector_store_idx %arg8[%iota3A, %broadcast_in_dim3A_1156], %get3A_1164 : memref<16x512xf32, #tpu.memory_space<vmem>>[vector<16xi32>, vector<16xi32>], vector<16xf32>,
    %broadcast_in_dim3A_1165 = arith.constant 449 : i32
    %broadcast_in_dim3A_1166 = vector.broadcast %broadcast_in_dim3A_1165 : i32 to vector<16xi32>
    %get3A_1167 = arith.constant 449 : i32
    %get3A_1168 = arith.index_cast %get3A_1167 : i32 to index
    %get3A_1169 = arith.constant 0 : index
    %get3A_1170 = tpu.vector_load %arg6[%get3A_1168, %get3A_1169] {strides = array<i32>} : memref<512x32xf32, #tpu.memory_space<vmem>>, vector<16xf32>,
    %get3A_1171 = arith.constant 449 : i32
    %get3A_1172 = arith.index_cast %get3A_1171 : i32 to index
    %get3A_1173 = arith.constant 16 : index
    %get3A_1174 = tpu.vector_load %arg6[%get3A_1172, %get3A_1173] {strides = array<i32>} : memref<512x32xf32, #tpu.memory_space<vmem>>, vector<16xf32>,
    tpu.vector_store_idx %arg7[%iota3A, %broadcast_in_dim3A_1166], %get3A_1170 : memref<16x512xf32, #tpu.memory_space<vmem>>[vector<16xi32>, vector<16xi32>], vector<16xf32>,
    tpu.vector_store_idx %arg8[%iota3A, %broadcast_in_dim3A_1166], %get3A_1174 : memref<16x512xf32, #tpu.memory_space<vmem>>[vector<16xi32>, vector<16xi32>], vector<16xf32>,
    %broadcast_in_dim3A_1175 = arith.constant 450 : i32
    %broadcast_in_dim3A_1176 = vector.broadcast %broadcast_in_dim3A_1175 : i32 to vector<16xi32>
    %get3A_1177 = arith.constant 450 : i32
    %get3A_1178 = arith.index_cast %get3A_1177 : i32 to index
    %get3A_1179 = arith.constant 0 : index
    %get3A_1180 = tpu.vector_load %arg6[%get3A_1178, %get3A_1179] {strides = array<i32>} : memref<512x32xf32, #tpu.memory_space<vmem>>, vector<16xf32>,
    %get3A_1181 = arith.constant 450 : i32
    %get3A_1182 = arith.index_cast %get3A_1181 : i32 to index
    %get3A_1183 = arith.constant 16 : index
    %get3A_1184 = tpu.vector_load %arg6[%get3A_1182, %get3A_1183] {strides = array<i32>} : memref<512x32xf32, #tpu.memory_space<vmem>>, vector<16xf32>,
    tpu.vector_store_idx %arg7[%iota3A, %broadcast_in_dim3A_1176], %get3A_1180 : memref<16x512xf32, #tpu.memory_space<vmem>>[vector<16xi32>, vector<16xi32>], vector<16xf32>,
    tpu.vector_store_idx %arg8[%iota3A, %broadcast_in_dim3A_1176], %get3A_1184 : memref<16x512xf32, #tpu.memory_space<vmem>>[vector<16xi32>, vector<16xi32>], vector<16xf32>,
    %broadcast_in_dim3A_1185 = arith.constant 451 : i32
    %broadcast_in_dim3A_1186 = vector.broadcast %broadcast_in_dim3A_1185 : i32 to vector<16xi32>
    %get3A_1187 = arith.constant 451 : i32
    %get3A_1188 = arith.index_cast %get3A_1187 : i32 to index
    %get3A_1189 = arith.constant 0 : index
    %get3A_1190 = tpu.vector_load %arg6[%get3A_1188, %get3A_1189] {strides = array<i32>} : memref<512x32xf32, #tpu.memory_space<vmem>>, vector<16xf32>,
    %get3A_1191 = arith.constant 451 : i32
    %get3A_1192 = arith.index_cast %get3A_1191 : i32 to index
    %get3A_1193 = arith.constant 16 : index
    %get3A_1194 = tpu.vector_load %arg6[%get3A_1192, %get3A_1193] {strides = array<i32>} : memref<512x32xf32, #tpu.memory_space<vmem>>, vector<16xf32>,
    tpu.vector_store_idx %arg7[%iota3A, %broadcast_in_dim3A_1186], %get3A_1190 : memref<16x512xf32, #tpu.memory_space<vmem>>[vector<16xi32>, vector<16xi32>], vector<16xf32>,
    tpu.vector_store_idx %arg8[%iota3A, %broadcast_in_dim3A_1186], %get3A_1194 : memref<16x512xf32, #tpu.memory_space<vmem>>[vector<16xi32>, vector<16xi32>], vector<16xf32>,
    %broadcast_in_dim3A_1195 = arith.constant 452 : i32
    %broadcast_in_dim3A_1196 = vector.broadcast %broadcast_in_dim3A_1195 : i32 to vector<16xi32>
    %get3A_1197 = arith.constant 452 : i32
    %get3A_1198 = arith.index_cast %get3A_1197 : i32 to index
    %get3A_1199 = arith.constant 0 : index
    %get3A_1200 = tpu.vector_load %arg6[%get3A_1198, %get3A_1199] {strides = array<i32>} : memref<512x32xf32, #tpu.memory_space<vmem>>, vector<16xf32>,
    %get3A_1201 = arith.constant 452 : i32
    %get3A_1202 = arith.index_cast %get3A_1201 : i32 to index
    %get3A_1203 = arith.constant 16 : index
    %get3A_1204 = tpu.vector_load %arg6[%get3A_1202, %get3A_1203] {strides = array<i32>} : memref<512x32xf32, #tpu.memory_space<vmem>>, vector<16xf32>,
    tpu.vector_store_idx %arg7[%iota3A, %broadcast_in_dim3A_1196], %get3A_1200 : memref<16x512xf32, #tpu.memory_space<vmem>>[vector<16xi32>, vector<16xi32>], vector<16xf32>,
    tpu.vector_store_idx %arg8[%iota3A, %broadcast_in_dim3A_1196], %get3A_1204 : memref<16x512xf32, #tpu.memory_space<vmem>>[vector<16xi32>, vector<16xi32>], vector<16xf32>,
    %broadcast_in_dim3A_1205 = arith.constant 453 : i32
    %broadcast_in_dim3A_1206 = vector.broadcast %broadcast_in_dim3A_1205 : i32 to vector<16xi32>
    %get3A_1207 = arith.constant 453 : i32
    %get3A_1208 = arith.index_cast %get3A_1207 : i32 to index
    %get3A_1209 = arith.constant 0 : index
    %get3A_1210 = tpu.vector_load %arg6[%get3A_1208, %get3A_1209] {strides = array<i32>} : memref<512x32xf32, #tpu.memory_space<vmem>>, vector<16xf32>,
    %get3A_1211 = arith.constant 453 : i32
    %get3A_1212 = arith.index_cast %get3A_1211 : i32 to index
    %get3A_1213 = arith.constant 16 : index
    %get3A_1214 = tpu.vector_load %arg6[%get3A_1212, %get3A_1213] {strides = array<i32>} : memref<512x32xf32, #tpu.memory_space<vmem>>, vector<16xf32>,
    tpu.vector_store_idx %arg7[%iota3A, %broadcast_in_dim3A_1206], %get3A_1210 : memref<16x512xf32, #tpu.memory_space<vmem>>[vector<16xi32>, vector<16xi32>], vector<16xf32>,
    tpu.vector_store_idx %arg8[%iota3A, %broadcast_in_dim3A_1206], %get3A_1214 : memref<16x512xf32, #tpu.memory_space<vmem>>[vector<16xi32>, vector<16xi32>], vector<16xf32>,
    %broadcast_in_dim3A_1215 = arith.constant 454 : i32
    %broadcast_in_dim3A_1216 = vector.broadcast %broadcast_in_dim3A_1215 : i32 to vector<16xi32>
    %get3A_1217 = arith.constant 454 : i32
    %get3A_1218 = arith.index_cast %get3A_1217 : i32 to index
    %get3A_1219 = arith.constant 0 : index
    %get3A_1220 = tpu.vector_load %arg6[%get3A_1218, %get3A_1219] {strides = array<i32>} : memref<512x32xf32, #tpu.memory_space<vmem>>, vector<16xf32>,
    %get3A_1221 = arith.constant 454 : i32
    %get3A_1222 = arith.index_cast %get3A_1221 : i32 to index
    %get3A_1223 = arith.constant 16 : index
    %get3A_1224 = tpu.vector_load %arg6[%get3A_1222, %get3A_1223] {strides = array<i32>} : memref<512x32xf32, #tpu.memory_space<vmem>>, vector<16xf32>,
    tpu.vector_store_idx %arg7[%iota3A, %broadcast_in_dim3A_1216], %get3A_1220 : memref<16x512xf32, #tpu.memory_space<vmem>>[vector<16xi32>, vector<16xi32>], vector<16xf32>,
    tpu.vector_store_idx %arg8[%iota3A, %broadcast_in_dim3A_1216], %get3A_1224 : memref<16x512xf32, #tpu.memory_space<vmem>>[vector<16xi32>, vector<16xi32>], vector<16xf32>,
    %broadcast_in_dim3A_1225 = arith.constant 455 : i32
    %broadcast_in_dim3A_1226 = vector.broadcast %broadcast_in_dim3A_1225 : i32 to vector<16xi32>
    %get3A_1227 = arith.constant 455 : i32
    %get3A_1228 = arith.index_cast %get3A_1227 : i32 to index
    %get3A_1229 = arith.constant 0 : index
    %get3A_1230 = tpu.vector_load %arg6[%get3A_1228, %get3A_1229] {strides = array<i32>} : memref<512x32xf32, #tpu.memory_space<vmem>>, vector<16xf32>,
    %get3A_1231 = arith.constant 455 : i32
    %get3A_1232 = arith.index_cast %get3A_1231 : i32 to index
    %get3A_1233 = arith.constant 16 : index
    %get3A_1234 = tpu.vector_load %arg6[%get3A_1232, %get3A_1233] {strides = array<i32>} : memref<512x32xf32, #tpu.memory_space<vmem>>, vector<16xf32>,
    tpu.vector_store_idx %arg7[%iota3A, %broadcast_in_dim3A_1226], %get3A_1230 : memref<16x512xf32, #tpu.memory_space<vmem>>[vector<16xi32>, vector<16xi32>], vector<16xf32>,
    tpu.vector_store_idx %arg8[%iota3A, %broadcast_in_dim3A_1226], %get3A_1234 : memref<16x512xf32, #tpu.memory_space<vmem>>[vector<16xi32>, vector<16xi32>], vector<16xf32>,
    %broadcast_in_dim3A_1235 = arith.constant 456 : i32
    %broadcast_in_dim3A_1236 = vector.broadcast %broadcast_in_dim3A_1235 : i32 to vector<16xi32>
    %get3A_1237 = arith.constant 456 : i32
    %get3A_1238 = arith.index_cast %get3A_1237 : i32 to index
    %get3A_1239 = arith.constant 0 : index
    %get3A_1240 = tpu.vector_load %arg6[%get3A_1238, %get3A_1239] {strides = array<i32>} : memref<512x32xf32, #tpu.memory_space<vmem>>, vector<16xf32>,
    %get3A_1241 = arith.constant 456 : i32
    %get3A_1242 = arith.index_cast %get3A_1241 : i32 to index
    %get3A_1243 = arith.constant 16 : index
    %get3A_1244 = tpu.vector_load %arg6[%get3A_1242, %get3A_1243] {strides = array<i32>} : memref<512x32xf32, #tpu.memory_space<vmem>>, vector<16xf32>,
    tpu.vector_store_idx %arg7[%iota3A, %broadcast_in_dim3A_1236], %get3A_1240 : memref<16x512xf32, #tpu.memory_space<vmem>>[vector<16xi32>, vector<16xi32>], vector<16xf32>,
    tpu.vector_store_idx %arg8[%iota3A, %broadcast_in_dim3A_1236], %get3A_1244 : memref<16x512xf32, #tpu.memory_space<vmem>>[vector<16xi32>, vector<16xi32>], vector<16xf32>,
    %broadcast_in_dim3A_1245 = arith.constant 457 : i32
    %broadcast_in_dim3A_1246 = vector.broadcast %broadcast_in_dim3A_1245 : i32 to vector<16xi32>
    %get3A_1247 = arith.constant 457 : i32
    %get3A_1248 = arith.index_cast %get3A_1247 : i32 to index
    %get3A_1249 = arith.constant 0 : index
    %get3A_1250 = tpu.vector_load %arg6[%get3A_1248, %get3A_1249] {strides = array<i32>} : memref<512x32xf32, #tpu.memory_space<vmem>>, vector<16xf32>,
    %get3A_1251 = arith.constant 457 : i32
    %get3A_1252 = arith.index_cast %get3A_1251 : i32 to index
    %get3A_1253 = arith.constant 16 : index
    %get3A_1254 = tpu.vector_load %arg6[%get3A_1252, %get3A_1253] {strides = array<i32>} : memref<512x32xf32, #tpu.memory_space<vmem>>, vector<16xf32>,
    tpu.vector_store_idx %arg7[%iota3A, %broadcast_in_dim3A_1246], %get3A_1250 : memref<16x512xf32, #tpu.memory_space<vmem>>[vector<16xi32>, vector<16xi32>], vector<16xf32>,
    tpu.vector_store_idx %arg8[%iota3A, %broadcast_in_dim3A_1246], %get3A_1254 : memref<16x512xf32, #tpu.memory_space<vmem>>[vector<16xi32>, vector<16xi32>], vector<16xf32>,
    %broadcast_in_dim3A_1255 = arith.constant 458 : i32
    %broadcast_in_dim3A_1256 = vector.broadcast %broadcast_in_dim3A_1255 : i32 to vector<16xi32>
    %get3A_1257 = arith.constant 458 : i32
    %get3A_1258 = arith.index_cast %get3A_1257 : i32 to index
    %get3A_1259 = arith.constant 0 : index
    %get3A_1260 = tpu.vector_load %arg6[%get3A_1258, %get3A_1259] {strides = array<i32>} : memref<512x32xf32, #tpu.memory_space<vmem>>, vector<16xf32>,
    %get3A_1261 = arith.constant 458 : i32
    %get3A_1262 = arith.index_cast %get3A_1261 : i32 to index
    %get3A_1263 = arith.constant 16 : index
    %get3A_1264 = tpu.vector_load %arg6[%get3A_1262, %get3A_1263] {strides = array<i32>} : memref<512x32xf32, #tpu.memory_space<vmem>>, vector<16xf32>,
    tpu.vector_store_idx %arg7[%iota3A, %broadcast_in_dim3A_1256], %get3A_1260 : memref<16x512xf32, #tpu.memory_space<vmem>>[vector<16xi32>, vector<16xi32>], vector<16xf32>,
    tpu.vector_store_idx %arg8[%iota3A, %broadcast_in_dim3A_1256], %get3A_1264 : memref<16x512xf32, #tpu.memory_space<vmem>>[vector<16xi32>, vector<16xi32>], vector<16xf32>,
    %broadcast_in_dim3A_1265 = arith.constant 459 : i32
    %broadcast_in_dim3A_1266 = vector.broadcast %broadcast_in_dim3A_1265 : i32 to vector<16xi32>
    %get3A_1267 = arith.constant 459 : i32
    %get3A_1268 = arith.index_cast %get3A_1267 : i32 to index
    %get3A_1269 = arith.constant 0 : index
    %get3A_1270 = tpu.vector_load %arg6[%get3A_1268, %get3A_1269] {strides = array<i32>} : memref<512x32xf32, #tpu.memory_space<vmem>>, vector<16xf32>,
    %get3A_1271 = arith.constant 459 : i32
    %get3A_1272 = arith.index_cast %get3A_1271 : i32 to index
    %get3A_1273 = arith.constant 16 : index
    %get3A_1274 = tpu.vector_load %arg6[%get3A_1272, %get3A_1273] {strides = array<i32>} : memref<512x32xf32, #tpu.memory_space<vmem>>, vector<16xf32>,
    tpu.vector_store_idx %arg7[%iota3A, %broadcast_in_dim3A_1266], %get3A_1270 : memref<16x512xf32, #tpu.memory_space<vmem>>[vector<16xi32>, vector<16xi32>], vector<16xf32>,
    tpu.vector_store_idx %arg8[%iota3A, %broadcast_in_dim3A_1266], %get3A_1274 : memref<16x512xf32, #tpu.memory_space<vmem>>[vector<16xi32>, vector<16xi32>], vector<16xf32>,
    %broadcast_in_dim3A_1275 = arith.constant 460 : i32
    %broadcast_in_dim3A_1276 = vector.broadcast %broadcast_in_dim3A_1275 : i32 to vector<16xi32>
    %get3A_1277 = arith.constant 460 : i32
    %get3A_1278 = arith.index_cast %get3A_1277 : i32 to index
    %get3A_1279 = arith.constant 0 : index
    %get3A_1280 = tpu.vector_load %arg6[%get3A_1278, %get3A_1279] {strides = array<i32>} : memref<512x32xf32, #tpu.memory_space<vmem>>, vector<16xf32>,
    %get3A_1281 = arith.constant 460 : i32
    %get3A_1282 = arith.index_cast %get3A_1281 : i32 to index
    %get3A_1283 = arith.constant 16 : index
    %get3A_1284 = tpu.vector_load %arg6[%get3A_1282, %get3A_1283] {strides = array<i32>} : memref<512x32xf32, #tpu.memory_space<vmem>>, vector<16xf32>,
    tpu.vector_store_idx %arg7[%iota3A, %broadcast_in_dim3A_1276], %get3A_1280 : memref<16x512xf32, #tpu.memory_space<vmem>>[vector<16xi32>, vector<16xi32>], vector<16xf32>,
    tpu.vector_store_idx %arg8[%iota3A, %broadcast_in_dim3A_1276], %get3A_1284 : memref<16x512xf32, #tpu.memory_space<vmem>>[vector<16xi32>, vector<16xi32>], vector<16xf32>,
    %broadcast_in_dim3A_1285 = arith.constant 461 : i32
    %broadcast_in_dim3A_1286 = vector.broadcast %broadcast_in_dim3A_1285 : i32 to vector<16xi32>
    %get3A_1287 = arith.constant 461 : i32
    %get3A_1288 = arith.index_cast %get3A_1287 : i32 to index
    %get3A_1289 = arith.constant 0 : index
    %get3A_1290 = tpu.vector_load %arg6[%get3A_1288, %get3A_1289] {strides = array<i32>} : memref<512x32xf32, #tpu.memory_space<vmem>>, vector<16xf32>,
    %get3A_1291 = arith.constant 461 : i32
    %get3A_1292 = arith.index_cast %get3A_1291 : i32 to index
    %get3A_1293 = arith.constant 16 : index
    %get3A_1294 = tpu.vector_load %arg6[%get3A_1292, %get3A_1293] {strides = array<i32>} : memref<512x32xf32, #tpu.memory_space<vmem>>, vector<16xf32>,
    tpu.vector_store_idx %arg7[%iota3A, %broadcast_in_dim3A_1286], %get3A_1290 : memref<16x512xf32, #tpu.memory_space<vmem>>[vector<16xi32>, vector<16xi32>], vector<16xf32>,
    tpu.vector_store_idx %arg8[%iota3A, %broadcast_in_dim3A_1286], %get3A_1294 : memref<16x512xf32, #tpu.memory_space<vmem>>[vector<16xi32>, vector<16xi32>], vector<16xf32>,
    %broadcast_in_dim3A_1295 = arith.constant 462 : i32
    %broadcast_in_dim3A_1296 = vector.broadcast %broadcast_in_dim3A_1295 : i32 to vector<16xi32>
    %get3A_1297 = arith.constant 462 : i32
    %get3A_1298 = arith.index_cast %get3A_1297 : i32 to index
    %get3A_1299 = arith.constant 0 : index
    %get3A_1300 = tpu.vector_load %arg6[%get3A_1298, %get3A_1299] {strides = array<i32>} : memref<512x32xf32, #tpu.memory_space<vmem>>, vector<16xf32>,
    %get3A_1301 = arith.constant 462 : i32
    %get3A_1302 = arith.index_cast %get3A_1301 : i32 to index
    %get3A_1303 = arith.constant 16 : index
    %get3A_1304 = tpu.vector_load %arg6[%get3A_1302, %get3A_1303] {strides = array<i32>} : memref<512x32xf32, #tpu.memory_space<vmem>>, vector<16xf32>,
    tpu.vector_store_idx %arg7[%iota3A, %broadcast_in_dim3A_1296], %get3A_1300 : memref<16x512xf32, #tpu.memory_space<vmem>>[vector<16xi32>, vector<16xi32>], vector<16xf32>,
    tpu.vector_store_idx %arg8[%iota3A, %broadcast_in_dim3A_1296], %get3A_1304 : memref<16x512xf32, #tpu.memory_space<vmem>>[vector<16xi32>, vector<16xi32>], vector<16xf32>,
    %broadcast_in_dim3A_1305 = arith.constant 463 : i32
    %broadcast_in_dim3A_1306 = vector.broadcast %broadcast_in_dim3A_1305 : i32 to vector<16xi32>
    %get3A_1307 = arith.constant 463 : i32
    %get3A_1308 = arith.index_cast %get3A_1307 : i32 to index
    %get3A_1309 = arith.constant 0 : index
    %get3A_1310 = tpu.vector_load %arg6[%get3A_1308, %get3A_1309] {strides = array<i32>} : memref<512x32xf32, #tpu.memory_space<vmem>>, vector<16xf32>,
    %get3A_1311 = arith.constant 463 : i32
    %get3A_1312 = arith.index_cast %get3A_1311 : i32 to index
    %get3A_1313 = arith.constant 16 : index
    %get3A_1314 = tpu.vector_load %arg6[%get3A_1312, %get3A_1313] {strides = array<i32>} : memref<512x32xf32, #tpu.memory_space<vmem>>, vector<16xf32>,
    tpu.vector_store_idx %arg7[%iota3A, %broadcast_in_dim3A_1306], %get3A_1310 : memref<16x512xf32, #tpu.memory_space<vmem>>[vector<16xi32>, vector<16xi32>], vector<16xf32>,
    tpu.vector_store_idx %arg8[%iota3A, %broadcast_in_dim3A_1306], %get3A_1314 : memref<16x512xf32, #tpu.memory_space<vmem>>[vector<16xi32>, vector<16xi32>], vector<16xf32>,
    %dma_wait3A_1315 = arith.constant 464 : i32
    %dma_wait3A_1316 = arith.constant 0 : i32
    %dma_wait3A_1317 = tpu.memref_slice %arg6[%dma_wait3A_1315, %dma_wait3A_1316] : memref<512x32xf32, #tpu.memory_space<vmem>> -> memref<16x32xf32, #tpu.memory_space<vmem>>
    %dma_wait3A_1318 = arith.constant 0 : i32
    %dma_wait3A_1319 = arith.constant 0 : i32
    %dma_wait3A_1320 = tpu.memref_slice %arg2[%dma_wait3A_1318, %dma_wait3A_1319] : memref<100001x32xf32, #tpu.memory_space<hbm>> -> memref<16x32xf32, #tpu.memory_space<hbm>>
    %dma_wait3A_1321 = arith.constant 464 : i32
    %dma_wait3A_1322 = arith.constant 0 : i32
    %dma_wait3A_1323 = tpu.memref_slice %arg6[%dma_wait3A_1321, %dma_wait3A_1322] : memref<512x32xf32, #tpu.memory_space<vmem>> -> memref<16x32xf32, #tpu.memory_space<vmem>>
    %dma_wait3A_1324 = arith.constant 0 : i32
    %dma_wait3A_1325 = arith.constant 0 : i32
    %dma_wait3A_1326 = tpu.memref_slice %arg2[%dma_wait3A_1324, %dma_wait3A_1325] : memref<100001x32xf32, #tpu.memory_space<hbm>> -> memref<16x32xf32, #tpu.memory_space<hbm>>
    tpu.wait_dma2 semaphore(%arg9 : memref<!tpu.dma_semaphore, #tpu.memory_space<semaphore_mem>>) src(%dma_wait3A_1326 : memref<16x32xf32, #tpu.memory_space<hbm>>) dst(%dma_wait3A_1323 : memref<16x32xf32, #tpu.memory_space<vmem>>)
    %broadcast_in_dim3A_1327 = arith.constant 464 : i32
    %broadcast_in_dim3A_1328 = vector.broadcast %broadcast_in_dim3A_1327 : i32 to vector<16xi32>
    %get3A_1329 = arith.constant 464 : i32
    %get3A_1330 = arith.index_cast %get3A_1329 : i32 to index
    %get3A_1331 = arith.constant 0 : index
    %get3A_1332 = tpu.vector_load %arg6[%get3A_1330, %get3A_1331] {strides = array<i32>} : memref<512x32xf32, #tpu.memory_space<vmem>>, vector<16xf32>,
    %get3A_1333 = arith.constant 464 : i32
    %get3A_1334 = arith.index_cast %get3A_1333 : i32 to index
    %get3A_1335 = arith.constant 16 : index
    %get3A_1336 = tpu.vector_load %arg6[%get3A_1334, %get3A_1335] {strides = array<i32>} : memref<512x32xf32, #tpu.memory_space<vmem>>, vector<16xf32>,
    tpu.vector_store_idx %arg7[%iota3A, %broadcast_in_dim3A_1328], %get3A_1332 : memref<16x512xf32, #tpu.memory_space<vmem>>[vector<16xi32>, vector<16xi32>], vector<16xf32>,
    tpu.vector_store_idx %arg8[%iota3A, %broadcast_in_dim3A_1328], %get3A_1336 : memref<16x512xf32, #tpu.memory_space<vmem>>[vector<16xi32>, vector<16xi32>], vector<16xf32>,
    %broadcast_in_dim3A_1337 = arith.constant 465 : i32
    %broadcast_in_dim3A_1338 = vector.broadcast %broadcast_in_dim3A_1337 : i32 to vector<16xi32>
    %get3A_1339 = arith.constant 465 : i32
    %get3A_1340 = arith.index_cast %get3A_1339 : i32 to index
    %get3A_1341 = arith.constant 0 : index
    %get3A_1342 = tpu.vector_load %arg6[%get3A_1340, %get3A_1341] {strides = array<i32>} : memref<512x32xf32, #tpu.memory_space<vmem>>, vector<16xf32>,
    %get3A_1343 = arith.constant 465 : i32
    %get3A_1344 = arith.index_cast %get3A_1343 : i32 to index
    %get3A_1345 = arith.constant 16 : index
    %get3A_1346 = tpu.vector_load %arg6[%get3A_1344, %get3A_1345] {strides = array<i32>} : memref<512x32xf32, #tpu.memory_space<vmem>>, vector<16xf32>,
    tpu.vector_store_idx %arg7[%iota3A, %broadcast_in_dim3A_1338], %get3A_1342 : memref<16x512xf32, #tpu.memory_space<vmem>>[vector<16xi32>, vector<16xi32>], vector<16xf32>,
    tpu.vector_store_idx %arg8[%iota3A, %broadcast_in_dim3A_1338], %get3A_1346 : memref<16x512xf32, #tpu.memory_space<vmem>>[vector<16xi32>, vector<16xi32>], vector<16xf32>,
    %broadcast_in_dim3A_1347 = arith.constant 466 : i32
    %broadcast_in_dim3A_1348 = vector.broadcast %broadcast_in_dim3A_1347 : i32 to vector<16xi32>
    %get3A_1349 = arith.constant 466 : i32
    %get3A_1350 = arith.index_cast %get3A_1349 : i32 to index
    %get3A_1351 = arith.constant 0 : index
    %get3A_1352 = tpu.vector_load %arg6[%get3A_1350, %get3A_1351] {strides = array<i32>} : memref<512x32xf32, #tpu.memory_space<vmem>>, vector<16xf32>,
    %get3A_1353 = arith.constant 466 : i32
    %get3A_1354 = arith.index_cast %get3A_1353 : i32 to index
    %get3A_1355 = arith.constant 16 : index
    %get3A_1356 = tpu.vector_load %arg6[%get3A_1354, %get3A_1355] {strides = array<i32>} : memref<512x32xf32, #tpu.memory_space<vmem>>, vector<16xf32>,
    tpu.vector_store_idx %arg7[%iota3A, %broadcast_in_dim3A_1348], %get3A_1352 : memref<16x512xf32, #tpu.memory_space<vmem>>[vector<16xi32>, vector<16xi32>], vector<16xf32>,
    tpu.vector_store_idx %arg8[%iota3A, %broadcast_in_dim3A_1348], %get3A_1356 : memref<16x512xf32, #tpu.memory_space<vmem>>[vector<16xi32>, vector<16xi32>], vector<16xf32>,
    %broadcast_in_dim3A_1357 = arith.constant 467 : i32
    %broadcast_in_dim3A_1358 = vector.broadcast %broadcast_in_dim3A_1357 : i32 to vector<16xi32>
    %get3A_1359 = arith.constant 467 : i32
    %get3A_1360 = arith.index_cast %get3A_1359 : i32 to index
    %get3A_1361 = arith.constant 0 : index
    %get3A_1362 = tpu.vector_load %arg6[%get3A_1360, %get3A_1361] {strides = array<i32>} : memref<512x32xf32, #tpu.memory_space<vmem>>, vector<16xf32>,
    %get3A_1363 = arith.constant 467 : i32
    %get3A_1364 = arith.index_cast %get3A_1363 : i32 to index
    %get3A_1365 = arith.constant 16 : index
    %get3A_1366 = tpu.vector_load %arg6[%get3A_1364, %get3A_1365] {strides = array<i32>} : memref<512x32xf32, #tpu.memory_space<vmem>>, vector<16xf32>,
    tpu.vector_store_idx %arg7[%iota3A, %broadcast_in_dim3A_1358], %get3A_1362 : memref<16x512xf32, #tpu.memory_space<vmem>>[vector<16xi32>, vector<16xi32>], vector<16xf32>,
    tpu.vector_store_idx %arg8[%iota3A, %broadcast_in_dim3A_1358], %get3A_1366 : memref<16x512xf32, #tpu.memory_space<vmem>>[vector<16xi32>, vector<16xi32>], vector<16xf32>,
    %broadcast_in_dim3A_1367 = arith.constant 468 : i32
    %broadcast_in_dim3A_1368 = vector.broadcast %broadcast_in_dim3A_1367 : i32 to vector<16xi32>
    %get3A_1369 = arith.constant 468 : i32
    %get3A_1370 = arith.index_cast %get3A_1369 : i32 to index
    %get3A_1371 = arith.constant 0 : index
    %get3A_1372 = tpu.vector_load %arg6[%get3A_1370, %get3A_1371] {strides = array<i32>} : memref<512x32xf32, #tpu.memory_space<vmem>>, vector<16xf32>,
    %get3A_1373 = arith.constant 468 : i32
    %get3A_1374 = arith.index_cast %get3A_1373 : i32 to index
    %get3A_1375 = arith.constant 16 : index
    %get3A_1376 = tpu.vector_load %arg6[%get3A_1374, %get3A_1375] {strides = array<i32>} : memref<512x32xf32, #tpu.memory_space<vmem>>, vector<16xf32>,
    tpu.vector_store_idx %arg7[%iota3A, %broadcast_in_dim3A_1368], %get3A_1372 : memref<16x512xf32, #tpu.memory_space<vmem>>[vector<16xi32>, vector<16xi32>], vector<16xf32>,
    tpu.vector_store_idx %arg8[%iota3A, %broadcast_in_dim3A_1368], %get3A_1376 : memref<16x512xf32, #tpu.memory_space<vmem>>[vector<16xi32>, vector<16xi32>], vector<16xf32>,
    %broadcast_in_dim3A_1377 = arith.constant 469 : i32
    %broadcast_in_dim3A_1378 = vector.broadcast %broadcast_in_dim3A_1377 : i32 to vector<16xi32>
    %get3A_1379 = arith.constant 469 : i32
    %get3A_1380 = arith.index_cast %get3A_1379 : i32 to index
    %get3A_1381 = arith.constant 0 : index
    %get3A_1382 = tpu.vector_load %arg6[%get3A_1380, %get3A_1381] {strides = array<i32>} : memref<512x32xf32, #tpu.memory_space<vmem>>, vector<16xf32>,
    %get3A_1383 = arith.constant 469 : i32
    %get3A_1384 = arith.index_cast %get3A_1383 : i32 to index
    %get3A_1385 = arith.constant 16 : index
    %get3A_1386 = tpu.vector_load %arg6[%get3A_1384, %get3A_1385] {strides = array<i32>} : memref<512x32xf32, #tpu.memory_space<vmem>>, vector<16xf32>,
    tpu.vector_store_idx %arg7[%iota3A, %broadcast_in_dim3A_1378], %get3A_1382 : memref<16x512xf32, #tpu.memory_space<vmem>>[vector<16xi32>, vector<16xi32>], vector<16xf32>,
    tpu.vector_store_idx %arg8[%iota3A, %broadcast_in_dim3A_1378], %get3A_1386 : memref<16x512xf32, #tpu.memory_space<vmem>>[vector<16xi32>, vector<16xi32>], vector<16xf32>,
    %broadcast_in_dim3A_1387 = arith.constant 470 : i32
    %broadcast_in_dim3A_1388 = vector.broadcast %broadcast_in_dim3A_1387 : i32 to vector<16xi32>
    %get3A_1389 = arith.constant 470 : i32
    %get3A_1390 = arith.index_cast %get3A_1389 : i32 to index
    %get3A_1391 = arith.constant 0 : index
    %get3A_1392 = tpu.vector_load %arg6[%get3A_1390, %get3A_1391] {strides = array<i32>} : memref<512x32xf32, #tpu.memory_space<vmem>>, vector<16xf32>,
    %get3A_1393 = arith.constant 470 : i32
    %get3A_1394 = arith.index_cast %get3A_1393 : i32 to index
    %get3A_1395 = arith.constant 16 : index
    %get3A_1396 = tpu.vector_load %arg6[%get3A_1394, %get3A_1395] {strides = array<i32>} : memref<512x32xf32, #tpu.memory_space<vmem>>, vector<16xf32>,
    tpu.vector_store_idx %arg7[%iota3A, %broadcast_in_dim3A_1388], %get3A_1392 : memref<16x512xf32, #tpu.memory_space<vmem>>[vector<16xi32>, vector<16xi32>], vector<16xf32>,
    tpu.vector_store_idx %arg8[%iota3A, %broadcast_in_dim3A_1388], %get3A_1396 : memref<16x512xf32, #tpu.memory_space<vmem>>[vector<16xi32>, vector<16xi32>], vector<16xf32>,
    %broadcast_in_dim3A_1397 = arith.constant 471 : i32
    %broadcast_in_dim3A_1398 = vector.broadcast %broadcast_in_dim3A_1397 : i32 to vector<16xi32>
    %get3A_1399 = arith.constant 471 : i32
    %get3A_1400 = arith.index_cast %get3A_1399 : i32 to index
    %get3A_1401 = arith.constant 0 : index
    %get3A_1402 = tpu.vector_load %arg6[%get3A_1400, %get3A_1401] {strides = array<i32>} : memref<512x32xf32, #tpu.memory_space<vmem>>, vector<16xf32>,
    %get3A_1403 = arith.constant 471 : i32
    %get3A_1404 = arith.index_cast %get3A_1403 : i32 to index
    %get3A_1405 = arith.constant 16 : index
    %get3A_1406 = tpu.vector_load %arg6[%get3A_1404, %get3A_1405] {strides = array<i32>} : memref<512x32xf32, #tpu.memory_space<vmem>>, vector<16xf32>,
    tpu.vector_store_idx %arg7[%iota3A, %broadcast_in_dim3A_1398], %get3A_1402 : memref<16x512xf32, #tpu.memory_space<vmem>>[vector<16xi32>, vector<16xi32>], vector<16xf32>,
    tpu.vector_store_idx %arg8[%iota3A, %broadcast_in_dim3A_1398], %get3A_1406 : memref<16x512xf32, #tpu.memory_space<vmem>>[vector<16xi32>, vector<16xi32>], vector<16xf32>,
    %broadcast_in_dim3A_1407 = arith.constant 472 : i32
    %broadcast_in_dim3A_1408 = vector.broadcast %broadcast_in_dim3A_1407 : i32 to vector<16xi32>
    %get3A_1409 = arith.constant 472 : i32
    %get3A_1410 = arith.index_cast %get3A_1409 : i32 to index
    %get3A_1411 = arith.constant 0 : index
    %get3A_1412 = tpu.vector_load %arg6[%get3A_1410, %get3A_1411] {strides = array<i32>} : memref<512x32xf32, #tpu.memory_space<vmem>>, vector<16xf32>,
    %get3A_1413 = arith.constant 472 : i32
    %get3A_1414 = arith.index_cast %get3A_1413 : i32 to index
    %get3A_1415 = arith.constant 16 : index
    %get3A_1416 = tpu.vector_load %arg6[%get3A_1414, %get3A_1415] {strides = array<i32>} : memref<512x32xf32, #tpu.memory_space<vmem>>, vector<16xf32>,
    tpu.vector_store_idx %arg7[%iota3A, %broadcast_in_dim3A_1408], %get3A_1412 : memref<16x512xf32, #tpu.memory_space<vmem>>[vector<16xi32>, vector<16xi32>], vector<16xf32>,
    tpu.vector_store_idx %arg8[%iota3A, %broadcast_in_dim3A_1408], %get3A_1416 : memref<16x512xf32, #tpu.memory_space<vmem>>[vector<16xi32>, vector<16xi32>], vector<16xf32>,
    %broadcast_in_dim3A_1417 = arith.constant 473 : i32
    %broadcast_in_dim3A_1418 = vector.broadcast %broadcast_in_dim3A_1417 : i32 to vector<16xi32>
    %get3A_1419 = arith.constant 473 : i32
    %get3A_1420 = arith.index_cast %get3A_1419 : i32 to index
    %get3A_1421 = arith.constant 0 : index
    %get3A_1422 = tpu.vector_load %arg6[%get3A_1420, %get3A_1421] {strides = array<i32>} : memref<512x32xf32, #tpu.memory_space<vmem>>, vector<16xf32>,
    %get3A_1423 = arith.constant 473 : i32
    %get3A_1424 = arith.index_cast %get3A_1423 : i32 to index
    %get3A_1425 = arith.constant 16 : index
    %get3A_1426 = tpu.vector_load %arg6[%get3A_1424, %get3A_1425] {strides = array<i32>} : memref<512x32xf32, #tpu.memory_space<vmem>>, vector<16xf32>,
    tpu.vector_store_idx %arg7[%iota3A, %broadcast_in_dim3A_1418], %get3A_1422 : memref<16x512xf32, #tpu.memory_space<vmem>>[vector<16xi32>, vector<16xi32>], vector<16xf32>,
    tpu.vector_store_idx %arg8[%iota3A, %broadcast_in_dim3A_1418], %get3A_1426 : memref<16x512xf32, #tpu.memory_space<vmem>>[vector<16xi32>, vector<16xi32>], vector<16xf32>,
    %broadcast_in_dim3A_1427 = arith.constant 474 : i32
    %broadcast_in_dim3A_1428 = vector.broadcast %broadcast_in_dim3A_1427 : i32 to vector<16xi32>
    %get3A_1429 = arith.constant 474 : i32
    %get3A_1430 = arith.index_cast %get3A_1429 : i32 to index
    %get3A_1431 = arith.constant 0 : index
    %get3A_1432 = tpu.vector_load %arg6[%get3A_1430, %get3A_1431] {strides = array<i32>} : memref<512x32xf32, #tpu.memory_space<vmem>>, vector<16xf32>,
    %get3A_1433 = arith.constant 474 : i32
    %get3A_1434 = arith.index_cast %get3A_1433 : i32 to index
    %get3A_1435 = arith.constant 16 : index
    %get3A_1436 = tpu.vector_load %arg6[%get3A_1434, %get3A_1435] {strides = array<i32>} : memref<512x32xf32, #tpu.memory_space<vmem>>, vector<16xf32>,
    tpu.vector_store_idx %arg7[%iota3A, %broadcast_in_dim3A_1428], %get3A_1432 : memref<16x512xf32, #tpu.memory_space<vmem>>[vector<16xi32>, vector<16xi32>], vector<16xf32>,
    tpu.vector_store_idx %arg8[%iota3A, %broadcast_in_dim3A_1428], %get3A_1436 : memref<16x512xf32, #tpu.memory_space<vmem>>[vector<16xi32>, vector<16xi32>], vector<16xf32>,
    %broadcast_in_dim3A_1437 = arith.constant 475 : i32
    %broadcast_in_dim3A_1438 = vector.broadcast %broadcast_in_dim3A_1437 : i32 to vector<16xi32>
    %get3A_1439 = arith.constant 475 : i32
    %get3A_1440 = arith.index_cast %get3A_1439 : i32 to index
    %get3A_1441 = arith.constant 0 : index
    %get3A_1442 = tpu.vector_load %arg6[%get3A_1440, %get3A_1441] {strides = array<i32>} : memref<512x32xf32, #tpu.memory_space<vmem>>, vector<16xf32>,
    %get3A_1443 = arith.constant 475 : i32
    %get3A_1444 = arith.index_cast %get3A_1443 : i32 to index
    %get3A_1445 = arith.constant 16 : index
    %get3A_1446 = tpu.vector_load %arg6[%get3A_1444, %get3A_1445] {strides = array<i32>} : memref<512x32xf32, #tpu.memory_space<vmem>>, vector<16xf32>,
    tpu.vector_store_idx %arg7[%iota3A, %broadcast_in_dim3A_1438], %get3A_1442 : memref<16x512xf32, #tpu.memory_space<vmem>>[vector<16xi32>, vector<16xi32>], vector<16xf32>,
    tpu.vector_store_idx %arg8[%iota3A, %broadcast_in_dim3A_1438], %get3A_1446 : memref<16x512xf32, #tpu.memory_space<vmem>>[vector<16xi32>, vector<16xi32>], vector<16xf32>,
    %broadcast_in_dim3A_1447 = arith.constant 476 : i32
    %broadcast_in_dim3A_1448 = vector.broadcast %broadcast_in_dim3A_1447 : i32 to vector<16xi32>
    %get3A_1449 = arith.constant 476 : i32
    %get3A_1450 = arith.index_cast %get3A_1449 : i32 to index
    %get3A_1451 = arith.constant 0 : index
    %get3A_1452 = tpu.vector_load %arg6[%get3A_1450, %get3A_1451] {strides = array<i32>} : memref<512x32xf32, #tpu.memory_space<vmem>>, vector<16xf32>,
    %get3A_1453 = arith.constant 476 : i32
    %get3A_1454 = arith.index_cast %get3A_1453 : i32 to index
    %get3A_1455 = arith.constant 16 : index
    %get3A_1456 = tpu.vector_load %arg6[%get3A_1454, %get3A_1455] {strides = array<i32>} : memref<512x32xf32, #tpu.memory_space<vmem>>, vector<16xf32>,
    tpu.vector_store_idx %arg7[%iota3A, %broadcast_in_dim3A_1448], %get3A_1452 : memref<16x512xf32, #tpu.memory_space<vmem>>[vector<16xi32>, vector<16xi32>], vector<16xf32>,
    tpu.vector_store_idx %arg8[%iota3A, %broadcast_in_dim3A_1448], %get3A_1456 : memref<16x512xf32, #tpu.memory_space<vmem>>[vector<16xi32>, vector<16xi32>], vector<16xf32>,
    %broadcast_in_dim3A_1457 = arith.constant 477 : i32
    %broadcast_in_dim3A_1458 = vector.broadcast %broadcast_in_dim3A_1457 : i32 to vector<16xi32>
    %get3A_1459 = arith.constant 477 : i32
    %get3A_1460 = arith.index_cast %get3A_1459 : i32 to index
    %get3A_1461 = arith.constant 0 : index
    %get3A_1462 = tpu.vector_load %arg6[%get3A_1460, %get3A_1461] {strides = array<i32>} : memref<512x32xf32, #tpu.memory_space<vmem>>, vector<16xf32>,
    %get3A_1463 = arith.constant 477 : i32
    %get3A_1464 = arith.index_cast %get3A_1463 : i32 to index
    %get3A_1465 = arith.constant 16 : index
    %get3A_1466 = tpu.vector_load %arg6[%get3A_1464, %get3A_1465] {strides = array<i32>} : memref<512x32xf32, #tpu.memory_space<vmem>>, vector<16xf32>,
    tpu.vector_store_idx %arg7[%iota3A, %broadcast_in_dim3A_1458], %get3A_1462 : memref<16x512xf32, #tpu.memory_space<vmem>>[vector<16xi32>, vector<16xi32>], vector<16xf32>,
    tpu.vector_store_idx %arg8[%iota3A, %broadcast_in_dim3A_1458], %get3A_1466 : memref<16x512xf32, #tpu.memory_space<vmem>>[vector<16xi32>, vector<16xi32>], vector<16xf32>,
    %broadcast_in_dim3A_1467 = arith.constant 478 : i32
    %broadcast_in_dim3A_1468 = vector.broadcast %broadcast_in_dim3A_1467 : i32 to vector<16xi32>
    %get3A_1469 = arith.constant 478 : i32
    %get3A_1470 = arith.index_cast %get3A_1469 : i32 to index
    %get3A_1471 = arith.constant 0 : index
    %get3A_1472 = tpu.vector_load %arg6[%get3A_1470, %get3A_1471] {strides = array<i32>} : memref<512x32xf32, #tpu.memory_space<vmem>>, vector<16xf32>,
    %get3A_1473 = arith.constant 478 : i32
    %get3A_1474 = arith.index_cast %get3A_1473 : i32 to index
    %get3A_1475 = arith.constant 16 : index
    %get3A_1476 = tpu.vector_load %arg6[%get3A_1474, %get3A_1475] {strides = array<i32>} : memref<512x32xf32, #tpu.memory_space<vmem>>, vector<16xf32>,
    tpu.vector_store_idx %arg7[%iota3A, %broadcast_in_dim3A_1468], %get3A_1472 : memref<16x512xf32, #tpu.memory_space<vmem>>[vector<16xi32>, vector<16xi32>], vector<16xf32>,
    tpu.vector_store_idx %arg8[%iota3A, %broadcast_in_dim3A_1468], %get3A_1476 : memref<16x512xf32, #tpu.memory_space<vmem>>[vector<16xi32>, vector<16xi32>], vector<16xf32>,
    %broadcast_in_dim3A_1477 = arith.constant 479 : i32
    %broadcast_in_dim3A_1478 = vector.broadcast %broadcast_in_dim3A_1477 : i32 to vector<16xi32>
    %get3A_1479 = arith.constant 479 : i32
    %get3A_1480 = arith.index_cast %get3A_1479 : i32 to index
    %get3A_1481 = arith.constant 0 : index
    %get3A_1482 = tpu.vector_load %arg6[%get3A_1480, %get3A_1481] {strides = array<i32>} : memref<512x32xf32, #tpu.memory_space<vmem>>, vector<16xf32>,
    %get3A_1483 = arith.constant 479 : i32
    %get3A_1484 = arith.index_cast %get3A_1483 : i32 to index
    %get3A_1485 = arith.constant 16 : index
    %get3A_1486 = tpu.vector_load %arg6[%get3A_1484, %get3A_1485] {strides = array<i32>} : memref<512x32xf32, #tpu.memory_space<vmem>>, vector<16xf32>,
    tpu.vector_store_idx %arg7[%iota3A, %broadcast_in_dim3A_1478], %get3A_1482 : memref<16x512xf32, #tpu.memory_space<vmem>>[vector<16xi32>, vector<16xi32>], vector<16xf32>,
    tpu.vector_store_idx %arg8[%iota3A, %broadcast_in_dim3A_1478], %get3A_1486 : memref<16x512xf32, #tpu.memory_space<vmem>>[vector<16xi32>, vector<16xi32>], vector<16xf32>,
    %dma_wait3A_1487 = arith.constant 480 : i32
    %dma_wait3A_1488 = arith.constant 0 : i32
    %dma_wait3A_1489 = tpu.memref_slice %arg6[%dma_wait3A_1487, %dma_wait3A_1488] : memref<512x32xf32, #tpu.memory_space<vmem>> -> memref<16x32xf32, #tpu.memory_space<vmem>>
    %dma_wait3A_1490 = arith.constant 0 : i32
    %dma_wait3A_1491 = arith.constant 0 : i32
    %dma_wait3A_1492 = tpu.memref_slice %arg2[%dma_wait3A_1490, %dma_wait3A_1491] : memref<100001x32xf32, #tpu.memory_space<hbm>> -> memref<16x32xf32, #tpu.memory_space<hbm>>
    %dma_wait3A_1493 = arith.constant 480 : i32
    %dma_wait3A_1494 = arith.constant 0 : i32
    %dma_wait3A_1495 = tpu.memref_slice %arg6[%dma_wait3A_1493, %dma_wait3A_1494] : memref<512x32xf32, #tpu.memory_space<vmem>> -> memref<16x32xf32, #tpu.memory_space<vmem>>
    %dma_wait3A_1496 = arith.constant 0 : i32
    %dma_wait3A_1497 = arith.constant 0 : i32
    %dma_wait3A_1498 = tpu.memref_slice %arg2[%dma_wait3A_1496, %dma_wait3A_1497] : memref<100001x32xf32, #tpu.memory_space<hbm>> -> memref<16x32xf32, #tpu.memory_space<hbm>>
    tpu.wait_dma2 semaphore(%arg9 : memref<!tpu.dma_semaphore, #tpu.memory_space<semaphore_mem>>) src(%dma_wait3A_1498 : memref<16x32xf32, #tpu.memory_space<hbm>>) dst(%dma_wait3A_1495 : memref<16x32xf32, #tpu.memory_space<vmem>>)
    %broadcast_in_dim3A_1499 = arith.constant 480 : i32
    %broadcast_in_dim3A_1500 = vector.broadcast %broadcast_in_dim3A_1499 : i32 to vector<16xi32>
    %get3A_1501 = arith.constant 480 : i32
    %get3A_1502 = arith.index_cast %get3A_1501 : i32 to index
    %get3A_1503 = arith.constant 0 : index
    %get3A_1504 = tpu.vector_load %arg6[%get3A_1502, %get3A_1503] {strides = array<i32>} : memref<512x32xf32, #tpu.memory_space<vmem>>, vector<16xf32>,
    %get3A_1505 = arith.constant 480 : i32
    %get3A_1506 = arith.index_cast %get3A_1505 : i32 to index
    %get3A_1507 = arith.constant 16 : index
    %get3A_1508 = tpu.vector_load %arg6[%get3A_1506, %get3A_1507] {strides = array<i32>} : memref<512x32xf32, #tpu.memory_space<vmem>>, vector<16xf32>,
    tpu.vector_store_idx %arg7[%iota3A, %broadcast_in_dim3A_1500], %get3A_1504 : memref<16x512xf32, #tpu.memory_space<vmem>>[vector<16xi32>, vector<16xi32>], vector<16xf32>,
    tpu.vector_store_idx %arg8[%iota3A, %broadcast_in_dim3A_1500], %get3A_1508 : memref<16x512xf32, #tpu.memory_space<vmem>>[vector<16xi32>, vector<16xi32>], vector<16xf32>,
    %broadcast_in_dim3A_1509 = arith.constant 481 : i32
    %broadcast_in_dim3A_1510 = vector.broadcast %broadcast_in_dim3A_1509 : i32 to vector<16xi32>
    %get3A_1511 = arith.constant 481 : i32
    %get3A_1512 = arith.index_cast %get3A_1511 : i32 to index
    %get3A_1513 = arith.constant 0 : index
    %get3A_1514 = tpu.vector_load %arg6[%get3A_1512, %get3A_1513] {strides = array<i32>} : memref<512x32xf32, #tpu.memory_space<vmem>>, vector<16xf32>,
    %get3A_1515 = arith.constant 481 : i32
    %get3A_1516 = arith.index_cast %get3A_1515 : i32 to index
    %get3A_1517 = arith.constant 16 : index
    %get3A_1518 = tpu.vector_load %arg6[%get3A_1516, %get3A_1517] {strides = array<i32>} : memref<512x32xf32, #tpu.memory_space<vmem>>, vector<16xf32>,
    tpu.vector_store_idx %arg7[%iota3A, %broadcast_in_dim3A_1510], %get3A_1514 : memref<16x512xf32, #tpu.memory_space<vmem>>[vector<16xi32>, vector<16xi32>], vector<16xf32>,
    tpu.vector_store_idx %arg8[%iota3A, %broadcast_in_dim3A_1510], %get3A_1518 : memref<16x512xf32, #tpu.memory_space<vmem>>[vector<16xi32>, vector<16xi32>], vector<16xf32>,
    %broadcast_in_dim3A_1519 = arith.constant 482 : i32
    %broadcast_in_dim3A_1520 = vector.broadcast %broadcast_in_dim3A_1519 : i32 to vector<16xi32>
    %get3A_1521 = arith.constant 482 : i32
    %get3A_1522 = arith.index_cast %get3A_1521 : i32 to index
    %get3A_1523 = arith.constant 0 : index
    %get3A_1524 = tpu.vector_load %arg6[%get3A_1522, %get3A_1523] {strides = array<i32>} : memref<512x32xf32, #tpu.memory_space<vmem>>, vector<16xf32>,
    %get3A_1525 = arith.constant 482 : i32
    %get3A_1526 = arith.index_cast %get3A_1525 : i32 to index
    %get3A_1527 = arith.constant 16 : index
    %get3A_1528 = tpu.vector_load %arg6[%get3A_1526, %get3A_1527] {strides = array<i32>} : memref<512x32xf32, #tpu.memory_space<vmem>>, vector<16xf32>,
    tpu.vector_store_idx %arg7[%iota3A, %broadcast_in_dim3A_1520], %get3A_1524 : memref<16x512xf32, #tpu.memory_space<vmem>>[vector<16xi32>, vector<16xi32>], vector<16xf32>,
    tpu.vector_store_idx %arg8[%iota3A, %broadcast_in_dim3A_1520], %get3A_1528 : memref<16x512xf32, #tpu.memory_space<vmem>>[vector<16xi32>, vector<16xi32>], vector<16xf32>,
    %broadcast_in_dim3A_1529 = arith.constant 483 : i32
    %broadcast_in_dim3A_1530 = vector.broadcast %broadcast_in_dim3A_1529 : i32 to vector<16xi32>
    %get3A_1531 = arith.constant 483 : i32
    %get3A_1532 = arith.index_cast %get3A_1531 : i32 to index
    %get3A_1533 = arith.constant 0 : index
    %get3A_1534 = tpu.vector_load %arg6[%get3A_1532, %get3A_1533] {strides = array<i32>} : memref<512x32xf32, #tpu.memory_space<vmem>>, vector<16xf32>,
    %get3A_1535 = arith.constant 483 : i32
    %get3A_1536 = arith.index_cast %get3A_1535 : i32 to index
    %get3A_1537 = arith.constant 16 : index
    %get3A_1538 = tpu.vector_load %arg6[%get3A_1536, %get3A_1537] {strides = array<i32>} : memref<512x32xf32, #tpu.memory_space<vmem>>, vector<16xf32>,
    tpu.vector_store_idx %arg7[%iota3A, %broadcast_in_dim3A_1530], %get3A_1534 : memref<16x512xf32, #tpu.memory_space<vmem>>[vector<16xi32>, vector<16xi32>], vector<16xf32>,
    tpu.vector_store_idx %arg8[%iota3A, %broadcast_in_dim3A_1530], %get3A_1538 : memref<16x512xf32, #tpu.memory_space<vmem>>[vector<16xi32>, vector<16xi32>], vector<16xf32>,
    %broadcast_in_dim3A_1539 = arith.constant 484 : i32
    %broadcast_in_dim3A_1540 = vector.broadcast %broadcast_in_dim3A_1539 : i32 to vector<16xi32>
    %get3A_1541 = arith.constant 484 : i32
    %get3A_1542 = arith.index_cast %get3A_1541 : i32 to index
    %get3A_1543 = arith.constant 0 : index
    %get3A_1544 = tpu.vector_load %arg6[%get3A_1542, %get3A_1543] {strides = array<i32>} : memref<512x32xf32, #tpu.memory_space<vmem>>, vector<16xf32>,
    %get3A_1545 = arith.constant 484 : i32
    %get3A_1546 = arith.index_cast %get3A_1545 : i32 to index
    %get3A_1547 = arith.constant 16 : index
    %get3A_1548 = tpu.vector_load %arg6[%get3A_1546, %get3A_1547] {strides = array<i32>} : memref<512x32xf32, #tpu.memory_space<vmem>>, vector<16xf32>,
    tpu.vector_store_idx %arg7[%iota3A, %broadcast_in_dim3A_1540], %get3A_1544 : memref<16x512xf32, #tpu.memory_space<vmem>>[vector<16xi32>, vector<16xi32>], vector<16xf32>,
    tpu.vector_store_idx %arg8[%iota3A, %broadcast_in_dim3A_1540], %get3A_1548 : memref<16x512xf32, #tpu.memory_space<vmem>>[vector<16xi32>, vector<16xi32>], vector<16xf32>,
    %broadcast_in_dim3A_1549 = arith.constant 485 : i32
    %broadcast_in_dim3A_1550 = vector.broadcast %broadcast_in_dim3A_1549 : i32 to vector<16xi32>
    %get3A_1551 = arith.constant 485 : i32
    %get3A_1552 = arith.index_cast %get3A_1551 : i32 to index
    %get3A_1553 = arith.constant 0 : index
    %get3A_1554 = tpu.vector_load %arg6[%get3A_1552, %get3A_1553] {strides = array<i32>} : memref<512x32xf32, #tpu.memory_space<vmem>>, vector<16xf32>,
    %get3A_1555 = arith.constant 485 : i32
    %get3A_1556 = arith.index_cast %get3A_1555 : i32 to index
    %get3A_1557 = arith.constant 16 : index
    %get3A_1558 = tpu.vector_load %arg6[%get3A_1556, %get3A_1557] {strides = array<i32>} : memref<512x32xf32, #tpu.memory_space<vmem>>, vector<16xf32>,
    tpu.vector_store_idx %arg7[%iota3A, %broadcast_in_dim3A_1550], %get3A_1554 : memref<16x512xf32, #tpu.memory_space<vmem>>[vector<16xi32>, vector<16xi32>], vector<16xf32>,
    tpu.vector_store_idx %arg8[%iota3A, %broadcast_in_dim3A_1550], %get3A_1558 : memref<16x512xf32, #tpu.memory_space<vmem>>[vector<16xi32>, vector<16xi32>], vector<16xf32>,
    %broadcast_in_dim3A_1559 = arith.constant 486 : i32
    %broadcast_in_dim3A_1560 = vector.broadcast %broadcast_in_dim3A_1559 : i32 to vector<16xi32>
    %get3A_1561 = arith.constant 486 : i32
    %get3A_1562 = arith.index_cast %get3A_1561 : i32 to index
    %get3A_1563 = arith.constant 0 : index
    %get3A_1564 = tpu.vector_load %arg6[%get3A_1562, %get3A_1563] {strides = array<i32>} : memref<512x32xf32, #tpu.memory_space<vmem>>, vector<16xf32>,
    %get3A_1565 = arith.constant 486 : i32
    %get3A_1566 = arith.index_cast %get3A_1565 : i32 to index
    %get3A_1567 = arith.constant 16 : index
    %get3A_1568 = tpu.vector_load %arg6[%get3A_1566, %get3A_1567] {strides = array<i32>} : memref<512x32xf32, #tpu.memory_space<vmem>>, vector<16xf32>,
    tpu.vector_store_idx %arg7[%iota3A, %broadcast_in_dim3A_1560], %get3A_1564 : memref<16x512xf32, #tpu.memory_space<vmem>>[vector<16xi32>, vector<16xi32>], vector<16xf32>,
    tpu.vector_store_idx %arg8[%iota3A, %broadcast_in_dim3A_1560], %get3A_1568 : memref<16x512xf32, #tpu.memory_space<vmem>>[vector<16xi32>, vector<16xi32>], vector<16xf32>,
    %broadcast_in_dim3A_1569 = arith.constant 487 : i32
    %broadcast_in_dim3A_1570 = vector.broadcast %broadcast_in_dim3A_1569 : i32 to vector<16xi32>
    %get3A_1571 = arith.constant 487 : i32
    %get3A_1572 = arith.index_cast %get3A_1571 : i32 to index
    %get3A_1573 = arith.constant 0 : index
    %get3A_1574 = tpu.vector_load %arg6[%get3A_1572, %get3A_1573] {strides = array<i32>} : memref<512x32xf32, #tpu.memory_space<vmem>>, vector<16xf32>,
    %get3A_1575 = arith.constant 487 : i32
    %get3A_1576 = arith.index_cast %get3A_1575 : i32 to index
    %get3A_1577 = arith.constant 16 : index
    %get3A_1578 = tpu.vector_load %arg6[%get3A_1576, %get3A_1577] {strides = array<i32>} : memref<512x32xf32, #tpu.memory_space<vmem>>, vector<16xf32>,
    tpu.vector_store_idx %arg7[%iota3A, %broadcast_in_dim3A_1570], %get3A_1574 : memref<16x512xf32, #tpu.memory_space<vmem>>[vector<16xi32>, vector<16xi32>], vector<16xf32>,
    tpu.vector_store_idx %arg8[%iota3A, %broadcast_in_dim3A_1570], %get3A_1578 : memref<16x512xf32, #tpu.memory_space<vmem>>[vector<16xi32>, vector<16xi32>], vector<16xf32>,
    %broadcast_in_dim3A_1579 = arith.constant 488 : i32
    %broadcast_in_dim3A_1580 = vector.broadcast %broadcast_in_dim3A_1579 : i32 to vector<16xi32>
    %get3A_1581 = arith.constant 488 : i32
    %get3A_1582 = arith.index_cast %get3A_1581 : i32 to index
    %get3A_1583 = arith.constant 0 : index
    %get3A_1584 = tpu.vector_load %arg6[%get3A_1582, %get3A_1583] {strides = array<i32>} : memref<512x32xf32, #tpu.memory_space<vmem>>, vector<16xf32>,
    %get3A_1585 = arith.constant 488 : i32
    %get3A_1586 = arith.index_cast %get3A_1585 : i32 to index
    %get3A_1587 = arith.constant 16 : index
    %get3A_1588 = tpu.vector_load %arg6[%get3A_1586, %get3A_1587] {strides = array<i32>} : memref<512x32xf32, #tpu.memory_space<vmem>>, vector<16xf32>,
    tpu.vector_store_idx %arg7[%iota3A, %broadcast_in_dim3A_1580], %get3A_1584 : memref<16x512xf32, #tpu.memory_space<vmem>>[vector<16xi32>, vector<16xi32>], vector<16xf32>,
    tpu.vector_store_idx %arg8[%iota3A, %broadcast_in_dim3A_1580], %get3A_1588 : memref<16x512xf32, #tpu.memory_space<vmem>>[vector<16xi32>, vector<16xi32>], vector<16xf32>,
    %broadcast_in_dim3A_1589 = arith.constant 489 : i32
    %broadcast_in_dim3A_1590 = vector.broadcast %broadcast_in_dim3A_1589 : i32 to vector<16xi32>
    %get3A_1591 = arith.constant 489 : i32
    %get3A_1592 = arith.index_cast %get3A_1591 : i32 to index
    %get3A_1593 = arith.constant 0 : index
    %get3A_1594 = tpu.vector_load %arg6[%get3A_1592, %get3A_1593] {strides = array<i32>} : memref<512x32xf32, #tpu.memory_space<vmem>>, vector<16xf32>,
    %get3A_1595 = arith.constant 489 : i32
    %get3A_1596 = arith.index_cast %get3A_1595 : i32 to index
    %get3A_1597 = arith.constant 16 : index
    %get3A_1598 = tpu.vector_load %arg6[%get3A_1596, %get3A_1597] {strides = array<i32>} : memref<512x32xf32, #tpu.memory_space<vmem>>, vector<16xf32>,
    tpu.vector_store_idx %arg7[%iota3A, %broadcast_in_dim3A_1590], %get3A_1594 : memref<16x512xf32, #tpu.memory_space<vmem>>[vector<16xi32>, vector<16xi32>], vector<16xf32>,
    tpu.vector_store_idx %arg8[%iota3A, %broadcast_in_dim3A_1590], %get3A_1598 : memref<16x512xf32, #tpu.memory_space<vmem>>[vector<16xi32>, vector<16xi32>], vector<16xf32>,
    %broadcast_in_dim3A_1599 = arith.constant 490 : i32
    %broadcast_in_dim3A_1600 = vector.broadcast %broadcast_in_dim3A_1599 : i32 to vector<16xi32>
    %get3A_1601 = arith.constant 490 : i32
    %get3A_1602 = arith.index_cast %get3A_1601 : i32 to index
    %get3A_1603 = arith.constant 0 : index
    %get3A_1604 = tpu.vector_load %arg6[%get3A_1602, %get3A_1603] {strides = array<i32>} : memref<512x32xf32, #tpu.memory_space<vmem>>, vector<16xf32>,
    %get3A_1605 = arith.constant 490 : i32
    %get3A_1606 = arith.index_cast %get3A_1605 : i32 to index
    %get3A_1607 = arith.constant 16 : index
    %get3A_1608 = tpu.vector_load %arg6[%get3A_1606, %get3A_1607] {strides = array<i32>} : memref<512x32xf32, #tpu.memory_space<vmem>>, vector<16xf32>,
    tpu.vector_store_idx %arg7[%iota3A, %broadcast_in_dim3A_1600], %get3A_1604 : memref<16x512xf32, #tpu.memory_space<vmem>>[vector<16xi32>, vector<16xi32>], vector<16xf32>,
    tpu.vector_store_idx %arg8[%iota3A, %broadcast_in_dim3A_1600], %get3A_1608 : memref<16x512xf32, #tpu.memory_space<vmem>>[vector<16xi32>, vector<16xi32>], vector<16xf32>,
    %broadcast_in_dim3A_1609 = arith.constant 491 : i32
    %broadcast_in_dim3A_1610 = vector.broadcast %broadcast_in_dim3A_1609 : i32 to vector<16xi32>
    %get3A_1611 = arith.constant 491 : i32
    %get3A_1612 = arith.index_cast %get3A_1611 : i32 to index
    %get3A_1613 = arith.constant 0 : index
    %get3A_1614 = tpu.vector_load %arg6[%get3A_1612, %get3A_1613] {strides = array<i32>} : memref<512x32xf32, #tpu.memory_space<vmem>>, vector<16xf32>,
    %get3A_1615 = arith.constant 491 : i32
    %get3A_1616 = arith.index_cast %get3A_1615 : i32 to index
    %get3A_1617 = arith.constant 16 : index
    %get3A_1618 = tpu.vector_load %arg6[%get3A_1616, %get3A_1617] {strides = array<i32>} : memref<512x32xf32, #tpu.memory_space<vmem>>, vector<16xf32>,
    tpu.vector_store_idx %arg7[%iota3A, %broadcast_in_dim3A_1610], %get3A_1614 : memref<16x512xf32, #tpu.memory_space<vmem>>[vector<16xi32>, vector<16xi32>], vector<16xf32>,
    tpu.vector_store_idx %arg8[%iota3A, %broadcast_in_dim3A_1610], %get3A_1618 : memref<16x512xf32, #tpu.memory_space<vmem>>[vector<16xi32>, vector<16xi32>], vector<16xf32>,
    %broadcast_in_dim3A_1619 = arith.constant 492 : i32
    %broadcast_in_dim3A_1620 = vector.broadcast %broadcast_in_dim3A_1619 : i32 to vector<16xi32>
    %get3A_1621 = arith.constant 492 : i32
    %get3A_1622 = arith.index_cast %get3A_1621 : i32 to index
    %get3A_1623 = arith.constant 0 : index
    %get3A_1624 = tpu.vector_load %arg6[%get3A_1622, %get3A_1623] {strides = array<i32>} : memref<512x32xf32, #tpu.memory_space<vmem>>, vector<16xf32>,
    %get3A_1625 = arith.constant 492 : i32
    %get3A_1626 = arith.index_cast %get3A_1625 : i32 to index
    %get3A_1627 = arith.constant 16 : index
    %get3A_1628 = tpu.vector_load %arg6[%get3A_1626, %get3A_1627] {strides = array<i32>} : memref<512x32xf32, #tpu.memory_space<vmem>>, vector<16xf32>,
    tpu.vector_store_idx %arg7[%iota3A, %broadcast_in_dim3A_1620], %get3A_1624 : memref<16x512xf32, #tpu.memory_space<vmem>>[vector<16xi32>, vector<16xi32>], vector<16xf32>,
    tpu.vector_store_idx %arg8[%iota3A, %broadcast_in_dim3A_1620], %get3A_1628 : memref<16x512xf32, #tpu.memory_space<vmem>>[vector<16xi32>, vector<16xi32>], vector<16xf32>,
    %broadcast_in_dim3A_1629 = arith.constant 493 : i32
    %broadcast_in_dim3A_1630 = vector.broadcast %broadcast_in_dim3A_1629 : i32 to vector<16xi32>
    %get3A_1631 = arith.constant 493 : i32
    %get3A_1632 = arith.index_cast %get3A_1631 : i32 to index
    %get3A_1633 = arith.constant 0 : index
    %get3A_1634 = tpu.vector_load %arg6[%get3A_1632, %get3A_1633] {strides = array<i32>} : memref<512x32xf32, #tpu.memory_space<vmem>>, vector<16xf32>,
    %get3A_1635 = arith.constant 493 : i32
    %get3A_1636 = arith.index_cast %get3A_1635 : i32 to index
    %get3A_1637 = arith.constant 16 : index
    %get3A_1638 = tpu.vector_load %arg6[%get3A_1636, %get3A_1637] {strides = array<i32>} : memref<512x32xf32, #tpu.memory_space<vmem>>, vector<16xf32>,
    tpu.vector_store_idx %arg7[%iota3A, %broadcast_in_dim3A_1630], %get3A_1634 : memref<16x512xf32, #tpu.memory_space<vmem>>[vector<16xi32>, vector<16xi32>], vector<16xf32>,
    tpu.vector_store_idx %arg8[%iota3A, %broadcast_in_dim3A_1630], %get3A_1638 : memref<16x512xf32, #tpu.memory_space<vmem>>[vector<16xi32>, vector<16xi32>], vector<16xf32>,
    %broadcast_in_dim3A_1639 = arith.constant 494 : i32
    %broadcast_in_dim3A_1640 = vector.broadcast %broadcast_in_dim3A_1639 : i32 to vector<16xi32>
    %get3A_1641 = arith.constant 494 : i32
    %get3A_1642 = arith.index_cast %get3A_1641 : i32 to index
    %get3A_1643 = arith.constant 0 : index
    %get3A_1644 = tpu.vector_load %arg6[%get3A_1642, %get3A_1643] {strides = array<i32>} : memref<512x32xf32, #tpu.memory_space<vmem>>, vector<16xf32>,
    %get3A_1645 = arith.constant 494 : i32
    %get3A_1646 = arith.index_cast %get3A_1645 : i32 to index
    %get3A_1647 = arith.constant 16 : index
    %get3A_1648 = tpu.vector_load %arg6[%get3A_1646, %get3A_1647] {strides = array<i32>} : memref<512x32xf32, #tpu.memory_space<vmem>>, vector<16xf32>,
    tpu.vector_store_idx %arg7[%iota3A, %broadcast_in_dim3A_1640], %get3A_1644 : memref<16x512xf32, #tpu.memory_space<vmem>>[vector<16xi32>, vector<16xi32>], vector<16xf32>,
    tpu.vector_store_idx %arg8[%iota3A, %broadcast_in_dim3A_1640], %get3A_1648 : memref<16x512xf32, #tpu.memory_space<vmem>>[vector<16xi32>, vector<16xi32>], vector<16xf32>,
    %broadcast_in_dim3A_1649 = arith.constant 495 : i32
    %broadcast_in_dim3A_1650 = vector.broadcast %broadcast_in_dim3A_1649 : i32 to vector<16xi32>
    %get3A_1651 = arith.constant 495 : i32
    %get3A_1652 = arith.index_cast %get3A_1651 : i32 to index
    %get3A_1653 = arith.constant 0 : index
    %get3A_1654 = tpu.vector_load %arg6[%get3A_1652, %get3A_1653] {strides = array<i32>} : memref<512x32xf32, #tpu.memory_space<vmem>>, vector<16xf32>,
    %get3A_1655 = arith.constant 495 : i32
    %get3A_1656 = arith.index_cast %get3A_1655 : i32 to index
    %get3A_1657 = arith.constant 16 : index
    %get3A_1658 = tpu.vector_load %arg6[%get3A_1656, %get3A_1657] {strides = array<i32>} : memref<512x32xf32, #tpu.memory_space<vmem>>, vector<16xf32>,
    tpu.vector_store_idx %arg7[%iota3A, %broadcast_in_dim3A_1650], %get3A_1654 : memref<16x512xf32, #tpu.memory_space<vmem>>[vector<16xi32>, vector<16xi32>], vector<16xf32>,
    tpu.vector_store_idx %arg8[%iota3A, %broadcast_in_dim3A_1650], %get3A_1658 : memref<16x512xf32, #tpu.memory_space<vmem>>[vector<16xi32>, vector<16xi32>], vector<16xf32>,
    %dma_wait3A_1659 = arith.constant 496 : i32
    %dma_wait3A_1660 = arith.constant 0 : i32
    %dma_wait3A_1661 = tpu.memref_slice %arg6[%dma_wait3A_1659, %dma_wait3A_1660] : memref<512x32xf32, #tpu.memory_space<vmem>> -> memref<16x32xf32, #tpu.memory_space<vmem>>
    %dma_wait3A_1662 = arith.constant 0 : i32
    %dma_wait3A_1663 = arith.constant 0 : i32
    %dma_wait3A_1664 = tpu.memref_slice %arg2[%dma_wait3A_1662, %dma_wait3A_1663] : memref<100001x32xf32, #tpu.memory_space<hbm>> -> memref<16x32xf32, #tpu.memory_space<hbm>>
    %dma_wait3A_1665 = arith.constant 496 : i32
    %dma_wait3A_1666 = arith.constant 0 : i32
    %dma_wait3A_1667 = tpu.memref_slice %arg6[%dma_wait3A_1665, %dma_wait3A_1666] : memref<512x32xf32, #tpu.memory_space<vmem>> -> memref<16x32xf32, #tpu.memory_space<vmem>>
    %dma_wait3A_1668 = arith.constant 0 : i32
    %dma_wait3A_1669 = arith.constant 0 : i32
    %dma_wait3A_1670 = tpu.memref_slice %arg2[%dma_wait3A_1668, %dma_wait3A_1669] : memref<100001x32xf32, #tpu.memory_space<hbm>> -> memref<16x32xf32, #tpu.memory_space<hbm>>
    tpu.wait_dma2 semaphore(%arg9 : memref<!tpu.dma_semaphore, #tpu.memory_space<semaphore_mem>>) src(%dma_wait3A_1670 : memref<16x32xf32, #tpu.memory_space<hbm>>) dst(%dma_wait3A_1667 : memref<16x32xf32, #tpu.memory_space<vmem>>)
    %broadcast_in_dim3A_1671 = arith.constant 496 : i32
    %broadcast_in_dim3A_1672 = vector.broadcast %broadcast_in_dim3A_1671 : i32 to vector<16xi32>
    %get3A_1673 = arith.constant 496 : i32
    %get3A_1674 = arith.index_cast %get3A_1673 : i32 to index
    %get3A_1675 = arith.constant 0 : index
    %get3A_1676 = tpu.vector_load %arg6[%get3A_1674, %get3A_1675] {strides = array<i32>} : memref<512x32xf32, #tpu.memory_space<vmem>>, vector<16xf32>,
    %get3A_1677 = arith.constant 496 : i32
    %get3A_1678 = arith.index_cast %get3A_1677 : i32 to index
    %get3A_1679 = arith.constant 16 : index
    %get3A_1680 = tpu.vector_load %arg6[%get3A_1678, %get3A_1679] {strides = array<i32>} : memref<512x32xf32, #tpu.memory_space<vmem>>, vector<16xf32>,
    tpu.vector_store_idx %arg7[%iota3A, %broadcast_in_dim3A_1672], %get3A_1676 : memref<16x512xf32, #tpu.memory_space<vmem>>[vector<16xi32>, vector<16xi32>], vector<16xf32>,
    tpu.vector_store_idx %arg8[%iota3A, %broadcast_in_dim3A_1672], %get3A_1680 : memref<16x512xf32, #tpu.memory_space<vmem>>[vector<16xi32>, vector<16xi32>], vector<16xf32>,
    %broadcast_in_dim3A_1681 = arith.constant 497 : i32
    %broadcast_in_dim3A_1682 = vector.broadcast %broadcast_in_dim3A_1681 : i32 to vector<16xi32>
    %get3A_1683 = arith.constant 497 : i32
    %get3A_1684 = arith.index_cast %get3A_1683 : i32 to index
    %get3A_1685 = arith.constant 0 : index
    %get3A_1686 = tpu.vector_load %arg6[%get3A_1684, %get3A_1685] {strides = array<i32>} : memref<512x32xf32, #tpu.memory_space<vmem>>, vector<16xf32>,
    %get3A_1687 = arith.constant 497 : i32
    %get3A_1688 = arith.index_cast %get3A_1687 : i32 to index
    %get3A_1689 = arith.constant 16 : index
    %get3A_1690 = tpu.vector_load %arg6[%get3A_1688, %get3A_1689] {strides = array<i32>} : memref<512x32xf32, #tpu.memory_space<vmem>>, vector<16xf32>,
    tpu.vector_store_idx %arg7[%iota3A, %broadcast_in_dim3A_1682], %get3A_1686 : memref<16x512xf32, #tpu.memory_space<vmem>>[vector<16xi32>, vector<16xi32>], vector<16xf32>,
    tpu.vector_store_idx %arg8[%iota3A, %broadcast_in_dim3A_1682], %get3A_1690 : memref<16x512xf32, #tpu.memory_space<vmem>>[vector<16xi32>, vector<16xi32>], vector<16xf32>,
    %broadcast_in_dim3A_1691 = arith.constant 498 : i32
    %broadcast_in_dim3A_1692 = vector.broadcast %broadcast_in_dim3A_1691 : i32 to vector<16xi32>
    %get3A_1693 = arith.constant 498 : i32
    %get3A_1694 = arith.index_cast %get3A_1693 : i32 to index
    %get3A_1695 = arith.constant 0 : index
    %get3A_1696 = tpu.vector_load %arg6[%get3A_1694, %get3A_1695] {strides = array<i32>} : memref<512x32xf32, #tpu.memory_space<vmem>>, vector<16xf32>,
    %get3A_1697 = arith.constant 498 : i32
    %get3A_1698 = arith.index_cast %get3A_1697 : i32 to index
    %get3A_1699 = arith.constant 16 : index
    %get3A_1700 = tpu.vector_load %arg6[%get3A_1698, %get3A_1699] {strides = array<i32>} : memref<512x32xf32, #tpu.memory_space<vmem>>, vector<16xf32>,
    tpu.vector_store_idx %arg7[%iota3A, %broadcast_in_dim3A_1692], %get3A_1696 : memref<16x512xf32, #tpu.memory_space<vmem>>[vector<16xi32>, vector<16xi32>], vector<16xf32>,
    tpu.vector_store_idx %arg8[%iota3A, %broadcast_in_dim3A_1692], %get3A_1700 : memref<16x512xf32, #tpu.memory_space<vmem>>[vector<16xi32>, vector<16xi32>], vector<16xf32>,
    %broadcast_in_dim3A_1701 = arith.constant 499 : i32
    %broadcast_in_dim3A_1702 = vector.broadcast %broadcast_in_dim3A_1701 : i32 to vector<16xi32>
    %get3A_1703 = arith.constant 499 : i32
    %get3A_1704 = arith.index_cast %get3A_1703 : i32 to index
    %get3A_1705 = arith.constant 0 : index
    %get3A_1706 = tpu.vector_load %arg6[%get3A_1704, %get3A_1705] {strides = array<i32>} : memref<512x32xf32, #tpu.memory_space<vmem>>, vector<16xf32>,
    %get3A_1707 = arith.constant 499 : i32
    %get3A_1708 = arith.index_cast %get3A_1707 : i32 to index
    %get3A_1709 = arith.constant 16 : index
    %get3A_1710 = tpu.vector_load %arg6[%get3A_1708, %get3A_1709] {strides = array<i32>} : memref<512x32xf32, #tpu.memory_space<vmem>>, vector<16xf32>,
    tpu.vector_store_idx %arg7[%iota3A, %broadcast_in_dim3A_1702], %get3A_1706 : memref<16x512xf32, #tpu.memory_space<vmem>>[vector<16xi32>, vector<16xi32>], vector<16xf32>,
    tpu.vector_store_idx %arg8[%iota3A, %broadcast_in_dim3A_1702], %get3A_1710 : memref<16x512xf32, #tpu.memory_space<vmem>>[vector<16xi32>, vector<16xi32>], vector<16xf32>,
    %broadcast_in_dim3A_1711 = arith.constant 500 : i32
    %broadcast_in_dim3A_1712 = vector.broadcast %broadcast_in_dim3A_1711 : i32 to vector<16xi32>
    %get3A_1713 = arith.constant 500 : i32
    %get3A_1714 = arith.index_cast %get3A_1713 : i32 to index
    %get3A_1715 = arith.constant 0 : index
    %get3A_1716 = tpu.vector_load %arg6[%get3A_1714, %get3A_1715] {strides = array<i32>} : memref<512x32xf32, #tpu.memory_space<vmem>>, vector<16xf32>,
    %get3A_1717 = arith.constant 500 : i32
    %get3A_1718 = arith.index_cast %get3A_1717 : i32 to index
    %get3A_1719 = arith.constant 16 : index
    %get3A_1720 = tpu.vector_load %arg6[%get3A_1718, %get3A_1719] {strides = array<i32>} : memref<512x32xf32, #tpu.memory_space<vmem>>, vector<16xf32>,
    tpu.vector_store_idx %arg7[%iota3A, %broadcast_in_dim3A_1712], %get3A_1716 : memref<16x512xf32, #tpu.memory_space<vmem>>[vector<16xi32>, vector<16xi32>], vector<16xf32>,
    tpu.vector_store_idx %arg8[%iota3A, %broadcast_in_dim3A_1712], %get3A_1720 : memref<16x512xf32, #tpu.memory_space<vmem>>[vector<16xi32>, vector<16xi32>], vector<16xf32>,
    %broadcast_in_dim3A_1721 = arith.constant 501 : i32
    %broadcast_in_dim3A_1722 = vector.broadcast %broadcast_in_dim3A_1721 : i32 to vector<16xi32>
    %get3A_1723 = arith.constant 501 : i32
    %get3A_1724 = arith.index_cast %get3A_1723 : i32 to index
    %get3A_1725 = arith.constant 0 : index
    %get3A_1726 = tpu.vector_load %arg6[%get3A_1724, %get3A_1725] {strides = array<i32>} : memref<512x32xf32, #tpu.memory_space<vmem>>, vector<16xf32>,
    %get3A_1727 = arith.constant 501 : i32
    %get3A_1728 = arith.index_cast %get3A_1727 : i32 to index
    %get3A_1729 = arith.constant 16 : index
    %get3A_1730 = tpu.vector_load %arg6[%get3A_1728, %get3A_1729] {strides = array<i32>} : memref<512x32xf32, #tpu.memory_space<vmem>>, vector<16xf32>,
    tpu.vector_store_idx %arg7[%iota3A, %broadcast_in_dim3A_1722], %get3A_1726 : memref<16x512xf32, #tpu.memory_space<vmem>>[vector<16xi32>, vector<16xi32>], vector<16xf32>,
    tpu.vector_store_idx %arg8[%iota3A, %broadcast_in_dim3A_1722], %get3A_1730 : memref<16x512xf32, #tpu.memory_space<vmem>>[vector<16xi32>, vector<16xi32>], vector<16xf32>,
    %broadcast_in_dim3A_1731 = arith.constant 502 : i32
    %broadcast_in_dim3A_1732 = vector.broadcast %broadcast_in_dim3A_1731 : i32 to vector<16xi32>
    %get3A_1733 = arith.constant 502 : i32
    %get3A_1734 = arith.index_cast %get3A_1733 : i32 to index
    %get3A_1735 = arith.constant 0 : index
    %get3A_1736 = tpu.vector_load %arg6[%get3A_1734, %get3A_1735] {strides = array<i32>} : memref<512x32xf32, #tpu.memory_space<vmem>>, vector<16xf32>,
    %get3A_1737 = arith.constant 502 : i32
    %get3A_1738 = arith.index_cast %get3A_1737 : i32 to index
    %get3A_1739 = arith.constant 16 : index
    %get3A_1740 = tpu.vector_load %arg6[%get3A_1738, %get3A_1739] {strides = array<i32>} : memref<512x32xf32, #tpu.memory_space<vmem>>, vector<16xf32>,
    tpu.vector_store_idx %arg7[%iota3A, %broadcast_in_dim3A_1732], %get3A_1736 : memref<16x512xf32, #tpu.memory_space<vmem>>[vector<16xi32>, vector<16xi32>], vector<16xf32>,
    tpu.vector_store_idx %arg8[%iota3A, %broadcast_in_dim3A_1732], %get3A_1740 : memref<16x512xf32, #tpu.memory_space<vmem>>[vector<16xi32>, vector<16xi32>], vector<16xf32>,
    %broadcast_in_dim3A_1741 = arith.constant 503 : i32
    %broadcast_in_dim3A_1742 = vector.broadcast %broadcast_in_dim3A_1741 : i32 to vector<16xi32>
    %get3A_1743 = arith.constant 503 : i32
    %get3A_1744 = arith.index_cast %get3A_1743 : i32 to index
    %get3A_1745 = arith.constant 0 : index
    %get3A_1746 = tpu.vector_load %arg6[%get3A_1744, %get3A_1745] {strides = array<i32>} : memref<512x32xf32, #tpu.memory_space<vmem>>, vector<16xf32>,
    %get3A_1747 = arith.constant 503 : i32
    %get3A_1748 = arith.index_cast %get3A_1747 : i32 to index
    %get3A_1749 = arith.constant 16 : index
    %get3A_1750 = tpu.vector_load %arg6[%get3A_1748, %get3A_1749] {strides = array<i32>} : memref<512x32xf32, #tpu.memory_space<vmem>>, vector<16xf32>,
    tpu.vector_store_idx %arg7[%iota3A, %broadcast_in_dim3A_1742], %get3A_1746 : memref<16x512xf32, #tpu.memory_space<vmem>>[vector<16xi32>, vector<16xi32>], vector<16xf32>,
    tpu.vector_store_idx %arg8[%iota3A, %broadcast_in_dim3A_1742], %get3A_1750 : memref<16x512xf32, #tpu.memory_space<vmem>>[vector<16xi32>, vector<16xi32>], vector<16xf32>,
    %broadcast_in_dim3A_1751 = arith.constant 504 : i32
    %broadcast_in_dim3A_1752 = vector.broadcast %broadcast_in_dim3A_1751 : i32 to vector<16xi32>
    %get3A_1753 = arith.constant 504 : i32
    %get3A_1754 = arith.index_cast %get3A_1753 : i32 to index
    %get3A_1755 = arith.constant 0 : index
    %get3A_1756 = tpu.vector_load %arg6[%get3A_1754, %get3A_1755] {strides = array<i32>} : memref<512x32xf32, #tpu.memory_space<vmem>>, vector<16xf32>,
    %get3A_1757 = arith.constant 504 : i32
    %get3A_1758 = arith.index_cast %get3A_1757 : i32 to index
    %get3A_1759 = arith.constant 16 : index
    %get3A_1760 = tpu.vector_load %arg6[%get3A_1758, %get3A_1759] {strides = array<i32>} : memref<512x32xf32, #tpu.memory_space<vmem>>, vector<16xf32>,
    tpu.vector_store_idx %arg7[%iota3A, %broadcast_in_dim3A_1752], %get3A_1756 : memref<16x512xf32, #tpu.memory_space<vmem>>[vector<16xi32>, vector<16xi32>], vector<16xf32>,
    tpu.vector_store_idx %arg8[%iota3A, %broadcast_in_dim3A_1752], %get3A_1760 : memref<16x512xf32, #tpu.memory_space<vmem>>[vector<16xi32>, vector<16xi32>], vector<16xf32>,
    %broadcast_in_dim3A_1761 = arith.constant 505 : i32
    %broadcast_in_dim3A_1762 = vector.broadcast %broadcast_in_dim3A_1761 : i32 to vector<16xi32>
    %get3A_1763 = arith.constant 505 : i32
    %get3A_1764 = arith.index_cast %get3A_1763 : i32 to index
    %get3A_1765 = arith.constant 0 : index
    %get3A_1766 = tpu.vector_load %arg6[%get3A_1764, %get3A_1765] {strides = array<i32>} : memref<512x32xf32, #tpu.memory_space<vmem>>, vector<16xf32>,
    %get3A_1767 = arith.constant 505 : i32
    %get3A_1768 = arith.index_cast %get3A_1767 : i32 to index
    %get3A_1769 = arith.constant 16 : index
    %get3A_1770 = tpu.vector_load %arg6[%get3A_1768, %get3A_1769] {strides = array<i32>} : memref<512x32xf32, #tpu.memory_space<vmem>>, vector<16xf32>,
    tpu.vector_store_idx %arg7[%iota3A, %broadcast_in_dim3A_1762], %get3A_1766 : memref<16x512xf32, #tpu.memory_space<vmem>>[vector<16xi32>, vector<16xi32>], vector<16xf32>,
    tpu.vector_store_idx %arg8[%iota3A, %broadcast_in_dim3A_1762], %get3A_1770 : memref<16x512xf32, #tpu.memory_space<vmem>>[vector<16xi32>, vector<16xi32>], vector<16xf32>,
    %broadcast_in_dim3A_1771 = arith.constant 506 : i32
    %broadcast_in_dim3A_1772 = vector.broadcast %broadcast_in_dim3A_1771 : i32 to vector<16xi32>
    %get3A_1773 = arith.constant 506 : i32
    %get3A_1774 = arith.index_cast %get3A_1773 : i32 to index
    %get3A_1775 = arith.constant 0 : index
    %get3A_1776 = tpu.vector_load %arg6[%get3A_1774, %get3A_1775] {strides = array<i32>} : memref<512x32xf32, #tpu.memory_space<vmem>>, vector<16xf32>,
    %get3A_1777 = arith.constant 506 : i32
    %get3A_1778 = arith.index_cast %get3A_1777 : i32 to index
    %get3A_1779 = arith.constant 16 : index
    %get3A_1780 = tpu.vector_load %arg6[%get3A_1778, %get3A_1779] {strides = array<i32>} : memref<512x32xf32, #tpu.memory_space<vmem>>, vector<16xf32>,
    tpu.vector_store_idx %arg7[%iota3A, %broadcast_in_dim3A_1772], %get3A_1776 : memref<16x512xf32, #tpu.memory_space<vmem>>[vector<16xi32>, vector<16xi32>], vector<16xf32>,
    tpu.vector_store_idx %arg8[%iota3A, %broadcast_in_dim3A_1772], %get3A_1780 : memref<16x512xf32, #tpu.memory_space<vmem>>[vector<16xi32>, vector<16xi32>], vector<16xf32>,
    %broadcast_in_dim3A_1781 = arith.constant 507 : i32
    %broadcast_in_dim3A_1782 = vector.broadcast %broadcast_in_dim3A_1781 : i32 to vector<16xi32>
    %get3A_1783 = arith.constant 507 : i32
    %get3A_1784 = arith.index_cast %get3A_1783 : i32 to index
    %get3A_1785 = arith.constant 0 : index
    %get3A_1786 = tpu.vector_load %arg6[%get3A_1784, %get3A_1785] {strides = array<i32>} : memref<512x32xf32, #tpu.memory_space<vmem>>, vector<16xf32>,
    %get3A_1787 = arith.constant 507 : i32
    %get3A_1788 = arith.index_cast %get3A_1787 : i32 to index
    %get3A_1789 = arith.constant 16 : index
    %get3A_1790 = tpu.vector_load %arg6[%get3A_1788, %get3A_1789] {strides = array<i32>} : memref<512x32xf32, #tpu.memory_space<vmem>>, vector<16xf32>,
    tpu.vector_store_idx %arg7[%iota3A, %broadcast_in_dim3A_1782], %get3A_1786 : memref<16x512xf32, #tpu.memory_space<vmem>>[vector<16xi32>, vector<16xi32>], vector<16xf32>,
    tpu.vector_store_idx %arg8[%iota3A, %broadcast_in_dim3A_1782], %get3A_1790 : memref<16x512xf32, #tpu.memory_space<vmem>>[vector<16xi32>, vector<16xi32>], vector<16xf32>,
    %broadcast_in_dim3A_1791 = arith.constant 508 : i32
    %broadcast_in_dim3A_1792 = vector.broadcast %broadcast_in_dim3A_1791 : i32 to vector<16xi32>
    %get3A_1793 = arith.constant 508 : i32
    %get3A_1794 = arith.index_cast %get3A_1793 : i32 to index
    %get3A_1795 = arith.constant 0 : index
    %get3A_1796 = tpu.vector_load %arg6[%get3A_1794, %get3A_1795] {strides = array<i32>} : memref<512x32xf32, #tpu.memory_space<vmem>>, vector<16xf32>,
    %get3A_1797 = arith.constant 508 : i32
    %get3A_1798 = arith.index_cast %get3A_1797 : i32 to index
    %get3A_1799 = arith.constant 16 : index
    %get3A_1800 = tpu.vector_load %arg6[%get3A_1798, %get3A_1799] {strides = array<i32>} : memref<512x32xf32, #tpu.memory_space<vmem>>, vector<16xf32>,
    tpu.vector_store_idx %arg7[%iota3A, %broadcast_in_dim3A_1792], %get3A_1796 : memref<16x512xf32, #tpu.memory_space<vmem>>[vector<16xi32>, vector<16xi32>], vector<16xf32>,
    tpu.vector_store_idx %arg8[%iota3A, %broadcast_in_dim3A_1792], %get3A_1800 : memref<16x512xf32, #tpu.memory_space<vmem>>[vector<16xi32>, vector<16xi32>], vector<16xf32>,
    %broadcast_in_dim3A_1801 = arith.constant 509 : i32
    %broadcast_in_dim3A_1802 = vector.broadcast %broadcast_in_dim3A_1801 : i32 to vector<16xi32>
    %get3A_1803 = arith.constant 509 : i32
    %get3A_1804 = arith.index_cast %get3A_1803 : i32 to index
    %get3A_1805 = arith.constant 0 : index
    %get3A_1806 = tpu.vector_load %arg6[%get3A_1804, %get3A_1805] {strides = array<i32>} : memref<512x32xf32, #tpu.memory_space<vmem>>, vector<16xf32>,
    %get3A_1807 = arith.constant 509 : i32
    %get3A_1808 = arith.index_cast %get3A_1807 : i32 to index
    %get3A_1809 = arith.constant 16 : index
    %get3A_1810 = tpu.vector_load %arg6[%get3A_1808, %get3A_1809] {strides = array<i32>} : memref<512x32xf32, #tpu.memory_space<vmem>>, vector<16xf32>,
    tpu.vector_store_idx %arg7[%iota3A, %broadcast_in_dim3A_1802], %get3A_1806 : memref<16x512xf32, #tpu.memory_space<vmem>>[vector<16xi32>, vector<16xi32>], vector<16xf32>,
    tpu.vector_store_idx %arg8[%iota3A, %broadcast_in_dim3A_1802], %get3A_1810 : memref<16x512xf32, #tpu.memory_space<vmem>>[vector<16xi32>, vector<16xi32>], vector<16xf32>,
    %broadcast_in_dim3A_1811 = arith.constant 510 : i32
    %broadcast_in_dim3A_1812 = vector.broadcast %broadcast_in_dim3A_1811 : i32 to vector<16xi32>
    %get3A_1813 = arith.constant 510 : i32
    %get3A_1814 = arith.index_cast %get3A_1813 : i32 to index
    %get3A_1815 = arith.constant 0 : index
    %get3A_1816 = tpu.vector_load %arg6[%get3A_1814, %get3A_1815] {strides = array<i32>} : memref<512x32xf32, #tpu.memory_space<vmem>>, vector<16xf32>,
    %get3A_1817 = arith.constant 510 : i32
    %get3A_1818 = arith.index_cast %get3A_1817 : i32 to index
    %get3A_1819 = arith.constant 16 : index
    %get3A_1820 = tpu.vector_load %arg6[%get3A_1818, %get3A_1819] {strides = array<i32>} : memref<512x32xf32, #tpu.memory_space<vmem>>, vector<16xf32>,
    tpu.vector_store_idx %arg7[%iota3A, %broadcast_in_dim3A_1812], %get3A_1816 : memref<16x512xf32, #tpu.memory_space<vmem>>[vector<16xi32>, vector<16xi32>], vector<16xf32>,
    tpu.vector_store_idx %arg8[%iota3A, %broadcast_in_dim3A_1812], %get3A_1820 : memref<16x512xf32, #tpu.memory_space<vmem>>[vector<16xi32>, vector<16xi32>], vector<16xf32>,
    %broadcast_in_dim3A_1821 = arith.constant 511 : i32
    %broadcast_in_dim3A_1822 = vector.broadcast %broadcast_in_dim3A_1821 : i32 to vector<16xi32>
    %get3A_1823 = arith.constant 511 : i32
    %get3A_1824 = arith.index_cast %get3A_1823 : i32 to index
    %get3A_1825 = arith.constant 0 : index
    %get3A_1826 = tpu.vector_load %arg6[%get3A_1824, %get3A_1825] {strides = array<i32>} : memref<512x32xf32, #tpu.memory_space<vmem>>, vector<16xf32>,
    %get3A_1827 = arith.constant 511 : i32
    %get3A_1828 = arith.index_cast %get3A_1827 : i32 to index
    %get3A_1829 = arith.constant 16 : index
    %get3A_1830 = tpu.vector_load %arg6[%get3A_1828, %get3A_1829] {strides = array<i32>} : memref<512x32xf32, #tpu.memory_space<vmem>>, vector<16xf32>,
    tpu.vector_store_idx %arg7[%iota3A, %broadcast_in_dim3A_1822], %get3A_1826 : memref<16x512xf32, #tpu.memory_space<vmem>>[vector<16xi32>, vector<16xi32>], vector<16xf32>,
    tpu.vector_store_idx %arg8[%iota3A, %broadcast_in_dim3A_1822], %get3A_1830 : memref<16x512xf32, #tpu.memory_space<vmem>>[vector<16xi32>, vector<16xi32>], vector<16xf32>,
    %dma_start3A_1831 = arith.constant 0 : i32
    %dma_start3A_1832 = tpu.memref_slice %arg4[%dma_start3A_1831, %mul3A_2] : memref<32x16384xf32, #tpu.memory_space<hbm>> -> memref<16x512xf32, #tpu.memory_space<hbm>>
    %dma_start3A_1833 = arith.constant 0 : i32
    %dma_start3A_1834 = tpu.memref_slice %arg4[%dma_start3A_1833, %mul3A_2] : memref<32x16384xf32, #tpu.memory_space<hbm>> -> memref<16x512xf32, #tpu.memory_space<hbm>>
    tpu.enqueue_dma source(%arg7 : memref<16x512xf32, #tpu.memory_space<vmem>>) target(%dma_start3A_1834 : memref<16x512xf32, #tpu.memory_space<hbm>>) target_semaphore(%arg10 : memref<!tpu.dma_semaphore, #tpu.memory_space<semaphore_mem>>)
    %dma_wait3A_1835 = arith.constant 0 : i32
    %dma_wait3A_1836 = tpu.memref_slice %arg4[%dma_wait3A_1835, %mul3A_2] : memref<32x16384xf32, #tpu.memory_space<hbm>> -> memref<16x512xf32, #tpu.memory_space<hbm>>
    %dma_wait3A_1837 = arith.constant 0 : i32
    %dma_wait3A_1838 = tpu.memref_slice %arg4[%dma_wait3A_1837, %mul3A_2] : memref<32x16384xf32, #tpu.memory_space<hbm>> -> memref<16x512xf32, #tpu.memory_space<hbm>>
    tpu.wait_dma2 semaphore(%arg10 : memref<!tpu.dma_semaphore, #tpu.memory_space<semaphore_mem>>) src(%arg7 : memref<16x512xf32, #tpu.memory_space<vmem>>) dst(%dma_wait3A_1838 : memref<16x512xf32, #tpu.memory_space<hbm>>)
    %dma_start3A_1839 = arith.constant 16 : i32
    %dma_start3A_1840 = tpu.memref_slice %arg4[%dma_start3A_1839, %mul3A_2] : memref<32x16384xf32, #tpu.memory_space<hbm>> -> memref<16x512xf32, #tpu.memory_space<hbm>>
    %dma_start3A_1841 = arith.constant 16 : i32
    %dma_start3A_1842 = tpu.memref_slice %arg4[%dma_start3A_1841, %mul3A_2] : memref<32x16384xf32, #tpu.memory_space<hbm>> -> memref<16x512xf32, #tpu.memory_space<hbm>>
    tpu.enqueue_dma source(%arg8 : memref<16x512xf32, #tpu.memory_space<vmem>>) target(%dma_start3A_1842 : memref<16x512xf32, #tpu.memory_space<hbm>>) target_semaphore(%arg10 : memref<!tpu.dma_semaphore, #tpu.memory_space<semaphore_mem>>)
    %dma_wait3A_1843 = arith.constant 16 : i32
    %dma_wait3A_1844 = tpu.memref_slice %arg4[%dma_wait3A_1843, %mul3A_2] : memref<32x16384xf32, #tpu.memory_space<hbm>> -> memref<16x512xf32, #tpu.memory_space<hbm>>
    %dma_wait3A_1845 = arith.constant 16 : i32
    %dma_wait3A_1846 = tpu.memref_slice %arg4[%dma_wait3A_1845, %mul3A_2] : memref<32x16384xf32, #tpu.memory_space<hbm>> -> memref<16x512xf32, #tpu.memory_space<hbm>>
    tpu.wait_dma2 semaphore(%arg10 : memref<!tpu.dma_semaphore, #tpu.memory_space<semaphore_mem>>) src(%arg8 : memref<16x512xf32, #tpu.memory_space<vmem>>) dst(%dma_wait3A_1846 : memref<16x512xf32, #tpu.memory_space<hbm>>)
    return
  }
}

</mosaic_0001>

<sc_bundles>
// kernel: kernel.3.cloned.1.call-start
scs
__scs_entry_jumppad:
0x0: {  	(pc) =	sbr.rel $0x88, $3  }
0x1: {  	(tag) =	ssettag $0x0;
	lr =	simm.s32 $0x1  }
0x2: {  	[smem:$0x3F9F] =	sst lr;
	_ =	strace $0xD0000000  }
0x3: {  	_ = 	snop  }
0x4: {  	_ = 	snop  }
0x5: {  	_ = 	snop  }
0x6: {  	_ = 	snop  }
0x7: {  	_ = 	snop  }
__scs_overlays_trampoline_lowered:
0x8: {  	[smem:$0x3FAE] =	sst s0  }
0x9: {  	[smem:$0x3FAF] =	sst s1  }
0xa: {  	[smem:$0x3FB0] =	sst s2  }
0xb: {  	[smem:$0x3FB1] =	sst s3  }
0xc: {  	[smem:$0x3FB2] =	sst s4  }
0xd: {  	[smem:$0x3FB3] =	sst s5  }
0xe: {  	[smem:$0x3FB4] =	sst s6  }
0xf: {  	[smem:$0x3FB5] =	sst s7  }
0x10: {  	[smem:$0x3FB6] =	sst s8  }
0x11: {  	[smem:$0x3FB7] =	sst s9;
	s0 =	simm.s32 @!p0 $0x0  }
0x12: {  	s1 =	sld [smem:$0x3F9D];
	s0 =	simm.s32 @p0 $0x1  }
0x13: {  	[smem:$0x3FB8] =	sst s0;
	s0 =	simm.s32 @!p1 $0x0  }
0x14: {  	s2 =	sld [smem:$0x3F9C];
	s0 =	simm.s32 @p1 $0x1  }
0x15: {  	[smem:$0x3FB9] =	sst s0;
	s0 =	simm.s32 @!p2 $0x0  }
0x16: {  	s3 =	sld [smem:$0x3FDB];
	s0 =	simm.s32 @p2 $0x1  }
0x17: {  	s4 =	simm.s32 $0x1BF5;
	[smem:$0x3FBB] =	sst s0  }
0x18: {  	s0 =	sld [smem:$0x3F9E];
	_ =	swait.ge [sflag:s4], $0x0  }
0x19: {  	s7 =	sld [smem:$0x3F9F]  }
0x1a: {  	s8 =	sadd.s32 $0xFFFFE003, lr  }
0x1b: {  	s9 =	sadd.s32 $0xFFFFFEF7, lr;
	s5 =	simm.s32 $0xFFFFFFFF;
	p2 =	slt.u32 s8, $0xFFFFF086  }
0x1c: {  	p1 =	slt.u32 s9, $0xF7A;
	s5 =	simm.s32 @!p2 $0x0  }
0x1d: {  	s5 =	simm.s32 @p1 $0x1;
	p0 =	seq.s32 s7, s2  }
0x1e: {  	s7 =	smul.u32 @!p0 $0xF7A, s2;
	p2 =	seq.s32 @!p0 s5, $0x0  }
0x1f: {  	s9 =	smul.u32 $0xF7A, s1;
	s8 =	simm.s32 @!p0 $0x1BF5;
	p2 =	por !p2, p0  }
0x20: {  	[sflag:s8] =	ssyncset.s32 @!p0 $0xFFFFF086;
	s6 =	sadd.s32 @!p0 s3, s7;
	s7 =	simm.s32 @!p0 $0x108  }
0x21: {  	s3 =	sadd.s32 s3, s9;
	s6 =	sadd.s32 @!p0 $0x88, s6;
	s7 =	simm.s32 @p2 $0x1082  }
0x22: {  	[simem:s7], [sflag:s8] =	dma.local @!p0 [hbm:s6], $0xF7A  }
0x23: {  	s9 =	sor.u32 $0xD0000000, s2;
	s6 =	simm.s32 $0x108;
	_ =	swait.ge @!p0 [sflag:s8], $0x0  }
0x24: {  	s3 =	sadd.s32 $0x88, s3;
	s6 =	simm.s32 @!p1 $0x1082;
	[sflag:s4] =	ssyncset.s32 $0xFFFFF086  }
0x25: {  	[simem:s6], [sflag:s4] =	dma.local [hbm:s3], $0xF7A  }
0x26: {  	[smem:$0x3F9F] =	sst s1;
	(tag) =	ssettag s2;
	_ =	strace s9  }
0x27: {  	s1 =	sld [smem:$0x3FAF]  }
0x28: {  	s2 =	sld [smem:$0x3FB0]  }
0x29: {  	s4 =	sld [smem:$0x3FB2]  }
0x2a: {  	p0 =	seq.s32 s5, $0x0;
	s5 =	sld [smem:$0x3FB3]  }
0x2b: {  	s6 =	sld [smem:$0x3FB4]  }
0x2c: {  	s7 =	sld [smem:$0x3FB5]  }
0x2d: {  	s3 =	simm.s32 $0x108;
	s8 =	sld [smem:$0x3FB6]  }
0x2e: {  	s3 =	simm.s32 @!p0 $0x1082;
	s9 =	sld [smem:$0x3FB7]  }
0x2f: {  	lr =	sadd.s32 s0, s3;
	s0 =	sld [smem:$0x3FAE]  }
0x30: {  	s3 =	sld [smem:$0x3FB1]  }
0x31: {  	[smem:$0x3FBA] =	sst s10  }
0x32: {  	s10 =	sld [smem:$0x3FB8];
	_ =	sdelay $0x3  }
0x33: {  	p0 =	seq.s32 s10, $0x1;
	s10 =	sld [smem:$0x3FBA];
	_ =	sdelay $0x3  }
0x34: {  	[smem:$0x3FBA] =	sst s10  }
0x35: {  	s10 =	sld [smem:$0x3FB9];
	_ =	sdelay $0x3  }
0x36: {  	p1 =	seq.s32 s10, $0x1;
	s10 =	sld [smem:$0x3FBA];
	_ =	sdelay $0x3  }
0x37: {  	[smem:$0x3FBA] =	sst s10  }
0x38: {  	s10 =	sld [smem:$0x3FBB]  }
0x39: {  	_ = 	snop;
	(pc) =	sbr.ind lr, $3  }
0x3a: {  	_ = 	snop  }
0x3b: {  	_ = 	snop  }
0x3c: {  	p2 =	seq.s32 s10, $0x1;
	s10 =	sld [smem:$0x3FBA]  }
0x3d: {  	_ =	shalt  }
0x3e: {  	_ =	shalt  }
0x3f: {  	_ =	shalt  }
0x40: {  	_ =	shalt  }
0x41: {  	_ =	shalt  }
0x42: {  	_ =	shalt  }
0x43: {  	_ =	shalt  }
0x44: {  	_ =	shalt  }
0x45: {  	_ =	shalt  }
0x46: {  	_ =	shalt  }
0x47: {  	_ =	shalt  }
0x48: {  	_ =	shalt  }
0x49: {  	_ =	shalt  }
0x4a: {  	_ =	shalt  }
0x4b: {  	_ =	shalt  }
0x4c: {  	_ =	shalt  }
0x4d: {  	_ =	shalt  }
0x4e: {  	_ =	shalt  }
0x4f: {  	_ =	shalt  }
0x50: {  	_ =	shalt  }
0x51: {  	_ =	shalt  }
0x52: {  	_ =	shalt  }
0x53: {  	_ =	shalt  }
0x54: {  	_ =	shalt  }
0x55: {  	_ =	shalt  }
0x56: {  	_ =	shalt  }
0x57: {  	_ =	shalt  }
0x58: {  	_ =	shalt  }
0x59: {  	_ =	shalt  }
0x5a: {  	_ =	shalt  }
0x5b: {  	_ =	shalt  }
0x5c: {  	_ =	shalt  }
0x5d: {  	_ =	shalt  }
0x5e: {  	_ =	shalt  }
0x5f: {  	_ =	shalt  }
0x60: {  	_ =	shalt  }
0x61: {  	_ =	shalt  }
0x62: {  	_ =	shalt  }
0x63: {  	_ =	shalt  }
0x64: {  	_ =	shalt  }
0x65: {  	_ =	shalt  }
0x66: {  	_ =	shalt  }
0x67: {  	_ =	shalt  }
0x68: {  	_ =	shalt  }
0x69: {  	_ =	shalt  }
0x6a: {  	_ =	shalt  }
0x6b: {  	_ =	shalt  }
0x6c: {  	_ =	shalt  }
0x6d: {  	_ =	shalt  }
0x6e: {  	_ =	shalt  }
0x6f: {  	_ =	shalt  }
0x70: {  	_ =	shalt  }
0x71: {  	_ =	shalt  }
0x72: {  	_ =	shalt  }
0x73: {  	_ =	shalt  }
0x74: {  	_ =	shalt  }
0x75: {  	_ =	shalt  }
0x76: {  	_ =	shalt  }
0x77: {  	_ =	shalt  }
0x78: {  	_ =	shalt  }
0x79: {  	_ =	shalt  }
0x7a: {  	_ =	shalt  }
0x7b: {  	_ =	shalt  }
0x7c: {  	_ =	shalt  }
0x7d: {  	_ =	shalt  }
0x7e: {  	_ =	shalt  }
0x7f: {  	_ =	shalt  }
0x80: {  	_ =	shalt  }
0x81: {  	_ =	shalt  }
0x82: {  	_ =	shalt  }
0x83: {  	_ =	shalt  }
0x84: {  	_ =	shalt  }
0x85: {  	_ =	shalt  }
0x86: {  	_ =	shalt  }
0x87: {  	_ =	shalt  }
.Lfunc_end0:
.L_simem_size_0:
called_computation_lowered:
.L_overlay_start_0:
0x88: {  	s2 =	sld [smem:$0x3FD9]  }
0x89: {  	s3 =	sld [smem:$0x3FFE];
	_ =	sdelay $0x1  }
0x8a: {  	s1 =	srdreg.scid  }
0x8b: {  	s0 =	sand.u32 $0x1, s1  }
0x8c: {  	s17 =	sshll.u32 s0, $0xA;
	s2 =	sadd.s32 s3, s2  }
0x8d: {  	s2 =	sadd.s32 s2, s17  }
0x8e: {  	[smem:$0x3FC6] =	sst s2  }
0x8f: {  	_ = 	snop  }
0x90: {  	s2 =	sld [smem:$0x3FC9]  }
0x91: {  	s18 =	sld [smem:$0x3FD0];
	(tm) =	ssettm $0x1  }
0x92: {  	s4 =	sld [smem:$0x3FFB];
	_ =	sdelay $0x3  }
0x93: {  	_ =	strace s4  }
0x94: {  	s4 =	sld [smem:$0x3FFC];
	_ =	sdelay $0x3  }
0x95: {  	_ =	strace s4  }
0x96: {  	s4 =	sld [smem:$0x3FFD];
	_ =	sdelay $0x3  }
0x97: {  	_ =	strace s4  }
0x98: {  	_ =	strace $0x8FFFFFFF  }
0x99: {  	s19 =	sld [smem:$0x3FDB];
	_ =	sdelay $0x1  }
0x9a: {  	s5 =	simm.s32 $_scs_section_size  }
0x9b: {  	s6 =	simm.s32 $_size__tile_overlayer_lowered;
	s7 =	simm.s32 $_tile_overlayer_lowered  }
0x9c: {  	s22 =	simm.s32 $0x1BFF;
	s21 =	sshll.u32 s7, $0x1;
	s4 =	sadd.s32 s5, s19  }
0x9d: {  	s8 =	simm.s32 $0x0;
	s20 =	sshll.u32 s6, $0x1;
	s6 =	sadd.s32 s21, s4  }
0x9e: {  	[timem:s8], [sflag:s22] =	dma.local [hbm:s6], s20  }
0x9f: {  	_ =	swait.ge [sflag:s22], s20  }
0xa0: {  	s5 =	ssub.s32 $0x0, s20;
	[sflag:s22] =	ssyncset.done $0x0  }
0xa1: {  	[sflag:s22] =	ssyncadd.s32 s5;
	_ =	sdelay $0x1  }
0xa2: {  	s23 =	simm.s32 $0x1B8B  }
0xa3: {  	_ =	swait.ge [sflag:s23], $0x1  }
0xa4: {  	[sflag:s23] =	ssyncset.done $0x0  }
0xa5: {  	s25 =	simm.s32 $0x1B8E;
	s24 =	sld [smem:$0x3FFE];
	[sflag:s23] =	ssyncadd.s32 $0xFFFFFFFF  }
0xa6: {  	s26 =	simm.s32 $execute0_lowered;
	[smem:$0x3FD2] =	sst s25  }
0xa7: {  	s6 =	sshll.u32 s26, $0x1;
	_ =	strace $0x80000046;
	[dreg:$0x1] =	wrdreg $0xFFFFFFFF  }
0xa8: {  	s28 =	simm.s32 $_size_execute0_lowered;
	s4 =	sadd.s32 s4, s6;
	[dreg:$0x0] =	wrdreg $0x0  }
0xa9: {  	s6 =	sshll.u32 s28, $0x1;
	[dreg:$0x2] =	wrdreg s4  }
0xaa: {  	[dreg:$0x3] =	wrdreg s6  }
0xab: {  	[dreg:$0x4] =	wrdreg $0xC0  }
0xac: {  	_ =	task [dreg:s8], $0x5FFFF  }
0xad: {  	[dreg:$0x1] =	wrdreg $0xFFFFFFFF  }
0xae: {  	[dreg:$0x0] =	wrdreg $0x60  }
0xaf: {  	[dreg:$0x2] =	wrdreg s24  }
0xb0: {  	[dreg:$0x3] =	wrdreg s2  }
0xb1: {  	[dreg:$0x4] =	wrdreg s18  }
0xb2: {  	[dreg:$0x5] =	wrdreg $0x9  }
0xb3: {  	_ =	task.clear_ibuf [dreg:s8], $0x6FFFF;
	_ =	strace $0x90000046  }
0xb4: {  	s29 =	simm.s32 $0x9;
	_ =	strace $0x80000048  }
0xb5: {  	_ =	swait.ge [sflag:s29], $0x1  }
0xb6: {  	[sflag:s29] =	ssyncadd.s32 $0xFFFFFFFF  }
0xb7: {  	_ =	strace $0x90000048  }
0xb8: {  	_ =	sfence  }
0xb9: {  	s30 =	sld [smem:$0x0];
	_ =	sdelay $0x2  }
0xba: {  	s31 =	sshll.u32 s1, $0xD;
	s1 =	sshrl.u32 s1, $0x2  }
0xbb: {  	s3 =	sand.u32 $0x4000, s31;
	s1 =	sadd.s32 s1, s30  }
0xbc: {  	s0 =	sor.u32 s3, s0;
	s1 =	sshll.u32 s1, $0x11  }
0xbd: {  	s0 =	sor.u32 s1, s0  }
0xbe: {  	s0 =	sadd.s32 $0x8F2B, s0  }
0xbf: {  	[sflag:s0] =	ssyncadd.remote.s32 $0x1  }
0xc0: {  	_ =	sfence.sel $0xFFFF  }
0xc1: {  	[dreg:$0x0] =	wrdreg $0xFFFFFFFF;
	(pc) =	sbr.abs _section_cstart, $3  }
0xc2: {  	[dreg:$0x1] =	wrdreg $0xFFFFFFFF  }
0xc3: {  	_ =	task.clear_ibuf [dreg:s8], $0x2FFFF;
	_ =	strace $0x9FFFFFFF  }
0xc4: {  	(tm) =	ssettm $0x7FFFFFFF  }
0xc5: {  	_ =	shalt  }
tec
execute0_lowered:
.L_overlay_start_1:
0x0: {  	(tag) =	ssettag $0x1  }
0x1: {  	v0 =	vimm.s32 $0x1380;
	vm14 =	vcmask $0x300;
	vm13 =	vcmask $0x704  }
0x2: {  	vm12 =	vcmask $0xB08;
	vm11 =	vcmask $0xF0C;
	vm10 =	vcmask $0x1310  }
0x3: {  	vm9 =	vcmask $0x1714;
	vm8 =	vcmask $0x1B18;
	vm0 =	vcmask $0x1F1C  }
0x4: {  	v1 =	vimm.s32 $0x1FB0;
	v2 =	vimm.s32 $0x1FB1;
	vm1 =	vcmask $0x2320  }
0x5: {  	vm2 =	vcmask $0x2724;
	vm3 =	vcmask $0x2B28;
	vm4 =	vcmask $0x2F2C  }
0x6: {  	vm5 =	vcmask $0x3330;
	vm6 =	vcmask $0x3734;
	vm7 =	vcmask $0x3B38  }
0x7: {  	v3 =	vimm.s32 $0x1FB4;
	v4 =	vimm.s32 $0x1FF2;
	v5 =	vimm.s32 $0x1FF3  }
0x8: {  	v6 =	vimm.s32 $0x1FF4;
	v7 =	vimm.s32 $0x1FF5;
	v8 =	vimm.s32 $0x1FF6  }
0x9: {  	v9 =	vimm.s32 $0x1FF7;
	v10 =	vimm.s32 $0x1FF8;
	v11 =	vimm.s32 $0x1FF9  }
0xa: {  	v12 =	vimm.s32 $0x1FFA;
	v13 =	vimm.s32 $0x1FFB;
	v14 =	vimm.s32 $0x1FFC  }
0xb: {  	v15 =	vimm.s32 $0x1FFD;
	v16 =	vimm.s32 $0x1FFE;
	v17 =	vimm.s32 $0x1FFF  }
0xc: {  	v0 =	vsel vm14, $0x0, v0;
	v1 =	vsel vm14, $0xC30, v1;
	v2 =	vsel vm14, $0xC31, v2  }
0xd: {  	v3 =	vsel vm14, $0xC34, v3;
	v4 =	vsel vm14, $0xC72, v4;
	v5 =	vsel vm14, $0xC73, v5  }
0xe: {  	v6 =	vsel vm14, $0xC74, v6;
	v7 =	vsel vm14, $0xC75, v7;
	v8 =	vsel vm14, $0xC76, v8  }
0xf: {  	v9 =	vsel vm14, $0xC77, v9;
	v10 =	vsel vm14, $0xC78, v10;
	v11 =	vsel vm14, $0xC79, v11  }
0x10: {  	v12 =	vsel vm14, $0xC7A, v12;
	v13 =	vsel vm14, $0xC7B, v13;
	v14 =	vsel vm14, $0xC7C, v14  }
0x11: {  	v15 =	vsel vm14, $0xC7D, v15;
	v16 =	vsel vm14, $0xC7E, v16;
	v17 =	vsel vm14, $0xC7F, v17  }
0x12: {  	v0 =	vsel vm13, $0x80, v0;
	v1 =	vsel vm13, $0xCB0, v1;
	v2 =	vsel vm13, $0xCB1, v2  }
0x13: {  	v3 =	vsel vm13, $0xCB4, v3;
	v4 =	vsel vm13, $0xCF2, v4;
	v5 =	vsel vm13, $0xCF3, v5  }
0x14: {  	v6 =	vsel vm13, $0xCF4, v6;
	v7 =	vsel vm13, $0xCF5, v7;
	v8 =	vsel vm13, $0xCF6, v8  }
0x15: {  	v9 =	vsel vm13, $0xCF7, v9;
	v10 =	vsel vm13, $0xCF8, v10;
	v11 =	vsel vm13, $0xCF9, v11  }
0x16: {  	v12 =	vsel vm13, $0xCFA, v12;
	v13 =	vsel vm13, $0xCFB, v13;
	v14 =	vsel vm13, $0xCFC, v14  }
0x17: {  	v15 =	vsel vm13, $0xCFD, v15;
	v16 =	vsel vm13, $0xCFE, v16;
	v17 =	vsel vm13, $0xCFF, v17  }
0x18: {  	v0 =	vsel vm12, $0x100, v0;
	v1 =	vsel vm12, $0xD30, v1;
	v2 =	vsel vm12, $0xD31, v2  }
0x19: {  	v3 =	vsel vm12, $0xD34, v3;
	v4 =	vsel vm12, $0xD72, v4;
	v5 =	vsel vm12, $0xD73, v5  }
0x1a: {  	v6 =	vsel vm12, $0xD74, v6;
	v7 =	vsel vm12, $0xD75, v7;
	v8 =	vsel vm12, $0xD76, v8  }
0x1b: {  	v9 =	vsel vm12, $0xD77, v9;
	v10 =	vsel vm12, $0xD78, v10;
	v11 =	vsel vm12, $0xD79, v11  }
0x1c: {  	v12 =	vsel vm12, $0xD7A, v12;
	v13 =	vsel vm12, $0xD7B, v13;
	v14 =	vsel vm12, $0xD7C, v14  }
0x1d: {  	v15 =	vsel vm12, $0xD7D, v15;
	v16 =	vsel vm12, $0xD7E, v16;
	v17 =	vsel vm12, $0xD7F, v17  }
0x1e: {  	v0 =	vsel vm11, $0x180, v0;
	v1 =	vsel vm11, $0xDB0, v1;
	v2 =	vsel vm11, $0xDB1, v2  }
0x1f: {  	v3 =	vsel vm11, $0xDB4, v3;
	v4 =	vsel vm11, $0xDF2, v4;
	v5 =	vsel vm11, $0xDF3, v5  }
0x20: {  	v6 =	vsel vm11, $0xDF4, v6;
	v7 =	vsel vm11, $0xDF5, v7;
	v8 =	vsel vm11, $0xDF6, v8  }
0x21: {  	v9 =	vsel vm11, $0xDF7, v9;
	v10 =	vsel vm11, $0xDF8, v10;
	v11 =	vsel vm11, $0xDF9, v11  }
0x22: {  	v12 =	vsel vm11, $0xDFA, v12;
	v13 =	vsel vm11, $0xDFB, v13;
	v14 =	vsel vm11, $0xDFC, v14  }
0x23: {  	v15 =	vsel vm11, $0xDFD, v15;
	v16 =	vsel vm11, $0xDFE, v16;
	v17 =	vsel vm11, $0xDFF, v17  }
0x24: {  	v0 =	vsel vm10, $0x200, v0;
	v1 =	vsel vm10, $0xE30, v1;
	v2 =	vsel vm10, $0xE31, v2  }
0x25: {  	v3 =	vsel vm10, $0xE34, v3;
	v4 =	vsel vm10, $0xE72, v4;
	v5 =	vsel vm10, $0xE73, v5  }
0x26: {  	v6 =	vsel vm10, $0xE74, v6;
	v7 =	vsel vm10, $0xE75, v7;
	v8 =	vsel vm10, $0xE76, v8  }
0x27: {  	v9 =	vsel vm10, $0xE77, v9;
	v10 =	vsel vm10, $0xE78, v10;
	v11 =	vsel vm10, $0xE79, v11  }
0x28: {  	v12 =	vsel vm10, $0xE7A, v12;
	v13 =	vsel vm10, $0xE7B, v13;
	v14 =	vsel vm10, $0xE7C, v14  }
0x29: {  	v15 =	vsel vm10, $0xE7D, v15;
	v16 =	vsel vm10, $0xE7E, v16;
	v17 =	vsel vm10, $0xE7F, v17  }
0x2a: {  	v0 =	vsel vm9, $0x280, v0;
	v1 =	vsel vm9, $0xEB0, v1;
	v2 =	vsel vm9, $0xEB1, v2  }
0x2b: {  	v3 =	vsel vm9, $0xEB4, v3;
	v4 =	vsel vm9, $0xEF2, v4;
	v5 =	vsel vm9, $0xEF3, v5  }
0x2c: {  	v6 =	vsel vm9, $0xEF4, v6;
	v7 =	vsel vm9, $0xEF5, v7;
	v8 =	vsel vm9, $0xEF6, v8  }
0x2d: {  	v9 =	vsel vm9, $0xEF7, v9;
	v10 =	vsel vm9, $0xEF8, v10;
	v11 =	vsel vm9, $0xEF9, v11  }
0x2e: {  	v12 =	vsel vm9, $0xEFA, v12;
	v13 =	vsel vm9, $0xEFB, v13;
	v14 =	vsel vm9, $0xEFC, v14  }
0x2f: {  	v15 =	vsel vm9, $0xEFD, v15;
	v16 =	vsel vm9, $0xEFE, v16;
	v17 =	vsel vm9, $0xEFF, v17  }
0x30: {  	v0 =	vsel vm8, $0x300, v0;
	v1 =	vsel vm8, $0xF30, v1;
	v2 =	vsel vm8, $0xF31, v2  }
0x31: {  	v3 =	vsel vm8, $0xF34, v3;
	v4 =	vsel vm8, $0xF72, v4;
	v5 =	vsel vm8, $0xF73, v5  }
0x32: {  	v6 =	vsel vm8, $0xF74, v6;
	v7 =	vsel vm8, $0xF75, v7;
	v8 =	vsel vm8, $0xF76, v8  }
0x33: {  	v9 =	vsel vm8, $0xF77, v9;
	v10 =	vsel vm8, $0xF78, v10;
	v11 =	vsel vm8, $0xF79, v11  }
0x34: {  	v12 =	vsel vm8, $0xF7A, v12;
	v13 =	vsel vm8, $0xF7B, v13;
	v14 =	vsel vm8, $0xF7C, v14  }
0x35: {  	v15 =	vsel vm8, $0xF7D, v15;
	v16 =	vsel vm8, $0xF7E, v16;
	v17 =	vsel vm8, $0xF7F, v17  }
0x36: {  	v0 =	vsel vm0, $0x380, v0;
	v1 =	vsel vm0, $0xFB0, v1;
	v2 =	vsel vm0, $0xFB1, v2  }
0x37: {  	v3 =	vsel vm0, $0xFB4, v3;
	v4 =	vsel vm0, $0xFF2, v4;
	v5 =	vsel vm0, $0xFF3, v5  }
0x38: {  	v6 =	vsel vm0, $0xFF4, v6;
	v7 =	vsel vm0, $0xFF5, v7;
	v8 =	vsel vm0, $0xFF6, v8  }
0x39: {  	v9 =	vsel vm0, $0xFF7, v9;
	v10 =	vsel vm0, $0xFF8, v10;
	v11 =	vsel vm0, $0xFF9, v11  }
0x3a: {  	v12 =	vsel vm0, $0xFFA, v12;
	v13 =	vsel vm0, $0xFFB, v13;
	v14 =	vsel vm0, $0xFFC, v14  }
0x3b: {  	v15 =	vsel vm0, $0xFFD, v15;
	v16 =	vsel vm0, $0xFFE, v16;
	v17 =	vsel vm0, $0xFFF, v17  }
0x3c: {  	v0 =	vsel vm1, $0x1000, v0;
	v1 =	vsel vm1, $0x1C30, v1;
	v2 =	vsel vm1, $0x1C31, v2  }
0x3d: {  	v3 =	vsel vm1, $0x1C34, v3;
	v4 =	vsel vm1, $0x1C72, v4;
	v5 =	vsel vm1, $0x1C73, v5  }
0x3e: {  	v6 =	vsel vm1, $0x1C74, v6;
	v7 =	vsel vm1, $0x1C75, v7;
	v8 =	vsel vm1, $0x1C76, v8  }
0x3f: {  	v9 =	vsel vm1, $0x1C77, v9;
	v10 =	vsel vm1, $0x1C78, v10;
	v11 =	vsel vm1, $0x1C79, v11  }
0x40: {  	v12 =	vsel vm1, $0x1C7A, v12;
	v13 =	vsel vm1, $0x1C7B, v13;
	v14 =	vsel vm1, $0x1C7C, v14  }
0x41: {  	v15 =	vsel vm1, $0x1C7D, v15;
	v16 =	vsel vm1, $0x1C7E, v16;
	v17 =	vsel vm1, $0x1C7F, v17  }
0x42: {  	v0 =	vsel vm2, $0x1080, v0;
	v1 =	vsel vm2, $0x1CB0, v1;
	v2 =	vsel vm2, $0x1CB1, v2  }
0x43: {  	v3 =	vsel vm2, $0x1CB4, v3;
	v4 =	vsel vm2, $0x1CF2, v4;
	v5 =	vsel vm2, $0x1CF3, v5  }
0x44: {  	v6 =	vsel vm2, $0x1CF4, v6;
	v7 =	vsel vm2, $0x1CF5, v7;
	v8 =	vsel vm2, $0x1CF6, v8  }
0x45: {  	v9 =	vsel vm2, $0x1CF7, v9;
	v10 =	vsel vm2, $0x1CF8, v10;
	v1 =	vsel vm3, $0x1D30, v1  }
0x46: {  	v11 =	vsel vm2, $0x1CF9, v11;
	v2 =	vsel vm3, $0x1D31, v2;
	v1 =	vsel vm4, $0x1DB0, v1  }
0x47: {  	v12 =	vsel vm2, $0x1CFA, v12;
	v2 =	vsel vm4, $0x1DB1, v2;
	v1 =	vsel vm5, $0x1E30, v1  }
0x48: {  	v13 =	vsel vm2, $0x1CFB, v13;
	v2 =	vsel vm5, $0x1E31, v2;
	v1 =	vsel vm6, $0x1EB0, v1  }
0x49: {  	v14 =	vsel vm2, $0x1CFC, v14;
	v2 =	vsel vm6, $0x1EB1, v2;
	v1 =	vsel vm7, $0x1F30, v1  }
0x4a: {  	v15 =	vsel vm2, $0x1CFD, v15;
	v16 =	vsel vm2, $0x1CFE, v16;
	[tilespmem:$0x1FEA0] =	vst v1;
	v1 =	vsel vm7, $0x1F31, v2  }
0x4b: {  	v17 =	vsel vm2, $0x1CFF, v17;
	v0 =	vsel vm3, $0x1100, v0;
	[tilespmem:$0x1FEB0] =	vst v1;
	v1 =	vimm.s32 $0x1FB2  }
0x4c: {  	v3 =	vsel vm3, $0x1D34, v3;
	v2 =	vimm.s32 $0x1FB3;
	v1 =	vsel vm14, $0xC32, v1  }
0x4d: {  	v4 =	vsel vm3, $0x1D72, v4;
	v2 =	vsel vm14, $0xC33, v2;
	v1 =	vsel vm13, $0xCB2, v1  }
0x4e: {  	v5 =	vsel vm3, $0x1D73, v5;
	v2 =	vsel vm13, $0xCB3, v2;
	v1 =	vsel vm12, $0xD32, v1  }
0x4f: {  	v6 =	vsel vm3, $0x1D74, v6;
	v2 =	vsel vm12, $0xD33, v2;
	v1 =	vsel vm11, $0xDB2, v1  }
0x50: {  	v7 =	vsel vm3, $0x1D75, v7;
	v2 =	vsel vm11, $0xDB3, v2;
	v1 =	vsel vm10, $0xE32, v1  }
0x51: {  	v8 =	vsel vm3, $0x1D76, v8;
	v2 =	vsel vm10, $0xE33, v2;
	v1 =	vsel vm9, $0xEB2, v1  }
0x52: {  	v9 =	vsel vm3, $0x1D77, v9;
	v2 =	vsel vm9, $0xEB3, v2;
	v1 =	vsel vm8, $0xF32, v1  }
0x53: {  	v10 =	vsel vm3, $0x1D78, v10;
	v2 =	vsel vm8, $0xF33, v2;
	v1 =	vsel vm0, $0xFB2, v1  }
0x54: {  	v11 =	vsel vm3, $0x1D79, v11;
	v2 =	vsel vm0, $0xFB3, v2;
	v1 =	vsel vm1, $0x1C32, v1  }
0x55: {  	v12 =	vsel vm3, $0x1D7A, v12;
	v2 =	vsel vm1, $0x1C33, v2;
	v1 =	vsel vm2, $0x1CB2, v1  }
0x56: {  	v13 =	vsel vm3, $0x1D7B, v13;
	v2 =	vsel vm2, $0x1CB3, v2;
	v1 =	vsel vm3, $0x1D32, v1  }
0x57: {  	v14 =	vsel vm3, $0x1D7C, v14;
	v2 =	vsel vm3, $0x1D33, v2;
	v1 =	vsel vm4, $0x1DB2, v1  }
0x58: {  	v15 =	vsel vm3, $0x1D7D, v15;
	v2 =	vsel vm4, $0x1DB3, v2;
	v1 =	vsel vm5, $0x1E32, v1  }
0x59: {  	v3 =	vsel vm4, $0x1DB4, v3;
	v2 =	vsel vm5, $0x1E33, v2;
	v1 =	vsel vm6, $0x1EB2, v1  }
0x5a: {  	v3 =	vsel vm5, $0x1E34, v3;
	v2 =	vsel vm6, $0x1EB3, v2;
	v1 =	vsel vm7, $0x1F32, v1  }
0x5b: {  	v16 =	vsel vm3, $0x1D7E, v16;
	v3 =	vsel vm6, $0x1EB4, v3;
	[tilespmem:$0x1FEC0] =	vst v1;
	v1 =	vsel vm7, $0x1F33, v2  }
0x5c: {  	v17 =	vsel vm3, $0x1D7F, v17;
	v0 =	vsel vm4, $0x1180, v0;
	[tilespmem:$0x1FED0] =	vst v1;
	v1 =	vsel vm7, $0x1F34, v3  }
0x5d: {  	v4 =	vsel vm4, $0x1DF2, v4;
	v5 =	vsel vm4, $0x1DF3, v5;
	[tilespmem:$0x1FEE0] =	vst v1;
	v1 =	vimm.s32 $0x1FB5  }
0x5e: {  	v6 =	vsel vm4, $0x1DF4, v6;
	v2 =	vimm.s32 $0x1FB6;
	v1 =	vsel vm14, $0xC35, v1  }
0x5f: {  	v3 =	vimm.s32 $0x1FB7;
	v2 =	vsel vm14, $0xC36, v2;
	v1 =	vsel vm13, $0xCB5, v1  }
0x60: {  	v3 =	vsel vm14, $0xC37, v3;
	v2 =	vsel vm13, $0xCB6, v2;
	v1 =	vsel vm12, $0xD35, v1  }
0x61: {  	v3 =	vsel vm13, $0xCB7, v3;
	v2 =	vsel vm12, $0xD36, v2;
	v1 =	vsel vm11, $0xDB5, v1  }
0x62: {  	v3 =	vsel vm12, $0xD37, v3;
	v2 =	vsel vm11, $0xDB6, v2;
	v1 =	vsel vm10, $0xE35, v1  }
0x63: {  	v3 =	vsel vm11, $0xDB7, v3;
	v2 =	vsel vm10, $0xE36, v2;
	v1 =	vsel vm9, $0xEB5, v1  }
0x64: {  	v3 =	vsel vm10, $0xE37, v3;
	v2 =	vsel vm9, $0xEB6, v2;
	v1 =	vsel vm8, $0xF35, v1  }
0x65: {  	v3 =	vsel vm9, $0xEB7, v3;
	v2 =	vsel vm8, $0xF36, v2;
	v1 =	vsel vm0, $0xFB5, v1  }
0x66: {  	v3 =	vsel vm8, $0xF37, v3;
	v2 =	vsel vm0, $0xFB6, v2;
	v1 =	vsel vm1, $0x1C35, v1  }
0x67: {  	v3 =	vsel vm0, $0xFB7, v3;
	v2 =	vsel vm1, $0x1C36, v2;
	v1 =	vsel vm2, $0x1CB5, v1  }
0x68: {  	v3 =	vsel vm1, $0x1C37, v3;
	v2 =	vsel vm2, $0x1CB6, v2;
	v1 =	vsel vm3, $0x1D35, v1  }
0x69: {  	v3 =	vsel vm2, $0x1CB7, v3;
	v2 =	vsel vm3, $0x1D36, v2;
	v1 =	vsel vm4, $0x1DB5, v1  }
0x6a: {  	v3 =	vsel vm3, $0x1D37, v3;
	v2 =	vsel vm4, $0x1DB6, v2;
	v1 =	vsel vm5, $0x1E35, v1  }
0x6b: {  	v3 =	vsel vm4, $0x1DB7, v3;
	v2 =	vsel vm5, $0x1E36, v2;
	v1 =	vsel vm6, $0x1EB5, v1  }
0x6c: {  	v3 =	vsel vm5, $0x1E37, v3;
	v2 =	vsel vm6, $0x1EB6, v2;
	v1 =	vsel vm7, $0x1F35, v1  }
0x6d: {  	v7 =	vsel vm4, $0x1DF5, v7;
	v3 =	vsel vm6, $0x1EB7, v3;
	[tilespmem:$0x1FEF0] =	vst v1;
	v1 =	vsel vm7, $0x1F36, v2  }
0x6e: {  	v8 =	vsel vm4, $0x1DF6, v8;
	v9 =	vsel vm4, $0x1DF7, v9;
	[tilespmem:$0x1FF00] =	vst v1;
	v1 =	vsel vm7, $0x1F37, v3  }
0x6f: {  	v10 =	vsel vm4, $0x1DF8, v10;
	v11 =	vsel vm4, $0x1DF9, v11;
	[tilespmem:$0x1FF10] =	vst v1;
	v1 =	vimm.s32 $0x1FB8  }
0x70: {  	v12 =	vsel vm4, $0x1DFA, v12;
	v2 =	vimm.s32 $0x1FB9;
	v1 =	vsel vm14, $0xC38, v1  }
0x71: {  	v3 =	vimm.s32 $0x1FBA;
	v2 =	vsel vm14, $0xC39, v2;
	v1 =	vsel vm13, $0xCB8, v1  }
0x72: {  	v3 =	vsel vm14, $0xC3A, v3;
	v2 =	vsel vm13, $0xCB9, v2;
	v1 =	vsel vm12, $0xD38, v1  }
0x73: {  	v3 =	vsel vm13, $0xCBA, v3;
	v2 =	vsel vm12, $0xD39, v2;
	v1 =	vsel vm11, $0xDB8, v1  }
0x74: {  	v3 =	vsel vm12, $0xD3A, v3;
	v2 =	vsel vm11, $0xDB9, v2;
	v1 =	vsel vm10, $0xE38, v1  }
0x75: {  	v3 =	vsel vm11, $0xDBA, v3;
	v2 =	vsel vm10, $0xE39, v2;
	v1 =	vsel vm9, $0xEB8, v1  }
0x76: {  	v3 =	vsel vm10, $0xE3A, v3;
	v2 =	vsel vm9, $0xEB9, v2;
	v1 =	vsel vm8, $0xF38, v1  }
0x77: {  	v3 =	vsel vm9, $0xEBA, v3;
	v2 =	vsel vm8, $0xF39, v2;
	v1 =	vsel vm0, $0xFB8, v1  }
0x78: {  	v3 =	vsel vm8, $0xF3A, v3;
	v2 =	vsel vm0, $0xFB9, v2;
	v1 =	vsel vm1, $0x1C38, v1  }
0x79: {  	v3 =	vsel vm0, $0xFBA, v3;
	v2 =	vsel vm1, $0x1C39, v2;
	v1 =	vsel vm2, $0x1CB8, v1  }
0x7a: {  	v3 =	vsel vm1, $0x1C3A, v3;
	v2 =	vsel vm2, $0x1CB9, v2;
	v1 =	vsel vm3, $0x1D38, v1  }
0x7b: {  	v3 =	vsel vm2, $0x1CBA, v3;
	v2 =	vsel vm3, $0x1D39, v2;
	v1 =	vsel vm4, $0x1DB8, v1  }
0x7c: {  	v3 =	vsel vm3, $0x1D3A, v3;
	v2 =	vsel vm4, $0x1DB9, v2;
	v1 =	vsel vm5, $0x1E38, v1  }
0x7d: {  	v3 =	vsel vm4, $0x1DBA, v3;
	v2 =	vsel vm5, $0x1E39, v2;
	v1 =	vsel vm6, $0x1EB8, v1  }
0x7e: {  	v3 =	vsel vm5, $0x1E3A, v3;
	v2 =	vsel vm6, $0x1EB9, v2;
	v1 =	vsel vm7, $0x1F38, v1  }
0x7f: {  	v13 =	vsel vm4, $0x1DFB, v13;
	v3 =	vsel vm6, $0x1EBA, v3;
	[tilespmem:$0x1FF20] =	vst v1;
	v1 =	vsel vm7, $0x1F39, v2  }
0x80: {  	v14 =	vsel vm4, $0x1DFC, v14;
	v15 =	vsel vm4, $0x1DFD, v15;
	[tilespmem:$0x1FF30] =	vst v1;
	v1 =	vsel vm7, $0x1F3A, v3  }
0x81: {  	v16 =	vsel vm4, $0x1DFE, v16;
	v17 =	vsel vm4, $0x1DFF, v17;
	[tilespmem:$0x1FF40] =	vst v1;
	v1 =	vimm.s32 $0x1FBB  }
0x82: {  	v0 =	vsel vm5, $0x1200, v0;
	v2 =	vimm.s32 $0x1FBC;
	v1 =	vsel vm14, $0xC3B, v1  }
0x83: {  	v3 =	vimm.s32 $0x1FBD;
	v2 =	vsel vm14, $0xC3C, v2;
	v1 =	vsel vm13, $0xCBB, v1  }
0x84: {  	v3 =	vsel vm14, $0xC3D, v3;
	v2 =	vsel vm13, $0xCBC, v2;
	v1 =	vsel vm12, $0xD3B, v1  }
0x85: {  	v3 =	vsel vm13, $0xCBD, v3;
	v2 =	vsel vm12, $0xD3C, v2;
	v1 =	vsel vm11, $0xDBB, v1  }
0x86: {  	v3 =	vsel vm12, $0xD3D, v3;
	v2 =	vsel vm11, $0xDBC, v2;
	v1 =	vsel vm10, $0xE3B, v1  }
0x87: {  	v3 =	vsel vm11, $0xDBD, v3;
	v2 =	vsel vm10, $0xE3C, v2;
	v1 =	vsel vm9, $0xEBB, v1  }
0x88: {  	v3 =	vsel vm10, $0xE3D, v3;
	v2 =	vsel vm9, $0xEBC, v2;
	v1 =	vsel vm8, $0xF3B, v1  }
0x89: {  	v3 =	vsel vm9, $0xEBD, v3;
	v2 =	vsel vm8, $0xF3C, v2;
	v1 =	vsel vm0, $0xFBB, v1  }
0x8a: {  	v3 =	vsel vm8, $0xF3D, v3;
	v2 =	vsel vm0, $0xFBC, v2;
	v1 =	vsel vm1, $0x1C3B, v1  }
0x8b: {  	v3 =	vsel vm0, $0xFBD, v3;
	v2 =	vsel vm1, $0x1C3C, v2;
	v1 =	vsel vm2, $0x1CBB, v1  }
0x8c: {  	v3 =	vsel vm1, $0x1C3D, v3;
	v2 =	vsel vm2, $0x1CBC, v2;
	v1 =	vsel vm3, $0x1D3B, v1  }
0x8d: {  	v3 =	vsel vm2, $0x1CBD, v3;
	v2 =	vsel vm3, $0x1D3C, v2;
	v1 =	vsel vm4, $0x1DBB, v1  }
0x8e: {  	v3 =	vsel vm3, $0x1D3D, v3;
	v2 =	vsel vm4, $0x1DBC, v2;
	v1 =	vsel vm5, $0x1E3B, v1  }
0x8f: {  	v3 =	vsel vm4, $0x1DBD, v3;
	v2 =	vsel vm5, $0x1E3C, v2;
	v1 =	vsel vm6, $0x1EBB, v1  }
0x90: {  	v3 =	vsel vm5, $0x1E3D, v3;
	v2 =	vsel vm6, $0x1EBC, v2;
	v1 =	vsel vm7, $0x1F3B, v1  }
0x91: {  	v4 =	vsel vm5, $0x1E72, v4;
	v3 =	vsel vm6, $0x1EBD, v3;
	[tilespmem:$0x1FF50] =	vst v1;
	v1 =	vsel vm7, $0x1F3C, v2  }
0x92: {  	v5 =	vsel vm5, $0x1E73, v5;
	v6 =	vsel vm5, $0x1E74, v6;
	[tilespmem:$0x1FF60] =	vst v1;
	v1 =	vsel vm7, $0x1F3D, v3  }
0x93: {  	v7 =	vsel vm5, $0x1E75, v7;
	v8 =	vsel vm5, $0x1E76, v8;
	[tilespmem:$0x1FF70] =	vst v1;
	v1 =	vimm.s32 $0x1FBE  }
0x94: {  	v9 =	vsel vm5, $0x1E77, v9;
	v2 =	vimm.s32 $0x1FBF;
	v1 =	vsel vm14, $0xC3E, v1  }
0x95: {  	v3 =	vimm.s32 $0x1FC0;
	v2 =	vsel vm14, $0xC3F, v2;
	v1 =	vsel vm13, $0xCBE, v1  }
0x96: {  	v3 =	vsel vm14, $0xC40, v3;
	v2 =	vsel vm13, $0xCBF, v2;
	v1 =	vsel vm12, $0xD3E, v1  }
0x97: {  	v3 =	vsel vm13, $0xCC0, v3;
	v2 =	vsel vm12, $0xD3F, v2;
	v1 =	vsel vm11, $0xDBE, v1  }
0x98: {  	v3 =	vsel vm12, $0xD40, v3;
	v2 =	vsel vm11, $0xDBF, v2;
	v1 =	vsel vm10, $0xE3E, v1  }
0x99: {  	v3 =	vsel vm11, $0xDC0, v3;
	v2 =	vsel vm10, $0xE3F, v2;
	v1 =	vsel vm9, $0xEBE, v1  }
0x9a: {  	v3 =	vsel vm10, $0xE40, v3;
	v2 =	vsel vm9, $0xEBF, v2;
	v1 =	vsel vm8, $0xF3E, v1  }
0x9b: {  	v3 =	vsel vm9, $0xEC0, v3;
	v2 =	vsel vm8, $0xF3F, v2;
	v1 =	vsel vm0, $0xFBE, v1  }
0x9c: {  	v3 =	vsel vm8, $0xF40, v3;
	v2 =	vsel vm0, $0xFBF, v2;
	v1 =	vsel vm1, $0x1C3E, v1  }
0x9d: {  	v3 =	vsel vm0, $0xFC0, v3;
	v2 =	vsel vm1, $0x1C3F, v2;
	v1 =	vsel vm2, $0x1CBE, v1  }
0x9e: {  	v3 =	vsel vm1, $0x1C40, v3;
	v2 =	vsel vm2, $0x1CBF, v2;
	v1 =	vsel vm3, $0x1D3E, v1  }
0x9f: {  	v3 =	vsel vm2, $0x1CC0, v3;
	v2 =	vsel vm3, $0x1D3F, v2;
	v1 =	vsel vm4, $0x1DBE, v1  }
0xa0: {  	v3 =	vsel vm3, $0x1D40, v3;
	v2 =	vsel vm4, $0x1DBF, v2;
	v1 =	vsel vm5, $0x1E3E, v1  }
0xa1: {  	v3 =	vsel vm4, $0x1DC0, v3;
	v2 =	vsel vm5, $0x1E3F, v2;
	v1 =	vsel vm6, $0x1EBE, v1  }
0xa2: {  	v3 =	vsel vm5, $0x1E40, v3;
	v2 =	vsel vm6, $0x1EBF, v2;
	v1 =	vsel vm7, $0x1F3E, v1  }
0xa3: {  	v10 =	vsel vm5, $0x1E78, v10;
	v3 =	vsel vm6, $0x1EC0, v3;
	[tilespmem:$0x1FF80] =	vst v1;
	v1 =	vsel vm7, $0x1F3F, v2  }
0xa4: {  	v11 =	vsel vm5, $0x1E79, v11;
	v12 =	vsel vm5, $0x1E7A, v12;
	[tilespmem:$0x1FF90] =	vst v1;
	v1 =	vsel vm7, $0x1F40, v3  }
0xa5: {  	v13 =	vsel vm5, $0x1E7B, v13;
	v14 =	vsel vm5, $0x1E7C, v14;
	[tilespmem:$0x1FFA0] =	vst v1;
	v1 =	vimm.s32 $0x1FC1  }
0xa6: {  	v15 =	vsel vm5, $0x1E7D, v15;
	v2 =	vimm.s32 $0x1FC2;
	v1 =	vsel vm14, $0xC41, v1  }
0xa7: {  	v3 =	vimm.s32 $0x1FC3;
	v2 =	vsel vm14, $0xC42, v2;
	v1 =	vsel vm13, $0xCC1, v1  }
0xa8: {  	v3 =	vsel vm14, $0xC43, v3;
	v2 =	vsel vm13, $0xCC2, v2;
	v1 =	vsel vm12, $0xD41, v1  }
0xa9: {  	v3 =	vsel vm13, $0xCC3, v3;
	v2 =	vsel vm12, $0xD42, v2;
	v1 =	vsel vm11, $0xDC1, v1  }
0xaa: {  	v3 =	vsel vm12, $0xD43, v3;
	v2 =	vsel vm11, $0xDC2, v2;
	v1 =	vsel vm10, $0xE41, v1  }
0xab: {  	v3 =	vsel vm11, $0xDC3, v3;
	v2 =	vsel vm10, $0xE42, v2;
	v1 =	vsel vm9, $0xEC1, v1  }
0xac: {  	v3 =	vsel vm10, $0xE43, v3;
	v2 =	vsel vm9, $0xEC2, v2;
	v1 =	vsel vm8, $0xF41, v1  }
0xad: {  	v3 =	vsel vm9, $0xEC3, v3;
	v2 =	vsel vm8, $0xF42, v2;
	v1 =	vsel vm0, $0xFC1, v1  }
0xae: {  	v3 =	vsel vm8, $0xF43, v3;
	v2 =	vsel vm0, $0xFC2, v2;
	v1 =	vsel vm1, $0x1C41, v1  }
0xaf: {  	v3 =	vsel vm0, $0xFC3, v3;
	v2 =	vsel vm1, $0x1C42, v2;
	v1 =	vsel vm2, $0x1CC1, v1  }
0xb0: {  	v3 =	vsel vm1, $0x1C43, v3;
	v2 =	vsel vm2, $0x1CC2, v2;
	v1 =	vsel vm3, $0x1D41, v1  }
0xb1: {  	v3 =	vsel vm2, $0x1CC3, v3;
	v2 =	vsel vm3, $0x1D42, v2;
	v1 =	vsel vm4, $0x1DC1, v1  }
0xb2: {  	v3 =	vsel vm3, $0x1D43, v3;
	v2 =	vsel vm4, $0x1DC2, v2;
	v1 =	vsel vm5, $0x1E41, v1  }
0xb3: {  	v3 =	vsel vm4, $0x1DC3, v3;
	v2 =	vsel vm5, $0x1E42, v2;
	v1 =	vsel vm6, $0x1EC1, v1  }
0xb4: {  	v3 =	vsel vm5, $0x1E43, v3;
	v2 =	vsel vm6, $0x1EC2, v2;
	v1 =	vsel vm7, $0x1F41, v1  }
0xb5: {  	v16 =	vsel vm5, $0x1E7E, v16;
	v3 =	vsel vm6, $0x1EC3, v3;
	[tilespmem:$0x1FFB0] =	vst v1;
	v1 =	vsel vm7, $0x1F42, v2  }
0xb6: {  	v17 =	vsel vm5, $0x1E7F, v17;
	[tilespmem:$0x1FFC0] =	vst v1;
	v1 =	vsel vm7, $0x1F43, v3;
	v3 =	vimm.s32 $0x1FC6  }
0xb7: {  	v2 =	vimm.s32 $0x1FC5;
	[tilespmem:$0x1FFD0] =	vst v1;
	v1 =	vimm.s32 $0x1FC4;
	v3 =	vsel vm14, $0xC46, v3  }
0xb8: {  	v2 =	vsel vm14, $0xC45, v2;
	v1 =	vsel vm14, $0xC44, v1;
	v3 =	vsel vm13, $0xCC6, v3  }
0xb9: {  	v2 =	vsel vm13, $0xCC5, v2;
	v1 =	vsel vm13, $0xCC4, v1;
	v3 =	vsel vm12, $0xD46, v3  }
0xba: {  	v2 =	vsel vm12, $0xD45, v2;
	v1 =	vsel vm12, $0xD44, v1;
	v3 =	vsel vm11, $0xDC6, v3  }
0xbb: {  	v2 =	vsel vm11, $0xDC5, v2;
	v1 =	vsel vm11, $0xDC4, v1;
	v3 =	vsel vm10, $0xE46, v3  }
0xbc: {  	v2 =	vsel vm10, $0xE45, v2;
	v1 =	vsel vm10, $0xE44, v1;
	v3 =	vsel vm9, $0xEC6, v3  }
0xbd: {  	v2 =	vsel vm9, $0xEC5, v2;
	v1 =	vsel vm9, $0xEC4, v1;
	v3 =	vsel vm8, $0xF46, v3  }
0xbe: {  	v2 =	vsel vm8, $0xF45, v2;
	v1 =	vsel vm8, $0xF44, v1;
	v3 =	vsel vm0, $0xFC6, v3  }
0xbf: {  	v2 =	vsel vm0, $0xFC5, v2;
	v1 =	vsel vm0, $0xFC4, v1;
	v3 =	vsel vm1, $0x1C46, v3  }
0xc0: {  	v2 =	vsel vm1, $0x1C45, v2;
	v1 =	vsel vm1, $0x1C44, v1;
	v3 =	vsel vm2, $0x1CC6, v3  }
0xc1: {  	v2 =	vsel vm2, $0x1CC5, v2;
	v1 =	vsel vm2, $0x1CC4, v1;
	v3 =	vsel vm3, $0x1D46, v3  }
0xc2: {  	v2 =	vsel vm3, $0x1D45, v2;
	v1 =	vsel vm3, $0x1D44, v1;
	v3 =	vsel vm4, $0x1DC6, v3  }
0xc3: {  	v2 =	vsel vm4, $0x1DC5, v2;
	v1 =	vsel vm4, $0x1DC4, v1;
	v3 =	vsel vm5, $0x1E46, v3  }
0xc4: {  	v2 =	vsel vm5, $0x1E45, v2;
	v1 =	vsel vm5, $0x1E44, v1;
	v3 =	vsel vm6, $0x1EC6, v3  }
0xc5: {  	v1 =	vsel vm6, $0x1EC4, v1;
	v23 =	vsel vm7, $0x1F46, v3;
	v3 =	vimm.s32 $0x1FC9  }
0xc6: {  	v2 =	vsel vm6, $0x1EC5, v2;
	v1 =	vsel vm7, $0x1F44, v1;
	v3 =	vsel vm14, $0xC49, v3  }
0xc7: {  	[tilespmem:$0x1FFE0] =	vst v1;
	v1 =	vsel vm7, $0x1F45, v2;
	v2 =	vimm.s32 $0x1FC8;
	v3 =	vsel vm13, $0xCC9, v3  }
0xc8: {  	[tilespmem:$0x1FFF0] =	vst v1;
	v1 =	vimm.s32 $0x1FC7;
	v2 =	vsel vm14, $0xC48, v2;
	v3 =	vsel vm12, $0xD49, v3  }
0xc9: {  	v1 =	vsel vm14, $0xC47, v1;
	v2 =	vsel vm13, $0xCC8, v2;
	v3 =	vsel vm11, $0xDC9, v3  }
0xca: {  	v1 =	vsel vm13, $0xCC7, v1;
	v2 =	vsel vm12, $0xD48, v2;
	v3 =	vsel vm10, $0xE49, v3  }
0xcb: {  	v1 =	vsel vm12, $0xD47, v1;
	v2 =	vsel vm11, $0xDC8, v2;
	v3 =	vsel vm9, $0xEC9, v3  }
0xcc: {  	v1 =	vsel vm11, $0xDC7, v1;
	v2 =	vsel vm10, $0xE48, v2;
	v3 =	vsel vm8, $0xF49, v3  }
0xcd: {  	v1 =	vsel vm10, $0xE47, v1;
	v2 =	vsel vm9, $0xEC8, v2;
	v3 =	vsel vm0, $0xFC9, v3  }
0xce: {  	v1 =	vsel vm9, $0xEC7, v1;
	v2 =	vsel vm8, $0xF48, v2;
	v3 =	vsel vm1, $0x1C49, v3  }
0xcf: {  	v1 =	vsel vm8, $0xF47, v1;
	v2 =	vsel vm0, $0xFC8, v2;
	v3 =	vsel vm2, $0x1CC9, v3  }
0xd0: {  	v1 =	vsel vm0, $0xFC7, v1;
	v2 =	vsel vm1, $0x1C48, v2;
	v3 =	vsel vm3, $0x1D49, v3  }
0xd1: {  	v1 =	vsel vm1, $0x1C47, v1;
	v2 =	vsel vm2, $0x1CC8, v2;
	v3 =	vsel vm4, $0x1DC9, v3  }
0xd2: {  	v1 =	vsel vm2, $0x1CC7, v1;
	v2 =	vsel vm3, $0x1D48, v2;
	v3 =	vsel vm5, $0x1E49, v3  }
0xd3: {  	v1 =	vsel vm3, $0x1D47, v1;
	v2 =	vsel vm4, $0x1DC8, v2;
	v3 =	vsel vm6, $0x1EC9, v3  }
0xd4: {  	v1 =	vsel vm4, $0x1DC7, v1;
	v2 =	vsel vm5, $0x1E48, v2;
	v26 =	vsel vm7, $0x1F49, v3  }
0xd5: {  	v3 =	vimm.s32 $0x1FCC;
	v1 =	vsel vm5, $0x1E47, v1;
	v2 =	vsel vm6, $0x1EC8, v2  }
0xd6: {  	v3 =	vsel vm14, $0xC4C, v3;
	v1 =	vsel vm6, $0x1EC7, v1;
	v25 =	vsel vm7, $0x1F48, v2  }
0xd7: {  	v2 =	vimm.s32 $0x1FCB;
	v3 =	vsel vm13, $0xCCC, v3;
	v24 =	vsel vm7, $0x1F47, v1  }
0xd8: {  	v1 =	vimm.s32 $0x1FCA;
	v2 =	vsel vm14, $0xC4B, v2;
	v3 =	vsel vm12, $0xD4C, v3  }
0xd9: {  	v1 =	vsel vm14, $0xC4A, v1;
	v2 =	vsel vm13, $0xCCB, v2;
	v3 =	vsel vm11, $0xDCC, v3  }
0xda: {  	v1 =	vsel vm13, $0xCCA, v1;
	v2 =	vsel vm12, $0xD4B, v2;
	v3 =	vsel vm10, $0xE4C, v3  }
0xdb: {  	v1 =	vsel vm12, $0xD4A, v1;
	v2 =	vsel vm11, $0xDCB, v2;
	v3 =	vsel vm9, $0xECC, v3  }
0xdc: {  	v1 =	vsel vm11, $0xDCA, v1;
	v2 =	vsel vm10, $0xE4B, v2;
	v3 =	vsel vm8, $0xF4C, v3  }
0xdd: {  	v1 =	vsel vm10, $0xE4A, v1;
	v2 =	vsel vm9, $0xECB, v2;
	v3 =	vsel vm0, $0xFCC, v3  }
0xde: {  	v1 =	vsel vm9, $0xECA, v1;
	v2 =	vsel vm8, $0xF4B, v2;
	v3 =	vsel vm1, $0x1C4C, v3  }
0xdf: {  	v1 =	vsel vm8, $0xF4A, v1;
	v2 =	vsel vm0, $0xFCB, v2;
	v3 =	vsel vm2, $0x1CCC, v3  }
0xe0: {  	v1 =	vsel vm0, $0xFCA, v1;
	v2 =	vsel vm1, $0x1C4B, v2;
	v3 =	vsel vm3, $0x1D4C, v3  }
0xe1: {  	v1 =	vsel vm1, $0x1C4A, v1;
	v2 =	vsel vm2, $0x1CCB, v2;
	v3 =	vsel vm4, $0x1DCC, v3  }
0xe2: {  	v1 =	vsel vm2, $0x1CCA, v1;
	v2 =	vsel vm3, $0x1D4B, v2;
	v3 =	vsel vm5, $0x1E4C, v3  }
0xe3: {  	v1 =	vsel vm3, $0x1D4A, v1;
	v2 =	vsel vm4, $0x1DCB, v2;
	v3 =	vsel vm6, $0x1ECC, v3  }
0xe4: {  	v1 =	vsel vm4, $0x1DCA, v1;
	v2 =	vsel vm5, $0x1E4B, v2;
	v29 =	vsel vm7, $0x1F4C, v3  }
0xe5: {  	v3 =	vimm.s32 $0x1FCF;
	v1 =	vsel vm5, $0x1E4A, v1;
	v2 =	vsel vm6, $0x1ECB, v2  }
0xe6: {  	v3 =	vsel vm14, $0xC4F, v3;
	v1 =	vsel vm6, $0x1ECA, v1;
	v28 =	vsel vm7, $0x1F4B, v2  }
0xe7: {  	v2 =	vimm.s32 $0x1FCE;
	v3 =	vsel vm13, $0xCCF, v3;
	v27 =	vsel vm7, $0x1F4A, v1  }
0xe8: {  	v1 =	vimm.s32 $0x1FCD;
	v2 =	vsel vm14, $0xC4E, v2;
	v3 =	vsel vm12, $0xD4F, v3  }
0xe9: {  	v1 =	vsel vm14, $0xC4D, v1;
	v2 =	vsel vm13, $0xCCE, v2;
	v3 =	vsel vm11, $0xDCF, v3  }
0xea: {  	v1 =	vsel vm13, $0xCCD, v1;
	v2 =	vsel vm12, $0xD4E, v2;
	v3 =	vsel vm10, $0xE4F, v3  }
0xeb: {  	v1 =	vsel vm12, $0xD4D, v1;
	v2 =	vsel vm11, $0xDCE, v2;
	v3 =	vsel vm9, $0xECF, v3  }
0xec: {  	v1 =	vsel vm11, $0xDCD, v1;
	v2 =	vsel vm10, $0xE4E, v2;
	v3 =	vsel vm8, $0xF4F, v3  }
0xed: {  	v1 =	vsel vm10, $0xE4D, v1;
	v2 =	vsel vm9, $0xECE, v2;
	v3 =	vsel vm0, $0xFCF, v3  }
0xee: {  	v1 =	vsel vm9, $0xECD, v1;
	v2 =	vsel vm8, $0xF4E, v2;
	v3 =	vsel vm1, $0x1C4F, v3  }
0xef: {  	v1 =	vsel vm8, $0xF4D, v1;
	v2 =	vsel vm0, $0xFCE, v2;
	v3 =	vsel vm2, $0x1CCF, v3  }
0xf0: {  	v1 =	vsel vm0, $0xFCD, v1;
	v2 =	vsel vm1, $0x1C4E, v2;
	v3 =	vsel vm3, $0x1D4F, v3  }
0xf1: {  	v1 =	vsel vm1, $0x1C4D, v1;
	v2 =	vsel vm2, $0x1CCE, v2;
	v3 =	vsel vm4, $0x1DCF, v3  }
0xf2: {  	v1 =	vsel vm2, $0x1CCD, v1;
	v2 =	vsel vm3, $0x1D4E, v2;
	v3 =	vsel vm5, $0x1E4F, v3  }
0xf3: {  	v1 =	vsel vm3, $0x1D4D, v1;
	v2 =	vsel vm4, $0x1DCE, v2;
	v3 =	vsel vm6, $0x1ECF, v3  }
0xf4: {  	v1 =	vsel vm4, $0x1DCD, v1;
	v2 =	vsel vm5, $0x1E4E, v2;
	v32 =	vsel vm7, $0x1F4F, v3  }
0xf5: {  	v3 =	vimm.s32 $0x1FD2;
	v1 =	vsel vm5, $0x1E4D, v1;
	v2 =	vsel vm6, $0x1ECE, v2  }
0xf6: {  	v3 =	vsel vm14, $0xC52, v3;
	v1 =	vsel vm6, $0x1ECD, v1;
	v31 =	vsel vm7, $0x1F4E, v2  }
0xf7: {  	v2 =	vimm.s32 $0x1FD1;
	v3 =	vsel vm13, $0xCD2, v3;
	v30 =	vsel vm7, $0x1F4D, v1  }
0xf8: {  	v1 =	vimm.s32 $0x1FD0;
	v2 =	vsel vm14, $0xC51, v2;
	v3 =	vsel vm12, $0xD52, v3  }
0xf9: {  	v1 =	vsel vm14, $0xC50, v1;
	v2 =	vsel vm13, $0xCD1, v2;
	v3 =	vsel vm11, $0xDD2, v3  }
0xfa: {  	v1 =	vsel vm13, $0xCD0, v1;
	v2 =	vsel vm12, $0xD51, v2;
	v3 =	vsel vm10, $0xE52, v3  }
0xfb: {  	v1 =	vsel vm12, $0xD50, v1;
	v2 =	vsel vm11, $0xDD1, v2;
	v3 =	vsel vm9, $0xED2, v3  }
0xfc: {  	v1 =	vsel vm11, $0xDD0, v1;
	v2 =	vsel vm10, $0xE51, v2;
	v3 =	vsel vm8, $0xF52, v3  }
0xfd: {  	v1 =	vsel vm10, $0xE50, v1;
	v2 =	vsel vm9, $0xED1, v2;
	v3 =	vsel vm0, $0xFD2, v3  }
0xfe: {  	v1 =	vsel vm9, $0xED0, v1;
	v2 =	vsel vm8, $0xF51, v2;
	v3 =	vsel vm1, $0x1C52, v3  }
0xff: {  	v1 =	vsel vm8, $0xF50, v1;
	v2 =	vsel vm0, $0xFD1, v2;
	v3 =	vsel vm2, $0x1CD2, v3  }
0x100: {  	v1 =	vsel vm0, $0xFD0, v1;
	v2 =	vsel vm1, $0x1C51, v2;
	v3 =	vsel vm3, $0x1D52, v3  }
0x101: {  	v1 =	vsel vm1, $0x1C50, v1;
	v2 =	vsel vm2, $0x1CD1, v2;
	v3 =	vsel vm4, $0x1DD2, v3  }
0x102: {  	v1 =	vsel vm2, $0x1CD0, v1;
	v2 =	vsel vm3, $0x1D51, v2;
	v3 =	vsel vm5, $0x1E52, v3  }
0x103: {  	v1 =	vsel vm3, $0x1D50, v1;
	v2 =	vsel vm4, $0x1DD1, v2;
	v3 =	vsel vm6, $0x1ED2, v3  }
0x104: {  	v1 =	vsel vm4, $0x1DD0, v1;
	v2 =	vsel vm5, $0x1E51, v2;
	v35 =	vsel vm7, $0x1F52, v3  }
0x105: {  	v3 =	vimm.s32 $0x1FD5;
	v1 =	vsel vm5, $0x1E50, v1;
	v2 =	vsel vm6, $0x1ED1, v2  }
0x106: {  	v3 =	vsel vm14, $0xC55, v3;
	v1 =	vsel vm6, $0x1ED0, v1;
	v34 =	vsel vm7, $0x1F51, v2  }
0x107: {  	v2 =	vimm.s32 $0x1FD4;
	v3 =	vsel vm13, $0xCD5, v3;
	v33 =	vsel vm7, $0x1F50, v1  }
0x108: {  	v1 =	vimm.s32 $0x1FD3;
	v2 =	vsel vm14, $0xC54, v2;
	v3 =	vsel vm12, $0xD55, v3  }
0x109: {  	v1 =	vsel vm14, $0xC53, v1;
	v2 =	vsel vm13, $0xCD4, v2;
	v3 =	vsel vm11, $0xDD5, v3  }
0x10a: {  	v1 =	vsel vm13, $0xCD3, v1;
	v2 =	vsel vm12, $0xD54, v2;
	v3 =	vsel vm10, $0xE55, v3  }
0x10b: {  	v1 =	vsel vm12, $0xD53, v1;
	v2 =	vsel vm11, $0xDD4, v2;
	v3 =	vsel vm9, $0xED5, v3  }
0x10c: {  	v1 =	vsel vm11, $0xDD3, v1;
	v2 =	vsel vm10, $0xE54, v2;
	v3 =	vsel vm8, $0xF55, v3  }
0x10d: {  	v1 =	vsel vm10, $0xE53, v1;
	v2 =	vsel vm9, $0xED4, v2;
	v3 =	vsel vm0, $0xFD5, v3  }
0x10e: {  	v1 =	vsel vm9, $0xED3, v1;
	v2 =	vsel vm8, $0xF54, v2;
	v3 =	vsel vm1, $0x1C55, v3  }
0x10f: {  	v1 =	vsel vm8, $0xF53, v1;
	v2 =	vsel vm0, $0xFD4, v2;
	v3 =	vsel vm2, $0x1CD5, v3  }
0x110: {  	v1 =	vsel vm0, $0xFD3, v1;
	v2 =	vsel vm1, $0x1C54, v2;
	v3 =	vsel vm3, $0x1D55, v3  }
0x111: {  	v1 =	vsel vm1, $0x1C53, v1;
	v2 =	vsel vm2, $0x1CD4, v2;
	v3 =	vsel vm4, $0x1DD5, v3  }
0x112: {  	v1 =	vsel vm2, $0x1CD3, v1;
	v2 =	vsel vm3, $0x1D54, v2;
	v3 =	vsel vm5, $0x1E55, v3  }
0x113: {  	v1 =	vsel vm3, $0x1D53, v1;
	v2 =	vsel vm4, $0x1DD4, v2;
	v3 =	vsel vm6, $0x1ED5, v3  }
0x114: {  	v1 =	vsel vm4, $0x1DD3, v1;
	v2 =	vsel vm5, $0x1E54, v2;
	v38 =	vsel vm7, $0x1F55, v3  }
0x115: {  	v3 =	vimm.s32 $0x1FD8;
	v1 =	vsel vm5, $0x1E53, v1;
	v2 =	vsel vm6, $0x1ED4, v2  }
0x116: {  	v3 =	vsel vm14, $0xC58, v3;
	v1 =	vsel vm6, $0x1ED3, v1;
	v37 =	vsel vm7, $0x1F54, v2  }
0x117: {  	v2 =	vimm.s32 $0x1FD7;
	v3 =	vsel vm13, $0xCD8, v3;
	v36 =	vsel vm7, $0x1F53, v1  }
0x118: {  	v1 =	vimm.s32 $0x1FD6;
	v2 =	vsel vm14, $0xC57, v2;
	v3 =	vsel vm12, $0xD58, v3  }
0x119: {  	v1 =	vsel vm14, $0xC56, v1;
	v2 =	vsel vm13, $0xCD7, v2;
	v3 =	vsel vm11, $0xDD8, v3  }
0x11a: {  	v1 =	vsel vm13, $0xCD6, v1;
	v2 =	vsel vm12, $0xD57, v2;
	v3 =	vsel vm10, $0xE58, v3  }
0x11b: {  	v1 =	vsel vm12, $0xD56, v1;
	v2 =	vsel vm11, $0xDD7, v2;
	v3 =	vsel vm9, $0xED8, v3  }
0x11c: {  	v1 =	vsel vm11, $0xDD6, v1;
	v2 =	vsel vm10, $0xE57, v2;
	v3 =	vsel vm8, $0xF58, v3  }
0x11d: {  	v1 =	vsel vm10, $0xE56, v1;
	v2 =	vsel vm9, $0xED7, v2;
	v3 =	vsel vm0, $0xFD8, v3  }
0x11e: {  	v1 =	vsel vm9, $0xED6, v1;
	v2 =	vsel vm8, $0xF57, v2;
	v3 =	vsel vm1, $0x1C58, v3  }
0x11f: {  	v1 =	vsel vm8, $0xF56, v1;
	v2 =	vsel vm0, $0xFD7, v2;
	v3 =	vsel vm2, $0x1CD8, v3  }
0x120: {  	v1 =	vsel vm0, $0xFD6, v1;
	v2 =	vsel vm1, $0x1C57, v2;
	v3 =	vsel vm3, $0x1D58, v3  }
0x121: {  	v1 =	vsel vm1, $0x1C56, v1;
	v2 =	vsel vm2, $0x1CD7, v2;
	v3 =	vsel vm4, $0x1DD8, v3  }
0x122: {  	v1 =	vsel vm2, $0x1CD6, v1;
	v2 =	vsel vm3, $0x1D57, v2;
	v3 =	vsel vm5, $0x1E58, v3  }
0x123: {  	v1 =	vsel vm3, $0x1D56, v1;
	v2 =	vsel vm4, $0x1DD7, v2;
	v3 =	vsel vm6, $0x1ED8, v3  }
0x124: {  	v1 =	vsel vm4, $0x1DD6, v1;
	v2 =	vsel vm5, $0x1E57, v2;
	v41 =	vsel vm7, $0x1F58, v3  }
0x125: {  	v3 =	vimm.s32 $0x1FDB;
	v1 =	vsel vm5, $0x1E56, v1;
	v2 =	vsel vm6, $0x1ED7, v2  }
0x126: {  	v3 =	vsel vm14, $0xC5B, v3;
	v1 =	vsel vm6, $0x1ED6, v1;
	v40 =	vsel vm7, $0x1F57, v2  }
0x127: {  	v2 =	vimm.s32 $0x1FDA;
	v3 =	vsel vm13, $0xCDB, v3;
	v39 =	vsel vm7, $0x1F56, v1  }
0x128: {  	v1 =	vimm.s32 $0x1FD9;
	v2 =	vsel vm14, $0xC5A, v2;
	v3 =	vsel vm12, $0xD5B, v3  }
0x129: {  	v1 =	vsel vm14, $0xC59, v1;
	v2 =	vsel vm13, $0xCDA, v2;
	v3 =	vsel vm11, $0xDDB, v3  }
0x12a: {  	v1 =	vsel vm13, $0xCD9, v1;
	v2 =	vsel vm12, $0xD5A, v2;
	v3 =	vsel vm10, $0xE5B, v3  }
0x12b: {  	v1 =	vsel vm12, $0xD59, v1;
	v2 =	vsel vm11, $0xDDA, v2;
	v3 =	vsel vm9, $0xEDB, v3  }
0x12c: {  	v1 =	vsel vm11, $0xDD9, v1;
	v2 =	vsel vm10, $0xE5A, v2;
	v3 =	vsel vm8, $0xF5B, v3  }
0x12d: {  	v1 =	vsel vm10, $0xE59, v1;
	v2 =	vsel vm9, $0xEDA, v2;
	v3 =	vsel vm0, $0xFDB, v3  }
0x12e: {  	v1 =	vsel vm9, $0xED9, v1;
	v2 =	vsel vm8, $0xF5A, v2;
	v3 =	vsel vm1, $0x1C5B, v3  }
0x12f: {  	v1 =	vsel vm8, $0xF59, v1;
	v2 =	vsel vm0, $0xFDA, v2;
	v3 =	vsel vm2, $0x1CDB, v3  }
0x130: {  	v1 =	vsel vm0, $0xFD9, v1;
	v2 =	vsel vm1, $0x1C5A, v2;
	v3 =	vsel vm3, $0x1D5B, v3  }
0x131: {  	v1 =	vsel vm1, $0x1C59, v1;
	v2 =	vsel vm2, $0x1CDA, v2;
	v3 =	vsel vm4, $0x1DDB, v3  }
0x132: {  	v1 =	vsel vm2, $0x1CD9, v1;
	v2 =	vsel vm3, $0x1D5A, v2;
	v3 =	vsel vm5, $0x1E5B, v3  }
0x133: {  	v1 =	vsel vm3, $0x1D59, v1;
	v2 =	vsel vm4, $0x1DDA, v2;
	v3 =	vsel vm6, $0x1EDB, v3  }
0x134: {  	v1 =	vsel vm4, $0x1DD9, v1;
	v2 =	vsel vm5, $0x1E5A, v2;
	v44 =	vsel vm7, $0x1F5B, v3  }
0x135: {  	v3 =	vimm.s32 $0x1FDE;
	v1 =	vsel vm5, $0x1E59, v1;
	v2 =	vsel vm6, $0x1EDA, v2  }
0x136: {  	v3 =	vsel vm14, $0xC5E, v3;
	v1 =	vsel vm6, $0x1ED9, v1;
	v43 =	vsel vm7, $0x1F5A, v2  }
0x137: {  	v2 =	vimm.s32 $0x1FDD;
	v3 =	vsel vm13, $0xCDE, v3;
	v42 =	vsel vm7, $0x1F59, v1  }
0x138: {  	v1 =	vimm.s32 $0x1FDC;
	v2 =	vsel vm14, $0xC5D, v2;
	v3 =	vsel vm12, $0xD5E, v3  }
0x139: {  	v1 =	vsel vm14, $0xC5C, v1;
	v2 =	vsel vm13, $0xCDD, v2;
	v3 =	vsel vm11, $0xDDE, v3  }
0x13a: {  	v1 =	vsel vm13, $0xCDC, v1;
	v2 =	vsel vm12, $0xD5D, v2;
	v3 =	vsel vm10, $0xE5E, v3  }
0x13b: {  	v1 =	vsel vm12, $0xD5C, v1;
	v2 =	vsel vm11, $0xDDD, v2;
	v3 =	vsel vm9, $0xEDE, v3  }
0x13c: {  	v1 =	vsel vm11, $0xDDC, v1;
	v2 =	vsel vm10, $0xE5D, v2;
	v3 =	vsel vm8, $0xF5E, v3  }
0x13d: {  	v1 =	vsel vm10, $0xE5C, v1;
	v2 =	vsel vm9, $0xEDD, v2;
	v3 =	vsel vm0, $0xFDE, v3  }
0x13e: {  	v1 =	vsel vm9, $0xEDC, v1;
	v2 =	vsel vm8, $0xF5D, v2;
	v3 =	vsel vm1, $0x1C5E, v3  }
0x13f: {  	v1 =	vsel vm8, $0xF5C, v1;
	v2 =	vsel vm0, $0xFDD, v2;
	v3 =	vsel vm2, $0x1CDE, v3  }
0x140: {  	v1 =	vsel vm0, $0xFDC, v1;
	v2 =	vsel vm1, $0x1C5D, v2;
	v3 =	vsel vm3, $0x1D5E, v3  }
0x141: {  	v1 =	vsel vm1, $0x1C5C, v1;
	v2 =	vsel vm2, $0x1CDD, v2;
	v3 =	vsel vm4, $0x1DDE, v3  }
0x142: {  	v1 =	vsel vm2, $0x1CDC, v1;
	v2 =	vsel vm3, $0x1D5D, v2;
	v3 =	vsel vm5, $0x1E5E, v3  }
0x143: {  	v1 =	vsel vm3, $0x1D5C, v1;
	v2 =	vsel vm4, $0x1DDD, v2;
	v3 =	vsel vm6, $0x1EDE, v3  }
0x144: {  	v1 =	vsel vm4, $0x1DDC, v1;
	v2 =	vsel vm5, $0x1E5D, v2;
	v47 =	vsel vm7, $0x1F5E, v3  }
0x145: {  	v3 =	vimm.s32 $0x1FE1;
	v1 =	vsel vm5, $0x1E5C, v1;
	v2 =	vsel vm6, $0x1EDD, v2  }
0x146: {  	v3 =	vsel vm14, $0xC61, v3;
	v1 =	vsel vm6, $0x1EDC, v1;
	v46 =	vsel vm7, $0x1F5D, v2  }
0x147: {  	v2 =	vimm.s32 $0x1FE0;
	v3 =	vsel vm13, $0xCE1, v3;
	v45 =	vsel vm7, $0x1F5C, v1  }
0x148: {  	v1 =	vimm.s32 $0x1FDF;
	v2 =	vsel vm14, $0xC60, v2;
	v3 =	vsel vm12, $0xD61, v3  }
0x149: {  	v1 =	vsel vm14, $0xC5F, v1;
	v2 =	vsel vm13, $0xCE0, v2;
	v3 =	vsel vm11, $0xDE1, v3  }
0x14a: {  	v1 =	vsel vm13, $0xCDF, v1;
	v2 =	vsel vm12, $0xD60, v2;
	v3 =	vsel vm10, $0xE61, v3  }
0x14b: {  	v1 =	vsel vm12, $0xD5F, v1;
	v2 =	vsel vm11, $0xDE0, v2;
	v3 =	vsel vm9, $0xEE1, v3  }
0x14c: {  	v1 =	vsel vm11, $0xDDF, v1;
	v2 =	vsel vm10, $0xE60, v2;
	v3 =	vsel vm8, $0xF61, v3  }
0x14d: {  	v1 =	vsel vm10, $0xE5F, v1;
	v2 =	vsel vm9, $0xEE0, v2;
	v3 =	vsel vm0, $0xFE1, v3  }
0x14e: {  	v1 =	vsel vm9, $0xEDF, v1;
	v2 =	vsel vm8, $0xF60, v2;
	v3 =	vsel vm1, $0x1C61, v3  }
0x14f: {  	v1 =	vsel vm8, $0xF5F, v1;
	v2 =	vsel vm0, $0xFE0, v2;
	v3 =	vsel vm2, $0x1CE1, v3  }
0x150: {  	v1 =	vsel vm0, $0xFDF, v1;
	v2 =	vsel vm1, $0x1C60, v2;
	v3 =	vsel vm3, $0x1D61, v3  }
0x151: {  	v1 =	vsel vm1, $0x1C5F, v1;
	v2 =	vsel vm2, $0x1CE0, v2;
	v3 =	vsel vm4, $0x1DE1, v3  }
0x152: {  	v1 =	vsel vm2, $0x1CDF, v1;
	v2 =	vsel vm3, $0x1D60, v2;
	v3 =	vsel vm5, $0x1E61, v3  }
0x153: {  	v1 =	vsel vm3, $0x1D5F, v1;
	v2 =	vsel vm4, $0x1DE0, v2;
	v3 =	vsel vm6, $0x1EE1, v3  }
0x154: {  	v1 =	vsel vm4, $0x1DDF, v1;
	v2 =	vsel vm5, $0x1E60, v2;
	v50 =	vsel vm7, $0x1F61, v3  }
0x155: {  	v3 =	vimm.s32 $0x1FE4;
	v1 =	vsel vm5, $0x1E5F, v1;
	v2 =	vsel vm6, $0x1EE0, v2  }
0x156: {  	v3 =	vsel vm14, $0xC64, v3;
	v1 =	vsel vm6, $0x1EDF, v1;
	v49 =	vsel vm7, $0x1F60, v2  }
0x157: {  	v2 =	vimm.s32 $0x1FE3;
	v3 =	vsel vm13, $0xCE4, v3;
	v48 =	vsel vm7, $0x1F5F, v1  }
0x158: {  	v1 =	vimm.s32 $0x1FE2;
	v2 =	vsel vm14, $0xC63, v2;
	v3 =	vsel vm12, $0xD64, v3  }
0x159: {  	v1 =	vsel vm14, $0xC62, v1;
	v2 =	vsel vm13, $0xCE3, v2;
	v3 =	vsel vm11, $0xDE4, v3  }
0x15a: {  	v1 =	vsel vm13, $0xCE2, v1;
	v2 =	vsel vm12, $0xD63, v2;
	v3 =	vsel vm10, $0xE64, v3  }
0x15b: {  	v1 =	vsel vm12, $0xD62, v1;
	v2 =	vsel vm11, $0xDE3, v2;
	v3 =	vsel vm9, $0xEE4, v3  }
0x15c: {  	v1 =	vsel vm11, $0xDE2, v1;
	v2 =	vsel vm10, $0xE63, v2;
	v3 =	vsel vm8, $0xF64, v3  }
0x15d: {  	v1 =	vsel vm10, $0xE62, v1;
	v2 =	vsel vm9, $0xEE3, v2;
	v3 =	vsel vm0, $0xFE4, v3  }
0x15e: {  	v1 =	vsel vm9, $0xEE2, v1;
	v2 =	vsel vm8, $0xF63, v2;
	v3 =	vsel vm1, $0x1C64, v3  }
0x15f: {  	v1 =	vsel vm8, $0xF62, v1;
	v2 =	vsel vm0, $0xFE3, v2;
	v3 =	vsel vm2, $0x1CE4, v3  }
0x160: {  	v1 =	vsel vm0, $0xFE2, v1;
	v2 =	vsel vm1, $0x1C63, v2;
	v3 =	vsel vm3, $0x1D64, v3  }
0x161: {  	v1 =	vsel vm1, $0x1C62, v1;
	v2 =	vsel vm2, $0x1CE3, v2;
	v3 =	vsel vm4, $0x1DE4, v3  }
0x162: {  	v1 =	vsel vm2, $0x1CE2, v1;
	v2 =	vsel vm3, $0x1D63, v2;
	v3 =	vsel vm5, $0x1E64, v3  }
0x163: {  	v1 =	vsel vm3, $0x1D62, v1;
	v2 =	vsel vm4, $0x1DE3, v2;
	v3 =	vsel vm6, $0x1EE4, v3  }
0x164: {  	v1 =	vsel vm4, $0x1DE2, v1;
	v2 =	vsel vm5, $0x1E63, v2;
	v53 =	vsel vm7, $0x1F64, v3  }
0x165: {  	v3 =	vimm.s32 $0x1FE7;
	v1 =	vsel vm5, $0x1E62, v1;
	v2 =	vsel vm6, $0x1EE3, v2  }
0x166: {  	v3 =	vsel vm14, $0xC67, v3;
	v1 =	vsel vm6, $0x1EE2, v1;
	v52 =	vsel vm7, $0x1F63, v2  }
0x167: {  	v2 =	vimm.s32 $0x1FE6;
	v3 =	vsel vm13, $0xCE7, v3;
	v51 =	vsel vm7, $0x1F62, v1  }
0x168: {  	v1 =	vimm.s32 $0x1FE5;
	v2 =	vsel vm14, $0xC66, v2;
	v3 =	vsel vm12, $0xD67, v3  }
0x169: {  	v1 =	vsel vm14, $0xC65, v1;
	v2 =	vsel vm13, $0xCE6, v2;
	v3 =	vsel vm11, $0xDE7, v3  }
0x16a: {  	v1 =	vsel vm13, $0xCE5, v1;
	v2 =	vsel vm12, $0xD66, v2;
	v3 =	vsel vm10, $0xE67, v3  }
0x16b: {  	v1 =	vsel vm12, $0xD65, v1;
	v2 =	vsel vm11, $0xDE6, v2;
	v3 =	vsel vm9, $0xEE7, v3  }
0x16c: {  	v1 =	vsel vm11, $0xDE5, v1;
	v2 =	vsel vm10, $0xE66, v2;
	v3 =	vsel vm8, $0xF67, v3  }
0x16d: {  	v1 =	vsel vm10, $0xE65, v1;
	v2 =	vsel vm9, $0xEE6, v2;
	v3 =	vsel vm0, $0xFE7, v3  }
0x16e: {  	v1 =	vsel vm9, $0xEE5, v1;
	v2 =	vsel vm8, $0xF66, v2;
	v3 =	vsel vm1, $0x1C67, v3  }
0x16f: {  	v1 =	vsel vm8, $0xF65, v1;
	v2 =	vsel vm0, $0xFE6, v2;
	v3 =	vsel vm2, $0x1CE7, v3  }
0x170: {  	v1 =	vsel vm0, $0xFE5, v1;
	v2 =	vsel vm1, $0x1C66, v2;
	v3 =	vsel vm3, $0x1D67, v3  }
0x171: {  	v1 =	vsel vm1, $0x1C65, v1;
	v2 =	vsel vm2, $0x1CE6, v2;
	v3 =	vsel vm4, $0x1DE7, v3  }
0x172: {  	v1 =	vsel vm2, $0x1CE5, v1;
	v2 =	vsel vm3, $0x1D66, v2;
	v3 =	vsel vm5, $0x1E67, v3  }
0x173: {  	v1 =	vsel vm3, $0x1D65, v1;
	v2 =	vsel vm4, $0x1DE6, v2;
	v3 =	vsel vm6, $0x1EE7, v3  }
0x174: {  	v1 =	vsel vm4, $0x1DE5, v1;
	v2 =	vsel vm5, $0x1E66, v2;
	v56 =	vsel vm7, $0x1F67, v3  }
0x175: {  	v3 =	vimm.s32 $0x1FEA;
	v1 =	vsel vm5, $0x1E65, v1;
	v2 =	vsel vm6, $0x1EE6, v2  }
0x176: {  	v3 =	vsel vm14, $0xC6A, v3;
	v1 =	vsel vm6, $0x1EE5, v1;
	v55 =	vsel vm7, $0x1F66, v2  }
0x177: {  	v2 =	vimm.s32 $0x1FE9;
	v3 =	vsel vm13, $0xCEA, v3;
	v54 =	vsel vm7, $0x1F65, v1  }
0x178: {  	v1 =	vimm.s32 $0x1FE8;
	v2 =	vsel vm14, $0xC69, v2;
	v3 =	vsel vm12, $0xD6A, v3  }
0x179: {  	v1 =	vsel vm14, $0xC68, v1;
	v2 =	vsel vm13, $0xCE9, v2;
	v3 =	vsel vm11, $0xDEA, v3  }
0x17a: {  	v1 =	vsel vm13, $0xCE8, v1;
	v2 =	vsel vm12, $0xD69, v2;
	v3 =	vsel vm10, $0xE6A, v3  }
0x17b: {  	v1 =	vsel vm12, $0xD68, v1;
	v2 =	vsel vm11, $0xDE9, v2;
	v3 =	vsel vm9, $0xEEA, v3  }
0x17c: {  	v1 =	vsel vm11, $0xDE8, v1;
	v2 =	vsel vm10, $0xE69, v2;
	v3 =	vsel vm8, $0xF6A, v3  }
0x17d: {  	v1 =	vsel vm10, $0xE68, v1;
	v2 =	vsel vm9, $0xEE9, v2;
	v3 =	vsel vm0, $0xFEA, v3  }
0x17e: {  	v1 =	vsel vm9, $0xEE8, v1;
	v2 =	vsel vm8, $0xF69, v2;
	v3 =	vsel vm1, $0x1C6A, v3  }
0x17f: {  	v1 =	vsel vm8, $0xF68, v1;
	v2 =	vsel vm0, $0xFE9, v2;
	v3 =	vsel vm2, $0x1CEA, v3  }
0x180: {  	v1 =	vsel vm0, $0xFE8, v1;
	v2 =	vsel vm1, $0x1C69, v2;
	v3 =	vsel vm3, $0x1D6A, v3  }
0x181: {  	v1 =	vsel vm1, $0x1C68, v1;
	v2 =	vsel vm2, $0x1CE9, v2;
	v3 =	vsel vm4, $0x1DEA, v3  }
0x182: {  	v1 =	vsel vm2, $0x1CE8, v1;
	v2 =	vsel vm3, $0x1D69, v2;
	v3 =	vsel vm5, $0x1E6A, v3  }
0x183: {  	v1 =	vsel vm3, $0x1D68, v1;
	v2 =	vsel vm4, $0x1DE9, v2;
	v3 =	vsel vm6, $0x1EEA, v3  }
0x184: {  	v1 =	vsel vm4, $0x1DE8, v1;
	v2 =	vsel vm5, $0x1E69, v2;
	v59 =	vsel vm7, $0x1F6A, v3  }
0x185: {  	v3 =	vimm.s32 $0x1FED;
	v1 =	vsel vm5, $0x1E68, v1;
	v2 =	vsel vm6, $0x1EE9, v2  }
0x186: {  	v3 =	vsel vm14, $0xC6D, v3;
	v1 =	vsel vm6, $0x1EE8, v1;
	v58 =	vsel vm7, $0x1F69, v2  }
0x187: {  	v2 =	vimm.s32 $0x1FEC;
	v57 =	vsel vm7, $0x1F68, v1;
	v1 =	vimm.s32 $0x1FEB  }
0x188: {  	v3 =	vsel vm13, $0xCED, v3;
	v2 =	vsel vm14, $0xC6C, v2;
	v1 =	vsel vm14, $0xC6B, v1  }
0x189: {  	v3 =	vsel vm12, $0xD6D, v3;
	v2 =	vsel vm13, $0xCEC, v2;
	v1 =	vsel vm13, $0xCEB, v1  }
0x18a: {  	v3 =	vsel vm11, $0xDED, v3;
	v2 =	vsel vm12, $0xD6C, v2;
	v1 =	vsel vm12, $0xD6B, v1  }
0x18b: {  	v3 =	vsel vm10, $0xE6D, v3;
	v2 =	vsel vm11, $0xDEC, v2;
	v1 =	vsel vm11, $0xDEB, v1  }
0x18c: {  	v3 =	vsel vm9, $0xEED, v3;
	v2 =	vsel vm10, $0xE6C, v2;
	v1 =	vsel vm10, $0xE6B, v1  }
0x18d: {  	v3 =	vsel vm8, $0xF6D, v3;
	v2 =	vsel vm9, $0xEEC, v2;
	v1 =	vsel vm9, $0xEEB, v1  }
0x18e: {  	v3 =	vsel vm0, $0xFED, v3;
	v2 =	vsel vm8, $0xF6C, v2;
	v1 =	vsel vm8, $0xF6B, v1  }
0x18f: {  	v3 =	vsel vm1, $0x1C6D, v3;
	v2 =	vsel vm0, $0xFEC, v2;
	v1 =	vsel vm0, $0xFEB, v1  }
0x190: {  	v3 =	vsel vm2, $0x1CED, v3;
	v2 =	vsel vm1, $0x1C6C, v2;
	v1 =	vsel vm1, $0x1C6B, v1  }
0x191: {  	v3 =	vsel vm3, $0x1D6D, v3;
	v2 =	vsel vm2, $0x1CEC, v2;
	v1 =	vsel vm2, $0x1CEB, v1  }
0x192: {  	v3 =	vsel vm4, $0x1DED, v3;
	v2 =	vsel vm3, $0x1D6C, v2;
	v1 =	vsel vm3, $0x1D6B, v1  }
0x193: {  	v3 =	vsel vm5, $0x1E6D, v3;
	v2 =	vsel vm4, $0x1DEC, v2;
	v1 =	vsel vm4, $0x1DEB, v1  }
0x194: {  	v3 =	vsel vm6, $0x1EED, v3;
	v2 =	vsel vm5, $0x1E6C, v2;
	v1 =	vsel vm5, $0x1E6B, v1  }
0x195: {  	v62 =	vsel vm7, $0x1F6D, v3;
	v3 =	vimm.s32 $0x1FF0;
	v1 =	vsel vm6, $0x1EEB, v1  }
0x196: {  	v2 =	vsel vm6, $0x1EEC, v2;
	v60 =	vsel vm7, $0x1F6B, v1;
	v1 =	vimm.s32 $0x1FEE  }
0x197: {  	v61 =	vsel vm7, $0x1F6C, v2;
	v2 =	vimm.s32 $0x1FEF;
	v1 =	vsel vm14, $0xC6E, v1  }
0x198: {  	v3 =	vsel vm14, $0xC70, v3;
	v2 =	vsel vm14, $0xC6F, v2;
	v1 =	vsel vm13, $0xCEE, v1  }
0x199: {  	v3 =	vsel vm13, $0xCF0, v3;
	v2 =	vsel vm13, $0xCEF, v2;
	v1 =	vsel vm12, $0xD6E, v1  }
0x19a: {  	v3 =	vsel vm12, $0xD70, v3;
	v2 =	vsel vm12, $0xD6F, v2;
	v1 =	vsel vm11, $0xDEE, v1  }
0x19b: {  	v3 =	vsel vm11, $0xDF0, v3;
	v2 =	vsel vm11, $0xDEF, v2;
	v1 =	vsel vm10, $0xE6E, v1  }
0x19c: {  	v3 =	vsel vm10, $0xE70, v3;
	v2 =	vsel vm10, $0xE6F, v2;
	v1 =	vsel vm9, $0xEEE, v1  }
0x19d: {  	v3 =	vsel vm9, $0xEF0, v3;
	v2 =	vsel vm9, $0xEEF, v2;
	v1 =	vsel vm8, $0xF6E, v1  }
0x19e: {  	v3 =	vsel vm8, $0xF70, v3;
	v2 =	vsel vm8, $0xF6F, v2;
	v1 =	vsel vm0, $0xFEE, v1  }
0x19f: {  	v3 =	vsel vm0, $0xFF0, v3;
	v2 =	vsel vm0, $0xFEF, v2;
	v1 =	vsel vm1, $0x1C6E, v1  }
0x1a0: {  	v3 =	vsel vm1, $0x1C70, v3;
	v2 =	vsel vm1, $0x1C6F, v2;
	v1 =	vsel vm2, $0x1CEE, v1  }
0x1a1: {  	v3 =	vsel vm2, $0x1CF0, v3;
	v2 =	vsel vm2, $0x1CEF, v2;
	v1 =	vsel vm3, $0x1D6E, v1  }
0x1a2: {  	v3 =	vsel vm3, $0x1D70, v3;
	v2 =	vsel vm3, $0x1D6F, v2;
	v1 =	vsel vm4, $0x1DEE, v1  }
0x1a3: {  	v3 =	vsel vm4, $0x1DF0, v3;
	v2 =	vsel vm4, $0x1DEF, v2;
	v1 =	vsel vm5, $0x1E6E, v1  }
0x1a4: {  	v3 =	vsel vm5, $0x1E70, v3;
	v2 =	vsel vm5, $0x1E6F, v2;
	v1 =	vsel vm6, $0x1EEE, v1  }
0x1a5: {  	v3 =	vsel vm6, $0x1EF0, v3;
	v2 =	vsel vm6, $0x1EEF, v2;
	v63 =	vsel vm7, $0x1F6E, v1  }
0x1a6: {  	v1 =	vsel vm7, $0x1F6F, v2;
	v2 =	vsel vm7, $0x1F70, v3;
	v3 =	vimm.s32 $0x1FF1  }
0x1a7: {  	v0 =	vsel vm6, $0x1280, v0;
	v4 =	vsel vm6, $0x1EF2, v4;
	v3 =	vsel vm14, $0xC71, v3  }
0x1a8: {  	v5 =	vsel vm6, $0x1EF3, v5;
	v6 =	vsel vm6, $0x1EF4, v6;
	v3 =	vsel vm13, $0xCF1, v3  }
0x1a9: {  	v7 =	vsel vm6, $0x1EF5, v7;
	v8 =	vsel vm6, $0x1EF6, v8;
	v3 =	vsel vm12, $0xD71, v3  }
0x1aa: {  	s0 =	rddreg [dreg:$0x0];
	v9 =	vsel vm6, $0x1EF7, v9;
	v10 =	vsel vm6, $0x1EF8, v10;
	v3 =	vsel vm11, $0xDF1, v3  }
0x1ab: {  	s2 =	rddreg [dreg:$0x1];
	v11 =	vsel vm6, $0x1EF9, v11;
	v12 =	vsel vm6, $0x1EFA, v12;
	v3 =	vsel vm10, $0xE71, v3  }
0x1ac: {  	s4 =	rddreg [dreg:$0x2];
	s1 =	simm.s32 $0x0;
	s3 =	srdreg.scid;
	v13 =	vsel vm6, $0x1EFB, v13;
	v14 =	vsel vm6, $0x1EFC, v14;
	v3 =	vsel vm9, $0xEF1, v3  }
0x1ad: {  	s6 =	stileid.u32;
	s8 =	simm.s32 $0x3;
	s3 =	sand.u32 $0x1, s3;
	v15 =	vsel vm6, $0x1EFD, v15;
	v16 =	vsel vm6, $0x1EFE, v16;
	v3 =	vsel vm8, $0xF71, v3  }
0x1ae: {  	s13 =	simm.s32 $0x1000;
	s6 =	sshll.u32 s6, $0xA;
	s7 =	sshll.u32 s3, $0x9;
	v17 =	vsel vm6, $0x1EFF, v17;
	v0 =	vsel vm7, $0x1300, v0;
	v3 =	vsel vm0, $0xFF1, v3  }
0x1af: {  	s19 =	simm.s32 $0x1;
	s20 =	simm.s32 $0x10200;
	s6 =	sor.u32 s7, s6;
	v4 =	vsel vm7, $0x1F72, v4;
	v5 =	vsel vm7, $0x1F73, v5;
	v3 =	vsel vm1, $0x1C71, v3  }
0x1b0: {  	[smem:$0x7FF] =	sst s1;
	s5 =	ssub.s32 $0x2, s3;
	s30 =	sshrl.u32 s6, $0x3;
	v6 =	vsel vm7, $0x1F74, v6;
	v7 =	vsel vm7, $0x1F75, v7;
	v3 =	vsel vm2, $0x1CF1, v3  }
0x1b1: {  	s3 =	sadd.s32 $0x400, s0;
	s29 =	sshrl.u32 s5, $0x1;
	s2 =	sadd.s32 s2, s30;
	v8 =	vsel vm7, $0x1F76, v8;
	v9 =	vsel vm7, $0x1F77, v9;
	v3 =	vsel vm3, $0x1D71, v3  }
0x1b2: {  	s4 =	sadd.s32 s4, s6;
	v10 =	vsel vm7, $0x1F78, v10;
	v11 =	vsel vm7, $0x1F79, v11;
	_ =	strace $0x80000047;
	[dreg:$0x5] =	wrdreg s2;
	v3 =	vsel vm4, $0x1DF1, v3  }
0x1b3: {  	s0 =	ssub.s32 s5, s29;
	s31 =	sadd.s32 $0x8000, s4;
	v12 =	vsel vm7, $0x1F7A, v12;
	v13 =	vsel vm7, $0x1F7B, v13;
	[dreg:$0x4] =	wrdreg s4;
	v3 =	vsel vm5, $0x1E71, v3  }
0x1b4: {  	s21 =	simm.s32 $0x12200;
	s0 =	smax.u32 s0, $0x1;
	v14 =	vsel vm7, $0x1F7C, v14;
	v15 =	vsel vm7, $0x1F7D, v15;
	[dreg:$0x6] =	wrdreg s31;
	v3 =	vsel vm6, $0x1EF1, v3  }
0x1b5: {  	s23 =	simm.s32 $0x2;
	s24 =	simm.s32 $0x0;
	v16 =	vsel vm7, $0x1F7E, v16;
	v17 =	vsel vm7, $0x1F7F, v17;
	[dreg:$0x7] =	wrdreg s0;
	v3 =	vsel vm7, $0x1F71, v3  }
.LBB2_1:
0x1b6: {  	s0 =	rddreg [dreg:$0x5]  }
0x1b7: {  	[tilespmem:s1], [sflag:$0x3] =	stream.linear.gather [hbm4b:s0+s1], $0x200, $0x38;
	[tilespmem:$0x14200] =	vst v63  }
0x1b8: {  	_ =	swait.ge [sflag:s8], $0x200  }
0x1b9: {  	[sflag:s8] =	ssyncset.done $0x0  }
0x1ba: {  	[sflag:s8] =	ssyncadd.s32 $0xFFFFFE00  }
0x1bb: {  	v18 =	vld [tilespmem:$0x0];
	_ =	sdelay $0x4  }
0x1bc: {  	v18 =	vshll.u32 v18, $0x4  }
0x1bd: {  	(v2sf) =	vpush v18, $0x0;
	_ =	sdelay $0x6  }
0x1be: {  	(v2sf) =	vpush v18, $0x1;
	_ =	sdelay $0x2  }
0x1bf: {  	(v2sf) =	vpush v18, $0x2;
	_ =	sdelay $0x2  }
0x1c0: {  	(v2sf) =	vpush v18, $0x3;
	_ =	sdelay $0x1  }
0x1c1: {  	s7 =	spop (v2sf);
	(v2sf) =	vpush v18, $0x4;
	_ =	sdelay $0x1  }
0x1c2: {  	(v2sf) =	vpush v18, $0x5;
	_ =	sdelay $0x1  }
0x1c3: {  	(v2sf) =	vpush v18, $0x6;
	_ =	sdelay $0x1  }
0x1c4: {  	s0 =	sand.u32 $0x1FFFFFF0, s7  }
0x1c5: {  	s2 =	simm.s32 $0x200;
	s9 =	spop (v2sf);
	s0 =	sadd.s32 s3, s0;
	(v2sf) =	vpush v18, $0x7  }
0x1c6: {  	[tilespmem:s2], [sflag:$0x1] =	stream.linear.gather [hbm4b:s0+s1], $0x80, $0x38;
	[tilespmem:$0x14200] =	vst v63  }
0x1c7: {  	s0 =	sand.u32 $0x1FFFFFF0, s9  }
0x1c8: {  	s10 =	simm.s32 $0x280;
	s11 =	spop (v2sf);
	s0 =	sadd.s32 s3, s0  }
0x1c9: {  	[tilespmem:s10], [sflag:$0x1] =	stream.linear.gather [hbm4b:s0+s1], $0x80, $0x38;
	[tilespmem:$0x14200] =	vst v63  }
0x1ca: {  	s0 =	sand.u32 $0x1FFFFFF0, s11  }
0x1cb: {  	s12 =	simm.s32 $0x300;
	s14 =	spop (v2sf);
	s0 =	sadd.s32 s3, s0  }
0x1cc: {  	[tilespmem:s12], [sflag:$0x1] =	stream.linear.gather [hbm4b:s0+s1], $0x80, $0x38;
	[tilespmem:$0x14200] =	vst v63  }
0x1cd: {  	s16 =	spop (v2sf);
	(v2sf) =	vpush v18, $0x8  }
0x1ce: {  	s0 =	sand.u32 $0x1FFFFFF0, s14  }
0x1cf: {  	s15 =	simm.s32 $0x380;
	s0 =	sadd.s32 s3, s0;
	s18 =	spop (v2sf);
	(v2sf) =	vpush v18, $0x9  }
0x1d0: {  	[tilespmem:s15], [sflag:$0x1] =	stream.linear.gather [hbm4b:s0+s1], $0x80, $0x38;
	[tilespmem:$0x14200] =	vst v63  }
0x1d1: {  	s0 =	sand.u32 $0x1FFFFFF0, s16;
	s25 =	spop (v2sf);
	(v2sf) =	vpush v18, $0xA  }
0x1d2: {  	s17 =	simm.s32 $0x400;
	s0 =	sadd.s32 s3, s0  }
0x1d3: {  	[tilespmem:s17], [sflag:$0x1] =	stream.linear.gather [hbm4b:s0+s1], $0x80, $0x38;
	[tilespmem:$0x14200] =	vst v63  }
0x1d4: {  	s30 =	spop (v2sf);
	(v2sf) =	vpush v18, $0xB  }
0x1d5: {  	s0 =	sand.u32 $0x1FFFFFF0, s18  }
0x1d6: {  	s22 =	simm.s32 $0x480;
	s0 =	sadd.s32 s3, s0  }
0x1d7: {  	[tilespmem:s22], [sflag:$0x1] =	stream.linear.gather [hbm4b:s0+s1], $0x80, $0x38;
	[tilespmem:$0x14200] =	vst v63  }
0x1d8: {  	s0 =	sand.u32 $0x1FFFFFF0, s25  }
0x1d9: {  	s26 =	simm.s32 $0x500;
	s0 =	sadd.s32 s3, s0  }
0x1da: {  	[tilespmem:s26], [sflag:$0x1] =	stream.linear.gather [hbm4b:s0+s1], $0x80, $0x38;
	[tilespmem:$0x14200] =	vst v63  }
0x1db: {  	s0 =	sand.u32 $0x1FFFFFF0, s30  }
0x1dc: {  	s31 =	simm.s32 $0x580;
	s0 =	sadd.s32 s3, s0;
	s4 =	spop (v2sf);
	(v2sf) =	vpush v18, $0xC  }
0x1dd: {  	[tilespmem:s31], [sflag:$0x1] =	stream.linear.gather [hbm4b:s0+s1], $0x80, $0x38;
	[tilespmem:$0x14200] =	vst v63  }
0x1de: {  	s6 =	spop (v2sf);
	(v2sf) =	vpush v18, $0xD  }
0x1df: {  	s0 =	sand.u32 $0x1FFFFFF0, s4  }
0x1e0: {  	s5 =	simm.s32 $0x600;
	s0 =	sadd.s32 s3, s0;
	s9 =	spop (v2sf)  }
0x1e1: {  	(v2sf) =	vpush v18, $0xE;
	[tilespmem:s5], [sflag:$0x1] =	stream.linear.gather [hbm4b:s0+s1], $0x80, $0x38;
	[tilespmem:$0x14200] =	vst v63  }
0x1e2: {  	s0 =	sand.u32 $0x1FFFFFF0, s6  }
0x1e3: {  	s7 =	simm.s32 $0x680;
	s11 =	spop (v2sf);
	s0 =	sadd.s32 s3, s0  }
0x1e4: {  	(v2sf) =	vpush v18, $0xF;
	[tilespmem:s7], [sflag:$0x1] =	stream.linear.gather [hbm4b:s0+s1], $0x80, $0x38;
	[tilespmem:$0x14200] =	vst v63  }
0x1e5: {  	s0 =	sand.u32 $0x1FFFFFF0, s9  }
0x1e6: {  	s10 =	simm.s32 $0x700;
	s0 =	sadd.s32 s3, s0  }
0x1e7: {  	[tilespmem:s10], [sflag:$0x1] =	stream.linear.gather [hbm4b:s0+s1], $0x80, $0x38;
	[tilespmem:$0x14200] =	vst v63  }
0x1e8: {  	s0 =	sand.u32 $0x1FFFFFF0, s11  }
0x1e9: {  	s12 =	simm.s32 $0x780;
	s0 =	sadd.s32 s3, s0  }
0x1ea: {  	[tilespmem:s12], [sflag:$0x1] =	stream.linear.gather [hbm4b:s0+s1], $0x80, $0x38;
	[tilespmem:$0x14200] =	vst v63  }
0x1eb: {  	s14 =	spop (v2sf)  }
0x1ec: {  	s0 =	sand.u32 $0x1FFFFFF0, s14  }
0x1ed: {  	s15 =	simm.s32 $0x800;
	s16 =	spop (v2sf);
	s0 =	sadd.s32 s3, s0  }
0x1ee: {  	[tilespmem:s15], [sflag:$0x1] =	stream.linear.gather [hbm4b:s0+s1], $0x80, $0x38;
	[tilespmem:$0x14200] =	vst v63  }
0x1ef: {  	s0 =	sand.u32 $0x1FFFFFF0, s16  }
0x1f0: {  	s17 =	simm.s32 $0x880;
	s18 =	spop (v2sf);
	s0 =	sadd.s32 s3, s0  }
0x1f1: {  	[tilespmem:s17], [sflag:$0x1] =	stream.linear.gather [hbm4b:s0+s1], $0x80, $0x38;
	[tilespmem:$0x14200] =	vst v63  }
0x1f2: {  	s0 =	sand.u32 $0x1FFFFFF0, s18  }
0x1f3: {  	s22 =	simm.s32 $0x900;
	s25 =	spop (v2sf);
	s0 =	sadd.s32 s3, s0  }
0x1f4: {  	[tilespmem:s22], [sflag:$0x1] =	stream.linear.gather [hbm4b:s0+s1], $0x80, $0x38;
	[tilespmem:$0x14200] =	vst v63  }
0x1f5: {  	s0 =	sand.u32 $0x1FFFFFF0, s25  }
0x1f6: {  	s26 =	simm.s32 $0x980;
	s0 =	sadd.s32 s3, s0  }
0x1f7: {  	[tilespmem:s26], [sflag:$0x1] =	stream.linear.gather [hbm4b:s0+s1], $0x80, $0x38;
	[tilespmem:$0x14200] =	vst v63  }
0x1f8: {  	v18 =	vld [tilespmem:$0x10];
	_ =	sdelay $0x4  }
0x1f9: {  	v18 =	vshll.u32 v18, $0x4  }
0x1fa: {  	(v2sf) =	vpush v18, $0x0  }
0x1fb: {  	(v2sf) =	vpush v18, $0x1;
	_ =	sdelay $0x1  }
0x1fc: {  	(v2sf) =	vpush v18, $0x2;
	_ =	sdelay $0x1  }
0x1fd: {  	(v2sf) =	vpush v18, $0x3;
	_ =	sdelay $0x4  }
0x1fe: {  	(v2sf) =	vpush v18, $0x4;
	_ =	sdelay $0x4  }
0x1ff: {  	s30 =	spop (v2sf)  }
0x200: {  	s4 =	spop (v2sf);
	(v2sf) =	vpush v18, $0x5;
	_ =	sdelay $0x1  }
0x201: {  	s6 =	spop (v2sf);
	(v2sf) =	vpush v18, $0x6  }
0x202: {  	s0 =	sand.u32 $0x1FFFFFF0, s30  }
0x203: {  	s31 =	simm.s32 $0xA00;
	s0 =	sadd.s32 s3, s0;
	s9 =	spop (v2sf);
	(v2sf) =	vpush v18, $0x7  }
0x204: {  	[tilespmem:s31], [sflag:$0x1] =	stream.linear.gather [hbm4b:s0+s1], $0x80, $0x38;
	[tilespmem:$0x14200] =	vst v63  }
0x205: {  	s0 =	sand.u32 $0x1FFFFFF0, s4  }
0x206: {  	s5 =	simm.s32 $0xA80;
	s0 =	sadd.s32 s3, s0  }
0x207: {  	[tilespmem:s5], [sflag:$0x1] =	stream.linear.gather [hbm4b:s0+s1], $0x80, $0x38;
	[tilespmem:$0x14200] =	vst v63  }
0x208: {  	s11 =	spop (v2sf);
	(v2sf) =	vpush v18, $0x8;
	s0 =	sand.u32 $0x1FFFFFF0, s6  }
0x209: {  	s7 =	simm.s32 $0xB00;
	s0 =	sadd.s32 s3, s0  }
0x20a: {  	[tilespmem:s7], [sflag:$0x1] =	stream.linear.gather [hbm4b:s0+s1], $0x80, $0x38;
	[tilespmem:$0x14200] =	vst v63  }
0x20b: {  	s0 =	sand.u32 $0x1FFFFFF0, s9  }
0x20c: {  	s10 =	simm.s32 $0xB80;
	s0 =	sadd.s32 s3, s0  }
0x20d: {  	[tilespmem:s10], [sflag:$0x1] =	stream.linear.gather [hbm4b:s0+s1], $0x80, $0x38;
	[tilespmem:$0x14200] =	vst v63  }
0x20e: {  	s14 =	spop (v2sf);
	(v2sf) =	vpush v18, $0x9  }
0x20f: {  	s0 =	sand.u32 $0x1FFFFFF0, s11  }
0x210: {  	s12 =	simm.s32 $0xC00;
	s0 =	sadd.s32 s3, s0;
	s16 =	spop (v2sf);
	(v2sf) =	vpush v18, $0xA  }
0x211: {  	[tilespmem:s12], [sflag:$0x1] =	stream.linear.gather [hbm4b:s0+s1], $0x80, $0x38;
	[tilespmem:$0x14200] =	vst v63  }
0x212: {  	s18 =	spop (v2sf);
	(v2sf) =	vpush v18, $0xB  }
0x213: {  	s0 =	sand.u32 $0x1FFFFFF0, s14  }
0x214: {  	s15 =	simm.s32 $0xC80;
	s0 =	sadd.s32 s3, s0  }
0x215: {  	[tilespmem:s15], [sflag:$0x1] =	stream.linear.gather [hbm4b:s0+s1], $0x80, $0x38;
	[tilespmem:$0x14200] =	vst v63  }
0x216: {  	s0 =	sand.u32 $0x1FFFFFF0, s16  }
0x217: {  	s17 =	simm.s32 $0xD00;
	s25 =	spop (v2sf);
	s0 =	sadd.s32 s3, s0  }
0x218: {  	(v2sf) =	vpush v18, $0xC;
	[tilespmem:s17], [sflag:$0x1] =	stream.linear.gather [hbm4b:s0+s1], $0x80, $0x38;
	[tilespmem:$0x14200] =	vst v63  }
0x219: {  	s0 =	sand.u32 $0x1FFFFFF0, s18  }
0x21a: {  	s22 =	simm.s32 $0xD80;
	s0 =	sadd.s32 s3, s0  }
0x21b: {  	[tilespmem:s22], [sflag:$0x1] =	stream.linear.gather [hbm4b:s0+s1], $0x80, $0x38;
	[tilespmem:$0x14200] =	vst v63  }
0x21c: {  	s0 =	sand.u32 $0x1FFFFFF0, s25  }
0x21d: {  	s26 =	simm.s32 $0xE00;
	s0 =	sadd.s32 s3, s0;
	s30 =	spop (v2sf);
	(v2sf) =	vpush v18, $0xD  }
0x21e: {  	[tilespmem:s26], [sflag:$0x1] =	stream.linear.gather [hbm4b:s0+s1], $0x80, $0x38;
	[tilespmem:$0x14200] =	vst v63  }
0x21f: {  	s2 =	spop (v2sf);
	(v2sf) =	vpush v18, $0xE  }
0x220: {  	s0 =	sand.u32 $0x1FFFFFF0, s30  }
0x221: {  	s31 =	simm.s32 $0xE80;
	s0 =	sadd.s32 s3, s0;
	s5 =	spop (v2sf)  }
0x222: {  	(v2sf) =	vpush v18, $0xF;
	[tilespmem:s31], [sflag:$0x1] =	stream.linear.gather [hbm4b:s0+s1], $0x80, $0x38;
	[tilespmem:$0x14200] =	vst v63  }
0x223: {  	s0 =	sand.u32 $0x1FFFFFF0, s2  }
0x224: {  	s4 =	simm.s32 $0xF00;
	s0 =	sadd.s32 s3, s0  }
0x225: {  	[tilespmem:s4], [sflag:$0x1] =	stream.linear.gather [hbm4b:s0+s1], $0x80, $0x38;
	[tilespmem:$0x14200] =	vst v63  }
0x226: {  	s0 =	sand.u32 $0x1FFFFFF0, s5  }
0x227: {  	s6 =	simm.s32 $0xF80;
	s7 =	spop (v2sf);
	s0 =	sadd.s32 s3, s0  }
0x228: {  	[tilespmem:s6], [sflag:$0x1] =	stream.linear.gather [hbm4b:s0+s1], $0x80, $0x38;
	[tilespmem:$0x14200] =	vst v63  }
0x229: {  	s0 =	sand.u32 $0x1FFFFFF0, s7  }
0x22a: {  	s0 =	sadd.s32 s3, s0  }
0x22b: {  	[tilespmem:s13], [sflag:$0x1] =	stream.linear.gather [hbm4b:s0+s1], $0x80, $0x38;
	[tilespmem:$0x14200] =	vst v63  }
0x22c: {  	s9 =	spop (v2sf)  }
0x22d: {  	s0 =	sand.u32 $0x1FFFFFF0, s9  }
0x22e: {  	s10 =	simm.s32 $0x1080;
	s11 =	spop (v2sf);
	s0 =	sadd.s32 s3, s0  }
0x22f: {  	[tilespmem:s10], [sflag:$0x1] =	stream.linear.gather [hbm4b:s0+s1], $0x80, $0x38;
	[tilespmem:$0x14200] =	vst v63  }
0x230: {  	s0 =	sand.u32 $0x1FFFFFF0, s11  }
0x231: {  	s12 =	simm.s32 $0x1100;
	s14 =	spop (v2sf);
	s0 =	sadd.s32 s3, s0  }
0x232: {  	[tilespmem:s12], [sflag:$0x1] =	stream.linear.gather [hbm4b:s0+s1], $0x80, $0x38;
	[tilespmem:$0x14200] =	vst v63  }
0x233: {  	s0 =	sand.u32 $0x1FFFFFF0, s14  }
0x234: {  	s15 =	simm.s32 $0x1180;
	s0 =	sadd.s32 s3, s0  }
0x235: {  	[tilespmem:s15], [sflag:$0x1] =	stream.linear.gather [hbm4b:s0+s1], $0x80, $0x38;
	[tilespmem:$0x14200] =	vst v63  }
0x236: {  	v18 =	vld [tilespmem:$0x20];
	_ =	sdelay $0x4  }
0x237: {  	v18 =	vshll.u32 v18, $0x4  }
0x238: {  	(v2sf) =	vpush v18, $0x0  }
0x239: {  	(v2sf) =	vpush v18, $0x1;
	_ =	sdelay $0x1  }
0x23a: {  	(v2sf) =	vpush v18, $0x2;
	_ =	sdelay $0x1  }
0x23b: {  	(v2sf) =	vpush v18, $0x3;
	_ =	sdelay $0x4  }
0x23c: {  	(v2sf) =	vpush v18, $0x4;
	_ =	sdelay $0x4  }
0x23d: {  	s16 =	spop (v2sf)  }
0x23e: {  	s18 =	spop (v2sf);
	(v2sf) =	vpush v18, $0x5;
	_ =	sdelay $0x1  }
0x23f: {  	s25 =	spop (v2sf);
	(v2sf) =	vpush v18, $0x6  }
0x240: {  	s0 =	sand.u32 $0x1FFFFFF0, s16  }
0x241: {  	s17 =	simm.s32 $0x1200;
	s0 =	sadd.s32 s3, s0;
	s30 =	spop (v2sf);
	(v2sf) =	vpush v18, $0x7  }
0x242: {  	[tilespmem:s17], [sflag:$0x1] =	stream.linear.gather [hbm4b:s0+s1], $0x80, $0x38;
	[tilespmem:$0x14200] =	vst v63  }
0x243: {  	s0 =	sand.u32 $0x1FFFFFF0, s18  }
0x244: {  	s22 =	simm.s32 $0x1280;
	s0 =	sadd.s32 s3, s0  }
0x245: {  	[tilespmem:s22], [sflag:$0x1] =	stream.linear.gather [hbm4b:s0+s1], $0x80, $0x38;
	[tilespmem:$0x14200] =	vst v63  }
0x246: {  	s4 =	spop (v2sf);
	(v2sf) =	vpush v18, $0x8;
	s0 =	sand.u32 $0x1FFFFFF0, s25  }
0x247: {  	s26 =	simm.s32 $0x1300;
	s0 =	sadd.s32 s3, s0  }
0x248: {  	[tilespmem:s26], [sflag:$0x1] =	stream.linear.gather [hbm4b:s0+s1], $0x80, $0x38;
	[tilespmem:$0x14200] =	vst v63  }
0x249: {  	s0 =	sand.u32 $0x1FFFFFF0, s30  }
0x24a: {  	s31 =	simm.s32 $0x1380;
	s0 =	sadd.s32 s3, s0  }
0x24b: {  	[tilespmem:s31], [sflag:$0x1] =	stream.linear.gather [hbm4b:s0+s1], $0x80, $0x38;
	[tilespmem:$0x14200] =	vst v63  }
0x24c: {  	s6 =	spop (v2sf);
	(v2sf) =	vpush v18, $0x9  }
0x24d: {  	s0 =	sand.u32 $0x1FFFFFF0, s4  }
0x24e: {  	s5 =	simm.s32 $0x1400;
	s0 =	sadd.s32 s3, s0;
	s9 =	spop (v2sf);
	(v2sf) =	vpush v18, $0xA  }
0x24f: {  	[tilespmem:s5], [sflag:$0x1] =	stream.linear.gather [hbm4b:s0+s1], $0x80, $0x38;
	[tilespmem:$0x14200] =	vst v63  }
0x250: {  	s11 =	spop (v2sf);
	(v2sf) =	vpush v18, $0xB  }
0x251: {  	s0 =	sand.u32 $0x1FFFFFF0, s6  }
0x252: {  	s7 =	simm.s32 $0x1480;
	s0 =	sadd.s32 s3, s0  }
0x253: {  	[tilespmem:s7], [sflag:$0x1] =	stream.linear.gather [hbm4b:s0+s1], $0x80, $0x38;
	[tilespmem:$0x14200] =	vst v63  }
0x254: {  	s0 =	sand.u32 $0x1FFFFFF0, s9  }
0x255: {  	s10 =	simm.s32 $0x1500;
	s14 =	spop (v2sf);
	s0 =	sadd.s32 s3, s0  }
0x256: {  	(v2sf) =	vpush v18, $0xC;
	[tilespmem:s10], [sflag:$0x1] =	stream.linear.gather [hbm4b:s0+s1], $0x80, $0x38;
	[tilespmem:$0x14200] =	vst v63  }
0x257: {  	s0 =	sand.u32 $0x1FFFFFF0, s11  }
0x258: {  	s12 =	simm.s32 $0x1580;
	s0 =	sadd.s32 s3, s0  }
0x259: {  	[tilespmem:s12], [sflag:$0x1] =	stream.linear.gather [hbm4b:s0+s1], $0x80, $0x38;
	[tilespmem:$0x14200] =	vst v63  }
0x25a: {  	s0 =	sand.u32 $0x1FFFFFF0, s14  }
0x25b: {  	s15 =	simm.s32 $0x1600;
	s0 =	sadd.s32 s3, s0;
	s16 =	spop (v2sf);
	(v2sf) =	vpush v18, $0xD  }
0x25c: {  	[tilespmem:s15], [sflag:$0x1] =	stream.linear.gather [hbm4b:s0+s1], $0x80, $0x38;
	[tilespmem:$0x14200] =	vst v63  }
0x25d: {  	s18 =	spop (v2sf);
	(v2sf) =	vpush v18, $0xE  }
0x25e: {  	s0 =	sand.u32 $0x1FFFFFF0, s16  }
0x25f: {  	s17 =	simm.s32 $0x1680;
	s0 =	sadd.s32 s3, s0;
	s25 =	spop (v2sf)  }
0x260: {  	(v2sf) =	vpush v18, $0xF;
	[tilespmem:s17], [sflag:$0x1] =	stream.linear.gather [hbm4b:s0+s1], $0x80, $0x38;
	[tilespmem:$0x14200] =	vst v63  }
0x261: {  	s0 =	sand.u32 $0x1FFFFFF0, s18  }
0x262: {  	s22 =	simm.s32 $0x1700;
	s0 =	sadd.s32 s3, s0  }
0x263: {  	[tilespmem:s22], [sflag:$0x1] =	stream.linear.gather [hbm4b:s0+s1], $0x80, $0x38;
	[tilespmem:$0x14200] =	vst v63  }
0x264: {  	s0 =	sand.u32 $0x1FFFFFF0, s25  }
0x265: {  	s26 =	simm.s32 $0x1780;
	s30 =	spop (v2sf);
	s0 =	sadd.s32 s3, s0  }
0x266: {  	[tilespmem:s26], [sflag:$0x1] =	stream.linear.gather [hbm4b:s0+s1], $0x80, $0x38;
	[tilespmem:$0x14200] =	vst v63  }
0x267: {  	s0 =	sand.u32 $0x1FFFFFF0, s30  }
0x268: {  	s31 =	simm.s32 $0x1800;
	s0 =	sadd.s32 s3, s0  }
0x269: {  	[tilespmem:s31], [sflag:$0x1] =	stream.linear.gather [hbm4b:s0+s1], $0x80, $0x38;
	[tilespmem:$0x14200] =	vst v63  }
0x26a: {  	s4 =	spop (v2sf)  }
0x26b: {  	s0 =	sand.u32 $0x1FFFFFF0, s4  }
0x26c: {  	s5 =	simm.s32 $0x1880;
	s6 =	spop (v2sf);
	s0 =	sadd.s32 s3, s0  }
0x26d: {  	[tilespmem:s5], [sflag:$0x1] =	stream.linear.gather [hbm4b:s0+s1], $0x80, $0x38;
	[tilespmem:$0x14200] =	vst v63  }
0x26e: {  	s0 =	sand.u32 $0x1FFFFFF0, s6  }
0x26f: {  	s7 =	simm.s32 $0x1900;
	s9 =	spop (v2sf);
	s0 =	sadd.s32 s3, s0  }
0x270: {  	[tilespmem:s7], [sflag:$0x1] =	stream.linear.gather [hbm4b:s0+s1], $0x80, $0x38;
	[tilespmem:$0x14200] =	vst v63  }
0x271: {  	s0 =	sand.u32 $0x1FFFFFF0, s9  }
0x272: {  	s10 =	simm.s32 $0x1980;
	s0 =	sadd.s32 s3, s0  }
0x273: {  	[tilespmem:s10], [sflag:$0x1] =	stream.linear.gather [hbm4b:s0+s1], $0x80, $0x38;
	[tilespmem:$0x14200] =	vst v63  }
0x274: {  	v18 =	vld [tilespmem:$0x30];
	_ =	sdelay $0x4  }
0x275: {  	v18 =	vshll.u32 v18, $0x4  }
0x276: {  	(v2sf) =	vpush v18, $0x0  }
0x277: {  	(v2sf) =	vpush v18, $0x1;
	_ =	sdelay $0x1  }
0x278: {  	(v2sf) =	vpush v18, $0x2;
	_ =	sdelay $0x1  }
0x279: {  	(v2sf) =	vpush v18, $0x3;
	_ =	sdelay $0x4  }
0x27a: {  	(v2sf) =	vpush v18, $0x4;
	_ =	sdelay $0x4  }
0x27b: {  	s11 =	spop (v2sf)  }
0x27c: {  	s14 =	spop (v2sf);
	(v2sf) =	vpush v18, $0x5;
	_ =	sdelay $0x1  }
0x27d: {  	s16 =	spop (v2sf);
	(v2sf) =	vpush v18, $0x6  }
0x27e: {  	s0 =	sand.u32 $0x1FFFFFF0, s11  }
0x27f: {  	s12 =	simm.s32 $0x1A00;
	s0 =	sadd.s32 s3, s0;
	s18 =	spop (v2sf);
	(v2sf) =	vpush v18, $0x7  }
0x280: {  	[tilespmem:s12], [sflag:$0x1] =	stream.linear.gather [hbm4b:s0+s1], $0x80, $0x38;
	[tilespmem:$0x14200] =	vst v63  }
0x281: {  	s0 =	sand.u32 $0x1FFFFFF0, s14  }
0x282: {  	s15 =	simm.s32 $0x1A80;
	s0 =	sadd.s32 s3, s0  }
0x283: {  	[tilespmem:s15], [sflag:$0x1] =	stream.linear.gather [hbm4b:s0+s1], $0x80, $0x38;
	[tilespmem:$0x14200] =	vst v63  }
0x284: {  	s25 =	spop (v2sf);
	(v2sf) =	vpush v18, $0x8;
	s0 =	sand.u32 $0x1FFFFFF0, s16  }
0x285: {  	s17 =	simm.s32 $0x1B00;
	s0 =	sadd.s32 s3, s0  }
0x286: {  	[tilespmem:s17], [sflag:$0x1] =	stream.linear.gather [hbm4b:s0+s1], $0x80, $0x38;
	[tilespmem:$0x14200] =	vst v63  }
0x287: {  	s0 =	sand.u32 $0x1FFFFFF0, s18  }
0x288: {  	s22 =	simm.s32 $0x1B80;
	s0 =	sadd.s32 s3, s0  }
0x289: {  	[tilespmem:s22], [sflag:$0x1] =	stream.linear.gather [hbm4b:s0+s1], $0x80, $0x38;
	[tilespmem:$0x14200] =	vst v63  }
0x28a: {  	s30 =	spop (v2sf);
	(v2sf) =	vpush v18, $0x9  }
0x28b: {  	s0 =	sand.u32 $0x1FFFFFF0, s25  }
0x28c: {  	s26 =	simm.s32 $0x1C00;
	s0 =	sadd.s32 s3, s0;
	s4 =	spop (v2sf);
	(v2sf) =	vpush v18, $0xA  }
0x28d: {  	[tilespmem:s26], [sflag:$0x1] =	stream.linear.gather [hbm4b:s0+s1], $0x80, $0x38;
	[tilespmem:$0x14200] =	vst v63  }
0x28e: {  	s6 =	spop (v2sf);
	(v2sf) =	vpush v18, $0xB  }
0x28f: {  	s0 =	sand.u32 $0x1FFFFFF0, s30  }
0x290: {  	s31 =	simm.s32 $0x1C80;
	s0 =	sadd.s32 s3, s0  }
0x291: {  	[tilespmem:s31], [sflag:$0x1] =	stream.linear.gather [hbm4b:s0+s1], $0x80, $0x38;
	[tilespmem:$0x14200] =	vst v63  }
0x292: {  	s0 =	sand.u32 $0x1FFFFFF0, s4  }
0x293: {  	s5 =	simm.s32 $0x1D00;
	s9 =	spop (v2sf);
	s0 =	sadd.s32 s3, s0  }
0x294: {  	(v2sf) =	vpush v18, $0xC;
	[tilespmem:s5], [sflag:$0x1] =	stream.linear.gather [hbm4b:s0+s1], $0x80, $0x38;
	[tilespmem:$0x14200] =	vst v63  }
0x295: {  	s0 =	sand.u32 $0x1FFFFFF0, s6  }
0x296: {  	s7 =	simm.s32 $0x1D80;
	s0 =	sadd.s32 s3, s0  }
0x297: {  	[tilespmem:s7], [sflag:$0x1] =	stream.linear.gather [hbm4b:s0+s1], $0x80, $0x38;
	[tilespmem:$0x14200] =	vst v63  }
0x298: {  	s0 =	sand.u32 $0x1FFFFFF0, s9  }
0x299: {  	s10 =	simm.s32 $0x1E00;
	s0 =	sadd.s32 s3, s0;
	s11 =	spop (v2sf);
	(v2sf) =	vpush v18, $0xD  }
0x29a: {  	[tilespmem:s10], [sflag:$0x1] =	stream.linear.gather [hbm4b:s0+s1], $0x80, $0x38;
	[tilespmem:$0x14200] =	vst v63  }
0x29b: {  	s14 =	spop (v2sf);
	(v2sf) =	vpush v18, $0xE  }
0x29c: {  	s0 =	sand.u32 $0x1FFFFFF0, s11  }
0x29d: {  	s12 =	simm.s32 $0x1E80;
	s0 =	sadd.s32 s3, s0;
	s16 =	spop (v2sf)  }
0x29e: {  	(v2sf) =	vpush v18, $0xF;
	[tilespmem:s12], [sflag:$0x1] =	stream.linear.gather [hbm4b:s0+s1], $0x80, $0x38;
	[tilespmem:$0x14200] =	vst v63  }
0x29f: {  	s0 =	sand.u32 $0x1FFFFFF0, s14  }
0x2a0: {  	s15 =	simm.s32 $0x1F00;
	s0 =	sadd.s32 s3, s0  }
0x2a1: {  	[tilespmem:s15], [sflag:$0x1] =	stream.linear.gather [hbm4b:s0+s1], $0x80, $0x38;
	[tilespmem:$0x14200] =	vst v63  }
0x2a2: {  	s0 =	sand.u32 $0x1FFFFFF0, s16  }
0x2a3: {  	s17 =	simm.s32 $0x1F80;
	s18 =	spop (v2sf);
	s0 =	sadd.s32 s3, s0  }
0x2a4: {  	[tilespmem:s17], [sflag:$0x1] =	stream.linear.gather [hbm4b:s0+s1], $0x80, $0x38;
	[tilespmem:$0x14200] =	vst v63  }
0x2a5: {  	s0 =	sand.u32 $0x1FFFFFF0, s18  }
0x2a6: {  	s22 =	simm.s32 $0x2000;
	s0 =	sadd.s32 s3, s0  }
0x2a7: {  	[tilespmem:s22], [sflag:$0x1] =	stream.linear.gather [hbm4b:s0+s1], $0x80, $0x38;
	[tilespmem:$0x14200] =	vst v63  }
0x2a8: {  	s25 =	spop (v2sf)  }
0x2a9: {  	s0 =	sand.u32 $0x1FFFFFF0, s25  }
0x2aa: {  	s26 =	simm.s32 $0x2080;
	s30 =	spop (v2sf);
	s0 =	sadd.s32 s3, s0  }
0x2ab: {  	[tilespmem:s26], [sflag:$0x1] =	stream.linear.gather [hbm4b:s0+s1], $0x80, $0x38;
	[tilespmem:$0x14200] =	vst v63  }
0x2ac: {  	s0 =	sand.u32 $0x1FFFFFF0, s30  }
0x2ad: {  	s31 =	simm.s32 $0x2100;
	s4 =	spop (v2sf);
	s0 =	sadd.s32 s3, s0  }
0x2ae: {  	[tilespmem:s31], [sflag:$0x1] =	stream.linear.gather [hbm4b:s0+s1], $0x80, $0x38;
	[tilespmem:$0x14200] =	vst v63  }
0x2af: {  	s0 =	sand.u32 $0x1FFFFFF0, s4  }
0x2b0: {  	s5 =	simm.s32 $0x2180;
	s0 =	sadd.s32 s3, s0  }
0x2b1: {  	[tilespmem:s5], [sflag:$0x1] =	stream.linear.gather [hbm4b:s0+s1], $0x80, $0x38;
	[tilespmem:$0x14200] =	vst v63  }
0x2b2: {  	v18 =	vld [tilespmem:$0x40];
	_ =	sdelay $0x4  }
0x2b3: {  	v18 =	vshll.u32 v18, $0x4  }
0x2b4: {  	(v2sf) =	vpush v18, $0x0  }
0x2b5: {  	(v2sf) =	vpush v18, $0x1;
	_ =	sdelay $0x1  }
0x2b6: {  	(v2sf) =	vpush v18, $0x2;
	_ =	sdelay $0x1  }
0x2b7: {  	(v2sf) =	vpush v18, $0x3;
	_ =	sdelay $0x4  }
0x2b8: {  	(v2sf) =	vpush v18, $0x4;
	_ =	sdelay $0x4  }
0x2b9: {  	s6 =	spop (v2sf)  }
0x2ba: {  	s9 =	spop (v2sf);
	(v2sf) =	vpush v18, $0x5;
	_ =	sdelay $0x1  }
0x2bb: {  	s11 =	spop (v2sf);
	(v2sf) =	vpush v18, $0x6  }
0x2bc: {  	s0 =	sand.u32 $0x1FFFFFF0, s6  }
0x2bd: {  	s7 =	simm.s32 $0x2200;
	s0 =	sadd.s32 s3, s0;
	s14 =	spop (v2sf);
	(v2sf) =	vpush v18, $0x7  }
0x2be: {  	[tilespmem:s7], [sflag:$0x1] =	stream.linear.gather [hbm4b:s0+s1], $0x80, $0x38;
	[tilespmem:$0x14200] =	vst v63  }
0x2bf: {  	s0 =	sand.u32 $0x1FFFFFF0, s9  }
0x2c0: {  	s10 =	simm.s32 $0x2280;
	s0 =	sadd.s32 s3, s0  }
0x2c1: {  	[tilespmem:s10], [sflag:$0x1] =	stream.linear.gather [hbm4b:s0+s1], $0x80, $0x38;
	[tilespmem:$0x14200] =	vst v63  }
0x2c2: {  	s16 =	spop (v2sf);
	(v2sf) =	vpush v18, $0x8;
	s0 =	sand.u32 $0x1FFFFFF0, s11  }
0x2c3: {  	s12 =	simm.s32 $0x2300;
	s0 =	sadd.s32 s3, s0  }
0x2c4: {  	[tilespmem:s12], [sflag:$0x1] =	stream.linear.gather [hbm4b:s0+s1], $0x80, $0x38;
	[tilespmem:$0x14200] =	vst v63  }
0x2c5: {  	s0 =	sand.u32 $0x1FFFFFF0, s14  }
0x2c6: {  	s15 =	simm.s32 $0x2380;
	s0 =	sadd.s32 s3, s0  }
0x2c7: {  	[tilespmem:s15], [sflag:$0x1] =	stream.linear.gather [hbm4b:s0+s1], $0x80, $0x38;
	[tilespmem:$0x14200] =	vst v63  }
0x2c8: {  	s18 =	spop (v2sf);
	(v2sf) =	vpush v18, $0x9  }
0x2c9: {  	s0 =	sand.u32 $0x1FFFFFF0, s16  }
0x2ca: {  	s17 =	simm.s32 $0x2400;
	s0 =	sadd.s32 s3, s0;
	s25 =	spop (v2sf);
	(v2sf) =	vpush v18, $0xA  }
0x2cb: {  	[tilespmem:s17], [sflag:$0x1] =	stream.linear.gather [hbm4b:s0+s1], $0x80, $0x38;
	[tilespmem:$0x14200] =	vst v63  }
0x2cc: {  	s30 =	spop (v2sf);
	(v2sf) =	vpush v18, $0xB  }
0x2cd: {  	s0 =	sand.u32 $0x1FFFFFF0, s18  }
0x2ce: {  	s22 =	simm.s32 $0x2480;
	s0 =	sadd.s32 s3, s0  }
0x2cf: {  	[tilespmem:s22], [sflag:$0x1] =	stream.linear.gather [hbm4b:s0+s1], $0x80, $0x38;
	[tilespmem:$0x14200] =	vst v63  }
0x2d0: {  	s0 =	sand.u32 $0x1FFFFFF0, s25  }
0x2d1: {  	s26 =	simm.s32 $0x2500;
	s2 =	spop (v2sf);
	s0 =	sadd.s32 s3, s0  }
0x2d2: {  	(v2sf) =	vpush v18, $0xC;
	[tilespmem:s26], [sflag:$0x1] =	stream.linear.gather [hbm4b:s0+s1], $0x80, $0x38;
	[tilespmem:$0x14200] =	vst v63  }
0x2d3: {  	s0 =	sand.u32 $0x1FFFFFF0, s30  }
0x2d4: {  	s31 =	simm.s32 $0x2580;
	s0 =	sadd.s32 s3, s0  }
0x2d5: {  	[tilespmem:s31], [sflag:$0x1] =	stream.linear.gather [hbm4b:s0+s1], $0x80, $0x38;
	[tilespmem:$0x14200] =	vst v63  }
0x2d6: {  	s0 =	sand.u32 $0x1FFFFFF0, s2  }
0x2d7: {  	s4 =	simm.s32 $0x2600;
	s0 =	sadd.s32 s3, s0;
	s5 =	spop (v2sf);
	(v2sf) =	vpush v18, $0xD  }
0x2d8: {  	[tilespmem:s4], [sflag:$0x1] =	stream.linear.gather [hbm4b:s0+s1], $0x80, $0x38;
	[tilespmem:$0x14200] =	vst v63  }
0x2d9: {  	s7 =	spop (v2sf);
	(v2sf) =	vpush v18, $0xE  }
0x2da: {  	s0 =	sand.u32 $0x1FFFFFF0, s5  }
0x2db: {  	s6 =	simm.s32 $0x2680;
	s0 =	sadd.s32 s3, s0;
	s10 =	spop (v2sf)  }
0x2dc: {  	(v2sf) =	vpush v18, $0xF;
	[tilespmem:s6], [sflag:$0x1] =	stream.linear.gather [hbm4b:s0+s1], $0x80, $0x38;
	[tilespmem:$0x14200] =	vst v63  }
0x2dd: {  	s0 =	sand.u32 $0x1FFFFFF0, s7  }
0x2de: {  	s9 =	simm.s32 $0x2700;
	s0 =	sadd.s32 s3, s0  }
0x2df: {  	[tilespmem:s9], [sflag:$0x1] =	stream.linear.gather [hbm4b:s0+s1], $0x80, $0x38;
	[tilespmem:$0x14200] =	vst v63  }
0x2e0: {  	s0 =	sand.u32 $0x1FFFFFF0, s10  }
0x2e1: {  	s11 =	simm.s32 $0x2780;
	s12 =	spop (v2sf);
	s0 =	sadd.s32 s3, s0  }
0x2e2: {  	[tilespmem:s11], [sflag:$0x1] =	stream.linear.gather [hbm4b:s0+s1], $0x80, $0x38;
	[tilespmem:$0x14200] =	vst v63  }
0x2e3: {  	s0 =	sand.u32 $0x1FFFFFF0, s12  }
0x2e4: {  	s14 =	simm.s32 $0x2800;
	s0 =	sadd.s32 s3, s0  }
0x2e5: {  	[tilespmem:s14], [sflag:$0x1] =	stream.linear.gather [hbm4b:s0+s1], $0x80, $0x38;
	[tilespmem:$0x14200] =	vst v63  }
0x2e6: {  	s15 =	spop (v2sf)  }
0x2e7: {  	s0 =	sand.u32 $0x1FFFFFF0, s15  }
0x2e8: {  	s16 =	simm.s32 $0x2880;
	s17 =	spop (v2sf);
	s0 =	sadd.s32 s3, s0  }
0x2e9: {  	[tilespmem:s16], [sflag:$0x1] =	stream.linear.gather [hbm4b:s0+s1], $0x80, $0x38;
	[tilespmem:$0x14200] =	vst v63  }
0x2ea: {  	s0 =	sand.u32 $0x1FFFFFF0, s17  }
0x2eb: {  	s18 =	simm.s32 $0x2900;
	s22 =	spop (v2sf);
	s0 =	sadd.s32 s3, s0  }
0x2ec: {  	[tilespmem:s18], [sflag:$0x1] =	stream.linear.gather [hbm4b:s0+s1], $0x80, $0x38;
	[tilespmem:$0x14200] =	vst v63  }
0x2ed: {  	s0 =	sand.u32 $0x1FFFFFF0, s22  }
0x2ee: {  	s25 =	simm.s32 $0x2980;
	s0 =	sadd.s32 s3, s0  }
0x2ef: {  	[tilespmem:s25], [sflag:$0x1] =	stream.linear.gather [hbm4b:s0+s1], $0x80, $0x38;
	[tilespmem:$0x14200] =	vst v63  }
0x2f0: {  	s25 =	simm.s32 $0x50  }
0x2f1: {  	v18 =	vld [tilespmem:s25+$0x0];
	_ =	sdelay $0x4  }
0x2f2: {  	v18 =	vshll.u32 v18, $0x4  }
0x2f3: {  	(v2sf) =	vpush v18, $0x0;
	_ =	sdelay $0x1  }
0x2f4: {  	(v2sf) =	vpush v18, $0x1  }
0x2f5: {  	(v2sf) =	vpush v18, $0x2;
	_ =	sdelay $0x1  }
0x2f6: {  	(v2sf) =	vpush v18, $0x3;
	_ =	sdelay $0x1  }
0x2f7: {  	(v2sf) =	vpush v18, $0x4;
	_ =	sdelay $0x1  }
0x2f8: {  	(v2sf) =	vpush v18, $0x5;
	_ =	sdelay $0x1  }
0x2f9: {  	(v2sf) =	vpush v18, $0x6;
	_ =	sdelay $0x3  }
0x2fa: {  	s31 =	simm.s32 $0x2A80;
	s7 =	simm.s32 $0x2B00;
	s26 =	spop (v2sf);
	(v2sf) =	vpush v18, $0x7  }
0x2fb: {  	s9 =	simm.s32 $0x2A00;
	s10 =	simm.s32 $0x2B80;
	s15 =	simm.s32 $0x2C00  }
0x2fc: {  	s16 =	simm.s32 $0x2C80;
	s0 =	sand.u32 $0x1FFFFFF0, s26;
	s30 =	spop (v2sf)  }
0x2fd: {  	(v2sf) =	vpush v18, $0x8;
	s0 =	sadd.s32 s3, s0;
	s2 =	sand.u32 $0x1FFFFFF0, s30;
	s4 =	spop (v2sf)  }
0x2fe: {  	[tilespmem:s9], [sflag:$0x1] =	stream.linear.gather [hbm4b:s0+s1], $0x80, $0x38;
	[tilespmem:$0x14200] =	vst v63  }
0x2ff: {  	(v2sf) =	vpush v18, $0x9;
	s2 =	sadd.s32 s3, s2;
	s5 =	sand.u32 $0x1FFFFFF0, s4;
	s6 =	spop (v2sf)  }
0x300: {  	(v2sf) =	vpush v18, $0xA;
	[tilespmem:s31], [sflag:$0x1] =	stream.linear.gather [hbm4b:s2+s1], $0x80, $0x38;
	[tilespmem:$0x14200] =	vst v63  }
0x301: {  	s0 =	sadd.s32 s3, s5;
	s11 =	spop (v2sf);
	s2 =	sand.u32 $0x1FFFFFF0, s6  }
0x302: {  	(v2sf) =	vpush v18, $0xB;
	[tilespmem:s7], [sflag:$0x1] =	stream.linear.gather [hbm4b:s0+s1], $0x80, $0x38;
	[tilespmem:$0x14200] =	vst v63  }
0x303: {  	s12 =	sand.u32 $0x1FFFFFF0, s11;
	s14 =	spop (v2sf);
	s2 =	sadd.s32 s3, s2  }
0x304: {  	(v2sf) =	vpush v18, $0xC;
	[tilespmem:s10], [sflag:$0x1] =	stream.linear.gather [hbm4b:s2+s1], $0x80, $0x38;
	[tilespmem:$0x14200] =	vst v63  }
0x305: {  	s17 =	spop (v2sf);
	s0 =	sadd.s32 s3, s12;
	s2 =	sand.u32 $0x1FFFFFF0, s14  }
0x306: {  	(v2sf) =	vpush v18, $0xD;
	[tilespmem:s15], [sflag:$0x1] =	stream.linear.gather [hbm4b:s0+s1], $0x80, $0x38;
	[tilespmem:$0x14200] =	vst v63  }
0x307: {  	s26 =	simm.s32 $0x2D00;
	s18 =	sand.u32 $0x1FFFFFF0, s17;
	s2 =	sadd.s32 s3, s2  }
0x308: {  	[tilespmem:s16], [sflag:$0x1] =	stream.linear.gather [hbm4b:s2+s1], $0x80, $0x38;
	[tilespmem:$0x14200] =	vst v63  }
0x309: {  	s30 =	simm.s32 $0x2D80;
	s0 =	sadd.s32 s3, s18;
	s22 =	spop (v2sf)  }
0x30a: {  	[tilespmem:s26], [sflag:$0x1] =	stream.linear.gather [hbm4b:s0+s1], $0x80, $0x38;
	(v2sf) =	vpush v18, $0xE;
	[tilespmem:$0x14200] =	vst v63  }
0x30b: {  	s5 =	simm.s32 $0x2E00;
	s6 =	simm.s32 $0x2E80;
	s2 =	sand.u32 $0x1FFFFFF0, s22  }
0x30c: {  	s11 =	simm.s32 $0x2F00;
	s31 =	spop (v2sf);
	(v2sf) =	vpush v18, $0xF;
	s2 =	sadd.s32 s3, s2  }
0x30d: {  	[tilespmem:s30], [sflag:$0x1] =	stream.linear.gather [hbm4b:s2+s1], $0x80, $0x38;
	[tilespmem:$0x14200] =	vst v63  }
0x30e: {  	s12 =	simm.s32 $0x2F80;
	s4 =	spop (v2sf);
	s2 =	sand.u32 $0x1FFFFFF0, s31  }
0x30f: {  	s7 =	spop (v2sf);
	s0 =	sadd.s32 s3, s2;
	s2 =	sand.u32 $0x1FFFFFF0, s4  }
0x310: {  	[tilespmem:s5], [sflag:$0x1] =	stream.linear.gather [hbm4b:s0+s1], $0x80, $0x38;
	[tilespmem:$0x14200] =	vst v63  }
0x311: {  	s9 =	sand.u32 $0x1FFFFFF0, s7;
	s10 =	spop (v2sf);
	s2 =	sadd.s32 s3, s2  }
0x312: {  	[tilespmem:s6], [sflag:$0x1] =	stream.linear.gather [hbm4b:s2+s1], $0x80, $0x38;
	[tilespmem:$0x14200] =	vst v63  }
0x313: {  	s0 =	sadd.s32 s3, s9;
	s14 =	spop (v2sf);
	s2 =	sand.u32 $0x1FFFFFF0, s10  }
0x314: {  	[tilespmem:s11], [sflag:$0x1] =	stream.linear.gather [hbm4b:s0+s1], $0x80, $0x38;
	[tilespmem:$0x14200] =	vst v63  }
0x315: {  	s15 =	sand.u32 $0x1FFFFFF0, s14;
	s16 =	spop (v2sf);
	s2 =	sadd.s32 s3, s2  }
0x316: {  	[tilespmem:s12], [sflag:$0x1] =	stream.linear.gather [hbm4b:s2+s1], $0x80, $0x38;
	[tilespmem:$0x14200] =	vst v63  }
0x317: {  	s17 =	simm.s32 $0x3000;
	s0 =	sadd.s32 s3, s15;
	s2 =	sand.u32 $0x1FFFFFF0, s16  }
0x318: {  	[tilespmem:s17], [sflag:$0x1] =	stream.linear.gather [hbm4b:s0+s1], $0x80, $0x38;
	[tilespmem:$0x14200] =	vst v63  }
0x319: {  	s18 =	simm.s32 $0x3080;
	s2 =	sadd.s32 s3, s2;
	s22 =	spop (v2sf)  }
0x31a: {  	[tilespmem:s18], [sflag:$0x1] =	stream.linear.gather [hbm4b:s2+s1], $0x80, $0x38;
	[tilespmem:$0x14200] =	vst v63  }
0x31b: {  	s26 =	sand.u32 $0x1FFFFFF0, s22;
	s30 =	spop (v2sf)  }
0x31c: {  	s31 =	simm.s32 $0x3100;
	s0 =	sadd.s32 s3, s26;
	s2 =	sand.u32 $0x1FFFFFF0, s30  }
0x31d: {  	[tilespmem:s31], [sflag:$0x1] =	stream.linear.gather [hbm4b:s0+s1], $0x80, $0x38;
	[tilespmem:$0x14200] =	vst v63  }
0x31e: {  	s4 =	simm.s32 $0x0;
	s5 =	simm.s32 $0x3180;
	s2 =	sadd.s32 s3, s2  }
0x31f: {  	v18 =	vmov s4;
	[tilespmem:s5], [sflag:$0x1] =	stream.linear.gather [hbm4b:s2+s1], $0x80, $0x38;
	[tilespmem:$0x14200] =	vst v63  }
0x320: {  	v19 =	vshll.u32 v18, $0x3;
	_ =	swait.ge [sflag:s19], $0x800  }
0x321: {  	v18 =	vand.u32 $0x70, v18;
	v19 =	vand.u32 $0xFFFFFC00, v19;
	[sflag:s19] =	ssyncset.done $0x0  }
0x322: {  	v18 =	vor.u32 v18, v19;
	s26 =	simm.s32 $0x0;
	[sflag:s19] =	ssyncadd.s32 $0xFFFFF800  }
0x323: {  	v18 =	vadd.s32 v0, v18;
	v19 =	vld [tilespmem:s26+$0x200]  }
0x324: {  	v20 =	vld [tilespmem:s26+$0x210]  }
0x325: {  	s6 =	simm.s32 $0x1  }
0x326: {  	v21 =	vmov s6  }
0x327: {  	v22 =	vshll.u32 v21, $0x3  }
0x328: {  	v21 =	vand.u32 $0x71, v21;
	v22 =	vand.u32 $0xFFFFFC00, v22;
	[tilespmem:v18+s20+$0x0] =	vst.idx.msk $0xffff, v19  }
0x329: {  	v19 =	vor.u32 v21, v22;
	[tilespmem:v18+s21+$0x0] =	vst.idx.msk $0xffff, v20  }
0x32a: {  	v18 =	vadd.s32 v0, v19;
	v19 =	vld [tilespmem:s26+$0x280]  }
0x32b: {  	v20 =	vld [tilespmem:s26+$0x290]  }
0x32c: {  	s7 =	simm.s32 $0x2  }
0x32d: {  	v21 =	vmov s7  }
0x32e: {  	v22 =	vshll.u32 v21, $0x3  }
0x32f: {  	v21 =	vand.u32 $0x72, v21;
	v22 =	vand.u32 $0xFFFFFC00, v22;
	[tilespmem:v18+s20+$0x0] =	vst.idx.msk $0xffff, v19  }
0x330: {  	v19 =	vor.u32 v21, v22;
	[tilespmem:v18+s21+$0x0] =	vst.idx.msk $0xffff, v20  }
0x331: {  	v18 =	vadd.s32 v0, v19;
	v19 =	vld [tilespmem:s26+$0x300]  }
0x332: {  	v20 =	vld [tilespmem:s26+$0x310]  }
0x333: {  	s9 =	simm.s32 $0x3  }
0x334: {  	v21 =	vmov s9  }
0x335: {  	v22 =	vshll.u32 v21, $0x3  }
0x336: {  	v21 =	vand.u32 $0x73, v21;
	v22 =	vand.u32 $0xFFFFFC00, v22;
	[tilespmem:v18+s20+$0x0] =	vst.idx.msk $0xffff, v19  }
0x337: {  	v19 =	vor.u32 v21, v22;
	[tilespmem:v18+s21+$0x0] =	vst.idx.msk $0xffff, v20  }
0x338: {  	v18 =	vadd.s32 v0, v19;
	v19 =	vld [tilespmem:s26+$0x380]  }
0x339: {  	v20 =	vld [tilespmem:s26+$0x390]  }
0x33a: {  	s10 =	simm.s32 $0x4  }
0x33b: {  	v21 =	vmov s10  }
0x33c: {  	v22 =	vshll.u32 v21, $0x3  }
0x33d: {  	v21 =	vand.u32 $0x74, v21;
	v22 =	vand.u32 $0xFFFFFC00, v22;
	[tilespmem:v18+s20+$0x0] =	vst.idx.msk $0xffff, v19  }
0x33e: {  	v19 =	vor.u32 v21, v22;
	[tilespmem:v18+s21+$0x0] =	vst.idx.msk $0xffff, v20  }
0x33f: {  	v18 =	vadd.s32 v0, v19;
	v19 =	vld [tilespmem:s26+$0x400]  }
0x340: {  	v20 =	vld [tilespmem:s26+$0x410]  }
0x341: {  	s11 =	simm.s32 $0x5  }
0x342: {  	v21 =	vmov s11  }
0x343: {  	v22 =	vshll.u32 v21, $0x3  }
0x344: {  	v21 =	vand.u32 $0x75, v21;
	v22 =	vand.u32 $0xFFFFFC00, v22;
	[tilespmem:v18+s20+$0x0] =	vst.idx.msk $0xffff, v19  }
0x345: {  	v19 =	vor.u32 v21, v22;
	[tilespmem:v18+s21+$0x0] =	vst.idx.msk $0xffff, v20  }
0x346: {  	v18 =	vadd.s32 v0, v19;
	v19 =	vld [tilespmem:s26+$0x480]  }
0x347: {  	v20 =	vld [tilespmem:s26+$0x490]  }
0x348: {  	s12 =	simm.s32 $0x6  }
0x349: {  	v21 =	vmov s12  }
0x34a: {  	v22 =	vshll.u32 v21, $0x3  }
0x34b: {  	v21 =	vand.u32 $0x76, v21;
	v22 =	vand.u32 $0xFFFFFC00, v22;
	[tilespmem:v18+s20+$0x0] =	vst.idx.msk $0xffff, v19  }
0x34c: {  	v19 =	vor.u32 v21, v22;
	[tilespmem:v18+s21+$0x0] =	vst.idx.msk $0xffff, v20  }
0x34d: {  	v18 =	vadd.s32 v0, v19;
	v19 =	vld [tilespmem:s26+$0x500]  }
0x34e: {  	v20 =	vld [tilespmem:s26+$0x510]  }
0x34f: {  	s14 =	simm.s32 $0x7  }
0x350: {  	v21 =	vmov s14  }
0x351: {  	v22 =	vshll.u32 v21, $0x3  }
0x352: {  	v21 =	vand.u32 $0x77, v21;
	v22 =	vand.u32 $0xFFFFFC00, v22;
	[tilespmem:v18+s20+$0x0] =	vst.idx.msk $0xffff, v19  }
0x353: {  	v19 =	vor.u32 v21, v22;
	[tilespmem:v18+s21+$0x0] =	vst.idx.msk $0xffff, v20  }
0x354: {  	v18 =	vadd.s32 v0, v19;
	v19 =	vld [tilespmem:s26+$0x580]  }
0x355: {  	v20 =	vld [tilespmem:s26+$0x590]  }
0x356: {  	s15 =	simm.s32 $0x8  }
0x357: {  	v21 =	vmov s15  }
0x358: {  	v22 =	vshll.u32 v21, $0x3  }
0x359: {  	v21 =	vand.u32 $0x78, v21;
	v22 =	vand.u32 $0xFFFFFC00, v22;
	[tilespmem:v18+s20+$0x0] =	vst.idx.msk $0xffff, v19  }
0x35a: {  	v19 =	vor.u32 v21, v22;
	[tilespmem:v18+s21+$0x0] =	vst.idx.msk $0xffff, v20  }
0x35b: {  	v18 =	vadd.s32 v0, v19;
	v19 =	vld [tilespmem:s26+$0x600]  }
0x35c: {  	v20 =	vld [tilespmem:s26+$0x610]  }
0x35d: {  	s16 =	simm.s32 $0x9  }
0x35e: {  	v21 =	vmov s16  }
0x35f: {  	v22 =	vshll.u32 v21, $0x3  }
0x360: {  	v21 =	vand.u32 $0x79, v21;
	v22 =	vand.u32 $0xFFFFFC00, v22;
	[tilespmem:v18+s20+$0x0] =	vst.idx.msk $0xffff, v19  }
0x361: {  	v19 =	vor.u32 v21, v22;
	[tilespmem:v18+s21+$0x0] =	vst.idx.msk $0xffff, v20  }
0x362: {  	v18 =	vadd.s32 v0, v19;
	v19 =	vld [tilespmem:s26+$0x680]  }
0x363: {  	v20 =	vld [tilespmem:s26+$0x690]  }
0x364: {  	s17 =	simm.s32 $0xA  }
0x365: {  	v21 =	vmov s17  }
0x366: {  	v22 =	vshll.u32 v21, $0x3  }
0x367: {  	v21 =	vand.u32 $0x7A, v21;
	v22 =	vand.u32 $0xFFFFFC00, v22;
	[tilespmem:v18+s20+$0x0] =	vst.idx.msk $0xffff, v19  }
0x368: {  	v19 =	vor.u32 v21, v22;
	[tilespmem:v18+s21+$0x0] =	vst.idx.msk $0xffff, v20  }
0x369: {  	v18 =	vadd.s32 v0, v19;
	v19 =	vld [tilespmem:s26+$0x700]  }
0x36a: {  	v20 =	vld [tilespmem:s26+$0x710]  }
0x36b: {  	s18 =	simm.s32 $0xB  }
0x36c: {  	v21 =	vmov s18  }
0x36d: {  	v22 =	vshll.u32 v21, $0x3  }
0x36e: {  	v21 =	vand.u32 $0x7B, v21;
	v22 =	vand.u32 $0xFFFFFC00, v22;
	[tilespmem:v18+s20+$0x0] =	vst.idx.msk $0xffff, v19  }
0x36f: {  	v19 =	vor.u32 v21, v22;
	[tilespmem:v18+s21+$0x0] =	vst.idx.msk $0xffff, v20  }
0x370: {  	v18 =	vadd.s32 v0, v19;
	v19 =	vld [tilespmem:s26+$0x780]  }
0x371: {  	v20 =	vld [tilespmem:s26+$0x790]  }
0x372: {  	s22 =	simm.s32 $0xC  }
0x373: {  	v21 =	vmov s22  }
0x374: {  	v22 =	vshll.u32 v21, $0x3  }
0x375: {  	v21 =	vand.u32 $0x7C, v21;
	v22 =	vand.u32 $0xFFFFFC00, v22;
	[tilespmem:v18+s20+$0x0] =	vst.idx.msk $0xffff, v19  }
0x376: {  	v19 =	vor.u32 v21, v22;
	[tilespmem:v18+s21+$0x0] =	vst.idx.msk $0xffff, v20  }
0x377: {  	v18 =	vadd.s32 v0, v19;
	v19 =	vld [tilespmem:s26+$0x800]  }
0x378: {  	v20 =	vld [tilespmem:s26+$0x810]  }
0x379: {  	s30 =	simm.s32 $0xD  }
0x37a: {  	v21 =	vmov s30  }
0x37b: {  	v22 =	vshll.u32 v21, $0x3  }
0x37c: {  	v21 =	vand.u32 $0x7D, v21;
	v22 =	vand.u32 $0xFFFFFC00, v22;
	[tilespmem:v18+s20+$0x0] =	vst.idx.msk $0xffff, v19  }
0x37d: {  	v19 =	vor.u32 v21, v22;
	[tilespmem:v18+s21+$0x0] =	vst.idx.msk $0xffff, v20  }
0x37e: {  	v18 =	vadd.s32 v0, v19;
	v19 =	vld [tilespmem:s26+$0x880]  }
0x37f: {  	v20 =	vld [tilespmem:s26+$0x890]  }
0x380: {  	s31 =	simm.s32 $0xE  }
0x381: {  	v21 =	vmov s31  }
0x382: {  	v22 =	vshll.u32 v21, $0x3  }
0x383: {  	v21 =	vand.u32 $0x7E, v21;
	v22 =	vand.u32 $0xFFFFFC00, v22;
	[tilespmem:v18+s20+$0x0] =	vst.idx.msk $0xffff, v19  }
0x384: {  	v19 =	vor.u32 v21, v22;
	[tilespmem:v18+s21+$0x0] =	vst.idx.msk $0xffff, v20  }
0x385: {  	v19 =	vadd.s32 v0, v19;
	v18 =	vld [tilespmem:s26+$0x900]  }
0x386: {  	s28 =	simm.s32 $0xF;
	v20 =	vld [tilespmem:s26+$0x910]  }
0x387: {  	v21 =	vmov s28  }
0x388: {  	v22 =	vshll.u32 v21, $0x3  }
0x389: {  	v21 =	vand.u32 $0x7F, v21;
	v22 =	vand.u32 $0xFFFFFC00, v22  }
0x38a: {  	v21 =	vor.u32 v21, v22;
	[tilespmem:v19+s20+$0x0] =	vst.idx.msk $0xffff, v18  }
0x38b: {  	s29 =	simm.s32 $0x2000;
	v18 =	vadd.s32 v0, v21;
	[tilespmem:v19+s21+$0x0] =	vst.idx.msk $0xffff, v20  }
.LBB2_2:
0x38c: {  	p0 =	sne.s32 s29, $0x34000;
	v19 =	vld [tilespmem:s26+$0x980];
	s25 =	sadd.s32 $0x10, s25;
	s28 =	sadd.s32 $0x10, s28  }
0x38d: {  	s0 =	smov.u32 s29;
	s29 =	sadd.s32 $0x2000, s29;
	v20 =	vld [tilespmem:s26+$0x990];
	_ =	sdelay $0x3  }
0x38e: {  	[tilespmem:v18+s20+$0x0] =	vst.idx.msk $0xffff, v19  }
0x38f: {  	[tilespmem:v18+s21+$0x0] =	vst.idx.msk $0xffff, v20  }
0x390: {  	v18 =	vld [tilespmem:s25+$0x0];
	_ =	sdelay $0x4  }
0x391: {  	v18 =	vshll.u32 v18, $0x4  }
0x392: {  	(v2sf) =	vpush v18, $0x0  }
0x393: {  	(v2sf) =	vpush v18, $0x1  }
0x394: {  	(v2sf) =	vpush v18, $0x2;
	_ =	sdelay $0x1  }
0x395: {  	(v2sf) =	vpush v18, $0x3;
	_ =	sdelay $0x1  }
0x396: {  	(v2sf) =	vpush v18, $0x4;
	_ =	sdelay $0x1  }
0x397: {  	(v2sf) =	vpush v18, $0x5;
	_ =	sdelay $0x1  }
0x398: {  	s26 =	sshra.s32 s0, $0x2;
	s0 =	sadd.s32 $0xFFFFFFF1, s28;
	(v2sf) =	vpush v18, $0x6  }
0x399: {  	s12 =	sadd.s32 $0x2A80, s26;
	s14 =	sadd.s32 $0x2B80, s26;
	s15 =	sadd.s32 $0x2C00, s26;
	v19 =	vmov s0  }
0x39a: {  	s16 =	sadd.s32 $0x2A00, s26;
	s17 =	sadd.s32 $0x2B00, s26;
	s30 =	sadd.s32 $0x3180, s26;
	v20 =	vshll.u32 v19, $0x3;
	(v2sf) =	vpush v18, $0x7  }
0x39b: {  	s18 =	sadd.s32 $0x2C80, s26;
	s31 =	sadd.s32 $0x3080, s26;
	s0 =	sadd.s32 $0x3000, s26;
	v19 =	vand.u32 $0x70, v19;
	v20 =	vand.u32 $0xFFFFFC00, v20  }
0x39c: {  	s10 =	sadd.s32 $0x2E80, s26;
	s9 =	sadd.s32 $0x2F00, s26;
	s2 =	sadd.s32 $0x2F80, s26;
	v19 =	vor.u32 v19, v20;
	(v2sf) =	vpush v18, $0x8  }
0x39d: {  	s5 =	sadd.s32 $0x2D00, s26;
	s11 =	sadd.s32 $0x2E00, s26;
	s6 =	spop (v2sf)  }
0x39e: {  	s7 =	sadd.s32 $0x2D80, s26;
	s6 =	sand.u32 $0x1FFFFFF0, s6;
	s4 =	spop (v2sf);
	(v2sf) =	vpush v18, $0x9  }
0x39f: {  	s6 =	sadd.s32 s3, s6;
	s4 =	sand.u32 $0x1FFFFFF0, s4;
	s22 =	spop (v2sf)  }
0x3a0: {  	[tilespmem:s16], [sflag:$0x1] =	stream.linear.gather [hbm4b:s6+s1], $0x80, $0x38;
	(v2sf) =	vpush v18, $0xA;
	[tilespmem:$0x14200] =	vst v63  }
0x3a1: {  	s4 =	sadd.s32 s3, s4;
	s6 =	sand.u32 $0x1FFFFFF0, s22;
	s16 =	spop (v2sf)  }
0x3a2: {  	[tilespmem:s12], [sflag:$0x1] =	stream.linear.gather [hbm4b:s4+s1], $0x80, $0x38;
	(v2sf) =	vpush v18, $0xB;
	[tilespmem:$0x14200] =	vst v63  }
0x3a3: {  	s4 =	sadd.s32 s3, s6;
	s6 =	sand.u32 $0x1FFFFFF0, s16;
	s12 =	spop (v2sf)  }
0x3a4: {  	[tilespmem:s17], [sflag:$0x1] =	stream.linear.gather [hbm4b:s4+s1], $0x80, $0x38;
	(v2sf) =	vpush v18, $0xC;
	[tilespmem:$0x14200] =	vst v63  }
0x3a5: {  	s4 =	sadd.s32 s3, s6;
	s6 =	sand.u32 $0x1FFFFFF0, s12;
	s12 =	spop (v2sf)  }
0x3a6: {  	[tilespmem:s14], [sflag:$0x1] =	stream.linear.gather [hbm4b:s4+s1], $0x80, $0x38;
	(v2sf) =	vpush v18, $0xD;
	[tilespmem:$0x14200] =	vst v63  }
0x3a7: {  	s4 =	sadd.s32 s3, s6;
	s6 =	sand.u32 $0x1FFFFFF0, s12;
	s12 =	spop (v2sf)  }
0x3a8: {  	[tilespmem:s15], [sflag:$0x1] =	stream.linear.gather [hbm4b:s4+s1], $0x80, $0x38;
	(v2sf) =	vpush v18, $0xE;
	[tilespmem:$0x14200] =	vst v63  }
0x3a9: {  	s4 =	sadd.s32 s3, s6;
	s6 =	sand.u32 $0x1FFFFFF0, s12;
	s12 =	spop (v2sf)  }
0x3aa: {  	[tilespmem:s18], [sflag:$0x1] =	stream.linear.gather [hbm4b:s4+s1], $0x80, $0x38;
	(v2sf) =	vpush v18, $0xF;
	[tilespmem:$0x14200] =	vst v63  }
0x3ab: {  	s4 =	sadd.s32 s3, s6;
	s6 =	sand.u32 $0x1FFFFFF0, s12;
	s12 =	spop (v2sf)  }
0x3ac: {  	[tilespmem:s5], [sflag:$0x1] =	stream.linear.gather [hbm4b:s4+s1], $0x80, $0x38;
	[tilespmem:$0x14200] =	vst v63  }
0x3ad: {  	s4 =	sadd.s32 s3, s6;
	s5 =	sand.u32 $0x1FFFFFF0, s12;
	s6 =	spop (v2sf)  }
0x3ae: {  	[tilespmem:s7], [sflag:$0x1] =	stream.linear.gather [hbm4b:s4+s1], $0x80, $0x38;
	[tilespmem:$0x14200] =	vst v63  }
0x3af: {  	s4 =	sadd.s32 s3, s5;
	s5 =	sand.u32 $0x1FFFFFF0, s6;
	s6 =	spop (v2sf)  }
0x3b0: {  	[tilespmem:s11], [sflag:$0x1] =	stream.linear.gather [hbm4b:s4+s1], $0x80, $0x38;
	[tilespmem:$0x14200] =	vst v63  }
0x3b1: {  	s4 =	sadd.s32 s3, s5;
	s5 =	sand.u32 $0x1FFFFFF0, s6;
	s6 =	spop (v2sf)  }
0x3b2: {  	[tilespmem:s10], [sflag:$0x1] =	stream.linear.gather [hbm4b:s4+s1], $0x80, $0x38;
	[tilespmem:$0x14200] =	vst v63  }
0x3b3: {  	s4 =	sadd.s32 s3, s5;
	s5 =	sand.u32 $0x1FFFFFF0, s6;
	s6 =	spop (v2sf)  }
0x3b4: {  	[tilespmem:s9], [sflag:$0x1] =	stream.linear.gather [hbm4b:s4+s1], $0x80, $0x38;
	[tilespmem:$0x14200] =	vst v63  }
0x3b5: {  	s4 =	sadd.s32 s3, s5;
	s5 =	sand.u32 $0x1FFFFFF0, s6;
	s6 =	spop (v2sf)  }
0x3b6: {  	[tilespmem:s2], [sflag:$0x1] =	stream.linear.gather [hbm4b:s4+s1], $0x80, $0x38;
	[tilespmem:$0x14200] =	vst v63  }
0x3b7: {  	s2 =	sadd.s32 s3, s5;
	s4 =	sand.u32 $0x1FFFFFF0, s6;
	s5 =	spop (v2sf)  }
0x3b8: {  	[tilespmem:s0], [sflag:$0x1] =	stream.linear.gather [hbm4b:s2+s1], $0x80, $0x38;
	[tilespmem:$0x14200] =	vst v63  }
0x3b9: {  	s0 =	sadd.s32 s3, s4;
	s2 =	sand.u32 $0x1FFFFFF0, s5;
	s4 =	spop (v2sf)  }
0x3ba: {  	[tilespmem:s31], [sflag:$0x1] =	stream.linear.gather [hbm4b:s0+s1], $0x80, $0x38;
	[tilespmem:$0x14200] =	vst v63  }
0x3bb: {  	s2 =	sadd.s32 s3, s2;
	s0 =	sadd.s32 $0x3100, s26;
	s4 =	sand.u32 $0x1FFFFFF0, s4  }
0x3bc: {  	[tilespmem:s0], [sflag:$0x1] =	stream.linear.gather [hbm4b:s2+s1], $0x80, $0x38;
	[tilespmem:$0x14200] =	vst v63  }
0x3bd: {  	s0 =	sadd.s32 s3, s4  }
0x3be: {  	[tilespmem:s30], [sflag:$0x1] =	stream.linear.gather [hbm4b:s0+s1], $0x80, $0x38;
	[tilespmem:$0x14200] =	vst v63  }
0x3bf: {  	v18 =	vadd.s32 v0, v19;
	_ =	swait.ge [sflag:s19], $0x800  }
0x3c0: {  	[sflag:s19] =	ssyncset.done $0x0  }
0x3c1: {  	s0 =	sadd.s32 $0xFFFFFFF2, s28;
	[sflag:s19] =	ssyncadd.s32 $0xFFFFF800  }
0x3c2: {  	v20 =	vmov s0;
	v19 =	vld [tilespmem:s26+$0x200]  }
0x3c3: {  	v22 =	vshll.u32 v20, $0x3;
	v21 =	vld [tilespmem:s26+$0x210]  }
0x3c4: {  	v20 =	vand.u32 $0x71, v20;
	v22 =	vand.u32 $0xFFFFFC00, v22  }
0x3c5: {  	v20 =	vor.u32 v20, v22  }
0x3c6: {  	v20 =	vadd.s32 v0, v20  }
0x3c7: {  	[tilespmem:v18+s20+$0x0] =	vst.idx.msk $0xffff, v19  }
0x3c8: {  	s0 =	sadd.s32 $0xFFFFFFF3, s28;
	[tilespmem:v18+s21+$0x0] =	vst.idx.msk $0xffff, v21  }
0x3c9: {  	v19 =	vmov s0;
	v18 =	vld [tilespmem:s26+$0x280]  }
0x3ca: {  	v22 =	vshll.u32 v19, $0x3;
	v21 =	vld [tilespmem:s26+$0x290]  }
0x3cb: {  	v19 =	vand.u32 $0x72, v19;
	v22 =	vand.u32 $0xFFFFFC00, v22  }
0x3cc: {  	v19 =	vor.u32 v19, v22  }
0x3cd: {  	v19 =	vadd.s32 v0, v19  }
0x3ce: {  	[tilespmem:v20+s20+$0x0] =	vst.idx.msk $0xffff, v18  }
0x3cf: {  	s0 =	sadd.s32 $0xFFFFFFF4, s28;
	[tilespmem:v20+s21+$0x0] =	vst.idx.msk $0xffff, v21  }
0x3d0: {  	v20 =	vmov s0;
	v18 =	vld [tilespmem:s26+$0x300]  }
0x3d1: {  	v22 =	vshll.u32 v20, $0x3;
	v21 =	vld [tilespmem:s26+$0x310]  }
0x3d2: {  	v20 =	vand.u32 $0x73, v20;
	v22 =	vand.u32 $0xFFFFFC00, v22  }
0x3d3: {  	v20 =	vor.u32 v20, v22  }
0x3d4: {  	v20 =	vadd.s32 v0, v20  }
0x3d5: {  	[tilespmem:v19+s20+$0x0] =	vst.idx.msk $0xffff, v18  }
0x3d6: {  	s0 =	sadd.s32 $0xFFFFFFF5, s28;
	[tilespmem:v19+s21+$0x0] =	vst.idx.msk $0xffff, v21  }
0x3d7: {  	v19 =	vmov s0;
	v18 =	vld [tilespmem:s26+$0x380]  }
0x3d8: {  	v22 =	vshll.u32 v19, $0x3;
	v21 =	vld [tilespmem:s26+$0x390]  }
0x3d9: {  	v19 =	vand.u32 $0x74, v19;
	v22 =	vand.u32 $0xFFFFFC00, v22  }
0x3da: {  	v19 =	vor.u32 v19, v22  }
0x3db: {  	v19 =	vadd.s32 v0, v19  }
0x3dc: {  	[tilespmem:v20+s20+$0x0] =	vst.idx.msk $0xffff, v18  }
0x3dd: {  	s0 =	sadd.s32 $0xFFFFFFF6, s28;
	[tilespmem:v20+s21+$0x0] =	vst.idx.msk $0xffff, v21  }
0x3de: {  	v20 =	vmov s0;
	v18 =	vld [tilespmem:s26+$0x400]  }
0x3df: {  	v22 =	vshll.u32 v20, $0x3;
	v21 =	vld [tilespmem:s26+$0x410]  }
0x3e0: {  	v20 =	vand.u32 $0x75, v20;
	v22 =	vand.u32 $0xFFFFFC00, v22  }
0x3e1: {  	v20 =	vor.u32 v20, v22  }
0x3e2: {  	v20 =	vadd.s32 v0, v20  }
0x3e3: {  	[tilespmem:v19+s20+$0x0] =	vst.idx.msk $0xffff, v18  }
0x3e4: {  	s0 =	sadd.s32 $0xFFFFFFF7, s28;
	[tilespmem:v19+s21+$0x0] =	vst.idx.msk $0xffff, v21  }
0x3e5: {  	v19 =	vmov s0;
	v18 =	vld [tilespmem:s26+$0x480]  }
0x3e6: {  	v22 =	vshll.u32 v19, $0x3;
	v21 =	vld [tilespmem:s26+$0x490]  }
0x3e7: {  	v19 =	vand.u32 $0x76, v19;
	v22 =	vand.u32 $0xFFFFFC00, v22  }
0x3e8: {  	v19 =	vor.u32 v19, v22  }
0x3e9: {  	v19 =	vadd.s32 v0, v19  }
0x3ea: {  	[tilespmem:v20+s20+$0x0] =	vst.idx.msk $0xffff, v18  }
0x3eb: {  	s0 =	sadd.s32 $0xFFFFFFF8, s28;
	[tilespmem:v20+s21+$0x0] =	vst.idx.msk $0xffff, v21  }
0x3ec: {  	v20 =	vmov s0;
	v18 =	vld [tilespmem:s26+$0x500]  }
0x3ed: {  	v22 =	vshll.u32 v20, $0x3;
	v21 =	vld [tilespmem:s26+$0x510]  }
0x3ee: {  	v20 =	vand.u32 $0x77, v20;
	v22 =	vand.u32 $0xFFFFFC00, v22  }
0x3ef: {  	v20 =	vor.u32 v20, v22  }
0x3f0: {  	v20 =	vadd.s32 v0, v20  }
0x3f1: {  	[tilespmem:v19+s20+$0x0] =	vst.idx.msk $0xffff, v18  }
0x3f2: {  	s0 =	sadd.s32 $0xFFFFFFF9, s28;
	[tilespmem:v19+s21+$0x0] =	vst.idx.msk $0xffff, v21  }
0x3f3: {  	v19 =	vmov s0;
	v18 =	vld [tilespmem:s26+$0x580]  }
0x3f4: {  	v22 =	vshll.u32 v19, $0x3;
	v21 =	vld [tilespmem:s26+$0x590]  }
0x3f5: {  	v19 =	vand.u32 $0x78, v19;
	v22 =	vand.u32 $0xFFFFFC00, v22  }
0x3f6: {  	v19 =	vor.u32 v19, v22  }
0x3f7: {  	v19 =	vadd.s32 v0, v19  }
0x3f8: {  	[tilespmem:v20+s20+$0x0] =	vst.idx.msk $0xffff, v18  }
0x3f9: {  	s0 =	sadd.s32 $0xFFFFFFFA, s28;
	[tilespmem:v20+s21+$0x0] =	vst.idx.msk $0xffff, v21  }
0x3fa: {  	v20 =	vmov s0;
	v18 =	vld [tilespmem:s26+$0x600]  }
0x3fb: {  	v22 =	vshll.u32 v20, $0x3;
	v21 =	vld [tilespmem:s26+$0x610]  }
0x3fc: {  	v20 =	vand.u32 $0x79, v20;
	v22 =	vand.u32 $0xFFFFFC00, v22  }
0x3fd: {  	v20 =	vor.u32 v20, v22  }
0x3fe: {  	v20 =	vadd.s32 v0, v20  }
0x3ff: {  	[tilespmem:v19+s20+$0x0] =	vst.idx.msk $0xffff, v18  }
0x400: {  	s0 =	sadd.s32 $0xFFFFFFFB, s28;
	[tilespmem:v19+s21+$0x0] =	vst.idx.msk $0xffff, v21  }
0x401: {  	v19 =	vmov s0;
	v18 =	vld [tilespmem:s26+$0x680]  }
0x402: {  	v22 =	vshll.u32 v19, $0x3;
	v21 =	vld [tilespmem:s26+$0x690]  }
0x403: {  	v19 =	vand.u32 $0x7A, v19;
	v22 =	vand.u32 $0xFFFFFC00, v22  }
0x404: {  	v19 =	vor.u32 v19, v22  }
0x405: {  	v19 =	vadd.s32 v0, v19  }
0x406: {  	[tilespmem:v20+s20+$0x0] =	vst.idx.msk $0xffff, v18  }
0x407: {  	s0 =	sadd.s32 $0xFFFFFFFC, s28;
	[tilespmem:v20+s21+$0x0] =	vst.idx.msk $0xffff, v21  }
0x408: {  	v20 =	vmov s0;
	v18 =	vld [tilespmem:s26+$0x700]  }
0x409: {  	v22 =	vshll.u32 v20, $0x3;
	v21 =	vld [tilespmem:s26+$0x710]  }
0x40a: {  	v20 =	vand.u32 $0x7B, v20;
	v22 =	vand.u32 $0xFFFFFC00, v22  }
0x40b: {  	v20 =	vor.u32 v20, v22  }
0x40c: {  	v20 =	vadd.s32 v0, v20  }
0x40d: {  	[tilespmem:v19+s20+$0x0] =	vst.idx.msk $0xffff, v18  }
0x40e: {  	s0 =	sadd.s32 $0xFFFFFFFD, s28;
	[tilespmem:v19+s21+$0x0] =	vst.idx.msk $0xffff, v21  }
0x40f: {  	v19 =	vmov s0;
	v18 =	vld [tilespmem:s26+$0x780]  }
0x410: {  	v22 =	vshll.u32 v19, $0x3;
	v21 =	vld [tilespmem:s26+$0x790]  }
0x411: {  	v19 =	vand.u32 $0x7C, v19;
	v22 =	vand.u32 $0xFFFFFC00, v22  }
0x412: {  	v19 =	vor.u32 v19, v22  }
0x413: {  	v19 =	vadd.s32 v0, v19  }
0x414: {  	[tilespmem:v20+s20+$0x0] =	vst.idx.msk $0xffff, v18  }
0x415: {  	s0 =	sadd.s32 $0xFFFFFFFE, s28;
	[tilespmem:v20+s21+$0x0] =	vst.idx.msk $0xffff, v21  }
0x416: {  	v20 =	vmov s0;
	v18 =	vld [tilespmem:s26+$0x800]  }
0x417: {  	v22 =	vshll.u32 v20, $0x3;
	v21 =	vld [tilespmem:s26+$0x810]  }
0x418: {  	v20 =	vand.u32 $0x7D, v20;
	v22 =	vand.u32 $0xFFFFFC00, v22  }
0x419: {  	v20 =	vor.u32 v20, v22  }
0x41a: {  	v20 =	vadd.s32 v0, v20  }
0x41b: {  	[tilespmem:v19+s20+$0x0] =	vst.idx.msk $0xffff, v18  }
0x41c: {  	s0 =	sadd.s32 $0xFFFFFFFF, s28;
	[tilespmem:v19+s21+$0x0] =	vst.idx.msk $0xffff, v21  }
0x41d: {  	v19 =	vmov s0;
	v18 =	vld [tilespmem:s26+$0x880]  }
0x41e: {  	v22 =	vshll.u32 v19, $0x3;
	v21 =	vld [tilespmem:s26+$0x890]  }
0x41f: {  	v19 =	vand.u32 $0x7E, v19;
	v22 =	vand.u32 $0xFFFFFC00, v22  }
0x420: {  	v19 =	vor.u32 v19, v22  }
0x421: {  	v19 =	vadd.s32 v0, v19  }
0x422: {  	[tilespmem:v20+s20+$0x0] =	vst.idx.msk $0xffff, v18  }
0x423: {  	[tilespmem:v20+s21+$0x0] =	vst.idx.msk $0xffff, v21  }
0x424: {  	v18 =	vmov s28;
	v20 =	vld [tilespmem:s26+$0x900]  }
0x425: {  	v22 =	vshll.u32 v18, $0x3;
	v21 =	vld [tilespmem:s26+$0x910]  }
.Ltmp0:
0x426: {  	v18 =	vand.u32 $0x7F, v18;
	v22 =	vand.u32 $0xFFFFFC00, v22;
	(pc) =	sbr.rel @p0 .LBB2_2-.Ltmp0, $4  }
0x427: {  	v18 =	vor.u32 v18, v22  }
0x428: {  	v18 =	vadd.s32 v0, v18  }
0x429: {  	[tilespmem:v19+s20+$0x0] =	vst.idx.msk $0xffff, v20  }
0x42a: {  	[tilespmem:v19+s21+$0x0] =	vst.idx.msk $0xffff, v21  }
0x42b: {  	v19 =	vld [tilespmem:s26+$0x980]  }
0x42c: {  	v20 =	vld [tilespmem:s26+$0x990];
	_ =	sdelay $0x3  }
0x42d: {  	[tilespmem:v18+s20+$0x0] =	vst.idx.msk $0xffff, v19  }
0x42e: {  	[tilespmem:v18+s21+$0x0] =	vst.idx.msk $0xffff, v20  }
0x42f: {  	_ =	swait.ge [sflag:s19], $0x800  }
0x430: {  	v20 =	vld [tilespmem:$0x1FEA0]  }
0x431: {  	[sflag:s19] =	ssyncset.done $0x0  }
0x432: {  	[sflag:s19] =	ssyncadd.s32 $0xFFFFF800  }
0x433: {  	v18 =	vld [tilespmem:$0xDA00]  }
0x434: {  	v19 =	vld [tilespmem:$0xDA10];
	_ =	sdelay $0x3  }
0x435: {  	[tilespmem:v20+s20+$0x0] =	vst.idx.msk $0xffff, v18  }
0x436: {  	[tilespmem:v20+s21+$0x0] =	vst.idx.msk $0xffff, v19;
	v20 =	vld [tilespmem:$0x1FEB0];
	_ =	sdelay $0x2  }
0x437: {  	v18 =	vld [tilespmem:$0xDA80]  }
0x438: {  	v19 =	vld [tilespmem:$0xDA90];
	_ =	sdelay $0x3  }
0x439: {  	[tilespmem:v20+s20+$0x0] =	vst.idx.msk $0xffff, v18  }
0x43a: {  	[tilespmem:v20+s21+$0x0] =	vst.idx.msk $0xffff, v19;
	v20 =	vld [tilespmem:$0x1FEC0];
	_ =	sdelay $0x2  }
0x43b: {  	v18 =	vld [tilespmem:$0xDB00]  }
0x43c: {  	v19 =	vld [tilespmem:$0xDB10];
	_ =	sdelay $0x3  }
0x43d: {  	[tilespmem:v20+s20+$0x0] =	vst.idx.msk $0xffff, v18  }
0x43e: {  	[tilespmem:v20+s21+$0x0] =	vst.idx.msk $0xffff, v19;
	v20 =	vld [tilespmem:$0x1FED0];
	_ =	sdelay $0x2  }
0x43f: {  	v18 =	vld [tilespmem:$0xDB80]  }
0x440: {  	v19 =	vld [tilespmem:$0xDB90];
	_ =	sdelay $0x3  }
0x441: {  	[tilespmem:v20+s20+$0x0] =	vst.idx.msk $0xffff, v18  }
0x442: {  	[tilespmem:v20+s21+$0x0] =	vst.idx.msk $0xffff, v19;
	v20 =	vld [tilespmem:$0x1FEE0];
	_ =	sdelay $0x2  }
0x443: {  	v18 =	vld [tilespmem:$0xDC00]  }
0x444: {  	v19 =	vld [tilespmem:$0xDC10];
	_ =	sdelay $0x3  }
0x445: {  	[tilespmem:v20+s20+$0x0] =	vst.idx.msk $0xffff, v18  }
0x446: {  	[tilespmem:v20+s21+$0x0] =	vst.idx.msk $0xffff, v19;
	v20 =	vld [tilespmem:$0x1FEF0];
	_ =	sdelay $0x2  }
0x447: {  	v18 =	vld [tilespmem:$0xDC80]  }
0x448: {  	v19 =	vld [tilespmem:$0xDC90];
	_ =	sdelay $0x3  }
0x449: {  	[tilespmem:v20+s20+$0x0] =	vst.idx.msk $0xffff, v18  }
0x44a: {  	[tilespmem:v20+s21+$0x0] =	vst.idx.msk $0xffff, v19;
	v20 =	vld [tilespmem:$0x1FF00];
	_ =	sdelay $0x2  }
0x44b: {  	v18 =	vld [tilespmem:$0xDD00]  }
0x44c: {  	v19 =	vld [tilespmem:$0xDD10];
	_ =	sdelay $0x3  }
0x44d: {  	[tilespmem:v20+s20+$0x0] =	vst.idx.msk $0xffff, v18  }
0x44e: {  	[tilespmem:v20+s21+$0x0] =	vst.idx.msk $0xffff, v19;
	v20 =	vld [tilespmem:$0x1FF10];
	_ =	sdelay $0x2  }
0x44f: {  	v18 =	vld [tilespmem:$0xDD80]  }
0x450: {  	v19 =	vld [tilespmem:$0xDD90];
	_ =	sdelay $0x3  }
0x451: {  	[tilespmem:v20+s20+$0x0] =	vst.idx.msk $0xffff, v18  }
0x452: {  	[tilespmem:v20+s21+$0x0] =	vst.idx.msk $0xffff, v19;
	v20 =	vld [tilespmem:$0x1FF20];
	_ =	sdelay $0x2  }
0x453: {  	v18 =	vld [tilespmem:$0xDE00]  }
0x454: {  	v19 =	vld [tilespmem:$0xDE10];
	_ =	sdelay $0x3  }
0x455: {  	[tilespmem:v20+s20+$0x0] =	vst.idx.msk $0xffff, v18  }
0x456: {  	[tilespmem:v20+s21+$0x0] =	vst.idx.msk $0xffff, v19;
	v20 =	vld [tilespmem:$0x1FF30];
	_ =	sdelay $0x2  }
0x457: {  	v18 =	vld [tilespmem:$0xDE80]  }
0x458: {  	v19 =	vld [tilespmem:$0xDE90];
	_ =	sdelay $0x3  }
0x459: {  	[tilespmem:v20+s20+$0x0] =	vst.idx.msk $0xffff, v18  }
0x45a: {  	[tilespmem:v20+s21+$0x0] =	vst.idx.msk $0xffff, v19;
	v20 =	vld [tilespmem:$0x1FF40];
	_ =	sdelay $0x2  }
0x45b: {  	v18 =	vld [tilespmem:$0xDF00]  }
0x45c: {  	v19 =	vld [tilespmem:$0xDF10];
	_ =	sdelay $0x3  }
0x45d: {  	[tilespmem:v20+s20+$0x0] =	vst.idx.msk $0xffff, v18  }
0x45e: {  	[tilespmem:v20+s21+$0x0] =	vst.idx.msk $0xffff, v19;
	v20 =	vld [tilespmem:$0x1FF50];
	_ =	sdelay $0x2  }
0x45f: {  	v18 =	vld [tilespmem:$0xDF80]  }
0x460: {  	v19 =	vld [tilespmem:$0xDF90];
	_ =	sdelay $0x3  }
0x461: {  	[tilespmem:v20+s20+$0x0] =	vst.idx.msk $0xffff, v18  }
0x462: {  	[tilespmem:v20+s21+$0x0] =	vst.idx.msk $0xffff, v19;
	v20 =	vld [tilespmem:$0x1FF60];
	_ =	sdelay $0x2  }
0x463: {  	v18 =	vld [tilespmem:$0xE000]  }
0x464: {  	v19 =	vld [tilespmem:$0xE010];
	_ =	sdelay $0x3  }
0x465: {  	[tilespmem:v20+s20+$0x0] =	vst.idx.msk $0xffff, v18  }
0x466: {  	[tilespmem:v20+s21+$0x0] =	vst.idx.msk $0xffff, v19;
	v20 =	vld [tilespmem:$0x1FF70];
	_ =	sdelay $0x2  }
0x467: {  	v18 =	vld [tilespmem:$0xE080]  }
0x468: {  	v19 =	vld [tilespmem:$0xE090];
	_ =	sdelay $0x3  }
0x469: {  	[tilespmem:v20+s20+$0x0] =	vst.idx.msk $0xffff, v18  }
0x46a: {  	[tilespmem:v20+s21+$0x0] =	vst.idx.msk $0xffff, v19;
	v20 =	vld [tilespmem:$0x1FF80];
	_ =	sdelay $0x2  }
0x46b: {  	v18 =	vld [tilespmem:$0xE100]  }
0x46c: {  	v19 =	vld [tilespmem:$0xE110];
	_ =	sdelay $0x3  }
0x46d: {  	[tilespmem:v20+s20+$0x0] =	vst.idx.msk $0xffff, v18  }
0x46e: {  	[tilespmem:v20+s21+$0x0] =	vst.idx.msk $0xffff, v19;
	v20 =	vld [tilespmem:$0x1FF90];
	_ =	sdelay $0x2  }
0x46f: {  	v18 =	vld [tilespmem:$0xE180]  }
0x470: {  	v19 =	vld [tilespmem:$0xE190];
	_ =	sdelay $0x3  }
0x471: {  	[tilespmem:v20+s20+$0x0] =	vst.idx.msk $0xffff, v18  }
0x472: {  	[tilespmem:v20+s21+$0x0] =	vst.idx.msk $0xffff, v19  }
0x473: {  	_ =	swait.ge [sflag:s19], $0x800  }
0x474: {  	v20 =	vld [tilespmem:$0x1FFA0]  }
0x475: {  	[sflag:s19] =	ssyncset.done $0x0  }
0x476: {  	[sflag:s19] =	ssyncadd.s32 $0xFFFFF800  }
0x477: {  	v18 =	vld [tilespmem:$0xE200]  }
0x478: {  	v19 =	vld [tilespmem:$0xE210];
	_ =	sdelay $0x3  }
0x479: {  	[tilespmem:v20+s20+$0x0] =	vst.idx.msk $0xffff, v18  }
0x47a: {  	[tilespmem:v20+s21+$0x0] =	vst.idx.msk $0xffff, v19;
	v20 =	vld [tilespmem:$0x1FFB0];
	_ =	sdelay $0x2  }
0x47b: {  	v18 =	vld [tilespmem:$0xE280]  }
0x47c: {  	v19 =	vld [tilespmem:$0xE290];
	_ =	sdelay $0x3  }
0x47d: {  	[tilespmem:v20+s20+$0x0] =	vst.idx.msk $0xffff, v18  }
0x47e: {  	[tilespmem:v20+s21+$0x0] =	vst.idx.msk $0xffff, v19;
	v20 =	vld [tilespmem:$0x1FFC0];
	_ =	sdelay $0x2  }
0x47f: {  	v18 =	vld [tilespmem:$0xE300]  }
0x480: {  	v19 =	vld [tilespmem:$0xE310];
	_ =	sdelay $0x3  }
0x481: {  	[tilespmem:v20+s20+$0x0] =	vst.idx.msk $0xffff, v18  }
0x482: {  	[tilespmem:v20+s21+$0x0] =	vst.idx.msk $0xffff, v19;
	v20 =	vld [tilespmem:$0x1FFD0];
	_ =	sdelay $0x2  }
0x483: {  	v18 =	vld [tilespmem:$0xE380]  }
0x484: {  	v19 =	vld [tilespmem:$0xE390];
	_ =	sdelay $0x3  }
0x485: {  	[tilespmem:v20+s20+$0x0] =	vst.idx.msk $0xffff, v18  }
0x486: {  	[tilespmem:v20+s21+$0x0] =	vst.idx.msk $0xffff, v19;
	v20 =	vld [tilespmem:$0x1FFE0];
	_ =	sdelay $0x2  }
0x487: {  	v18 =	vld [tilespmem:$0xE400]  }
0x488: {  	v19 =	vld [tilespmem:$0xE410];
	_ =	sdelay $0x3  }
0x489: {  	[tilespmem:v20+s20+$0x0] =	vst.idx.msk $0xffff, v18  }
0x48a: {  	[tilespmem:v20+s21+$0x0] =	vst.idx.msk $0xffff, v19;
	v20 =	vld [tilespmem:$0x1FFF0];
	_ =	sdelay $0x2  }
0x48b: {  	v18 =	vld [tilespmem:$0xE480]  }
0x48c: {  	v19 =	vld [tilespmem:$0xE490];
	_ =	sdelay $0x3  }
0x48d: {  	[tilespmem:v20+s20+$0x0] =	vst.idx.msk $0xffff, v18  }
0x48e: {  	[tilespmem:v20+s21+$0x0] =	vst.idx.msk $0xffff, v19  }
0x48f: {  	v18 =	vld [tilespmem:$0xE500]  }
0x490: {  	v19 =	vld [tilespmem:$0xE510];
	_ =	sdelay $0x3  }
0x491: {  	[tilespmem:v23+s20+$0x0] =	vst.idx.msk $0xffff, v18  }
0x492: {  	[tilespmem:v23+s21+$0x0] =	vst.idx.msk $0xffff, v19  }
0x493: {  	v18 =	vld [tilespmem:$0xE580]  }
0x494: {  	v19 =	vld [tilespmem:$0xE590];
	_ =	sdelay $0x3  }
0x495: {  	[tilespmem:v24+s20+$0x0] =	vst.idx.msk $0xffff, v18  }
0x496: {  	[tilespmem:v24+s21+$0x0] =	vst.idx.msk $0xffff, v19  }
0x497: {  	v18 =	vld [tilespmem:$0xE600]  }
0x498: {  	v19 =	vld [tilespmem:$0xE610];
	_ =	sdelay $0x3  }
0x499: {  	[tilespmem:v25+s20+$0x0] =	vst.idx.msk $0xffff, v18  }
0x49a: {  	[tilespmem:v25+s21+$0x0] =	vst.idx.msk $0xffff, v19  }
0x49b: {  	v18 =	vld [tilespmem:$0xE680]  }
0x49c: {  	v19 =	vld [tilespmem:$0xE690];
	_ =	sdelay $0x3  }
0x49d: {  	[tilespmem:v26+s20+$0x0] =	vst.idx.msk $0xffff, v18  }
0x49e: {  	[tilespmem:v26+s21+$0x0] =	vst.idx.msk $0xffff, v19  }
0x49f: {  	v18 =	vld [tilespmem:$0xE700]  }
0x4a0: {  	v19 =	vld [tilespmem:$0xE710];
	_ =	sdelay $0x3  }
0x4a1: {  	[tilespmem:v27+s20+$0x0] =	vst.idx.msk $0xffff, v18  }
0x4a2: {  	[tilespmem:v27+s21+$0x0] =	vst.idx.msk $0xffff, v19  }
0x4a3: {  	v18 =	vld [tilespmem:$0xE780]  }
0x4a4: {  	v19 =	vld [tilespmem:$0xE790];
	_ =	sdelay $0x3  }
0x4a5: {  	[tilespmem:v28+s20+$0x0] =	vst.idx.msk $0xffff, v18  }
0x4a6: {  	[tilespmem:v28+s21+$0x0] =	vst.idx.msk $0xffff, v19  }
0x4a7: {  	v18 =	vld [tilespmem:$0xE800]  }
0x4a8: {  	v19 =	vld [tilespmem:$0xE810];
	_ =	sdelay $0x3  }
0x4a9: {  	[tilespmem:v29+s20+$0x0] =	vst.idx.msk $0xffff, v18  }
0x4aa: {  	[tilespmem:v29+s21+$0x0] =	vst.idx.msk $0xffff, v19  }
0x4ab: {  	v18 =	vld [tilespmem:$0xE880]  }
0x4ac: {  	v19 =	vld [tilespmem:$0xE890];
	_ =	sdelay $0x3  }
0x4ad: {  	[tilespmem:v30+s20+$0x0] =	vst.idx.msk $0xffff, v18  }
0x4ae: {  	[tilespmem:v30+s21+$0x0] =	vst.idx.msk $0xffff, v19  }
0x4af: {  	v18 =	vld [tilespmem:$0xE900]  }
0x4b0: {  	v19 =	vld [tilespmem:$0xE910];
	_ =	sdelay $0x3  }
0x4b1: {  	[tilespmem:v31+s20+$0x0] =	vst.idx.msk $0xffff, v18  }
0x4b2: {  	[tilespmem:v31+s21+$0x0] =	vst.idx.msk $0xffff, v19  }
0x4b3: {  	v18 =	vld [tilespmem:$0xE980]  }
0x4b4: {  	v19 =	vld [tilespmem:$0xE990];
	_ =	sdelay $0x3  }
0x4b5: {  	[tilespmem:v32+s20+$0x0] =	vst.idx.msk $0xffff, v18  }
0x4b6: {  	[tilespmem:v32+s21+$0x0] =	vst.idx.msk $0xffff, v19  }
0x4b7: {  	_ =	swait.ge [sflag:s19], $0x800  }
0x4b8: {  	[sflag:s19] =	ssyncset.done $0x0  }
0x4b9: {  	[sflag:s19] =	ssyncadd.s32 $0xFFFFF800  }
0x4ba: {  	v18 =	vld [tilespmem:$0xEA00]  }
0x4bb: {  	v19 =	vld [tilespmem:$0xEA10];
	_ =	sdelay $0x3  }
0x4bc: {  	[tilespmem:v33+s20+$0x0] =	vst.idx.msk $0xffff, v18  }
0x4bd: {  	[tilespmem:v33+s21+$0x0] =	vst.idx.msk $0xffff, v19  }
0x4be: {  	v18 =	vld [tilespmem:$0xEA80]  }
0x4bf: {  	v19 =	vld [tilespmem:$0xEA90];
	_ =	sdelay $0x3  }
0x4c0: {  	[tilespmem:v34+s20+$0x0] =	vst.idx.msk $0xffff, v18  }
0x4c1: {  	[tilespmem:v34+s21+$0x0] =	vst.idx.msk $0xffff, v19  }
0x4c2: {  	v18 =	vld [tilespmem:$0xEB00]  }
0x4c3: {  	v19 =	vld [tilespmem:$0xEB10];
	_ =	sdelay $0x3  }
0x4c4: {  	[tilespmem:v35+s20+$0x0] =	vst.idx.msk $0xffff, v18  }
0x4c5: {  	[tilespmem:v35+s21+$0x0] =	vst.idx.msk $0xffff, v19  }
0x4c6: {  	v18 =	vld [tilespmem:$0xEB80]  }
0x4c7: {  	v19 =	vld [tilespmem:$0xEB90];
	_ =	sdelay $0x3  }
0x4c8: {  	[tilespmem:v36+s20+$0x0] =	vst.idx.msk $0xffff, v18  }
0x4c9: {  	[tilespmem:v36+s21+$0x0] =	vst.idx.msk $0xffff, v19  }
0x4ca: {  	v18 =	vld [tilespmem:$0xEC00]  }
0x4cb: {  	v19 =	vld [tilespmem:$0xEC10];
	_ =	sdelay $0x3  }
0x4cc: {  	[tilespmem:v37+s20+$0x0] =	vst.idx.msk $0xffff, v18  }
0x4cd: {  	[tilespmem:v37+s21+$0x0] =	vst.idx.msk $0xffff, v19  }
0x4ce: {  	v18 =	vld [tilespmem:$0xEC80]  }
0x4cf: {  	v19 =	vld [tilespmem:$0xEC90];
	_ =	sdelay $0x3  }
0x4d0: {  	[tilespmem:v38+s20+$0x0] =	vst.idx.msk $0xffff, v18  }
0x4d1: {  	[tilespmem:v38+s21+$0x0] =	vst.idx.msk $0xffff, v19  }
0x4d2: {  	v18 =	vld [tilespmem:$0xED00]  }
0x4d3: {  	v19 =	vld [tilespmem:$0xED10];
	_ =	sdelay $0x3  }
0x4d4: {  	[tilespmem:v39+s20+$0x0] =	vst.idx.msk $0xffff, v18  }
0x4d5: {  	[tilespmem:v39+s21+$0x0] =	vst.idx.msk $0xffff, v19  }
0x4d6: {  	v18 =	vld [tilespmem:$0xED80]  }
0x4d7: {  	v19 =	vld [tilespmem:$0xED90];
	_ =	sdelay $0x3  }
0x4d8: {  	[tilespmem:v40+s20+$0x0] =	vst.idx.msk $0xffff, v18  }
0x4d9: {  	[tilespmem:v40+s21+$0x0] =	vst.idx.msk $0xffff, v19  }
0x4da: {  	v18 =	vld [tilespmem:$0xEE00]  }
0x4db: {  	v19 =	vld [tilespmem:$0xEE10];
	_ =	sdelay $0x3  }
0x4dc: {  	[tilespmem:v41+s20+$0x0] =	vst.idx.msk $0xffff, v18  }
0x4dd: {  	[tilespmem:v41+s21+$0x0] =	vst.idx.msk $0xffff, v19  }
0x4de: {  	v18 =	vld [tilespmem:$0xEE80]  }
0x4df: {  	v19 =	vld [tilespmem:$0xEE90];
	_ =	sdelay $0x3  }
0x4e0: {  	[tilespmem:v42+s20+$0x0] =	vst.idx.msk $0xffff, v18  }
0x4e1: {  	[tilespmem:v42+s21+$0x0] =	vst.idx.msk $0xffff, v19  }
0x4e2: {  	v18 =	vld [tilespmem:$0xEF00]  }
0x4e3: {  	v19 =	vld [tilespmem:$0xEF10];
	_ =	sdelay $0x3  }
0x4e4: {  	[tilespmem:v43+s20+$0x0] =	vst.idx.msk $0xffff, v18  }
0x4e5: {  	[tilespmem:v43+s21+$0x0] =	vst.idx.msk $0xffff, v19  }
0x4e6: {  	v18 =	vld [tilespmem:$0xEF80]  }
0x4e7: {  	v19 =	vld [tilespmem:$0xEF90];
	_ =	sdelay $0x3  }
0x4e8: {  	[tilespmem:v44+s20+$0x0] =	vst.idx.msk $0xffff, v18  }
0x4e9: {  	[tilespmem:v44+s21+$0x0] =	vst.idx.msk $0xffff, v19  }
0x4ea: {  	v18 =	vld [tilespmem:$0xF000]  }
0x4eb: {  	v19 =	vld [tilespmem:$0xF010];
	_ =	sdelay $0x3  }
0x4ec: {  	[tilespmem:v45+s20+$0x0] =	vst.idx.msk $0xffff, v18  }
0x4ed: {  	[tilespmem:v45+s21+$0x0] =	vst.idx.msk $0xffff, v19  }
0x4ee: {  	v18 =	vld [tilespmem:$0xF080]  }
0x4ef: {  	v19 =	vld [tilespmem:$0xF090];
	_ =	sdelay $0x3  }
0x4f0: {  	[tilespmem:v46+s20+$0x0] =	vst.idx.msk $0xffff, v18  }
0x4f1: {  	[tilespmem:v46+s21+$0x0] =	vst.idx.msk $0xffff, v19  }
0x4f2: {  	v18 =	vld [tilespmem:$0xF100]  }
0x4f3: {  	v19 =	vld [tilespmem:$0xF110];
	_ =	sdelay $0x3  }
0x4f4: {  	[tilespmem:v47+s20+$0x0] =	vst.idx.msk $0xffff, v18  }
0x4f5: {  	[tilespmem:v47+s21+$0x0] =	vst.idx.msk $0xffff, v19  }
0x4f6: {  	v18 =	vld [tilespmem:$0xF180]  }
0x4f7: {  	v19 =	vld [tilespmem:$0xF190];
	_ =	sdelay $0x3  }
0x4f8: {  	[tilespmem:v48+s20+$0x0] =	vst.idx.msk $0xffff, v18  }
0x4f9: {  	[tilespmem:v48+s21+$0x0] =	vst.idx.msk $0xffff, v19  }
0x4fa: {  	_ =	swait.ge [sflag:s19], $0x800  }
0x4fb: {  	[sflag:s19] =	ssyncset.done $0x0  }
0x4fc: {  	[sflag:s19] =	ssyncadd.s32 $0xFFFFF800  }
0x4fd: {  	v18 =	vld [tilespmem:$0xF200]  }
0x4fe: {  	v19 =	vld [tilespmem:$0xF210];
	_ =	sdelay $0x3  }
0x4ff: {  	[tilespmem:v49+s20+$0x0] =	vst.idx.msk $0xffff, v18  }
0x500: {  	[tilespmem:v49+s21+$0x0] =	vst.idx.msk $0xffff, v19  }
0x501: {  	v18 =	vld [tilespmem:$0xF280]  }
0x502: {  	v19 =	vld [tilespmem:$0xF290];
	_ =	sdelay $0x3  }
0x503: {  	[tilespmem:v50+s20+$0x0] =	vst.idx.msk $0xffff, v18  }
0x504: {  	[tilespmem:v50+s21+$0x0] =	vst.idx.msk $0xffff, v19  }
0x505: {  	v18 =	vld [tilespmem:$0xF300]  }
0x506: {  	v19 =	vld [tilespmem:$0xF310];
	_ =	sdelay $0x3  }
0x507: {  	[tilespmem:v51+s20+$0x0] =	vst.idx.msk $0xffff, v18  }
0x508: {  	[tilespmem:v51+s21+$0x0] =	vst.idx.msk $0xffff, v19  }
0x509: {  	v18 =	vld [tilespmem:$0xF380]  }
0x50a: {  	v19 =	vld [tilespmem:$0xF390];
	_ =	sdelay $0x3  }
0x50b: {  	[tilespmem:v52+s20+$0x0] =	vst.idx.msk $0xffff, v18  }
0x50c: {  	[tilespmem:v52+s21+$0x0] =	vst.idx.msk $0xffff, v19  }
0x50d: {  	v18 =	vld [tilespmem:$0xF400]  }
0x50e: {  	v19 =	vld [tilespmem:$0xF410];
	_ =	sdelay $0x3  }
0x50f: {  	[tilespmem:v53+s20+$0x0] =	vst.idx.msk $0xffff, v18  }
0x510: {  	[tilespmem:v53+s21+$0x0] =	vst.idx.msk $0xffff, v19  }
0x511: {  	v18 =	vld [tilespmem:$0xF480]  }
0x512: {  	v19 =	vld [tilespmem:$0xF490];
	_ =	sdelay $0x3  }
0x513: {  	[tilespmem:v54+s20+$0x0] =	vst.idx.msk $0xffff, v18  }
0x514: {  	[tilespmem:v54+s21+$0x0] =	vst.idx.msk $0xffff, v19  }
0x515: {  	v18 =	vld [tilespmem:$0xF500]  }
0x516: {  	v19 =	vld [tilespmem:$0xF510];
	_ =	sdelay $0x3  }
0x517: {  	[tilespmem:v55+s20+$0x0] =	vst.idx.msk $0xffff, v18  }
0x518: {  	[tilespmem:v55+s21+$0x0] =	vst.idx.msk $0xffff, v19  }
0x519: {  	v18 =	vld [tilespmem:$0xF580]  }
0x51a: {  	v19 =	vld [tilespmem:$0xF590];
	_ =	sdelay $0x3  }
0x51b: {  	[tilespmem:v56+s20+$0x0] =	vst.idx.msk $0xffff, v18  }
0x51c: {  	[tilespmem:v56+s21+$0x0] =	vst.idx.msk $0xffff, v19  }
0x51d: {  	v18 =	vld [tilespmem:$0xF600]  }
0x51e: {  	v19 =	vld [tilespmem:$0xF610];
	_ =	sdelay $0x3  }
0x51f: {  	[tilespmem:v57+s20+$0x0] =	vst.idx.msk $0xffff, v18  }
0x520: {  	[tilespmem:v57+s21+$0x0] =	vst.idx.msk $0xffff, v19  }
0x521: {  	v18 =	vld [tilespmem:$0xF680]  }
0x522: {  	v19 =	vld [tilespmem:$0xF690];
	_ =	sdelay $0x3  }
0x523: {  	[tilespmem:v58+s20+$0x0] =	vst.idx.msk $0xffff, v18  }
0x524: {  	[tilespmem:v58+s21+$0x0] =	vst.idx.msk $0xffff, v19  }
0x525: {  	v18 =	vld [tilespmem:$0xF700]  }
0x526: {  	v19 =	vld [tilespmem:$0xF710];
	_ =	sdelay $0x3  }
0x527: {  	[tilespmem:v59+s20+$0x0] =	vst.idx.msk $0xffff, v18  }
0x528: {  	[tilespmem:v59+s21+$0x0] =	vst.idx.msk $0xffff, v19  }
0x529: {  	v18 =	vld [tilespmem:$0xF780]  }
0x52a: {  	v19 =	vld [tilespmem:$0xF790];
	_ =	sdelay $0x3  }
0x52b: {  	[tilespmem:v60+s20+$0x0] =	vst.idx.msk $0xffff, v18  }
0x52c: {  	[tilespmem:v60+s21+$0x0] =	vst.idx.msk $0xffff, v19  }
0x52d: {  	v18 =	vld [tilespmem:$0xF800]  }
0x52e: {  	v19 =	vld [tilespmem:$0xF810];
	_ =	sdelay $0x3  }
0x52f: {  	[tilespmem:v61+s20+$0x0] =	vst.idx.msk $0xffff, v18  }
0x530: {  	[tilespmem:v61+s21+$0x0] =	vst.idx.msk $0xffff, v19  }
0x531: {  	v18 =	vld [tilespmem:$0xF880]  }
0x532: {  	v19 =	vld [tilespmem:$0xF890];
	_ =	sdelay $0x3  }
0x533: {  	[tilespmem:v62+s20+$0x0] =	vst.idx.msk $0xffff, v18  }
0x534: {  	[tilespmem:v62+s21+$0x0] =	vst.idx.msk $0xffff, v19  }
0x535: {  	v18 =	vld [tilespmem:$0xF900]  }
0x536: {  	v19 =	vld [tilespmem:$0xF910];
	_ =	sdelay $0x3  }
0x537: {  	[tilespmem:v63+s20+$0x0] =	vst.idx.msk $0xffff, v18  }
0x538: {  	[tilespmem:v63+s21+$0x0] =	vst.idx.msk $0xffff, v19  }
0x539: {  	v18 =	vld [tilespmem:$0xF980]  }
0x53a: {  	v19 =	vld [tilespmem:$0xF990];
	_ =	sdelay $0x3  }
0x53b: {  	[tilespmem:v1+s20+$0x0] =	vst.idx.msk $0xffff, v18  }
0x53c: {  	[tilespmem:v1+s21+$0x0] =	vst.idx.msk $0xffff, v19  }
0x53d: {  	_ =	swait.ge [sflag:s19], $0x800  }
0x53e: {  	[sflag:s19] =	ssyncset.done $0x0  }
0x53f: {  	[sflag:s19] =	ssyncadd.s32 $0xFFFFF800  }
0x540: {  	v18 =	vld [tilespmem:$0xFA00]  }
0x541: {  	v19 =	vld [tilespmem:$0xFA10];
	_ =	sdelay $0x3  }
0x542: {  	[tilespmem:v2+s20+$0x0] =	vst.idx.msk $0xffff, v18  }
0x543: {  	[tilespmem:v2+s21+$0x0] =	vst.idx.msk $0xffff, v19  }
0x544: {  	v18 =	vld [tilespmem:$0xFA80]  }
0x545: {  	v19 =	vld [tilespmem:$0xFA90];
	_ =	sdelay $0x3  }
0x546: {  	[tilespmem:v3+s20+$0x0] =	vst.idx.msk $0xffff, v18  }
0x547: {  	[tilespmem:v3+s21+$0x0] =	vst.idx.msk $0xffff, v19  }
0x548: {  	v18 =	vld [tilespmem:$0xFB00]  }
0x549: {  	v19 =	vld [tilespmem:$0xFB10];
	_ =	sdelay $0x3  }
0x54a: {  	[tilespmem:v4+s20+$0x0] =	vst.idx.msk $0xffff, v18  }
0x54b: {  	[tilespmem:v4+s21+$0x0] =	vst.idx.msk $0xffff, v19  }
0x54c: {  	v18 =	vld [tilespmem:$0xFB80]  }
0x54d: {  	v19 =	vld [tilespmem:$0xFB90];
	_ =	sdelay $0x3  }
0x54e: {  	[tilespmem:v5+s20+$0x0] =	vst.idx.msk $0xffff, v18  }
0x54f: {  	[tilespmem:v5+s21+$0x0] =	vst.idx.msk $0xffff, v19  }
0x550: {  	v18 =	vld [tilespmem:$0xFC00]  }
0x551: {  	v19 =	vld [tilespmem:$0xFC10];
	_ =	sdelay $0x3  }
0x552: {  	[tilespmem:v6+s20+$0x0] =	vst.idx.msk $0xffff, v18  }
0x553: {  	[tilespmem:v6+s21+$0x0] =	vst.idx.msk $0xffff, v19  }
0x554: {  	v18 =	vld [tilespmem:$0xFC80]  }
0x555: {  	v19 =	vld [tilespmem:$0xFC90];
	_ =	sdelay $0x3  }
0x556: {  	[tilespmem:v7+s20+$0x0] =	vst.idx.msk $0xffff, v18  }
0x557: {  	[tilespmem:v7+s21+$0x0] =	vst.idx.msk $0xffff, v19  }
0x558: {  	v18 =	vld [tilespmem:$0xFD00]  }
0x559: {  	v19 =	vld [tilespmem:$0xFD10];
	_ =	sdelay $0x3  }
0x55a: {  	[tilespmem:v8+s20+$0x0] =	vst.idx.msk $0xffff, v18  }
0x55b: {  	[tilespmem:v8+s21+$0x0] =	vst.idx.msk $0xffff, v19  }
0x55c: {  	v18 =	vld [tilespmem:$0xFD80]  }
0x55d: {  	v19 =	vld [tilespmem:$0xFD90];
	_ =	sdelay $0x3  }
0x55e: {  	[tilespmem:v9+s20+$0x0] =	vst.idx.msk $0xffff, v18  }
0x55f: {  	[tilespmem:v9+s21+$0x0] =	vst.idx.msk $0xffff, v19  }
0x560: {  	v18 =	vld [tilespmem:$0xFE00]  }
0x561: {  	v19 =	vld [tilespmem:$0xFE10];
	_ =	sdelay $0x3  }
0x562: {  	[tilespmem:v10+s20+$0x0] =	vst.idx.msk $0xffff, v18  }
0x563: {  	[tilespmem:v10+s21+$0x0] =	vst.idx.msk $0xffff, v19  }
0x564: {  	v18 =	vld [tilespmem:$0xFE80]  }
0x565: {  	v19 =	vld [tilespmem:$0xFE90];
	_ =	sdelay $0x3  }
0x566: {  	[tilespmem:v11+s20+$0x0] =	vst.idx.msk $0xffff, v18  }
0x567: {  	[tilespmem:v11+s21+$0x0] =	vst.idx.msk $0xffff, v19  }
0x568: {  	v18 =	vld [tilespmem:$0xFF00]  }
0x569: {  	v19 =	vld [tilespmem:$0xFF10];
	_ =	sdelay $0x3  }
0x56a: {  	[tilespmem:v12+s20+$0x0] =	vst.idx.msk $0xffff, v18  }
0x56b: {  	[tilespmem:v12+s21+$0x0] =	vst.idx.msk $0xffff, v19  }
0x56c: {  	v18 =	vld [tilespmem:$0xFF80]  }
0x56d: {  	v19 =	vld [tilespmem:$0xFF90];
	_ =	sdelay $0x3  }
0x56e: {  	[tilespmem:v13+s20+$0x0] =	vst.idx.msk $0xffff, v18  }
0x56f: {  	[tilespmem:v13+s21+$0x0] =	vst.idx.msk $0xffff, v19  }
0x570: {  	v18 =	vld [tilespmem:$0x10000]  }
0x571: {  	v19 =	vld [tilespmem:$0x10010];
	_ =	sdelay $0x3  }
0x572: {  	[tilespmem:v14+s20+$0x0] =	vst.idx.msk $0xffff, v18  }
0x573: {  	[tilespmem:v14+s21+$0x0] =	vst.idx.msk $0xffff, v19  }
0x574: {  	v18 =	vld [tilespmem:$0x10080]  }
0x575: {  	v19 =	vld [tilespmem:$0x10090];
	_ =	sdelay $0x3  }
0x576: {  	[tilespmem:v15+s20+$0x0] =	vst.idx.msk $0xffff, v18  }
0x577: {  	[tilespmem:v15+s21+$0x0] =	vst.idx.msk $0xffff, v19  }
0x578: {  	v18 =	vld [tilespmem:$0x10100]  }
0x579: {  	v19 =	vld [tilespmem:$0x10110];
	_ =	sdelay $0x3  }
0x57a: {  	[tilespmem:v16+s20+$0x0] =	vst.idx.msk $0xffff, v18  }
0x57b: {  	[tilespmem:v16+s21+$0x0] =	vst.idx.msk $0xffff, v19  }
0x57c: {  	v18 =	vld [tilespmem:$0x10180]  }
0x57d: {  	v19 =	vld [tilespmem:$0x10190];
	_ =	sdelay $0x3  }
0x57e: {  	[tilespmem:v17+s20+$0x0] =	vst.idx.msk $0xffff, v18  }
0x57f: {  	s2 =	simm.s32 $0x20000;
	s0 =	rddreg [dreg:$0x4];
	[tilespmem:v17+s21+$0x0] =	vst.idx.msk $0xffff, v19  }
0x580: {  	[hbm4b:s0+s13] =	stream.strided.scatter [tilespmem:s20], [sflag:$0x2], $0x2000, s2, s13, $0x38;
	[tilespmem:$0x14200] =	vst v63  }
0x581: {  	_ =	swait.ge [sflag:s23], $0x2000  }
0x582: {  	[sflag:s23] =	ssyncset.done $0x0  }
0x583: {  	s30 =	rddreg [dreg:$0x6];
	[sflag:s23] =	ssyncadd.s32 $0xFFFFE000  }
0x584: {  	[hbm4b:s30+s13] =	stream.strided.scatter [tilespmem:s21], [sflag:$0x2], $0x2000, s2, s13, $0x38;
	[tilespmem:$0x14200] =	vst v63  }
0x585: {  	_ =	swait.ge [sflag:s23], $0x2000  }
0x586: {  	s24 =	sadd.s32 $0x1, s24;
	s31 =	rddreg [dreg:$0x7]  }
0x587: {  	p0 =	sne.s32 s24, s31  }
.Ltmp1:
0x588: {  	_ = 	snop;
	(pc) =	sbr.rel @p0 .LBB2_1-.Ltmp1, $3  }
0x589: {  	_ =	sdelay $0x1  }
0x58a: {  	[sflag:s23] =	ssyncset.done $0x0  }
0x58b: {  	[sflag:s23] =	ssyncadd.s32 $0xFFFFE000  }
0x58c: {  	_ =	sfence.sel $0x180000  }
0x58d: {  	[bflag:$0x0] =	sbarrier.arrive $0xFFFF  }
0x58e: {  	_ =	strace $0x90000047  }
0x58f: {  	s0 =	stileid.u32;
	[bflag:$0x2] =	sbarrier.arrive $0xFFFF  }
0x590: {  	p0 =	sne.s32 s0, $0x0;
	s0 =	rddreg [dreg:$0x3]  }
0x591: {  	s0 =	sadd.s32 @!p0 $0x100000, s0  }
0x592: {  	[sflag:s0] =	ssyncadd.tile.s32 @!p0 $0x1;
	_ =	shalt  }
.Lfunc_end2:
_tile_overlayer_lowered:
.L_overlay_start_2:
0x593: {  	(tag) =	ssettag $0x2  }
0x594: {  	s0 =	rddreg [dreg:$0x0];
	s2 =	stileid.u32  }
0x595: {  	s1 =	rddreg [dreg:$0x1];
	p0 =	sne.s32 s2, $0x0  }
0x596: {  	s3 =	rddreg [dreg:$0x2];
	[bflag:$0x3] =	sbarrier.arrive $0xFFFF;
	s2 =	simm.s32 @!p0 $0x1C03  }
0x597: {  	[timem:s3], [sflag:s2] =	dma.local @!p0 [hbm:s0], s1  }
0x598: {  	s0 =	simm.s32 @!p0 $0x3  }
0x599: {  	_ =	swait.ge @!p0 [sflag:s0], s1  }
0x59a: {  	s1 =	ssub.s32 @!p0 $0x0, s1;
	[sflag:s0] =	ssyncset.done @!p0 $0x0  }
0x59b: {  	[sflag:s0] =	ssyncadd.s32 @!p0 s1  }
0x59c: {  	[bflag:$0x3] =	sbarrier.arrive $0xFFFF  }
0x59d: {  	_ =	shalt  }

</sc_bundles>
